<compile_context>
chip_gen: v7x
topology: tpu7x:2x2x1
jax: 0.10.2.dev20260603
libtpu: 0.0.44.dev20260713+nightly
codegen_flags: <defaults>
</compile_context>

<pallas_src>
import functools

import jax
import jax.numpy as jnp
from jax import lax
from jax.experimental import pallas as pl
from jax.experimental.pallas import tpu as pltpu
from jax.experimental.pallas import tpu_sc as plsc

N = 10000
E = 320000
D = 128
H = 64
G = 128
O = 2

NC = 2
NS = 16
NW = NC * NS
CHUNK = 128
K = 80
EPW = K * CHUNK
E_PAD = NW * EPW
NP = 10112
RPT = NP // NS
DUMP = 10104
DEG_W = 8


def _deg_body(dst3, zrows, ones_h, out, di_all, ones_v, stage, acc, sem):
    c = lax.axis_index("c")
    s = lax.axis_index("s")
    wid = c * NS + s
    r0 = s * RPT
    pltpu.sync_copy(zrows.at[pl.ds(r0, RPT)], stage)
    pltpu.sync_copy(stage, acc.at[pl.ds(r0, RPT)])
    pltpu.sync_copy(ones_h, ones_v)
    pltpu.sync_copy(dst3.at[wid], di_all)
    plsc.subcore_barrier()

    def fire(g, carry):
        pltpu.async_copy(ones_v, acc.at[di_all.at[g]], sem, add=True)
        return carry

    def drain(g, carry):
        pltpu.make_async_copy(ones_v, acc.at[di_all.at[g]], sem).wait()
        return carry

    lax.fori_loop(0, K, fire, 0)
    lax.fori_loop(0, K, drain, 0)
    plsc.subcore_barrier()
    pltpu.sync_copy(acc.at[pl.ds(r0, RPT)], stage)
    pltpu.sync_copy(stage, out.at[c, pl.ds(r0, RPT)])


def _agg_body(y, src3, dst3, out, si_all, di_all, rows, acc, ysh,
              gs0, gs1, gs2, gs3, ss0, ss1, ss2, ss3):
    c = lax.axis_index("c")
    s = lax.axis_index("s")
    wid = c * NS + s
    r0 = s * RPT
    stg = rows
    pltpu.sync_copy(y.at[pl.ds(r0, 320)], stg.at[pl.ds(0, 320)])
    pltpu.sync_copy(stg.at[pl.ds(0, 320)], ysh.at[pl.ds(r0, 320)])
    pltpu.sync_copy(y.at[pl.ds(r0 + 320, 312)], stg.at[pl.ds(0, 312)])
    pltpu.sync_copy(stg.at[pl.ds(0, 312)], ysh.at[pl.ds(r0 + 320, 312)])

    def zrow(i, carry):
        for j in range(H // 16):
            stg[i, pl.ds(j * 16, 16)] = jnp.zeros((16,), jnp.float32)
        return carry

    lax.fori_loop(0, 320, zrow, 0)
    pltpu.sync_copy(stg.at[pl.ds(0, 320)], acc.at[pl.ds(r0, 320)])
    pltpu.sync_copy(stg.at[pl.ds(0, 312)], acc.at[pl.ds(r0 + 320, 312)])
    plsc.subcore_barrier()

    gsem = (gs0, gs1, gs2, gs3)
    ssem = (ss0, ss1, ss2, ss3)
    KH = K // 2

    def g_start(g, b):
        pltpu.async_copy(
            ysh.at[si_all.at[g]], rows.at[pl.ds(b * CHUNK, CHUNK)], gsem[b]
        )

    def g_wait(g, b):
        pltpu.make_async_copy(
            ysh.at[si_all.at[g]], rows.at[pl.ds(b * CHUNK, CHUNK)], gsem[b]
        ).wait()

    def s_start(g, b):
        pltpu.async_copy(
            rows.at[pl.ds(b * CHUNK, CHUNK)], acc.at[di_all.at[g]], ssem[b],
            add=True,
        )

    def s_wait(g, b):
        pltpu.make_async_copy(
            rows.at[pl.ds(b * CHUNK, CHUNK)], acc.at[di_all.at[g]], ssem[b]
        ).wait()

    for h in range(2):
        pltpu.sync_copy(src3.at[wid, pl.ds(h * KH, KH)], si_all)
        pltpu.sync_copy(dst3.at[wid, pl.ds(h * KH, KH)], di_all)
        g_start(0, 0)
        g_start(1, 1)

        def body(i, carry):
            for b in range(4):
                t = 4 * i + b
                g_wait(t, b)
                s_start(t, b)

                @pl.when(t >= 2)
                def _():
                    s_wait(t - 2, (b - 2) % 4)

                @pl.when(t + 2 < KH)
                def _():
                    g_start(t + 2, (b + 2) % 4)
            return carry

        lax.fori_loop(0, KH // 4, body, 0)
        s_wait(KH - 2, (KH - 2) % 4)
        s_wait(KH - 1, (KH - 1) % 4)

    plsc.subcore_barrier()
    pltpu.sync_copy(acc.at[pl.ds(r0, 320)], stg.at[pl.ds(0, 320)])
    pltpu.sync_copy(stg.at[pl.ds(0, 320)], out.at[c, pl.ds(r0, 320)])
    pltpu.sync_copy(acc.at[pl.ds(r0 + 320, 312)], stg.at[pl.ds(0, 312)])
    pltpu.sync_copy(stg.at[pl.ds(0, 312)], out.at[c, pl.ds(r0 + 320, 312)])


@functools.cache
def _sc_kernels():
    mesh = plsc.VectorSubcoreMesh(
        core_axis_name="c", subcore_axis_name="s",
        num_cores=NC, num_subcores=NS,
    )
    params = pltpu.CompilerParams(use_tc_tiling_on_sc=False)
    deg = pl.kernel(
        _deg_body,
        out_type=jax.ShapeDtypeStruct((NC, NP, DEG_W), jnp.float32),
        mesh=mesh,
        compiler_params=params,
        scratch_types=[
            pltpu.VMEM((K, CHUNK), jnp.int32),
            pltpu.VMEM((CHUNK, DEG_W), jnp.float32),
            pltpu.VMEM((RPT, DEG_W), jnp.float32),
            pltpu.VMEM_SHARED((NP, DEG_W), jnp.float32),
            pltpu.SemaphoreType.DMA,
        ],
    )
    agg = pl.kernel(
        _agg_body,
        out_type=jax.ShapeDtypeStruct((NC, NP, H), jnp.float32),
        mesh=mesh,
        compiler_params=params,
        scratch_types=[
            pltpu.VMEM((K // 2, CHUNK), jnp.int32),
            pltpu.VMEM((K // 2, CHUNK), jnp.int32),
            pltpu.VMEM((4 * CHUNK, H), jnp.float32),
            pltpu.VMEM_SHARED((NP, H), jnp.float32),
            pltpu.VMEM_SHARED((NP, H), jnp.float32),
        ] + [pltpu.SemaphoreType.DMA] * 8,
    )
    return deg, agg



def _tc_xw_body(x_ref, wblk_ref, xw_ref):
    xw_ref[...] = jnp.dot(
        x_ref[...], wblk_ref[...], preferred_element_type=jnp.float32
    )


_tc_xw = pl.pallas_call(
    _tc_xw_body,
    out_shape=jax.ShapeDtypeStruct((NP // 2, 2 * H), jnp.float32),
)


def _tc_scale_body(d16_ref, xw_ref, y_ref, dinv_ref):
    NH = NP // 2
    deg_e = d16_ref[0, :, 0:1] + d16_ref[1, :, 0:1] + 1.0
    deg_o = d16_ref[0, :, 8:9] + d16_ref[1, :, 8:9] + 1.0
    dinv = jnp.concatenate(
        [
            jnp.broadcast_to(lax.rsqrt(deg_e), (NH, H)),
            jnp.broadcast_to(lax.rsqrt(deg_o), (NH, H)),
        ],
        axis=1,
    )
    y_ref[...] = xw_ref[...] * dinv
    dinv_ref[...] = dinv


_tc_scale = pl.pallas_call(
    _tc_scale_body,
    out_shape=(
        jax.ShapeDtypeStruct((NP // 2, 2 * H), jnp.float32),
        jax.ShapeDtypeStruct((NP // 2, 2 * H), jnp.float32),
    ),
)


def _tc_mid_body(agg_ref, y_ref, dinv_ref, b_ref, wblk_ref, out_ref):
    dinv = dinv_ref[...]
    tot = agg_ref[0] + agg_ref[1] + y_ref[...]
    h = jnp.maximum(tot * dinv + b_ref[...], 0.0)
    out_ref[...] = (
        jnp.dot(h, wblk_ref[...], preferred_element_type=jnp.float32) * dinv
    )


_tc_mid = pl.pallas_call(
    _tc_mid_body,
    out_shape=jax.ShapeDtypeStruct((NP // 2, 2 * H), jnp.float32),
)


def _tc_final_body(agg_ref, y_ref, dinv_ref, b_ref, batch_ref, wl_ref, bl_ref,
                   out_ref):
    NH = NP // 2
    dinv = dinv_ref[...]
    tot = agg_ref[0] + agg_ref[1] + y_ref[...]
    h = jnp.maximum(tot * dinv + b_ref[...], 0.0)
    gid = lax.broadcasted_iota(jnp.int32, (NH, G), 1)
    oh_e = (batch_ref[:, 0:1] == gid).astype(jnp.float32)
    oh_o = (batch_ref[:, 1:2] == gid).astype(jnp.float32)
    dn = (((0,), (0,)), ((), ()))
    sums = (
        lax.dot_general(oh_e, h[:, :H], dn, preferred_element_type=jnp.float32)
        + lax.dot_general(oh_o, h[:, H:], dn,
                          preferred_element_type=jnp.float32)
    )
    ones_col = jnp.ones((NH, 1), jnp.float32)
    counts = (
        lax.dot_general(oh_e, ones_col, dn, preferred_element_type=jnp.float32)
        + lax.dot_general(oh_o, ones_col, dn,
                          preferred_element_type=jnp.float32)
    )
    pooled = sums / jnp.maximum(counts, 1.0)
    out_ref[...] = (
        jnp.dot(pooled, wl_ref[...], preferred_element_type=jnp.float32)
        + bl_ref[...]
    )


_tc_final = pl.pallas_call(
    _tc_final_body,
    out_shape=jax.ShapeDtypeStruct((G, O), jnp.float32),
)



@jax.jit
def kernel(x, edge_index, batch, W1, b1, W2, b2, W3, b3, Wl, bl):
    src = edge_index[0].astype(jnp.int32)
    dst = edge_index[1].astype(jnp.int32)
    pad = E_PAD - E
    src3 = jnp.concatenate([src, jnp.zeros((pad,), jnp.int32)]).reshape(
        NW, K, CHUNK
    )
    dst3 = jnp.concatenate([dst, jnp.full((pad,), DUMP, jnp.int32)]).reshape(
        NW, K, CHUNK
    )
    x_p = jnp.concatenate([x, jnp.zeros((NP - N, D), jnp.float32)])
    batch_p = jnp.concatenate(
        [batch.astype(jnp.int32), jnp.full((NP - N,), G + 7, jnp.int32)]
    ).reshape(NP, 1)
    zer_d = jnp.zeros((NP, DEG_W), jnp.float32)
    ones_d = jnp.ones((CHUNK, DEG_W), jnp.float32)

    deg_kernel, agg_kernel = _sc_kernels()
    def blk(w):
        z = jnp.zeros_like(w)
        return jnp.concatenate(
            [jnp.concatenate([w, z], 1), jnp.concatenate([z, w], 1)], 0
        )

    def b2x(b):
        return jnp.concatenate([b, b]).reshape(1, 2 * H)

    NH = NP // 2
    deg8 = deg_kernel(dst3, zer_d, ones_d)
    xw1 = _tc_xw(x_p.reshape(NH, 2 * D), blk(W1))
    y1, dinv = _tc_scale(deg8.reshape(NC, NH, 2 * DEG_W), xw1)
    a1 = agg_kernel(y1.reshape(NP, H), src3, dst3)
    y2 = _tc_mid(a1.reshape(NC, NH, 2 * H), y1, dinv, b2x(b1), blk(W2))
    a2 = agg_kernel(y2.reshape(NP, H), src3, dst3)
    y3 = _tc_mid(a2.reshape(NC, NH, 2 * H), y2, dinv, b2x(b2), blk(W3))
    a3 = agg_kernel(y3.reshape(NP, H), src3, dst3)
    return _tc_final(a3.reshape(NC, NH, 2 * H), y3, dinv, b2x(b3),
                     batch_p.reshape(NH, 2), Wl, bl.reshape(1, O))

# --- scband reference (transcript-rebuilt; emitter-appended) ---
"""Pipeline reference for scband-simple-gcn-31301721653263 (READ-ONLY COPY).

The authoritative reference and input builder live on the scoring server;
editing this copy changes nothing except your own understanding.
"""

import jax, jax.numpy as jnp
import numpy as np

N_NODES = 10000
N_EDGES = 320000
D_FEAT = 128
HIDDEN = 64
N_GRAPHS = 128
OUT_DIM = 2


def glorot(key, shape):
    fan_in, fan_out = shape[0], shape[1]
    limit = float(np.sqrt(6.0 / (fan_in + fan_out)))
    return jax.random.uniform(key, shape, dtype=jnp.float32, minval=-limit, maxval=limit)


def setup_inputs(seed: int = 0) -> dict:
    key = jax.random.key(seed)
    ks = jax.random.split(key, 12)
    x = jax.random.normal(ks[0], (N_NODES, D_FEAT), dtype=jnp.float32)
    edge_index = jax.random.randint(ks[1], (2, N_EDGES), 0, N_NODES, dtype=jnp.int64)
    batch = jnp.sort(jax.random.randint(ks[2], (N_NODES,), 0, N_GRAPHS, dtype=jnp.int64))
    W1 = glorot(ks[3], (D_FEAT, HIDDEN)); b1 = jnp.zeros((HIDDEN,), dtype=jnp.float32)
    W2 = glorot(ks[4], (HIDDEN, HIDDEN)); b2 = jnp.zeros((HIDDEN,), dtype=jnp.float32)
    W3 = glorot(ks[5], (HIDDEN, HIDDEN)); b3 = jnp.zeros((HIDDEN,), dtype=jnp.float32)
    Wl = glorot(ks[6], (HIDDEN, OUT_DIM)); bl = jnp.zeros((OUT_DIM,), dtype=jnp.float32)
    return {"x": x, "edge_index": edge_index, "batch": batch,
            "W1": W1, "b1": b1, "W2": W2, "b2": b2, "W3": W3, "b3": b3,
            "Wl": Wl, "bl": bl}


def gcn_conv(x, src, dst, W, b, num_nodes):
    # PyG GCNConv: add self-loops, symmetric normalization D^{-1/2}(A+I)D^{-1/2} X W + b
    loop = jnp.arange(num_nodes, dtype=src.dtype)
    s = jnp.concatenate([src, loop])
    d = jnp.concatenate([dst, loop])
    ones = jnp.ones(s.shape[0], dtype=jnp.float32)
    deg = jnp.zeros((num_nodes,), dtype=jnp.float32).at[d].add(ones)
    deg_inv_sqrt = jnp.where(deg > 0, deg ** -0.5, 0.0)
    norm = deg_inv_sqrt[s] * deg_inv_sqrt[d]
    xw = x @ W
    msg = xw[s] * norm[:, None]
    out = jnp.zeros((num_nodes, W.shape[1]), dtype=jnp.float32).at[d].add(msg)
    return out + b


def global_mean_pool(x, batch, num_graphs):
    sums = jax.ops.segment_sum(x, batch, num_segments=num_graphs)
    counts = jax.ops.segment_sum(jnp.ones((x.shape[0],), dtype=jnp.float32), batch, num_segments=num_graphs)
    return sums / jnp.maximum(counts, 1.0)[:, None]


def reference(x, edge_index, batch, W1, b1, W2, b2, W3, b3, Wl, bl):
    src, dst = edge_index[0], edge_index[1]
    h = jax.nn.relu(gcn_conv(x, src, dst, W1, b1, N_NODES))
    h = jax.nn.relu(gcn_conv(h, src, dst, W2, b2, N_NODES))
    h = jax.nn.relu(gcn_conv(h, src, dst, W3, b3, N_NODES))
    g = global_mean_pool(h, batch, N_GRAPHS)
    # dropout is identity in eval mode (training=False)
    return g @ Wl + bl

if __name__ == "__main__":
    import jax
    _d = setup_inputs()
    print(jax.jit(kernel)(*tuple(_d.values())))

</pallas_src>

<mosaic_0001>
#map = affine_map<(d0, d1) -> (0, 0)>
#map1 = affine_map<(d0, d1) -> (0, 0, 0)>
module attributes {stable_mosaic.version = 14 : i64} {
  func.func @_agg_body(%arg0: i32, %arg1: i32, %arg2: memref<10112x64xf32, #tpu.memory_space<hbm>>, %arg3: memref<32x80x128xi32, #tpu.memory_space<hbm>>, %arg4: memref<32x80x128xi32, #tpu.memory_space<hbm>>, %arg5: memref<2x10112x64xf32, #tpu.memory_space<hbm>>, %arg6: memref<40x128xi32, #tpu.memory_space<vmem>>, %arg7: memref<40x128xi32, #tpu.memory_space<vmem>>, %arg8: memref<512x64xf32, #tpu.memory_space<vmem>>, %arg9: memref<10112x64xf32, #tpu.memory_space<vmem_shared>>, %arg10: memref<10112x64xf32, #tpu.memory_space<vmem_shared>>, %arg11: memref<!tpu.dma_semaphore, #tpu.memory_space<semaphore_mem>>, %arg12: memref<!tpu.dma_semaphore, #tpu.memory_space<semaphore_mem>>, %arg13: memref<!tpu.dma_semaphore, #tpu.memory_space<semaphore_mem>>, %arg14: memref<!tpu.dma_semaphore, #tpu.memory_space<semaphore_mem>>, %arg15: memref<!tpu.dma_semaphore, #tpu.memory_space<semaphore_mem>>, %arg16: memref<!tpu.dma_semaphore, #tpu.memory_space<semaphore_mem>>, %arg17: memref<!tpu.dma_semaphore, #tpu.memory_space<semaphore_mem>>, %arg18: memref<!tpu.dma_semaphore, #tpu.memory_space<semaphore_mem>>) attributes {dimension_semantics = [#tpu.dimension_semantics<core_parallel>, #tpu.dimension_semantics<subcore_parallel>], iteration_bounds = array<i64: 2, 16>, scalar_prefetch = 0 : i64, scratch_operands = 13 : i64, tpu.core_type = #tpu.core_type<sc_vector_subcore>, window_params = [{transform_indices = #map}, {transform_indices = #map1}, {transform_indices = #map1}, {transform_indices = #map1}]} {
    %mul3A = arith.constant 16 : i32
    %mul3A_0 = arith.muli %arg0, %mul3A : i32
    %add3A = arith.addi %mul3A_0, %arg1 : i32
    %mul3A_1 = arith.constant 632 : i32
    %mul3A_2 = arith.muli %arg1, %mul3A_1 : i32
    "tpu.region"() ({
      %run_scoped3A = tpu.sem_alloc : memref<!tpu.dma_semaphore, #tpu.memory_space<semaphore_mem>>
      %dma_start3A_109 = arith.constant 0 : i32
      %dma_start3A_110 = arith.constant 0 : i32
      %dma_start3A_111 = tpu.memref_slice %arg8[%dma_start3A_109, %dma_start3A_110] : memref<512x64xf32, #tpu.memory_space<vmem>> -> memref<320x64xf32, #tpu.memory_space<vmem>>
      %dma_start3A_112 = arith.constant 0 : i32
      %dma_start3A_113 = tpu.memref_slice %arg2[%mul3A_2, %dma_start3A_112] : memref<10112x64xf32, #tpu.memory_space<hbm>> -> memref<320x64xf32, #tpu.memory_space<hbm>>
      %dma_start3A_114 = arith.constant 0 : i32
      %dma_start3A_115 = arith.constant 0 : i32
      %dma_start3A_116 = tpu.memref_slice %arg8[%dma_start3A_114, %dma_start3A_115] : memref<512x64xf32, #tpu.memory_space<vmem>> -> memref<320x64xf32, #tpu.memory_space<vmem>>
      %dma_start3A_117 = arith.constant 0 : i32
      %dma_start3A_118 = tpu.memref_slice %arg2[%mul3A_2, %dma_start3A_117] : memref<10112x64xf32, #tpu.memory_space<hbm>> -> memref<320x64xf32, #tpu.memory_space<hbm>>
      tpu.enqueue_dma source(%dma_start3A_118 : memref<320x64xf32, #tpu.memory_space<hbm>>) target(%dma_start3A_116 : memref<320x64xf32, #tpu.memory_space<vmem>>) target_semaphore(%run_scoped3A : memref<!tpu.dma_semaphore, #tpu.memory_space<semaphore_mem>>)
      %dma_wait3A_119 = arith.constant 0 : i32
      %dma_wait3A_120 = arith.constant 0 : i32
      %dma_wait3A_121 = tpu.memref_slice %arg8[%dma_wait3A_119, %dma_wait3A_120] : memref<512x64xf32, #tpu.memory_space<vmem>> -> memref<320x64xf32, #tpu.memory_space<vmem>>
      %dma_wait3A_122 = arith.constant 0 : i32
      %dma_wait3A_123 = tpu.memref_slice %arg2[%mul3A_2, %dma_wait3A_122] : memref<10112x64xf32, #tpu.memory_space<hbm>> -> memref<320x64xf32, #tpu.memory_space<hbm>>
      %dma_wait3A_124 = arith.constant 0 : i32
      %dma_wait3A_125 = arith.constant 0 : i32
      %dma_wait3A_126 = tpu.memref_slice %arg8[%dma_wait3A_124, %dma_wait3A_125] : memref<512x64xf32, #tpu.memory_space<vmem>> -> memref<320x64xf32, #tpu.memory_space<vmem>>
      %dma_wait3A_127 = arith.constant 0 : i32
      %dma_wait3A_128 = tpu.memref_slice %arg2[%mul3A_2, %dma_wait3A_127] : memref<10112x64xf32, #tpu.memory_space<hbm>> -> memref<320x64xf32, #tpu.memory_space<hbm>>
      tpu.wait_dma2 semaphore(%run_scoped3A : memref<!tpu.dma_semaphore, #tpu.memory_space<semaphore_mem>>) src(%dma_wait3A_128 : memref<320x64xf32, #tpu.memory_space<hbm>>) dst(%dma_wait3A_126 : memref<320x64xf32, #tpu.memory_space<vmem>>)
      tpu.yield
    }) : () -> ()
    "tpu.region"() ({
      %run_scoped3A = tpu.sem_alloc : memref<!tpu.dma_semaphore, #tpu.memory_space<semaphore_mem>>
      %dma_start3A_109 = arith.constant 0 : i32
      %dma_start3A_110 = arith.constant 0 : i32
      %dma_start3A_111 = tpu.memref_slice %arg8[%dma_start3A_109, %dma_start3A_110] : memref<512x64xf32, #tpu.memory_space<vmem>> -> memref<320x64xf32, #tpu.memory_space<vmem>>
      %dma_start3A_112 = arith.constant 0 : i32
      %dma_start3A_113 = tpu.memref_slice %arg10[%mul3A_2, %dma_start3A_112] : memref<10112x64xf32, #tpu.memory_space<vmem_shared>> -> memref<320x64xf32, #tpu.memory_space<vmem_shared>>
      %dma_start3A_114 = arith.constant 0 : i32
      %dma_start3A_115 = tpu.memref_slice %arg10[%mul3A_2, %dma_start3A_114] : memref<10112x64xf32, #tpu.memory_space<vmem_shared>> -> memref<320x64xf32, #tpu.memory_space<vmem_shared>>
      %dma_start3A_116 = arith.constant 0 : i32
      %dma_start3A_117 = arith.constant 0 : i32
      %dma_start3A_118 = tpu.memref_slice %arg8[%dma_start3A_116, %dma_start3A_117] : memref<512x64xf32, #tpu.memory_space<vmem>> -> memref<320x64xf32, #tpu.memory_space<vmem>>
      tpu.enqueue_dma source(%dma_start3A_118 : memref<320x64xf32, #tpu.memory_space<vmem>>) target(%dma_start3A_115 : memref<320x64xf32, #tpu.memory_space<vmem_shared>>) target_semaphore(%run_scoped3A : memref<!tpu.dma_semaphore, #tpu.memory_space<semaphore_mem>>)
      %dma_wait3A_119 = arith.constant 0 : i32
      %dma_wait3A_120 = arith.constant 0 : i32
      %dma_wait3A_121 = tpu.memref_slice %arg8[%dma_wait3A_119, %dma_wait3A_120] : memref<512x64xf32, #tpu.memory_space<vmem>> -> memref<320x64xf32, #tpu.memory_space<vmem>>
      %dma_wait3A_122 = arith.constant 0 : i32
      %dma_wait3A_123 = tpu.memref_slice %arg10[%mul3A_2, %dma_wait3A_122] : memref<10112x64xf32, #tpu.memory_space<vmem_shared>> -> memref<320x64xf32, #tpu.memory_space<vmem_shared>>
      %dma_wait3A_124 = arith.constant 0 : i32
      %dma_wait3A_125 = tpu.memref_slice %arg10[%mul3A_2, %dma_wait3A_124] : memref<10112x64xf32, #tpu.memory_space<vmem_shared>> -> memref<320x64xf32, #tpu.memory_space<vmem_shared>>
      %dma_wait3A_126 = arith.constant 0 : i32
      %dma_wait3A_127 = arith.constant 0 : i32
      %dma_wait3A_128 = tpu.memref_slice %arg8[%dma_wait3A_126, %dma_wait3A_127] : memref<512x64xf32, #tpu.memory_space<vmem>> -> memref<320x64xf32, #tpu.memory_space<vmem>>
      tpu.wait_dma2 semaphore(%run_scoped3A : memref<!tpu.dma_semaphore, #tpu.memory_space<semaphore_mem>>) src(%dma_wait3A_128 : memref<320x64xf32, #tpu.memory_space<vmem>>) dst(%dma_wait3A_125 : memref<320x64xf32, #tpu.memory_space<vmem_shared>>)
      tpu.yield
    }) : () -> ()
    %add3A_3 = arith.constant 320 : i32
    %add3A_4 = arith.addi %mul3A_2, %add3A_3 : i32
    "tpu.region"() ({
      %run_scoped3A = tpu.sem_alloc : memref<!tpu.dma_semaphore, #tpu.memory_space<semaphore_mem>>
      %dma_start3A_109 = arith.constant 0 : i32
      %dma_start3A_110 = arith.constant 0 : i32
      %dma_start3A_111 = tpu.memref_slice %arg8[%dma_start3A_109, %dma_start3A_110] : memref<512x64xf32, #tpu.memory_space<vmem>> -> memref<312x64xf32, #tpu.memory_space<vmem>>
      %dma_start3A_112 = arith.constant 0 : i32
      %dma_start3A_113 = tpu.memref_slice %arg2[%add3A_4, %dma_start3A_112] : memref<10112x64xf32, #tpu.memory_space<hbm>> -> memref<312x64xf32, #tpu.memory_space<hbm>>
      %dma_start3A_114 = arith.constant 0 : i32
      %dma_start3A_115 = arith.constant 0 : i32
      %dma_start3A_116 = tpu.memref_slice %arg8[%dma_start3A_114, %dma_start3A_115] : memref<512x64xf32, #tpu.memory_space<vmem>> -> memref<312x64xf32, #tpu.memory_space<vmem>>
      %dma_start3A_117 = arith.constant 0 : i32
      %dma_start3A_118 = tpu.memref_slice %arg2[%add3A_4, %dma_start3A_117] : memref<10112x64xf32, #tpu.memory_space<hbm>> -> memref<312x64xf32, #tpu.memory_space<hbm>>
      tpu.enqueue_dma source(%dma_start3A_118 : memref<312x64xf32, #tpu.memory_space<hbm>>) target(%dma_start3A_116 : memref<312x64xf32, #tpu.memory_space<vmem>>) target_semaphore(%run_scoped3A : memref<!tpu.dma_semaphore, #tpu.memory_space<semaphore_mem>>)
      %dma_wait3A_119 = arith.constant 0 : i32
      %dma_wait3A_120 = arith.constant 0 : i32
      %dma_wait3A_121 = tpu.memref_slice %arg8[%dma_wait3A_119, %dma_wait3A_120] : memref<512x64xf32, #tpu.memory_space<vmem>> -> memref<312x64xf32, #tpu.memory_space<vmem>>
      %dma_wait3A_122 = arith.constant 0 : i32
      %dma_wait3A_123 = tpu.memref_slice %arg2[%add3A_4, %dma_wait3A_122] : memref<10112x64xf32, #tpu.memory_space<hbm>> -> memref<312x64xf32, #tpu.memory_space<hbm>>
      %dma_wait3A_124 = arith.constant 0 : i32
      %dma_wait3A_125 = arith.constant 0 : i32
      %dma_wait3A_126 = tpu.memref_slice %arg8[%dma_wait3A_124, %dma_wait3A_125] : memref<512x64xf32, #tpu.memory_space<vmem>> -> memref<312x64xf32, #tpu.memory_space<vmem>>
      %dma_wait3A_127 = arith.constant 0 : i32
      %dma_wait3A_128 = tpu.memref_slice %arg2[%add3A_4, %dma_wait3A_127] : memref<10112x64xf32, #tpu.memory_space<hbm>> -> memref<312x64xf32, #tpu.memory_space<hbm>>
      tpu.wait_dma2 semaphore(%run_scoped3A : memref<!tpu.dma_semaphore, #tpu.memory_space<semaphore_mem>>) src(%dma_wait3A_128 : memref<312x64xf32, #tpu.memory_space<hbm>>) dst(%dma_wait3A_126 : memref<312x64xf32, #tpu.memory_space<vmem>>)
      tpu.yield
    }) : () -> ()
    %add3A_5 = arith.constant 320 : i32
    %add3A_6 = arith.addi %mul3A_2, %add3A_5 : i32
    "tpu.region"() ({
      %run_scoped3A = tpu.sem_alloc : memref<!tpu.dma_semaphore, #tpu.memory_space<semaphore_mem>>
      %dma_start3A_109 = arith.constant 0 : i32
      %dma_start3A_110 = arith.constant 0 : i32
      %dma_start3A_111 = tpu.memref_slice %arg8[%dma_start3A_109, %dma_start3A_110] : memref<512x64xf32, #tpu.memory_space<vmem>> -> memref<312x64xf32, #tpu.memory_space<vmem>>
      %dma_start3A_112 = arith.constant 0 : i32
      %dma_start3A_113 = tpu.memref_slice %arg10[%add3A_6, %dma_start3A_112] : memref<10112x64xf32, #tpu.memory_space<vmem_shared>> -> memref<312x64xf32, #tpu.memory_space<vmem_shared>>
      %dma_start3A_114 = arith.constant 0 : i32
      %dma_start3A_115 = tpu.memref_slice %arg10[%add3A_6, %dma_start3A_114] : memref<10112x64xf32, #tpu.memory_space<vmem_shared>> -> memref<312x64xf32, #tpu.memory_space<vmem_shared>>
      %dma_start3A_116 = arith.constant 0 : i32
      %dma_start3A_117 = arith.constant 0 : i32
      %dma_start3A_118 = tpu.memref_slice %arg8[%dma_start3A_116, %dma_start3A_117] : memref<512x64xf32, #tpu.memory_space<vmem>> -> memref<312x64xf32, #tpu.memory_space<vmem>>
      tpu.enqueue_dma source(%dma_start3A_118 : memref<312x64xf32, #tpu.memory_space<vmem>>) target(%dma_start3A_115 : memref<312x64xf32, #tpu.memory_space<vmem_shared>>) target_semaphore(%run_scoped3A : memref<!tpu.dma_semaphore, #tpu.memory_space<semaphore_mem>>)
      %dma_wait3A_119 = arith.constant 0 : i32
      %dma_wait3A_120 = arith.constant 0 : i32
      %dma_wait3A_121 = tpu.memref_slice %arg8[%dma_wait3A_119, %dma_wait3A_120] : memref<512x64xf32, #tpu.memory_space<vmem>> -> memref<312x64xf32, #tpu.memory_space<vmem>>
      %dma_wait3A_122 = arith.constant 0 : i32
      %dma_wait3A_123 = tpu.memref_slice %arg10[%add3A_6, %dma_wait3A_122] : memref<10112x64xf32, #tpu.memory_space<vmem_shared>> -> memref<312x64xf32, #tpu.memory_space<vmem_shared>>
      %dma_wait3A_124 = arith.constant 0 : i32
      %dma_wait3A_125 = tpu.memref_slice %arg10[%add3A_6, %dma_wait3A_124] : memref<10112x64xf32, #tpu.memory_space<vmem_shared>> -> memref<312x64xf32, #tpu.memory_space<vmem_shared>>
      %dma_wait3A_126 = arith.constant 0 : i32
      %dma_wait3A_127 = arith.constant 0 : i32
      %dma_wait3A_128 = tpu.memref_slice %arg8[%dma_wait3A_126, %dma_wait3A_127] : memref<512x64xf32, #tpu.memory_space<vmem>> -> memref<312x64xf32, #tpu.memory_space<vmem>>
      tpu.wait_dma2 semaphore(%run_scoped3A : memref<!tpu.dma_semaphore, #tpu.memory_space<semaphore_mem>>) src(%dma_wait3A_128 : memref<312x64xf32, #tpu.memory_space<vmem>>) dst(%dma_wait3A_125 : memref<312x64xf32, #tpu.memory_space<vmem_shared>>)
      tpu.yield
    }) : () -> ()
    %scan3A = arith.constant 0 : i32
    %scan3A_7 = arith.constant 0 : i32
    %scan3A_8 = arith.constant 320 : i32
    %scan3A_9 = arith.addi %scan3A_7, %scan3A_8 : i32
    %scan3A_10 = arith.constant 1 : i32
    scf.for %scan3A_109 = %scan3A_7 to %scan3A_9 step %scan3A_10  : i32 {
      %broadcast_in_dim3A = arith.constant 0.000000e+00 : f32
      %broadcast_in_dim3A_110 = vector.broadcast %broadcast_in_dim3A : f32 to vector<16xf32>
      %swap3A = arith.index_cast %scan3A_109 : i32 to index
      %swap3A_111 = arith.constant 0 : index
      %swap3A_112 = tpu.vector_load %arg8[%swap3A, %swap3A_111] {strides = array<i32>} : memref<512x64xf32, #tpu.memory_space<vmem>>, vector<1x16xf32>,
      %swap3A_113 = vector.shape_cast %swap3A_112 : vector<1x16xf32> to vector<16xf32>
      %swap3A_114 = vector.shape_cast %broadcast_in_dim3A_110 : vector<16xf32> to vector<1x16xf32>
      tpu.vector_store %arg8[%swap3A, %swap3A_111], %swap3A_114 {strides = array<i32>} : memref<512x64xf32, #tpu.memory_space<vmem>>, vector<1x16xf32>,
      %broadcast_in_dim3A_115 = arith.constant 0.000000e+00 : f32
      %broadcast_in_dim3A_116 = vector.broadcast %broadcast_in_dim3A_115 : f32 to vector<16xf32>
      %swap3A_117 = arith.index_cast %scan3A_109 : i32 to index
      %swap3A_118 = arith.constant 16 : index
      %swap3A_119 = tpu.vector_load %arg8[%swap3A_117, %swap3A_118] {strides = array<i32>} : memref<512x64xf32, #tpu.memory_space<vmem>>, vector<1x16xf32>,
      %swap3A_120 = vector.shape_cast %swap3A_119 : vector<1x16xf32> to vector<16xf32>
      %swap3A_121 = vector.shape_cast %broadcast_in_dim3A_116 : vector<16xf32> to vector<1x16xf32>
      tpu.vector_store %arg8[%swap3A_117, %swap3A_118], %swap3A_121 {strides = array<i32>} : memref<512x64xf32, #tpu.memory_space<vmem>>, vector<1x16xf32>,
      %broadcast_in_dim3A_122 = arith.constant 0.000000e+00 : f32
      %broadcast_in_dim3A_123 = vector.broadcast %broadcast_in_dim3A_122 : f32 to vector<16xf32>
      %swap3A_124 = arith.index_cast %scan3A_109 : i32 to index
      %swap3A_125 = arith.constant 32 : index
      %swap3A_126 = tpu.vector_load %arg8[%swap3A_124, %swap3A_125] {strides = array<i32>} : memref<512x64xf32, #tpu.memory_space<vmem>>, vector<1x16xf32>,
      %swap3A_127 = vector.shape_cast %swap3A_126 : vector<1x16xf32> to vector<16xf32>
      %swap3A_128 = vector.shape_cast %broadcast_in_dim3A_123 : vector<16xf32> to vector<1x16xf32>
      tpu.vector_store %arg8[%swap3A_124, %swap3A_125], %swap3A_128 {strides = array<i32>} : memref<512x64xf32, #tpu.memory_space<vmem>>, vector<1x16xf32>,
      %broadcast_in_dim3A_129 = arith.constant 0.000000e+00 : f32
      %broadcast_in_dim3A_130 = vector.broadcast %broadcast_in_dim3A_129 : f32 to vector<16xf32>
      %swap3A_131 = arith.index_cast %scan3A_109 : i32 to index
      %swap3A_132 = arith.constant 48 : index
      %swap3A_133 = tpu.vector_load %arg8[%swap3A_131, %swap3A_132] {strides = array<i32>} : memref<512x64xf32, #tpu.memory_space<vmem>>, vector<1x16xf32>,
      %swap3A_134 = vector.shape_cast %swap3A_133 : vector<1x16xf32> to vector<16xf32>
      %swap3A_135 = vector.shape_cast %broadcast_in_dim3A_130 : vector<16xf32> to vector<1x16xf32>
      tpu.vector_store %arg8[%swap3A_131, %swap3A_132], %swap3A_135 {strides = array<i32>} : memref<512x64xf32, #tpu.memory_space<vmem>>, vector<1x16xf32>,
    }
    %scan3A_11 = arith.constant 320 : i32
    "tpu.region"() ({
      %run_scoped3A = tpu.sem_alloc : memref<!tpu.dma_semaphore, #tpu.memory_space<semaphore_mem>>
      %dma_start3A_109 = arith.constant 0 : i32
      %dma_start3A_110 = arith.constant 0 : i32
      %dma_start3A_111 = tpu.memref_slice %arg8[%dma_start3A_109, %dma_start3A_110] : memref<512x64xf32, #tpu.memory_space<vmem>> -> memref<320x64xf32, #tpu.memory_space<vmem>>
      %dma_start3A_112 = arith.constant 0 : i32
      %dma_start3A_113 = tpu.memref_slice %arg9[%mul3A_2, %dma_start3A_112] : memref<10112x64xf32, #tpu.memory_space<vmem_shared>> -> memref<320x64xf32, #tpu.memory_space<vmem_shared>>
      %dma_start3A_114 = arith.constant 0 : i32
      %dma_start3A_115 = tpu.memref_slice %arg9[%mul3A_2, %dma_start3A_114] : memref<10112x64xf32, #tpu.memory_space<vmem_shared>> -> memref<320x64xf32, #tpu.memory_space<vmem_shared>>
      %dma_start3A_116 = arith.constant 0 : i32
      %dma_start3A_117 = arith.constant 0 : i32
      %dma_start3A_118 = tpu.memref_slice %arg8[%dma_start3A_116, %dma_start3A_117] : memref<512x64xf32, #tpu.memory_space<vmem>> -> memref<320x64xf32, #tpu.memory_space<vmem>>
      tpu.enqueue_dma source(%dma_start3A_118 : memref<320x64xf32, #tpu.memory_space<vmem>>) target(%dma_start3A_115 : memref<320x64xf32, #tpu.memory_space<vmem_shared>>) target_semaphore(%run_scoped3A : memref<!tpu.dma_semaphore, #tpu.memory_space<semaphore_mem>>)
      %dma_wait3A_119 = arith.constant 0 : i32
      %dma_wait3A_120 = arith.constant 0 : i32
      %dma_wait3A_121 = tpu.memref_slice %arg8[%dma_wait3A_119, %dma_wait3A_120] : memref<512x64xf32, #tpu.memory_space<vmem>> -> memref<320x64xf32, #tpu.memory_space<vmem>>
      %dma_wait3A_122 = arith.constant 0 : i32
      %dma_wait3A_123 = tpu.memref_slice %arg9[%mul3A_2, %dma_wait3A_122] : memref<10112x64xf32, #tpu.memory_space<vmem_shared>> -> memref<320x64xf32, #tpu.memory_space<vmem_shared>>
      %dma_wait3A_124 = arith.constant 0 : i32
      %dma_wait3A_125 = tpu.memref_slice %arg9[%mul3A_2, %dma_wait3A_124] : memref<10112x64xf32, #tpu.memory_space<vmem_shared>> -> memref<320x64xf32, #tpu.memory_space<vmem_shared>>
      %dma_wait3A_126 = arith.constant 0 : i32
      %dma_wait3A_127 = arith.constant 0 : i32
      %dma_wait3A_128 = tpu.memref_slice %arg8[%dma_wait3A_126, %dma_wait3A_127] : memref<512x64xf32, #tpu.memory_space<vmem>> -> memref<320x64xf32, #tpu.memory_space<vmem>>
      tpu.wait_dma2 semaphore(%run_scoped3A : memref<!tpu.dma_semaphore, #tpu.memory_space<semaphore_mem>>) src(%dma_wait3A_128 : memref<320x64xf32, #tpu.memory_space<vmem>>) dst(%dma_wait3A_125 : memref<320x64xf32, #tpu.memory_space<vmem_shared>>)
      tpu.yield
    }) : () -> ()
    %add3A_12 = arith.constant 320 : i32
    %add3A_13 = arith.addi %mul3A_2, %add3A_12 : i32
    "tpu.region"() ({
      %run_scoped3A = tpu.sem_alloc : memref<!tpu.dma_semaphore, #tpu.memory_space<semaphore_mem>>
      %dma_start3A_109 = arith.constant 0 : i32
      %dma_start3A_110 = arith.constant 0 : i32
      %dma_start3A_111 = tpu.memref_slice %arg8[%dma_start3A_109, %dma_start3A_110] : memref<512x64xf32, #tpu.memory_space<vmem>> -> memref<312x64xf32, #tpu.memory_space<vmem>>
      %dma_start3A_112 = arith.constant 0 : i32
      %dma_start3A_113 = tpu.memref_slice %arg9[%add3A_13, %dma_start3A_112] : memref<10112x64xf32, #tpu.memory_space<vmem_shared>> -> memref<312x64xf32, #tpu.memory_space<vmem_shared>>
      %dma_start3A_114 = arith.constant 0 : i32
      %dma_start3A_115 = tpu.memref_slice %arg9[%add3A_13, %dma_start3A_114] : memref<10112x64xf32, #tpu.memory_space<vmem_shared>> -> memref<312x64xf32, #tpu.memory_space<vmem_shared>>
      %dma_start3A_116 = arith.constant 0 : i32
      %dma_start3A_117 = arith.constant 0 : i32
      %dma_start3A_118 = tpu.memref_slice %arg8[%dma_start3A_116, %dma_start3A_117] : memref<512x64xf32, #tpu.memory_space<vmem>> -> memref<312x64xf32, #tpu.memory_space<vmem>>
      tpu.enqueue_dma source(%dma_start3A_118 : memref<312x64xf32, #tpu.memory_space<vmem>>) target(%dma_start3A_115 : memref<312x64xf32, #tpu.memory_space<vmem_shared>>) target_semaphore(%run_scoped3A : memref<!tpu.dma_semaphore, #tpu.memory_space<semaphore_mem>>)
      %dma_wait3A_119 = arith.constant 0 : i32
      %dma_wait3A_120 = arith.constant 0 : i32
      %dma_wait3A_121 = tpu.memref_slice %arg8[%dma_wait3A_119, %dma_wait3A_120] : memref<512x64xf32, #tpu.memory_space<vmem>> -> memref<312x64xf32, #tpu.memory_space<vmem>>
      %dma_wait3A_122 = arith.constant 0 : i32
      %dma_wait3A_123 = tpu.memref_slice %arg9[%add3A_13, %dma_wait3A_122] : memref<10112x64xf32, #tpu.memory_space<vmem_shared>> -> memref<312x64xf32, #tpu.memory_space<vmem_shared>>
      %dma_wait3A_124 = arith.constant 0 : i32
      %dma_wait3A_125 = tpu.memref_slice %arg9[%add3A_13, %dma_wait3A_124] : memref<10112x64xf32, #tpu.memory_space<vmem_shared>> -> memref<312x64xf32, #tpu.memory_space<vmem_shared>>
      %dma_wait3A_126 = arith.constant 0 : i32
      %dma_wait3A_127 = arith.constant 0 : i32
      %dma_wait3A_128 = tpu.memref_slice %arg8[%dma_wait3A_126, %dma_wait3A_127] : memref<512x64xf32, #tpu.memory_space<vmem>> -> memref<312x64xf32, #tpu.memory_space<vmem>>
      tpu.wait_dma2 semaphore(%run_scoped3A : memref<!tpu.dma_semaphore, #tpu.memory_space<semaphore_mem>>) src(%dma_wait3A_128 : memref<312x64xf32, #tpu.memory_space<vmem>>) dst(%dma_wait3A_125 : memref<312x64xf32, #tpu.memory_space<vmem_shared>>)
      tpu.yield
    }) : () -> ()
    %barrier3A = arith.constant 0 : index
    tpu.barrier barrier_id(%barrier3A)
    "tpu.region"() ({
      %run_scoped3A = tpu.sem_alloc : memref<!tpu.dma_semaphore, #tpu.memory_space<semaphore_mem>>
      %dma_start3A_109 = arith.constant 0 : i32
      %dma_start3A_110 = arith.constant 0 : i32
      %dma_start3A_111 = tpu.memref_slice %arg3[%add3A, %dma_start3A_109, %dma_start3A_110] : memref<32x80x128xi32, #tpu.memory_space<hbm>> -> memref<1x40x128xi32, #tpu.memory_space<hbm>>
      %dma_start3A_112 = tpu.memref_squeeze %dma_start3A_111 : memref<1x40x128xi32, #tpu.memory_space<hbm>> -> memref<40x128xi32, #tpu.memory_space<hbm>>
      %dma_start3A_113 = arith.constant 0 : i32
      %dma_start3A_114 = arith.constant 0 : i32
      %dma_start3A_115 = tpu.memref_slice %arg3[%add3A, %dma_start3A_113, %dma_start3A_114] : memref<32x80x128xi32, #tpu.memory_space<hbm>> -> memref<1x40x128xi32, #tpu.memory_space<hbm>>
      %dma_start3A_116 = tpu.memref_squeeze %dma_start3A_115 : memref<1x40x128xi32, #tpu.memory_space<hbm>> -> memref<40x128xi32, #tpu.memory_space<hbm>>
      tpu.enqueue_dma source(%dma_start3A_116 : memref<40x128xi32, #tpu.memory_space<hbm>>) target(%arg6 : memref<40x128xi32, #tpu.memory_space<vmem>>) target_semaphore(%run_scoped3A : memref<!tpu.dma_semaphore, #tpu.memory_space<semaphore_mem>>)
      %dma_wait3A_117 = arith.constant 0 : i32
      %dma_wait3A_118 = arith.constant 0 : i32
      %dma_wait3A_119 = tpu.memref_slice %arg3[%add3A, %dma_wait3A_117, %dma_wait3A_118] : memref<32x80x128xi32, #tpu.memory_space<hbm>> -> memref<1x40x128xi32, #tpu.memory_space<hbm>>
      %dma_wait3A_120 = tpu.memref_squeeze %dma_wait3A_119 : memref<1x40x128xi32, #tpu.memory_space<hbm>> -> memref<40x128xi32, #tpu.memory_space<hbm>>
      %dma_wait3A_121 = arith.constant 0 : i32
      %dma_wait3A_122 = arith.constant 0 : i32
      %dma_wait3A_123 = tpu.memref_slice %arg3[%add3A, %dma_wait3A_121, %dma_wait3A_122] : memref<32x80x128xi32, #tpu.memory_space<hbm>> -> memref<1x40x128xi32, #tpu.memory_space<hbm>>
      %dma_wait3A_124 = tpu.memref_squeeze %dma_wait3A_123 : memref<1x40x128xi32, #tpu.memory_space<hbm>> -> memref<40x128xi32, #tpu.memory_space<hbm>>
      tpu.wait_dma2 semaphore(%run_scoped3A : memref<!tpu.dma_semaphore, #tpu.memory_space<semaphore_mem>>) src(%dma_wait3A_124 : memref<40x128xi32, #tpu.memory_space<hbm>>) dst(%arg6 : memref<40x128xi32, #tpu.memory_space<vmem>>)
      tpu.yield
    }) : () -> ()
    "tpu.region"() ({
      %run_scoped3A = tpu.sem_alloc : memref<!tpu.dma_semaphore, #tpu.memory_space<semaphore_mem>>
      %dma_start3A_109 = arith.constant 0 : i32
      %dma_start3A_110 = arith.constant 0 : i32
      %dma_start3A_111 = tpu.memref_slice %arg4[%add3A, %dma_start3A_109, %dma_start3A_110] : memref<32x80x128xi32, #tpu.memory_space<hbm>> -> memref<1x40x128xi32, #tpu.memory_space<hbm>>
      %dma_start3A_112 = tpu.memref_squeeze %dma_start3A_111 : memref<1x40x128xi32, #tpu.memory_space<hbm>> -> memref<40x128xi32, #tpu.memory_space<hbm>>
      %dma_start3A_113 = arith.constant 0 : i32
      %dma_start3A_114 = arith.constant 0 : i32
      %dma_start3A_115 = tpu.memref_slice %arg4[%add3A, %dma_start3A_113, %dma_start3A_114] : memref<32x80x128xi32, #tpu.memory_space<hbm>> -> memref<1x40x128xi32, #tpu.memory_space<hbm>>
      %dma_start3A_116 = tpu.memref_squeeze %dma_start3A_115 : memref<1x40x128xi32, #tpu.memory_space<hbm>> -> memref<40x128xi32, #tpu.memory_space<hbm>>
      tpu.enqueue_dma source(%dma_start3A_116 : memref<40x128xi32, #tpu.memory_space<hbm>>) target(%arg7 : memref<40x128xi32, #tpu.memory_space<vmem>>) target_semaphore(%run_scoped3A : memref<!tpu.dma_semaphore, #tpu.memory_space<semaphore_mem>>)
      %dma_wait3A_117 = arith.constant 0 : i32
      %dma_wait3A_118 = arith.constant 0 : i32
      %dma_wait3A_119 = tpu.memref_slice %arg4[%add3A, %dma_wait3A_117, %dma_wait3A_118] : memref<32x80x128xi32, #tpu.memory_space<hbm>> -> memref<1x40x128xi32, #tpu.memory_space<hbm>>
      %dma_wait3A_120 = tpu.memref_squeeze %dma_wait3A_119 : memref<1x40x128xi32, #tpu.memory_space<hbm>> -> memref<40x128xi32, #tpu.memory_space<hbm>>
      %dma_wait3A_121 = arith.constant 0 : i32
      %dma_wait3A_122 = arith.constant 0 : i32
      %dma_wait3A_123 = tpu.memref_slice %arg4[%add3A, %dma_wait3A_121, %dma_wait3A_122] : memref<32x80x128xi32, #tpu.memory_space<hbm>> -> memref<1x40x128xi32, #tpu.memory_space<hbm>>
      %dma_wait3A_124 = tpu.memref_squeeze %dma_wait3A_123 : memref<1x40x128xi32, #tpu.memory_space<hbm>> -> memref<40x128xi32, #tpu.memory_space<hbm>>
      tpu.wait_dma2 semaphore(%run_scoped3A : memref<!tpu.dma_semaphore, #tpu.memory_space<semaphore_mem>>) src(%dma_wait3A_124 : memref<40x128xi32, #tpu.memory_space<hbm>>) dst(%arg7 : memref<40x128xi32, #tpu.memory_space<vmem>>)
      tpu.yield
    }) : () -> ()
    %dma_start3A = arith.constant 0 : i32
    %dma_start3A_14 = arith.constant 0 : i32
    %dma_start3A_15 = arith.constant 0 : i32
    %dma_start3A_16 = tpu.memref_slice %arg8[%dma_start3A_14, %dma_start3A_15] : memref<512x64xf32, #tpu.memory_space<vmem>> -> memref<128x64xf32, #tpu.memory_space<vmem>>
    %dma_start3A_17 = arith.constant 0 : i32
    %dma_start3A_18 = tpu.memref_slice %arg6[%dma_start3A, %dma_start3A_17] : memref<40x128xi32, #tpu.memory_space<vmem>> -> memref<1x128xi32, #tpu.memory_space<vmem>>
    %dma_start3A_19 = tpu.memref_squeeze %dma_start3A_18 : memref<1x128xi32, #tpu.memory_space<vmem>> -> memref<128xi32, #tpu.memory_space<vmem>>
    %dma_start3A_20 = arith.constant 0 : i32
    %dma_start3A_21 = arith.constant 0 : i32
    %dma_start3A_22 = tpu.memref_slice %arg10[%dma_start3A_20, %dma_start3A_21] : memref<10112x64xf32, #tpu.memory_space<vmem_shared>> -> memref<10112x64xf32, #tpu.memory_space<vmem_shared>>
    tpu.enqueue_indirect_dma source(%dma_start3A_22 : memref<10112x64xf32, #tpu.memory_space<vmem_shared>>) target(%dma_start3A_16 : memref<128x64xf32, #tpu.memory_space<vmem>>) offsets(%dma_start3A_19 : memref<128xi32, #tpu.memory_space<vmem>>) semaphore(%arg11 : memref<!tpu.dma_semaphore, #tpu.memory_space<semaphore_mem>>)
    %dma_start3A_23 = arith.constant 1 : i32
    %dma_start3A_24 = arith.constant 128 : i32
    %dma_start3A_25 = arith.constant 0 : i32
    %dma_start3A_26 = tpu.memref_slice %arg8[%dma_start3A_24, %dma_start3A_25] : memref<512x64xf32, #tpu.memory_space<vmem>> -> memref<128x64xf32, #tpu.memory_space<vmem>>
    %dma_start3A_27 = arith.constant 0 : i32
    %dma_start3A_28 = tpu.memref_slice %arg6[%dma_start3A_23, %dma_start3A_27] : memref<40x128xi32, #tpu.memory_space<vmem>> -> memref<1x128xi32, #tpu.memory_space<vmem>>
    %dma_start3A_29 = tpu.memref_squeeze %dma_start3A_28 : memref<1x128xi32, #tpu.memory_space<vmem>> -> memref<128xi32, #tpu.memory_space<vmem>>
    %dma_start3A_30 = arith.constant 0 : i32
    %dma_start3A_31 = arith.constant 0 : i32
    %dma_start3A_32 = tpu.memref_slice %arg10[%dma_start3A_30, %dma_start3A_31] : memref<10112x64xf32, #tpu.memory_space<vmem_shared>> -> memref<10112x64xf32, #tpu.memory_space<vmem_shared>>
    tpu.enqueue_indirect_dma source(%dma_start3A_32 : memref<10112x64xf32, #tpu.memory_space<vmem_shared>>) target(%dma_start3A_26 : memref<128x64xf32, #tpu.memory_space<vmem>>) offsets(%dma_start3A_29 : memref<128xi32, #tpu.memory_space<vmem>>) semaphore(%arg12 : memref<!tpu.dma_semaphore, #tpu.memory_space<semaphore_mem>>)
    %scan3A_33 = arith.constant 0 : i32
    %scan3A_34 = arith.constant 0 : i32
    %scan3A_35 = arith.constant 10 : i32
    %scan3A_36 = arith.addi %scan3A_34, %scan3A_35 : i32
    %scan3A_37 = arith.constant 1 : i32
    scf.for %scan3A_109 = %scan3A_34 to %scan3A_36 step %scan3A_37  : i32 {
      %mul3A_110 = arith.constant 4 : i32
      %mul3A_111 = arith.muli %mul3A_110, %scan3A_109 : i32
      %add3A_112 = arith.constant 0 : i32
      %add3A_113 = arith.addi %mul3A_111, %add3A_112 : i32
      %dma_wait3A_114 = arith.constant 0 : i32
      %dma_wait3A_115 = arith.constant 0 : i32
      %dma_wait3A_116 = tpu.memref_slice %arg8[%dma_wait3A_114, %dma_wait3A_115] : memref<512x64xf32, #tpu.memory_space<vmem>> -> memref<128x64xf32, #tpu.memory_space<vmem>>
      %dma_wait3A_117 = arith.constant 0 : i32
      %dma_wait3A_118 = tpu.memref_slice %arg6[%add3A_113, %dma_wait3A_117] : memref<40x128xi32, #tpu.memory_space<vmem>> -> memref<1x128xi32, #tpu.memory_space<vmem>>
      %dma_wait3A_119 = tpu.memref_squeeze %dma_wait3A_118 : memref<1x128xi32, #tpu.memory_space<vmem>> -> memref<128xi32, #tpu.memory_space<vmem>>
      %dma_wait3A_120 = arith.constant 0 : i32
      %dma_wait3A_121 = arith.constant 0 : i32
      %dma_wait3A_122 = tpu.memref_slice %arg10[%dma_wait3A_120, %dma_wait3A_121] : memref<10112x64xf32, #tpu.memory_space<vmem_shared>> -> memref<10112x64xf32, #tpu.memory_space<vmem_shared>>
      tpu.wait_indirect_dma semaphore(%arg11 : memref<!tpu.dma_semaphore, #tpu.memory_space<semaphore_mem>>) src(%dma_wait3A_122 : memref<10112x64xf32, #tpu.memory_space<vmem_shared>>) dst(%dma_wait3A_116 : memref<128x64xf32, #tpu.memory_space<vmem>>)
      %dma_start3A_123 = arith.constant 0 : i32
      %dma_start3A_124 = arith.constant 0 : i32
      %dma_start3A_125 = tpu.memref_slice %arg8[%dma_start3A_123, %dma_start3A_124] : memref<512x64xf32, #tpu.memory_space<vmem>> -> memref<128x64xf32, #tpu.memory_space<vmem>>
      %dma_start3A_126 = arith.constant 0 : i32
      %dma_start3A_127 = tpu.memref_slice %arg7[%add3A_113, %dma_start3A_126] : memref<40x128xi32, #tpu.memory_space<vmem>> -> memref<1x128xi32, #tpu.memory_space<vmem>>
      %dma_start3A_128 = tpu.memref_squeeze %dma_start3A_127 : memref<1x128xi32, #tpu.memory_space<vmem>> -> memref<128xi32, #tpu.memory_space<vmem>>
      %dma_start3A_129 = arith.constant 0 : i32
      %dma_start3A_130 = arith.constant 0 : i32
      %dma_start3A_131 = tpu.memref_slice %arg9[%dma_start3A_129, %dma_start3A_130] : memref<10112x64xf32, #tpu.memory_space<vmem_shared>> -> memref<10112x64xf32, #tpu.memory_space<vmem_shared>>
      tpu.enqueue_indirect_dma source(%dma_start3A_125 : memref<128x64xf32, #tpu.memory_space<vmem>>) target(%dma_start3A_131 : memref<10112x64xf32, #tpu.memory_space<vmem_shared>>) offsets(%dma_start3A_128 : memref<128xi32, #tpu.memory_space<vmem>>) semaphore(%arg15 : memref<!tpu.dma_semaphore, #tpu.memory_space<semaphore_mem>>) {add = true}
      %ge3A = arith.constant 2 : i32
      %ge3A_132 = arith.cmpi sge, %add3A_113, %ge3A : i32
      %convert_element_type3A = arith.extui %ge3A_132 : i1 to i32
      %cond3A = arith.constant 0 : i32
      %cond3A_133 = arith.cmpi ne, %convert_element_type3A, %cond3A : i32
      scf.if %cond3A_133 {
        %sub3A = arith.constant 2 : i32
        %sub3A_242 = arith.subi %add3A_113, %sub3A : i32
        %dma_wait3A_243 = arith.constant 256 : i32
        %dma_wait3A_244 = arith.constant 0 : i32
        %dma_wait3A_245 = tpu.memref_slice %arg8[%dma_wait3A_243, %dma_wait3A_244] : memref<512x64xf32, #tpu.memory_space<vmem>> -> memref<128x64xf32, #tpu.memory_space<vmem>>
        %dma_wait3A_246 = arith.constant 0 : i32
        %dma_wait3A_247 = tpu.memref_slice %arg7[%sub3A_242, %dma_wait3A_246] : memref<40x128xi32, #tpu.memory_space<vmem>> -> memref<1x128xi32, #tpu.memory_space<vmem>>
        %dma_wait3A_248 = tpu.memref_squeeze %dma_wait3A_247 : memref<1x128xi32, #tpu.memory_space<vmem>> -> memref<128xi32, #tpu.memory_space<vmem>>
        %dma_wait3A_249 = arith.constant 0 : i32
        %dma_wait3A_250 = arith.constant 0 : i32
        %dma_wait3A_251 = tpu.memref_slice %arg9[%dma_wait3A_249, %dma_wait3A_250] : memref<10112x64xf32, #tpu.memory_space<vmem_shared>> -> memref<10112x64xf32, #tpu.memory_space<vmem_shared>>
        tpu.wait_indirect_dma semaphore(%arg17 : memref<!tpu.dma_semaphore, #tpu.memory_space<semaphore_mem>>) src(%dma_wait3A_245 : memref<128x64xf32, #tpu.memory_space<vmem>>) dst(%dma_wait3A_251 : memref<10112x64xf32, #tpu.memory_space<vmem_shared>>)
      } else {
      }
      %add3A_134 = arith.constant 2 : i32
      %add3A_135 = arith.addi %add3A_113, %add3A_134 : i32
      %lt3A = arith.constant 40 : i32
      %lt3A_136 = arith.cmpi slt, %add3A_135, %lt3A : i32
      %convert_element_type3A_137 = arith.extui %lt3A_136 : i1 to i32
      %cond3A_138 = arith.constant 0 : i32
      %cond3A_139 = arith.cmpi ne, %convert_element_type3A_137, %cond3A_138 : i32
      scf.if %cond3A_139 {
        %add3A_242 = arith.constant 2 : i32
        %add3A_243 = arith.addi %add3A_113, %add3A_242 : i32
        %dma_start3A_244 = arith.constant 256 : i32
        %dma_start3A_245 = arith.constant 0 : i32
        %dma_start3A_246 = tpu.memref_slice %arg8[%dma_start3A_244, %dma_start3A_245] : memref<512x64xf32, #tpu.memory_space<vmem>> -> memref<128x64xf32, #tpu.memory_space<vmem>>
        %dma_start3A_247 = arith.constant 0 : i32
        %dma_start3A_248 = tpu.memref_slice %arg6[%add3A_243, %dma_start3A_247] : memref<40x128xi32, #tpu.memory_space<vmem>> -> memref<1x128xi32, #tpu.memory_space<vmem>>
        %dma_start3A_249 = tpu.memref_squeeze %dma_start3A_248 : memref<1x128xi32, #tpu.memory_space<vmem>> -> memref<128xi32, #tpu.memory_space<vmem>>
        %dma_start3A_250 = arith.constant 0 : i32
        %dma_start3A_251 = arith.constant 0 : i32
        %dma_start3A_252 = tpu.memref_slice %arg10[%dma_start3A_250, %dma_start3A_251] : memref<10112x64xf32, #tpu.memory_space<vmem_shared>> -> memref<10112x64xf32, #tpu.memory_space<vmem_shared>>
        tpu.enqueue_indirect_dma source(%dma_start3A_252 : memref<10112x64xf32, #tpu.memory_space<vmem_shared>>) target(%dma_start3A_246 : memref<128x64xf32, #tpu.memory_space<vmem>>) offsets(%dma_start3A_249 : memref<128xi32, #tpu.memory_space<vmem>>) semaphore(%arg13 : memref<!tpu.dma_semaphore, #tpu.memory_space<semaphore_mem>>)
      } else {
      }
      %mul3A_140 = arith.constant 4 : i32
      %mul3A_141 = arith.muli %mul3A_140, %scan3A_109 : i32
      %add3A_142 = arith.constant 1 : i32
      %add3A_143 = arith.addi %mul3A_141, %add3A_142 : i32
      %dma_wait3A_144 = arith.constant 128 : i32
      %dma_wait3A_145 = arith.constant 0 : i32
      %dma_wait3A_146 = tpu.memref_slice %arg8[%dma_wait3A_144, %dma_wait3A_145] : memref<512x64xf32, #tpu.memory_space<vmem>> -> memref<128x64xf32, #tpu.memory_space<vmem>>
      %dma_wait3A_147 = arith.constant 0 : i32
      %dma_wait3A_148 = tpu.memref_slice %arg6[%add3A_143, %dma_wait3A_147] : memref<40x128xi32, #tpu.memory_space<vmem>> -> memref<1x128xi32, #tpu.memory_space<vmem>>
      %dma_wait3A_149 = tpu.memref_squeeze %dma_wait3A_148 : memref<1x128xi32, #tpu.memory_space<vmem>> -> memref<128xi32, #tpu.memory_space<vmem>>
      %dma_wait3A_150 = arith.constant 0 : i32
      %dma_wait3A_151 = arith.constant 0 : i32
      %dma_wait3A_152 = tpu.memref_slice %arg10[%dma_wait3A_150, %dma_wait3A_151] : memref<10112x64xf32, #tpu.memory_space<vmem_shared>> -> memref<10112x64xf32, #tpu.memory_space<vmem_shared>>
      tpu.wait_indirect_dma semaphore(%arg12 : memref<!tpu.dma_semaphore, #tpu.memory_space<semaphore_mem>>) src(%dma_wait3A_152 : memref<10112x64xf32, #tpu.memory_space<vmem_shared>>) dst(%dma_wait3A_146 : memref<128x64xf32, #tpu.memory_space<vmem>>)
      %dma_start3A_153 = arith.constant 128 : i32
      %dma_start3A_154 = arith.constant 0 : i32
      %dma_start3A_155 = tpu.memref_slice %arg8[%dma_start3A_153, %dma_start3A_154] : memref<512x64xf32, #tpu.memory_space<vmem>> -> memref<128x64xf32, #tpu.memory_space<vmem>>
      %dma_start3A_156 = arith.constant 0 : i32
      %dma_start3A_157 = tpu.memref_slice %arg7[%add3A_143, %dma_start3A_156] : memref<40x128xi32, #tpu.memory_space<vmem>> -> memref<1x128xi32, #tpu.memory_space<vmem>>
      %dma_start3A_158 = tpu.memref_squeeze %dma_start3A_157 : memref<1x128xi32, #tpu.memory_space<vmem>> -> memref<128xi32, #tpu.memory_space<vmem>>
      %dma_start3A_159 = arith.constant 0 : i32
      %dma_start3A_160 = arith.constant 0 : i32
      %dma_start3A_161 = tpu.memref_slice %arg9[%dma_start3A_159, %dma_start3A_160] : memref<10112x64xf32, #tpu.memory_space<vmem_shared>> -> memref<10112x64xf32, #tpu.memory_space<vmem_shared>>
      tpu.enqueue_indirect_dma source(%dma_start3A_155 : memref<128x64xf32, #tpu.memory_space<vmem>>) target(%dma_start3A_161 : memref<10112x64xf32, #tpu.memory_space<vmem_shared>>) offsets(%dma_start3A_158 : memref<128xi32, #tpu.memory_space<vmem>>) semaphore(%arg16 : memref<!tpu.dma_semaphore, #tpu.memory_space<semaphore_mem>>) {add = true}
      %ge3A_162 = arith.constant 2 : i32
      %ge3A_163 = arith.cmpi sge, %add3A_143, %ge3A_162 : i32
      %convert_element_type3A_164 = arith.extui %ge3A_163 : i1 to i32
      %cond3A_165 = arith.constant 0 : i32
      %cond3A_166 = arith.cmpi ne, %convert_element_type3A_164, %cond3A_165 : i32
      scf.if %cond3A_166 {
        %sub3A = arith.constant 2 : i32
        %sub3A_242 = arith.subi %add3A_143, %sub3A : i32
        %dma_wait3A_243 = arith.constant 384 : i32
        %dma_wait3A_244 = arith.constant 0 : i32
        %dma_wait3A_245 = tpu.memref_slice %arg8[%dma_wait3A_243, %dma_wait3A_244] : memref<512x64xf32, #tpu.memory_space<vmem>> -> memref<128x64xf32, #tpu.memory_space<vmem>>
        %dma_wait3A_246 = arith.constant 0 : i32
        %dma_wait3A_247 = tpu.memref_slice %arg7[%sub3A_242, %dma_wait3A_246] : memref<40x128xi32, #tpu.memory_space<vmem>> -> memref<1x128xi32, #tpu.memory_space<vmem>>
        %dma_wait3A_248 = tpu.memref_squeeze %dma_wait3A_247 : memref<1x128xi32, #tpu.memory_space<vmem>> -> memref<128xi32, #tpu.memory_space<vmem>>
        %dma_wait3A_249 = arith.constant 0 : i32
        %dma_wait3A_250 = arith.constant 0 : i32
        %dma_wait3A_251 = tpu.memref_slice %arg9[%dma_wait3A_249, %dma_wait3A_250] : memref<10112x64xf32, #tpu.memory_space<vmem_shared>> -> memref<10112x64xf32, #tpu.memory_space<vmem_shared>>
        tpu.wait_indirect_dma semaphore(%arg18 : memref<!tpu.dma_semaphore, #tpu.memory_space<semaphore_mem>>) src(%dma_wait3A_245 : memref<128x64xf32, #tpu.memory_space<vmem>>) dst(%dma_wait3A_251 : memref<10112x64xf32, #tpu.memory_space<vmem_shared>>)
      } else {
      }
      %add3A_167 = arith.constant 2 : i32
      %add3A_168 = arith.addi %add3A_143, %add3A_167 : i32
      %lt3A_169 = arith.constant 40 : i32
      %lt3A_170 = arith.cmpi slt, %add3A_168, %lt3A_169 : i32
      %convert_element_type3A_171 = arith.extui %lt3A_170 : i1 to i32
      %cond3A_172 = arith.constant 0 : i32
      %cond3A_173 = arith.cmpi ne, %convert_element_type3A_171, %cond3A_172 : i32
      scf.if %cond3A_173 {
        %add3A_242 = arith.constant 2 : i32
        %add3A_243 = arith.addi %add3A_143, %add3A_242 : i32
        %dma_start3A_244 = arith.constant 384 : i32
        %dma_start3A_245 = arith.constant 0 : i32
        %dma_start3A_246 = tpu.memref_slice %arg8[%dma_start3A_244, %dma_start3A_245] : memref<512x64xf32, #tpu.memory_space<vmem>> -> memref<128x64xf32, #tpu.memory_space<vmem>>
        %dma_start3A_247 = arith.constant 0 : i32
        %dma_start3A_248 = tpu.memref_slice %arg6[%add3A_243, %dma_start3A_247] : memref<40x128xi32, #tpu.memory_space<vmem>> -> memref<1x128xi32, #tpu.memory_space<vmem>>
        %dma_start3A_249 = tpu.memref_squeeze %dma_start3A_248 : memref<1x128xi32, #tpu.memory_space<vmem>> -> memref<128xi32, #tpu.memory_space<vmem>>
        %dma_start3A_250 = arith.constant 0 : i32
        %dma_start3A_251 = arith.constant 0 : i32
        %dma_start3A_252 = tpu.memref_slice %arg10[%dma_start3A_250, %dma_start3A_251] : memref<10112x64xf32, #tpu.memory_space<vmem_shared>> -> memref<10112x64xf32, #tpu.memory_space<vmem_shared>>
        tpu.enqueue_indirect_dma source(%dma_start3A_252 : memref<10112x64xf32, #tpu.memory_space<vmem_shared>>) target(%dma_start3A_246 : memref<128x64xf32, #tpu.memory_space<vmem>>) offsets(%dma_start3A_249 : memref<128xi32, #tpu.memory_space<vmem>>) semaphore(%arg14 : memref<!tpu.dma_semaphore, #tpu.memory_space<semaphore_mem>>)
      } else {
      }
      %mul3A_174 = arith.constant 4 : i32
      %mul3A_175 = arith.muli %mul3A_174, %scan3A_109 : i32
      %add3A_176 = arith.constant 2 : i32
      %add3A_177 = arith.addi %mul3A_175, %add3A_176 : i32
      %dma_wait3A_178 = arith.constant 256 : i32
      %dma_wait3A_179 = arith.constant 0 : i32
      %dma_wait3A_180 = tpu.memref_slice %arg8[%dma_wait3A_178, %dma_wait3A_179] : memref<512x64xf32, #tpu.memory_space<vmem>> -> memref<128x64xf32, #tpu.memory_space<vmem>>
      %dma_wait3A_181 = arith.constant 0 : i32
      %dma_wait3A_182 = tpu.memref_slice %arg6[%add3A_177, %dma_wait3A_181] : memref<40x128xi32, #tpu.memory_space<vmem>> -> memref<1x128xi32, #tpu.memory_space<vmem>>
      %dma_wait3A_183 = tpu.memref_squeeze %dma_wait3A_182 : memref<1x128xi32, #tpu.memory_space<vmem>> -> memref<128xi32, #tpu.memory_space<vmem>>
      %dma_wait3A_184 = arith.constant 0 : i32
      %dma_wait3A_185 = arith.constant 0 : i32
      %dma_wait3A_186 = tpu.memref_slice %arg10[%dma_wait3A_184, %dma_wait3A_185] : memref<10112x64xf32, #tpu.memory_space<vmem_shared>> -> memref<10112x64xf32, #tpu.memory_space<vmem_shared>>
      tpu.wait_indirect_dma semaphore(%arg13 : memref<!tpu.dma_semaphore, #tpu.memory_space<semaphore_mem>>) src(%dma_wait3A_186 : memref<10112x64xf32, #tpu.memory_space<vmem_shared>>) dst(%dma_wait3A_180 : memref<128x64xf32, #tpu.memory_space<vmem>>)
      %dma_start3A_187 = arith.constant 256 : i32
      %dma_start3A_188 = arith.constant 0 : i32
      %dma_start3A_189 = tpu.memref_slice %arg8[%dma_start3A_187, %dma_start3A_188] : memref<512x64xf32, #tpu.memory_space<vmem>> -> memref<128x64xf32, #tpu.memory_space<vmem>>
      %dma_start3A_190 = arith.constant 0 : i32
      %dma_start3A_191 = tpu.memref_slice %arg7[%add3A_177, %dma_start3A_190] : memref<40x128xi32, #tpu.memory_space<vmem>> -> memref<1x128xi32, #tpu.memory_space<vmem>>
      %dma_start3A_192 = tpu.memref_squeeze %dma_start3A_191 : memref<1x128xi32, #tpu.memory_space<vmem>> -> memref<128xi32, #tpu.memory_space<vmem>>
      %dma_start3A_193 = arith.constant 0 : i32
      %dma_start3A_194 = arith.constant 0 : i32
      %dma_start3A_195 = tpu.memref_slice %arg9[%dma_start3A_193, %dma_start3A_194] : memref<10112x64xf32, #tpu.memory_space<vmem_shared>> -> memref<10112x64xf32, #tpu.memory_space<vmem_shared>>
      tpu.enqueue_indirect_dma source(%dma_start3A_189 : memref<128x64xf32, #tpu.memory_space<vmem>>) target(%dma_start3A_195 : memref<10112x64xf32, #tpu.memory_space<vmem_shared>>) offsets(%dma_start3A_192 : memref<128xi32, #tpu.memory_space<vmem>>) semaphore(%arg17 : memref<!tpu.dma_semaphore, #tpu.memory_space<semaphore_mem>>) {add = true}
      %ge3A_196 = arith.constant 2 : i32
      %ge3A_197 = arith.cmpi sge, %add3A_177, %ge3A_196 : i32
      %convert_element_type3A_198 = arith.extui %ge3A_197 : i1 to i32
      %cond3A_199 = arith.constant 0 : i32
      %cond3A_200 = arith.cmpi ne, %convert_element_type3A_198, %cond3A_199 : i32
      scf.if %cond3A_200 {
        %sub3A = arith.constant 2 : i32
        %sub3A_242 = arith.subi %add3A_177, %sub3A : i32
        %dma_wait3A_243 = arith.constant 0 : i32
        %dma_wait3A_244 = arith.constant 0 : i32
        %dma_wait3A_245 = tpu.memref_slice %arg8[%dma_wait3A_243, %dma_wait3A_244] : memref<512x64xf32, #tpu.memory_space<vmem>> -> memref<128x64xf32, #tpu.memory_space<vmem>>
        %dma_wait3A_246 = arith.constant 0 : i32
        %dma_wait3A_247 = tpu.memref_slice %arg7[%sub3A_242, %dma_wait3A_246] : memref<40x128xi32, #tpu.memory_space<vmem>> -> memref<1x128xi32, #tpu.memory_space<vmem>>
        %dma_wait3A_248 = tpu.memref_squeeze %dma_wait3A_247 : memref<1x128xi32, #tpu.memory_space<vmem>> -> memref<128xi32, #tpu.memory_space<vmem>>
        %dma_wait3A_249 = arith.constant 0 : i32
        %dma_wait3A_250 = arith.constant 0 : i32
        %dma_wait3A_251 = tpu.memref_slice %arg9[%dma_wait3A_249, %dma_wait3A_250] : memref<10112x64xf32, #tpu.memory_space<vmem_shared>> -> memref<10112x64xf32, #tpu.memory_space<vmem_shared>>
        tpu.wait_indirect_dma semaphore(%arg15 : memref<!tpu.dma_semaphore, #tpu.memory_space<semaphore_mem>>) src(%dma_wait3A_245 : memref<128x64xf32, #tpu.memory_space<vmem>>) dst(%dma_wait3A_251 : memref<10112x64xf32, #tpu.memory_space<vmem_shared>>)
      } else {
      }
      %add3A_201 = arith.constant 2 : i32
      %add3A_202 = arith.addi %add3A_177, %add3A_201 : i32
      %lt3A_203 = arith.constant 40 : i32
      %lt3A_204 = arith.cmpi slt, %add3A_202, %lt3A_203 : i32
      %convert_element_type3A_205 = arith.extui %lt3A_204 : i1 to i32
      %cond3A_206 = arith.constant 0 : i32
      %cond3A_207 = arith.cmpi ne, %convert_element_type3A_205, %cond3A_206 : i32
      scf.if %cond3A_207 {
        %add3A_242 = arith.constant 2 : i32
        %add3A_243 = arith.addi %add3A_177, %add3A_242 : i32
        %dma_start3A_244 = arith.constant 0 : i32
        %dma_start3A_245 = arith.constant 0 : i32
        %dma_start3A_246 = tpu.memref_slice %arg8[%dma_start3A_244, %dma_start3A_245] : memref<512x64xf32, #tpu.memory_space<vmem>> -> memref<128x64xf32, #tpu.memory_space<vmem>>
        %dma_start3A_247 = arith.constant 0 : i32
        %dma_start3A_248 = tpu.memref_slice %arg6[%add3A_243, %dma_start3A_247] : memref<40x128xi32, #tpu.memory_space<vmem>> -> memref<1x128xi32, #tpu.memory_space<vmem>>
        %dma_start3A_249 = tpu.memref_squeeze %dma_start3A_248 : memref<1x128xi32, #tpu.memory_space<vmem>> -> memref<128xi32, #tpu.memory_space<vmem>>
        %dma_start3A_250 = arith.constant 0 : i32
        %dma_start3A_251 = arith.constant 0 : i32
        %dma_start3A_252 = tpu.memref_slice %arg10[%dma_start3A_250, %dma_start3A_251] : memref<10112x64xf32, #tpu.memory_space<vmem_shared>> -> memref<10112x64xf32, #tpu.memory_space<vmem_shared>>
        tpu.enqueue_indirect_dma source(%dma_start3A_252 : memref<10112x64xf32, #tpu.memory_space<vmem_shared>>) target(%dma_start3A_246 : memref<128x64xf32, #tpu.memory_space<vmem>>) offsets(%dma_start3A_249 : memref<128xi32, #tpu.memory_space<vmem>>) semaphore(%arg11 : memref<!tpu.dma_semaphore, #tpu.memory_space<semaphore_mem>>)
      } else {
      }
      %mul3A_208 = arith.constant 4 : i32
      %mul3A_209 = arith.muli %mul3A_208, %scan3A_109 : i32
      %add3A_210 = arith.constant 3 : i32
      %add3A_211 = arith.addi %mul3A_209, %add3A_210 : i32
      %dma_wait3A_212 = arith.constant 384 : i32
      %dma_wait3A_213 = arith.constant 0 : i32
      %dma_wait3A_214 = tpu.memref_slice %arg8[%dma_wait3A_212, %dma_wait3A_213] : memref<512x64xf32, #tpu.memory_space<vmem>> -> memref<128x64xf32, #tpu.memory_space<vmem>>
      %dma_wait3A_215 = arith.constant 0 : i32
      %dma_wait3A_216 = tpu.memref_slice %arg6[%add3A_211, %dma_wait3A_215] : memref<40x128xi32, #tpu.memory_space<vmem>> -> memref<1x128xi32, #tpu.memory_space<vmem>>
      %dma_wait3A_217 = tpu.memref_squeeze %dma_wait3A_216 : memref<1x128xi32, #tpu.memory_space<vmem>> -> memref<128xi32, #tpu.memory_space<vmem>>
      %dma_wait3A_218 = arith.constant 0 : i32
      %dma_wait3A_219 = arith.constant 0 : i32
      %dma_wait3A_220 = tpu.memref_slice %arg10[%dma_wait3A_218, %dma_wait3A_219] : memref<10112x64xf32, #tpu.memory_space<vmem_shared>> -> memref<10112x64xf32, #tpu.memory_space<vmem_shared>>
      tpu.wait_indirect_dma semaphore(%arg14 : memref<!tpu.dma_semaphore, #tpu.memory_space<semaphore_mem>>) src(%dma_wait3A_220 : memref<10112x64xf32, #tpu.memory_space<vmem_shared>>) dst(%dma_wait3A_214 : memref<128x64xf32, #tpu.memory_space<vmem>>)
      %dma_start3A_221 = arith.constant 384 : i32
      %dma_start3A_222 = arith.constant 0 : i32
      %dma_start3A_223 = tpu.memref_slice %arg8[%dma_start3A_221, %dma_start3A_222] : memref<512x64xf32, #tpu.memory_space<vmem>> -> memref<128x64xf32, #tpu.memory_space<vmem>>
      %dma_start3A_224 = arith.constant 0 : i32
      %dma_start3A_225 = tpu.memref_slice %arg7[%add3A_211, %dma_start3A_224] : memref<40x128xi32, #tpu.memory_space<vmem>> -> memref<1x128xi32, #tpu.memory_space<vmem>>
      %dma_start3A_226 = tpu.memref_squeeze %dma_start3A_225 : memref<1x128xi32, #tpu.memory_space<vmem>> -> memref<128xi32, #tpu.memory_space<vmem>>
      %dma_start3A_227 = arith.constant 0 : i32
      %dma_start3A_228 = arith.constant 0 : i32
      %dma_start3A_229 = tpu.memref_slice %arg9[%dma_start3A_227, %dma_start3A_228] : memref<10112x64xf32, #tpu.memory_space<vmem_shared>> -> memref<10112x64xf32, #tpu.memory_space<vmem_shared>>
      tpu.enqueue_indirect_dma source(%dma_start3A_223 : memref<128x64xf32, #tpu.memory_space<vmem>>) target(%dma_start3A_229 : memref<10112x64xf32, #tpu.memory_space<vmem_shared>>) offsets(%dma_start3A_226 : memref<128xi32, #tpu.memory_space<vmem>>) semaphore(%arg18 : memref<!tpu.dma_semaphore, #tpu.memory_space<semaphore_mem>>) {add = true}
      %ge3A_230 = arith.constant 2 : i32
      %ge3A_231 = arith.cmpi sge, %add3A_211, %ge3A_230 : i32
      %convert_element_type3A_232 = arith.extui %ge3A_231 : i1 to i32
      %cond3A_233 = arith.constant 0 : i32
      %cond3A_234 = arith.cmpi ne, %convert_element_type3A_232, %cond3A_233 : i32
      scf.if %cond3A_234 {
        %sub3A = arith.constant 2 : i32
        %sub3A_242 = arith.subi %add3A_211, %sub3A : i32
        %dma_wait3A_243 = arith.constant 128 : i32
        %dma_wait3A_244 = arith.constant 0 : i32
        %dma_wait3A_245 = tpu.memref_slice %arg8[%dma_wait3A_243, %dma_wait3A_244] : memref<512x64xf32, #tpu.memory_space<vmem>> -> memref<128x64xf32, #tpu.memory_space<vmem>>
        %dma_wait3A_246 = arith.constant 0 : i32
        %dma_wait3A_247 = tpu.memref_slice %arg7[%sub3A_242, %dma_wait3A_246] : memref<40x128xi32, #tpu.memory_space<vmem>> -> memref<1x128xi32, #tpu.memory_space<vmem>>
        %dma_wait3A_248 = tpu.memref_squeeze %dma_wait3A_247 : memref<1x128xi32, #tpu.memory_space<vmem>> -> memref<128xi32, #tpu.memory_space<vmem>>
        %dma_wait3A_249 = arith.constant 0 : i32
        %dma_wait3A_250 = arith.constant 0 : i32
        %dma_wait3A_251 = tpu.memref_slice %arg9[%dma_wait3A_249, %dma_wait3A_250] : memref<10112x64xf32, #tpu.memory_space<vmem_shared>> -> memref<10112x64xf32, #tpu.memory_space<vmem_shared>>
        tpu.wait_indirect_dma semaphore(%arg16 : memref<!tpu.dma_semaphore, #tpu.memory_space<semaphore_mem>>) src(%dma_wait3A_245 : memref<128x64xf32, #tpu.memory_space<vmem>>) dst(%dma_wait3A_251 : memref<10112x64xf32, #tpu.memory_space<vmem_shared>>)
      } else {
      }
      %add3A_235 = arith.constant 2 : i32
      %add3A_236 = arith.addi %add3A_211, %add3A_235 : i32
      %lt3A_237 = arith.constant 40 : i32
      %lt3A_238 = arith.cmpi slt, %add3A_236, %lt3A_237 : i32
      %convert_element_type3A_239 = arith.extui %lt3A_238 : i1 to i32
      %cond3A_240 = arith.constant 0 : i32
      %cond3A_241 = arith.cmpi ne, %convert_element_type3A_239, %cond3A_240 : i32
      scf.if %cond3A_241 {
        %add3A_242 = arith.constant 2 : i32
        %add3A_243 = arith.addi %add3A_211, %add3A_242 : i32
        %dma_start3A_244 = arith.constant 128 : i32
        %dma_start3A_245 = arith.constant 0 : i32
        %dma_start3A_246 = tpu.memref_slice %arg8[%dma_start3A_244, %dma_start3A_245] : memref<512x64xf32, #tpu.memory_space<vmem>> -> memref<128x64xf32, #tpu.memory_space<vmem>>
        %dma_start3A_247 = arith.constant 0 : i32
        %dma_start3A_248 = tpu.memref_slice %arg6[%add3A_243, %dma_start3A_247] : memref<40x128xi32, #tpu.memory_space<vmem>> -> memref<1x128xi32, #tpu.memory_space<vmem>>
        %dma_start3A_249 = tpu.memref_squeeze %dma_start3A_248 : memref<1x128xi32, #tpu.memory_space<vmem>> -> memref<128xi32, #tpu.memory_space<vmem>>
        %dma_start3A_250 = arith.constant 0 : i32
        %dma_start3A_251 = arith.constant 0 : i32
        %dma_start3A_252 = tpu.memref_slice %arg10[%dma_start3A_250, %dma_start3A_251] : memref<10112x64xf32, #tpu.memory_space<vmem_shared>> -> memref<10112x64xf32, #tpu.memory_space<vmem_shared>>
        tpu.enqueue_indirect_dma source(%dma_start3A_252 : memref<10112x64xf32, #tpu.memory_space<vmem_shared>>) target(%dma_start3A_246 : memref<128x64xf32, #tpu.memory_space<vmem>>) offsets(%dma_start3A_249 : memref<128xi32, #tpu.memory_space<vmem>>) semaphore(%arg12 : memref<!tpu.dma_semaphore, #tpu.memory_space<semaphore_mem>>)
      } else {
      }
    }
    %scan3A_38 = arith.constant 10 : i32
    %dma_wait3A = arith.constant 38 : i32
    %dma_wait3A_39 = arith.constant 256 : i32
    %dma_wait3A_40 = arith.constant 0 : i32
    %dma_wait3A_41 = tpu.memref_slice %arg8[%dma_wait3A_39, %dma_wait3A_40] : memref<512x64xf32, #tpu.memory_space<vmem>> -> memref<128x64xf32, #tpu.memory_space<vmem>>
    %dma_wait3A_42 = arith.constant 0 : i32
    %dma_wait3A_43 = tpu.memref_slice %arg7[%dma_wait3A, %dma_wait3A_42] : memref<40x128xi32, #tpu.memory_space<vmem>> -> memref<1x128xi32, #tpu.memory_space<vmem>>
    %dma_wait3A_44 = tpu.memref_squeeze %dma_wait3A_43 : memref<1x128xi32, #tpu.memory_space<vmem>> -> memref<128xi32, #tpu.memory_space<vmem>>
    %dma_wait3A_45 = arith.constant 0 : i32
    %dma_wait3A_46 = arith.constant 0 : i32
    %dma_wait3A_47 = tpu.memref_slice %arg9[%dma_wait3A_45, %dma_wait3A_46] : memref<10112x64xf32, #tpu.memory_space<vmem_shared>> -> memref<10112x64xf32, #tpu.memory_space<vmem_shared>>
    tpu.wait_indirect_dma semaphore(%arg17 : memref<!tpu.dma_semaphore, #tpu.memory_space<semaphore_mem>>) src(%dma_wait3A_41 : memref<128x64xf32, #tpu.memory_space<vmem>>) dst(%dma_wait3A_47 : memref<10112x64xf32, #tpu.memory_space<vmem_shared>>)
    %dma_wait3A_48 = arith.constant 39 : i32
    %dma_wait3A_49 = arith.constant 384 : i32
    %dma_wait3A_50 = arith.constant 0 : i32
    %dma_wait3A_51 = tpu.memref_slice %arg8[%dma_wait3A_49, %dma_wait3A_50] : memref<512x64xf32, #tpu.memory_space<vmem>> -> memref<128x64xf32, #tpu.memory_space<vmem>>
    %dma_wait3A_52 = arith.constant 0 : i32
    %dma_wait3A_53 = tpu.memref_slice %arg7[%dma_wait3A_48, %dma_wait3A_52] : memref<40x128xi32, #tpu.memory_space<vmem>> -> memref<1x128xi32, #tpu.memory_space<vmem>>
    %dma_wait3A_54 = tpu.memref_squeeze %dma_wait3A_53 : memref<1x128xi32, #tpu.memory_space<vmem>> -> memref<128xi32, #tpu.memory_space<vmem>>
    %dma_wait3A_55 = arith.constant 0 : i32
    %dma_wait3A_56 = arith.constant 0 : i32
    %dma_wait3A_57 = tpu.memref_slice %arg9[%dma_wait3A_55, %dma_wait3A_56] : memref<10112x64xf32, #tpu.memory_space<vmem_shared>> -> memref<10112x64xf32, #tpu.memory_space<vmem_shared>>
    tpu.wait_indirect_dma semaphore(%arg18 : memref<!tpu.dma_semaphore, #tpu.memory_space<semaphore_mem>>) src(%dma_wait3A_51 : memref<128x64xf32, #tpu.memory_space<vmem>>) dst(%dma_wait3A_57 : memref<10112x64xf32, #tpu.memory_space<vmem_shared>>)
    "tpu.region"() ({
      %run_scoped3A = tpu.sem_alloc : memref<!tpu.dma_semaphore, #tpu.memory_space<semaphore_mem>>
      %dma_start3A_109 = arith.constant 40 : i32
      %dma_start3A_110 = arith.constant 0 : i32
      %dma_start3A_111 = tpu.memref_slice %arg3[%add3A, %dma_start3A_109, %dma_start3A_110] : memref<32x80x128xi32, #tpu.memory_space<hbm>> -> memref<1x40x128xi32, #tpu.memory_space<hbm>>
      %dma_start3A_112 = tpu.memref_squeeze %dma_start3A_111 : memref<1x40x128xi32, #tpu.memory_space<hbm>> -> memref<40x128xi32, #tpu.memory_space<hbm>>
      %dma_start3A_113 = arith.constant 40 : i32
      %dma_start3A_114 = arith.constant 0 : i32
      %dma_start3A_115 = tpu.memref_slice %arg3[%add3A, %dma_start3A_113, %dma_start3A_114] : memref<32x80x128xi32, #tpu.memory_space<hbm>> -> memref<1x40x128xi32, #tpu.memory_space<hbm>>
      %dma_start3A_116 = tpu.memref_squeeze %dma_start3A_115 : memref<1x40x128xi32, #tpu.memory_space<hbm>> -> memref<40x128xi32, #tpu.memory_space<hbm>>
      tpu.enqueue_dma source(%dma_start3A_116 : memref<40x128xi32, #tpu.memory_space<hbm>>) target(%arg6 : memref<40x128xi32, #tpu.memory_space<vmem>>) target_semaphore(%run_scoped3A : memref<!tpu.dma_semaphore, #tpu.memory_space<semaphore_mem>>)
      %dma_wait3A_117 = arith.constant 40 : i32
      %dma_wait3A_118 = arith.constant 0 : i32
      %dma_wait3A_119 = tpu.memref_slice %arg3[%add3A, %dma_wait3A_117, %dma_wait3A_118] : memref<32x80x128xi32, #tpu.memory_space<hbm>> -> memref<1x40x128xi32, #tpu.memory_space<hbm>>
      %dma_wait3A_120 = tpu.memref_squeeze %dma_wait3A_119 : memref<1x40x128xi32, #tpu.memory_space<hbm>> -> memref<40x128xi32, #tpu.memory_space<hbm>>
      %dma_wait3A_121 = arith.constant 40 : i32
      %dma_wait3A_122 = arith.constant 0 : i32
      %dma_wait3A_123 = tpu.memref_slice %arg3[%add3A, %dma_wait3A_121, %dma_wait3A_122] : memref<32x80x128xi32, #tpu.memory_space<hbm>> -> memref<1x40x128xi32, #tpu.memory_space<hbm>>
      %dma_wait3A_124 = tpu.memref_squeeze %dma_wait3A_123 : memref<1x40x128xi32, #tpu.memory_space<hbm>> -> memref<40x128xi32, #tpu.memory_space<hbm>>
      tpu.wait_dma2 semaphore(%run_scoped3A : memref<!tpu.dma_semaphore, #tpu.memory_space<semaphore_mem>>) src(%dma_wait3A_124 : memref<40x128xi32, #tpu.memory_space<hbm>>) dst(%arg6 : memref<40x128xi32, #tpu.memory_space<vmem>>)
      tpu.yield
    }) : () -> ()
    "tpu.region"() ({
      %run_scoped3A = tpu.sem_alloc : memref<!tpu.dma_semaphore, #tpu.memory_space<semaphore_mem>>
      %dma_start3A_109 = arith.constant 40 : i32
      %dma_start3A_110 = arith.constant 0 : i32
      %dma_start3A_111 = tpu.memref_slice %arg4[%add3A, %dma_start3A_109, %dma_start3A_110] : memref<32x80x128xi32, #tpu.memory_space<hbm>> -> memref<1x40x128xi32, #tpu.memory_space<hbm>>
      %dma_start3A_112 = tpu.memref_squeeze %dma_start3A_111 : memref<1x40x128xi32, #tpu.memory_space<hbm>> -> memref<40x128xi32, #tpu.memory_space<hbm>>
      %dma_start3A_113 = arith.constant 40 : i32
      %dma_start3A_114 = arith.constant 0 : i32
      %dma_start3A_115 = tpu.memref_slice %arg4[%add3A, %dma_start3A_113, %dma_start3A_114] : memref<32x80x128xi32, #tpu.memory_space<hbm>> -> memref<1x40x128xi32, #tpu.memory_space<hbm>>
      %dma_start3A_116 = tpu.memref_squeeze %dma_start3A_115 : memref<1x40x128xi32, #tpu.memory_space<hbm>> -> memref<40x128xi32, #tpu.memory_space<hbm>>
      tpu.enqueue_dma source(%dma_start3A_116 : memref<40x128xi32, #tpu.memory_space<hbm>>) target(%arg7 : memref<40x128xi32, #tpu.memory_space<vmem>>) target_semaphore(%run_scoped3A : memref<!tpu.dma_semaphore, #tpu.memory_space<semaphore_mem>>)
      %dma_wait3A_117 = arith.constant 40 : i32
      %dma_wait3A_118 = arith.constant 0 : i32
      %dma_wait3A_119 = tpu.memref_slice %arg4[%add3A, %dma_wait3A_117, %dma_wait3A_118] : memref<32x80x128xi32, #tpu.memory_space<hbm>> -> memref<1x40x128xi32, #tpu.memory_space<hbm>>
      %dma_wait3A_120 = tpu.memref_squeeze %dma_wait3A_119 : memref<1x40x128xi32, #tpu.memory_space<hbm>> -> memref<40x128xi32, #tpu.memory_space<hbm>>
      %dma_wait3A_121 = arith.constant 40 : i32
      %dma_wait3A_122 = arith.constant 0 : i32
      %dma_wait3A_123 = tpu.memref_slice %arg4[%add3A, %dma_wait3A_121, %dma_wait3A_122] : memref<32x80x128xi32, #tpu.memory_space<hbm>> -> memref<1x40x128xi32, #tpu.memory_space<hbm>>
      %dma_wait3A_124 = tpu.memref_squeeze %dma_wait3A_123 : memref<1x40x128xi32, #tpu.memory_space<hbm>> -> memref<40x128xi32, #tpu.memory_space<hbm>>
      tpu.wait_dma2 semaphore(%run_scoped3A : memref<!tpu.dma_semaphore, #tpu.memory_space<semaphore_mem>>) src(%dma_wait3A_124 : memref<40x128xi32, #tpu.memory_space<hbm>>) dst(%arg7 : memref<40x128xi32, #tpu.memory_space<vmem>>)
      tpu.yield
    }) : () -> ()
    %dma_start3A_58 = arith.constant 0 : i32
    %dma_start3A_59 = arith.constant 0 : i32
    %dma_start3A_60 = arith.constant 0 : i32
    %dma_start3A_61 = tpu.memref_slice %arg8[%dma_start3A_59, %dma_start3A_60] : memref<512x64xf32, #tpu.memory_space<vmem>> -> memref<128x64xf32, #tpu.memory_space<vmem>>
    %dma_start3A_62 = arith.constant 0 : i32
    %dma_start3A_63 = tpu.memref_slice %arg6[%dma_start3A_58, %dma_start3A_62] : memref<40x128xi32, #tpu.memory_space<vmem>> -> memref<1x128xi32, #tpu.memory_space<vmem>>
    %dma_start3A_64 = tpu.memref_squeeze %dma_start3A_63 : memref<1x128xi32, #tpu.memory_space<vmem>> -> memref<128xi32, #tpu.memory_space<vmem>>
    %dma_start3A_65 = arith.constant 0 : i32
    %dma_start3A_66 = arith.constant 0 : i32
    %dma_start3A_67 = tpu.memref_slice %arg10[%dma_start3A_65, %dma_start3A_66] : memref<10112x64xf32, #tpu.memory_space<vmem_shared>> -> memref<10112x64xf32, #tpu.memory_space<vmem_shared>>
    tpu.enqueue_indirect_dma source(%dma_start3A_67 : memref<10112x64xf32, #tpu.memory_space<vmem_shared>>) target(%dma_start3A_61 : memref<128x64xf32, #tpu.memory_space<vmem>>) offsets(%dma_start3A_64 : memref<128xi32, #tpu.memory_space<vmem>>) semaphore(%arg11 : memref<!tpu.dma_semaphore, #tpu.memory_space<semaphore_mem>>)
    %dma_start3A_68 = arith.constant 1 : i32
    %dma_start3A_69 = arith.constant 128 : i32
    %dma_start3A_70 = arith.constant 0 : i32
    %dma_start3A_71 = tpu.memref_slice %arg8[%dma_start3A_69, %dma_start3A_70] : memref<512x64xf32, #tpu.memory_space<vmem>> -> memref<128x64xf32, #tpu.memory_space<vmem>>
    %dma_start3A_72 = arith.constant 0 : i32
    %dma_start3A_73 = tpu.memref_slice %arg6[%dma_start3A_68, %dma_start3A_72] : memref<40x128xi32, #tpu.memory_space<vmem>> -> memref<1x128xi32, #tpu.memory_space<vmem>>
    %dma_start3A_74 = tpu.memref_squeeze %dma_start3A_73 : memref<1x128xi32, #tpu.memory_space<vmem>> -> memref<128xi32, #tpu.memory_space<vmem>>
    %dma_start3A_75 = arith.constant 0 : i32
    %dma_start3A_76 = arith.constant 0 : i32
    %dma_start3A_77 = tpu.memref_slice %arg10[%dma_start3A_75, %dma_start3A_76] : memref<10112x64xf32, #tpu.memory_space<vmem_shared>> -> memref<10112x64xf32, #tpu.memory_space<vmem_shared>>
    tpu.enqueue_indirect_dma source(%dma_start3A_77 : memref<10112x64xf32, #tpu.memory_space<vmem_shared>>) target(%dma_start3A_71 : memref<128x64xf32, #tpu.memory_space<vmem>>) offsets(%dma_start3A_74 : memref<128xi32, #tpu.memory_space<vmem>>) semaphore(%arg12 : memref<!tpu.dma_semaphore, #tpu.memory_space<semaphore_mem>>)
    %scan3A_78 = arith.constant 0 : i32
    %scan3A_79 = arith.constant 0 : i32
    %scan3A_80 = arith.constant 10 : i32
    %scan3A_81 = arith.addi %scan3A_79, %scan3A_80 : i32
    %scan3A_82 = arith.constant 1 : i32
    scf.for %scan3A_109 = %scan3A_79 to %scan3A_81 step %scan3A_82  : i32 {
      %mul3A_110 = arith.constant 4 : i32
      %mul3A_111 = arith.muli %mul3A_110, %scan3A_109 : i32
      %add3A_112 = arith.constant 0 : i32
      %add3A_113 = arith.addi %mul3A_111, %add3A_112 : i32
      %dma_wait3A_114 = arith.constant 0 : i32
      %dma_wait3A_115 = arith.constant 0 : i32
      %dma_wait3A_116 = tpu.memref_slice %arg8[%dma_wait3A_114, %dma_wait3A_115] : memref<512x64xf32, #tpu.memory_space<vmem>> -> memref<128x64xf32, #tpu.memory_space<vmem>>
      %dma_wait3A_117 = arith.constant 0 : i32
      %dma_wait3A_118 = tpu.memref_slice %arg6[%add3A_113, %dma_wait3A_117] : memref<40x128xi32, #tpu.memory_space<vmem>> -> memref<1x128xi32, #tpu.memory_space<vmem>>
      %dma_wait3A_119 = tpu.memref_squeeze %dma_wait3A_118 : memref<1x128xi32, #tpu.memory_space<vmem>> -> memref<128xi32, #tpu.memory_space<vmem>>
      %dma_wait3A_120 = arith.constant 0 : i32
      %dma_wait3A_121 = arith.constant 0 : i32
      %dma_wait3A_122 = tpu.memref_slice %arg10[%dma_wait3A_120, %dma_wait3A_121] : memref<10112x64xf32, #tpu.memory_space<vmem_shared>> -> memref<10112x64xf32, #tpu.memory_space<vmem_shared>>
      tpu.wait_indirect_dma semaphore(%arg11 : memref<!tpu.dma_semaphore, #tpu.memory_space<semaphore_mem>>) src(%dma_wait3A_122 : memref<10112x64xf32, #tpu.memory_space<vmem_shared>>) dst(%dma_wait3A_116 : memref<128x64xf32, #tpu.memory_space<vmem>>)
      %dma_start3A_123 = arith.constant 0 : i32
      %dma_start3A_124 = arith.constant 0 : i32
      %dma_start3A_125 = tpu.memref_slice %arg8[%dma_start3A_123, %dma_start3A_124] : memref<512x64xf32, #tpu.memory_space<vmem>> -> memref<128x64xf32, #tpu.memory_space<vmem>>
      %dma_start3A_126 = arith.constant 0 : i32
      %dma_start3A_127 = tpu.memref_slice %arg7[%add3A_113, %dma_start3A_126] : memref<40x128xi32, #tpu.memory_space<vmem>> -> memref<1x128xi32, #tpu.memory_space<vmem>>
      %dma_start3A_128 = tpu.memref_squeeze %dma_start3A_127 : memref<1x128xi32, #tpu.memory_space<vmem>> -> memref<128xi32, #tpu.memory_space<vmem>>
      %dma_start3A_129 = arith.constant 0 : i32
      %dma_start3A_130 = arith.constant 0 : i32
      %dma_start3A_131 = tpu.memref_slice %arg9[%dma_start3A_129, %dma_start3A_130] : memref<10112x64xf32, #tpu.memory_space<vmem_shared>> -> memref<10112x64xf32, #tpu.memory_space<vmem_shared>>
      tpu.enqueue_indirect_dma source(%dma_start3A_125 : memref<128x64xf32, #tpu.memory_space<vmem>>) target(%dma_start3A_131 : memref<10112x64xf32, #tpu.memory_space<vmem_shared>>) offsets(%dma_start3A_128 : memref<128xi32, #tpu.memory_space<vmem>>) semaphore(%arg15 : memref<!tpu.dma_semaphore, #tpu.memory_space<semaphore_mem>>) {add = true}
      %ge3A = arith.constant 2 : i32
      %ge3A_132 = arith.cmpi sge, %add3A_113, %ge3A : i32
      %convert_element_type3A = arith.extui %ge3A_132 : i1 to i32
      %cond3A = arith.constant 0 : i32
      %cond3A_133 = arith.cmpi ne, %convert_element_type3A, %cond3A : i32
      scf.if %cond3A_133 {
        %sub3A = arith.constant 2 : i32
        %sub3A_242 = arith.subi %add3A_113, %sub3A : i32
        %dma_wait3A_243 = arith.constant 256 : i32
        %dma_wait3A_244 = arith.constant 0 : i32
        %dma_wait3A_245 = tpu.memref_slice %arg8[%dma_wait3A_243, %dma_wait3A_244] : memref<512x64xf32, #tpu.memory_space<vmem>> -> memref<128x64xf32, #tpu.memory_space<vmem>>
        %dma_wait3A_246 = arith.constant 0 : i32
        %dma_wait3A_247 = tpu.memref_slice %arg7[%sub3A_242, %dma_wait3A_246] : memref<40x128xi32, #tpu.memory_space<vmem>> -> memref<1x128xi32, #tpu.memory_space<vmem>>
        %dma_wait3A_248 = tpu.memref_squeeze %dma_wait3A_247 : memref<1x128xi32, #tpu.memory_space<vmem>> -> memref<128xi32, #tpu.memory_space<vmem>>
        %dma_wait3A_249 = arith.constant 0 : i32
        %dma_wait3A_250 = arith.constant 0 : i32
        %dma_wait3A_251 = tpu.memref_slice %arg9[%dma_wait3A_249, %dma_wait3A_250] : memref<10112x64xf32, #tpu.memory_space<vmem_shared>> -> memref<10112x64xf32, #tpu.memory_space<vmem_shared>>
        tpu.wait_indirect_dma semaphore(%arg17 : memref<!tpu.dma_semaphore, #tpu.memory_space<semaphore_mem>>) src(%dma_wait3A_245 : memref<128x64xf32, #tpu.memory_space<vmem>>) dst(%dma_wait3A_251 : memref<10112x64xf32, #tpu.memory_space<vmem_shared>>)
      } else {
      }
      %add3A_134 = arith.constant 2 : i32
      %add3A_135 = arith.addi %add3A_113, %add3A_134 : i32
      %lt3A = arith.constant 40 : i32
      %lt3A_136 = arith.cmpi slt, %add3A_135, %lt3A : i32
      %convert_element_type3A_137 = arith.extui %lt3A_136 : i1 to i32
      %cond3A_138 = arith.constant 0 : i32
      %cond3A_139 = arith.cmpi ne, %convert_element_type3A_137, %cond3A_138 : i32
      scf.if %cond3A_139 {
        %add3A_242 = arith.constant 2 : i32
        %add3A_243 = arith.addi %add3A_113, %add3A_242 : i32
        %dma_start3A_244 = arith.constant 256 : i32
        %dma_start3A_245 = arith.constant 0 : i32
        %dma_start3A_246 = tpu.memref_slice %arg8[%dma_start3A_244, %dma_start3A_245] : memref<512x64xf32, #tpu.memory_space<vmem>> -> memref<128x64xf32, #tpu.memory_space<vmem>>
        %dma_start3A_247 = arith.constant 0 : i32
        %dma_start3A_248 = tpu.memref_slice %arg6[%add3A_243, %dma_start3A_247] : memref<40x128xi32, #tpu.memory_space<vmem>> -> memref<1x128xi32, #tpu.memory_space<vmem>>
        %dma_start3A_249 = tpu.memref_squeeze %dma_start3A_248 : memref<1x128xi32, #tpu.memory_space<vmem>> -> memref<128xi32, #tpu.memory_space<vmem>>
        %dma_start3A_250 = arith.constant 0 : i32
        %dma_start3A_251 = arith.constant 0 : i32
        %dma_start3A_252 = tpu.memref_slice %arg10[%dma_start3A_250, %dma_start3A_251] : memref<10112x64xf32, #tpu.memory_space<vmem_shared>> -> memref<10112x64xf32, #tpu.memory_space<vmem_shared>>
        tpu.enqueue_indirect_dma source(%dma_start3A_252 : memref<10112x64xf32, #tpu.memory_space<vmem_shared>>) target(%dma_start3A_246 : memref<128x64xf32, #tpu.memory_space<vmem>>) offsets(%dma_start3A_249 : memref<128xi32, #tpu.memory_space<vmem>>) semaphore(%arg13 : memref<!tpu.dma_semaphore, #tpu.memory_space<semaphore_mem>>)
      } else {
      }
      %mul3A_140 = arith.constant 4 : i32
      %mul3A_141 = arith.muli %mul3A_140, %scan3A_109 : i32
      %add3A_142 = arith.constant 1 : i32
      %add3A_143 = arith.addi %mul3A_141, %add3A_142 : i32
      %dma_wait3A_144 = arith.constant 128 : i32
      %dma_wait3A_145 = arith.constant 0 : i32
      %dma_wait3A_146 = tpu.memref_slice %arg8[%dma_wait3A_144, %dma_wait3A_145] : memref<512x64xf32, #tpu.memory_space<vmem>> -> memref<128x64xf32, #tpu.memory_space<vmem>>
      %dma_wait3A_147 = arith.constant 0 : i32
      %dma_wait3A_148 = tpu.memref_slice %arg6[%add3A_143, %dma_wait3A_147] : memref<40x128xi32, #tpu.memory_space<vmem>> -> memref<1x128xi32, #tpu.memory_space<vmem>>
      %dma_wait3A_149 = tpu.memref_squeeze %dma_wait3A_148 : memref<1x128xi32, #tpu.memory_space<vmem>> -> memref<128xi32, #tpu.memory_space<vmem>>
      %dma_wait3A_150 = arith.constant 0 : i32
      %dma_wait3A_151 = arith.constant 0 : i32
      %dma_wait3A_152 = tpu.memref_slice %arg10[%dma_wait3A_150, %dma_wait3A_151] : memref<10112x64xf32, #tpu.memory_space<vmem_shared>> -> memref<10112x64xf32, #tpu.memory_space<vmem_shared>>
      tpu.wait_indirect_dma semaphore(%arg12 : memref<!tpu.dma_semaphore, #tpu.memory_space<semaphore_mem>>) src(%dma_wait3A_152 : memref<10112x64xf32, #tpu.memory_space<vmem_shared>>) dst(%dma_wait3A_146 : memref<128x64xf32, #tpu.memory_space<vmem>>)
      %dma_start3A_153 = arith.constant 128 : i32
      %dma_start3A_154 = arith.constant 0 : i32
      %dma_start3A_155 = tpu.memref_slice %arg8[%dma_start3A_153, %dma_start3A_154] : memref<512x64xf32, #tpu.memory_space<vmem>> -> memref<128x64xf32, #tpu.memory_space<vmem>>
      %dma_start3A_156 = arith.constant 0 : i32
      %dma_start3A_157 = tpu.memref_slice %arg7[%add3A_143, %dma_start3A_156] : memref<40x128xi32, #tpu.memory_space<vmem>> -> memref<1x128xi32, #tpu.memory_space<vmem>>
      %dma_start3A_158 = tpu.memref_squeeze %dma_start3A_157 : memref<1x128xi32, #tpu.memory_space<vmem>> -> memref<128xi32, #tpu.memory_space<vmem>>
      %dma_start3A_159 = arith.constant 0 : i32
      %dma_start3A_160 = arith.constant 0 : i32
      %dma_start3A_161 = tpu.memref_slice %arg9[%dma_start3A_159, %dma_start3A_160] : memref<10112x64xf32, #tpu.memory_space<vmem_shared>> -> memref<10112x64xf32, #tpu.memory_space<vmem_shared>>
      tpu.enqueue_indirect_dma source(%dma_start3A_155 : memref<128x64xf32, #tpu.memory_space<vmem>>) target(%dma_start3A_161 : memref<10112x64xf32, #tpu.memory_space<vmem_shared>>) offsets(%dma_start3A_158 : memref<128xi32, #tpu.memory_space<vmem>>) semaphore(%arg16 : memref<!tpu.dma_semaphore, #tpu.memory_space<semaphore_mem>>) {add = true}
      %ge3A_162 = arith.constant 2 : i32
      %ge3A_163 = arith.cmpi sge, %add3A_143, %ge3A_162 : i32
      %convert_element_type3A_164 = arith.extui %ge3A_163 : i1 to i32
      %cond3A_165 = arith.constant 0 : i32
      %cond3A_166 = arith.cmpi ne, %convert_element_type3A_164, %cond3A_165 : i32
      scf.if %cond3A_166 {
        %sub3A = arith.constant 2 : i32
        %sub3A_242 = arith.subi %add3A_143, %sub3A : i32
        %dma_wait3A_243 = arith.constant 384 : i32
        %dma_wait3A_244 = arith.constant 0 : i32
        %dma_wait3A_245 = tpu.memref_slice %arg8[%dma_wait3A_243, %dma_wait3A_244] : memref<512x64xf32, #tpu.memory_space<vmem>> -> memref<128x64xf32, #tpu.memory_space<vmem>>
        %dma_wait3A_246 = arith.constant 0 : i32
        %dma_wait3A_247 = tpu.memref_slice %arg7[%sub3A_242, %dma_wait3A_246] : memref<40x128xi32, #tpu.memory_space<vmem>> -> memref<1x128xi32, #tpu.memory_space<vmem>>
        %dma_wait3A_248 = tpu.memref_squeeze %dma_wait3A_247 : memref<1x128xi32, #tpu.memory_space<vmem>> -> memref<128xi32, #tpu.memory_space<vmem>>
        %dma_wait3A_249 = arith.constant 0 : i32
        %dma_wait3A_250 = arith.constant 0 : i32
        %dma_wait3A_251 = tpu.memref_slice %arg9[%dma_wait3A_249, %dma_wait3A_250] : memref<10112x64xf32, #tpu.memory_space<vmem_shared>> -> memref<10112x64xf32, #tpu.memory_space<vmem_shared>>
        tpu.wait_indirect_dma semaphore(%arg18 : memref<!tpu.dma_semaphore, #tpu.memory_space<semaphore_mem>>) src(%dma_wait3A_245 : memref<128x64xf32, #tpu.memory_space<vmem>>) dst(%dma_wait3A_251 : memref<10112x64xf32, #tpu.memory_space<vmem_shared>>)
      } else {
      }
      %add3A_167 = arith.constant 2 : i32
      %add3A_168 = arith.addi %add3A_143, %add3A_167 : i32
      %lt3A_169 = arith.constant 40 : i32
      %lt3A_170 = arith.cmpi slt, %add3A_168, %lt3A_169 : i32
      %convert_element_type3A_171 = arith.extui %lt3A_170 : i1 to i32
      %cond3A_172 = arith.constant 0 : i32
      %cond3A_173 = arith.cmpi ne, %convert_element_type3A_171, %cond3A_172 : i32
      scf.if %cond3A_173 {
        %add3A_242 = arith.constant 2 : i32
        %add3A_243 = arith.addi %add3A_143, %add3A_242 : i32
        %dma_start3A_244 = arith.constant 384 : i32
        %dma_start3A_245 = arith.constant 0 : i32
        %dma_start3A_246 = tpu.memref_slice %arg8[%dma_start3A_244, %dma_start3A_245] : memref<512x64xf32, #tpu.memory_space<vmem>> -> memref<128x64xf32, #tpu.memory_space<vmem>>
        %dma_start3A_247 = arith.constant 0 : i32
        %dma_start3A_248 = tpu.memref_slice %arg6[%add3A_243, %dma_start3A_247] : memref<40x128xi32, #tpu.memory_space<vmem>> -> memref<1x128xi32, #tpu.memory_space<vmem>>
        %dma_start3A_249 = tpu.memref_squeeze %dma_start3A_248 : memref<1x128xi32, #tpu.memory_space<vmem>> -> memref<128xi32, #tpu.memory_space<vmem>>
        %dma_start3A_250 = arith.constant 0 : i32
        %dma_start3A_251 = arith.constant 0 : i32
        %dma_start3A_252 = tpu.memref_slice %arg10[%dma_start3A_250, %dma_start3A_251] : memref<10112x64xf32, #tpu.memory_space<vmem_shared>> -> memref<10112x64xf32, #tpu.memory_space<vmem_shared>>
        tpu.enqueue_indirect_dma source(%dma_start3A_252 : memref<10112x64xf32, #tpu.memory_space<vmem_shared>>) target(%dma_start3A_246 : memref<128x64xf32, #tpu.memory_space<vmem>>) offsets(%dma_start3A_249 : memref<128xi32, #tpu.memory_space<vmem>>) semaphore(%arg14 : memref<!tpu.dma_semaphore, #tpu.memory_space<semaphore_mem>>)
      } else {
      }
      %mul3A_174 = arith.constant 4 : i32
      %mul3A_175 = arith.muli %mul3A_174, %scan3A_109 : i32
      %add3A_176 = arith.constant 2 : i32
      %add3A_177 = arith.addi %mul3A_175, %add3A_176 : i32
      %dma_wait3A_178 = arith.constant 256 : i32
      %dma_wait3A_179 = arith.constant 0 : i32
      %dma_wait3A_180 = tpu.memref_slice %arg8[%dma_wait3A_178, %dma_wait3A_179] : memref<512x64xf32, #tpu.memory_space<vmem>> -> memref<128x64xf32, #tpu.memory_space<vmem>>
      %dma_wait3A_181 = arith.constant 0 : i32
      %dma_wait3A_182 = tpu.memref_slice %arg6[%add3A_177, %dma_wait3A_181] : memref<40x128xi32, #tpu.memory_space<vmem>> -> memref<1x128xi32, #tpu.memory_space<vmem>>
      %dma_wait3A_183 = tpu.memref_squeeze %dma_wait3A_182 : memref<1x128xi32, #tpu.memory_space<vmem>> -> memref<128xi32, #tpu.memory_space<vmem>>
      %dma_wait3A_184 = arith.constant 0 : i32
      %dma_wait3A_185 = arith.constant 0 : i32
      %dma_wait3A_186 = tpu.memref_slice %arg10[%dma_wait3A_184, %dma_wait3A_185] : memref<10112x64xf32, #tpu.memory_space<vmem_shared>> -> memref<10112x64xf32, #tpu.memory_space<vmem_shared>>
      tpu.wait_indirect_dma semaphore(%arg13 : memref<!tpu.dma_semaphore, #tpu.memory_space<semaphore_mem>>) src(%dma_wait3A_186 : memref<10112x64xf32, #tpu.memory_space<vmem_shared>>) dst(%dma_wait3A_180 : memref<128x64xf32, #tpu.memory_space<vmem>>)
      %dma_start3A_187 = arith.constant 256 : i32
      %dma_start3A_188 = arith.constant 0 : i32
      %dma_start3A_189 = tpu.memref_slice %arg8[%dma_start3A_187, %dma_start3A_188] : memref<512x64xf32, #tpu.memory_space<vmem>> -> memref<128x64xf32, #tpu.memory_space<vmem>>
      %dma_start3A_190 = arith.constant 0 : i32
      %dma_start3A_191 = tpu.memref_slice %arg7[%add3A_177, %dma_start3A_190] : memref<40x128xi32, #tpu.memory_space<vmem>> -> memref<1x128xi32, #tpu.memory_space<vmem>>
      %dma_start3A_192 = tpu.memref_squeeze %dma_start3A_191 : memref<1x128xi32, #tpu.memory_space<vmem>> -> memref<128xi32, #tpu.memory_space<vmem>>
      %dma_start3A_193 = arith.constant 0 : i32
      %dma_start3A_194 = arith.constant 0 : i32
      %dma_start3A_195 = tpu.memref_slice %arg9[%dma_start3A_193, %dma_start3A_194] : memref<10112x64xf32, #tpu.memory_space<vmem_shared>> -> memref<10112x64xf32, #tpu.memory_space<vmem_shared>>
      tpu.enqueue_indirect_dma source(%dma_start3A_189 : memref<128x64xf32, #tpu.memory_space<vmem>>) target(%dma_start3A_195 : memref<10112x64xf32, #tpu.memory_space<vmem_shared>>) offsets(%dma_start3A_192 : memref<128xi32, #tpu.memory_space<vmem>>) semaphore(%arg17 : memref<!tpu.dma_semaphore, #tpu.memory_space<semaphore_mem>>) {add = true}
      %ge3A_196 = arith.constant 2 : i32
      %ge3A_197 = arith.cmpi sge, %add3A_177, %ge3A_196 : i32
      %convert_element_type3A_198 = arith.extui %ge3A_197 : i1 to i32
      %cond3A_199 = arith.constant 0 : i32
      %cond3A_200 = arith.cmpi ne, %convert_element_type3A_198, %cond3A_199 : i32
      scf.if %cond3A_200 {
        %sub3A = arith.constant 2 : i32
        %sub3A_242 = arith.subi %add3A_177, %sub3A : i32
        %dma_wait3A_243 = arith.constant 0 : i32
        %dma_wait3A_244 = arith.constant 0 : i32
        %dma_wait3A_245 = tpu.memref_slice %arg8[%dma_wait3A_243, %dma_wait3A_244] : memref<512x64xf32, #tpu.memory_space<vmem>> -> memref<128x64xf32, #tpu.memory_space<vmem>>
        %dma_wait3A_246 = arith.constant 0 : i32
        %dma_wait3A_247 = tpu.memref_slice %arg7[%sub3A_242, %dma_wait3A_246] : memref<40x128xi32, #tpu.memory_space<vmem>> -> memref<1x128xi32, #tpu.memory_space<vmem>>
        %dma_wait3A_248 = tpu.memref_squeeze %dma_wait3A_247 : memref<1x128xi32, #tpu.memory_space<vmem>> -> memref<128xi32, #tpu.memory_space<vmem>>
        %dma_wait3A_249 = arith.constant 0 : i32
        %dma_wait3A_250 = arith.constant 0 : i32
        %dma_wait3A_251 = tpu.memref_slice %arg9[%dma_wait3A_249, %dma_wait3A_250] : memref<10112x64xf32, #tpu.memory_space<vmem_shared>> -> memref<10112x64xf32, #tpu.memory_space<vmem_shared>>
        tpu.wait_indirect_dma semaphore(%arg15 : memref<!tpu.dma_semaphore, #tpu.memory_space<semaphore_mem>>) src(%dma_wait3A_245 : memref<128x64xf32, #tpu.memory_space<vmem>>) dst(%dma_wait3A_251 : memref<10112x64xf32, #tpu.memory_space<vmem_shared>>)
      } else {
      }
      %add3A_201 = arith.constant 2 : i32
      %add3A_202 = arith.addi %add3A_177, %add3A_201 : i32
      %lt3A_203 = arith.constant 40 : i32
      %lt3A_204 = arith.cmpi slt, %add3A_202, %lt3A_203 : i32
      %convert_element_type3A_205 = arith.extui %lt3A_204 : i1 to i32
      %cond3A_206 = arith.constant 0 : i32
      %cond3A_207 = arith.cmpi ne, %convert_element_type3A_205, %cond3A_206 : i32
      scf.if %cond3A_207 {
        %add3A_242 = arith.constant 2 : i32
        %add3A_243 = arith.addi %add3A_177, %add3A_242 : i32
        %dma_start3A_244 = arith.constant 0 : i32
        %dma_start3A_245 = arith.constant 0 : i32
        %dma_start3A_246 = tpu.memref_slice %arg8[%dma_start3A_244, %dma_start3A_245] : memref<512x64xf32, #tpu.memory_space<vmem>> -> memref<128x64xf32, #tpu.memory_space<vmem>>
        %dma_start3A_247 = arith.constant 0 : i32
        %dma_start3A_248 = tpu.memref_slice %arg6[%add3A_243, %dma_start3A_247] : memref<40x128xi32, #tpu.memory_space<vmem>> -> memref<1x128xi32, #tpu.memory_space<vmem>>
        %dma_start3A_249 = tpu.memref_squeeze %dma_start3A_248 : memref<1x128xi32, #tpu.memory_space<vmem>> -> memref<128xi32, #tpu.memory_space<vmem>>
        %dma_start3A_250 = arith.constant 0 : i32
        %dma_start3A_251 = arith.constant 0 : i32
        %dma_start3A_252 = tpu.memref_slice %arg10[%dma_start3A_250, %dma_start3A_251] : memref<10112x64xf32, #tpu.memory_space<vmem_shared>> -> memref<10112x64xf32, #tpu.memory_space<vmem_shared>>
        tpu.enqueue_indirect_dma source(%dma_start3A_252 : memref<10112x64xf32, #tpu.memory_space<vmem_shared>>) target(%dma_start3A_246 : memref<128x64xf32, #tpu.memory_space<vmem>>) offsets(%dma_start3A_249 : memref<128xi32, #tpu.memory_space<vmem>>) semaphore(%arg11 : memref<!tpu.dma_semaphore, #tpu.memory_space<semaphore_mem>>)
      } else {
      }
      %mul3A_208 = arith.constant 4 : i32
      %mul3A_209 = arith.muli %mul3A_208, %scan3A_109 : i32
      %add3A_210 = arith.constant 3 : i32
      %add3A_211 = arith.addi %mul3A_209, %add3A_210 : i32
      %dma_wait3A_212 = arith.constant 384 : i32
      %dma_wait3A_213 = arith.constant 0 : i32
      %dma_wait3A_214 = tpu.memref_slice %arg8[%dma_wait3A_212, %dma_wait3A_213] : memref<512x64xf32, #tpu.memory_space<vmem>> -> memref<128x64xf32, #tpu.memory_space<vmem>>
      %dma_wait3A_215 = arith.constant 0 : i32
      %dma_wait3A_216 = tpu.memref_slice %arg6[%add3A_211, %dma_wait3A_215] : memref<40x128xi32, #tpu.memory_space<vmem>> -> memref<1x128xi32, #tpu.memory_space<vmem>>
      %dma_wait3A_217 = tpu.memref_squeeze %dma_wait3A_216 : memref<1x128xi32, #tpu.memory_space<vmem>> -> memref<128xi32, #tpu.memory_space<vmem>>
      %dma_wait3A_218 = arith.constant 0 : i32
      %dma_wait3A_219 = arith.constant 0 : i32
      %dma_wait3A_220 = tpu.memref_slice %arg10[%dma_wait3A_218, %dma_wait3A_219] : memref<10112x64xf32, #tpu.memory_space<vmem_shared>> -> memref<10112x64xf32, #tpu.memory_space<vmem_shared>>
      tpu.wait_indirect_dma semaphore(%arg14 : memref<!tpu.dma_semaphore, #tpu.memory_space<semaphore_mem>>) src(%dma_wait3A_220 : memref<10112x64xf32, #tpu.memory_space<vmem_shared>>) dst(%dma_wait3A_214 : memref<128x64xf32, #tpu.memory_space<vmem>>)
      %dma_start3A_221 = arith.constant 384 : i32
      %dma_start3A_222 = arith.constant 0 : i32
      %dma_start3A_223 = tpu.memref_slice %arg8[%dma_start3A_221, %dma_start3A_222] : memref<512x64xf32, #tpu.memory_space<vmem>> -> memref<128x64xf32, #tpu.memory_space<vmem>>
      %dma_start3A_224 = arith.constant 0 : i32
      %dma_start3A_225 = tpu.memref_slice %arg7[%add3A_211, %dma_start3A_224] : memref<40x128xi32, #tpu.memory_space<vmem>> -> memref<1x128xi32, #tpu.memory_space<vmem>>
      %dma_start3A_226 = tpu.memref_squeeze %dma_start3A_225 : memref<1x128xi32, #tpu.memory_space<vmem>> -> memref<128xi32, #tpu.memory_space<vmem>>
      %dma_start3A_227 = arith.constant 0 : i32
      %dma_start3A_228 = arith.constant 0 : i32
      %dma_start3A_229 = tpu.memref_slice %arg9[%dma_start3A_227, %dma_start3A_228] : memref<10112x64xf32, #tpu.memory_space<vmem_shared>> -> memref<10112x64xf32, #tpu.memory_space<vmem_shared>>
      tpu.enqueue_indirect_dma source(%dma_start3A_223 : memref<128x64xf32, #tpu.memory_space<vmem>>) target(%dma_start3A_229 : memref<10112x64xf32, #tpu.memory_space<vmem_shared>>) offsets(%dma_start3A_226 : memref<128xi32, #tpu.memory_space<vmem>>) semaphore(%arg18 : memref<!tpu.dma_semaphore, #tpu.memory_space<semaphore_mem>>) {add = true}
      %ge3A_230 = arith.constant 2 : i32
      %ge3A_231 = arith.cmpi sge, %add3A_211, %ge3A_230 : i32
      %convert_element_type3A_232 = arith.extui %ge3A_231 : i1 to i32
      %cond3A_233 = arith.constant 0 : i32
      %cond3A_234 = arith.cmpi ne, %convert_element_type3A_232, %cond3A_233 : i32
      scf.if %cond3A_234 {
        %sub3A = arith.constant 2 : i32
        %sub3A_242 = arith.subi %add3A_211, %sub3A : i32
        %dma_wait3A_243 = arith.constant 128 : i32
        %dma_wait3A_244 = arith.constant 0 : i32
        %dma_wait3A_245 = tpu.memref_slice %arg8[%dma_wait3A_243, %dma_wait3A_244] : memref<512x64xf32, #tpu.memory_space<vmem>> -> memref<128x64xf32, #tpu.memory_space<vmem>>
        %dma_wait3A_246 = arith.constant 0 : i32
        %dma_wait3A_247 = tpu.memref_slice %arg7[%sub3A_242, %dma_wait3A_246] : memref<40x128xi32, #tpu.memory_space<vmem>> -> memref<1x128xi32, #tpu.memory_space<vmem>>
        %dma_wait3A_248 = tpu.memref_squeeze %dma_wait3A_247 : memref<1x128xi32, #tpu.memory_space<vmem>> -> memref<128xi32, #tpu.memory_space<vmem>>
        %dma_wait3A_249 = arith.constant 0 : i32
        %dma_wait3A_250 = arith.constant 0 : i32
        %dma_wait3A_251 = tpu.memref_slice %arg9[%dma_wait3A_249, %dma_wait3A_250] : memref<10112x64xf32, #tpu.memory_space<vmem_shared>> -> memref<10112x64xf32, #tpu.memory_space<vmem_shared>>
        tpu.wait_indirect_dma semaphore(%arg16 : memref<!tpu.dma_semaphore, #tpu.memory_space<semaphore_mem>>) src(%dma_wait3A_245 : memref<128x64xf32, #tpu.memory_space<vmem>>) dst(%dma_wait3A_251 : memref<10112x64xf32, #tpu.memory_space<vmem_shared>>)
      } else {
      }
      %add3A_235 = arith.constant 2 : i32
      %add3A_236 = arith.addi %add3A_211, %add3A_235 : i32
      %lt3A_237 = arith.constant 40 : i32
      %lt3A_238 = arith.cmpi slt, %add3A_236, %lt3A_237 : i32
      %convert_element_type3A_239 = arith.extui %lt3A_238 : i1 to i32
      %cond3A_240 = arith.constant 0 : i32
      %cond3A_241 = arith.cmpi ne, %convert_element_type3A_239, %cond3A_240 : i32
      scf.if %cond3A_241 {
        %add3A_242 = arith.constant 2 : i32
        %add3A_243 = arith.addi %add3A_211, %add3A_242 : i32
        %dma_start3A_244 = arith.constant 128 : i32
        %dma_start3A_245 = arith.constant 0 : i32
        %dma_start3A_246 = tpu.memref_slice %arg8[%dma_start3A_244, %dma_start3A_245] : memref<512x64xf32, #tpu.memory_space<vmem>> -> memref<128x64xf32, #tpu.memory_space<vmem>>
        %dma_start3A_247 = arith.constant 0 : i32
        %dma_start3A_248 = tpu.memref_slice %arg6[%add3A_243, %dma_start3A_247] : memref<40x128xi32, #tpu.memory_space<vmem>> -> memref<1x128xi32, #tpu.memory_space<vmem>>
        %dma_start3A_249 = tpu.memref_squeeze %dma_start3A_248 : memref<1x128xi32, #tpu.memory_space<vmem>> -> memref<128xi32, #tpu.memory_space<vmem>>
        %dma_start3A_250 = arith.constant 0 : i32
        %dma_start3A_251 = arith.constant 0 : i32
        %dma_start3A_252 = tpu.memref_slice %arg10[%dma_start3A_250, %dma_start3A_251] : memref<10112x64xf32, #tpu.memory_space<vmem_shared>> -> memref<10112x64xf32, #tpu.memory_space<vmem_shared>>
        tpu.enqueue_indirect_dma source(%dma_start3A_252 : memref<10112x64xf32, #tpu.memory_space<vmem_shared>>) target(%dma_start3A_246 : memref<128x64xf32, #tpu.memory_space<vmem>>) offsets(%dma_start3A_249 : memref<128xi32, #tpu.memory_space<vmem>>) semaphore(%arg12 : memref<!tpu.dma_semaphore, #tpu.memory_space<semaphore_mem>>)
      } else {
      }
    }
    %scan3A_83 = arith.constant 10 : i32
    %dma_wait3A_84 = arith.constant 38 : i32
    %dma_wait3A_85 = arith.constant 256 : i32
    %dma_wait3A_86 = arith.constant 0 : i32
    %dma_wait3A_87 = tpu.memref_slice %arg8[%dma_wait3A_85, %dma_wait3A_86] : memref<512x64xf32, #tpu.memory_space<vmem>> -> memref<128x64xf32, #tpu.memory_space<vmem>>
    %dma_wait3A_88 = arith.constant 0 : i32
    %dma_wait3A_89 = tpu.memref_slice %arg7[%dma_wait3A_84, %dma_wait3A_88] : memref<40x128xi32, #tpu.memory_space<vmem>> -> memref<1x128xi32, #tpu.memory_space<vmem>>
    %dma_wait3A_90 = tpu.memref_squeeze %dma_wait3A_89 : memref<1x128xi32, #tpu.memory_space<vmem>> -> memref<128xi32, #tpu.memory_space<vmem>>
    %dma_wait3A_91 = arith.constant 0 : i32
    %dma_wait3A_92 = arith.constant 0 : i32
    %dma_wait3A_93 = tpu.memref_slice %arg9[%dma_wait3A_91, %dma_wait3A_92] : memref<10112x64xf32, #tpu.memory_space<vmem_shared>> -> memref<10112x64xf32, #tpu.memory_space<vmem_shared>>
    tpu.wait_indirect_dma semaphore(%arg17 : memref<!tpu.dma_semaphore, #tpu.memory_space<semaphore_mem>>) src(%dma_wait3A_87 : memref<128x64xf32, #tpu.memory_space<vmem>>) dst(%dma_wait3A_93 : memref<10112x64xf32, #tpu.memory_space<vmem_shared>>)
    %dma_wait3A_94 = arith.constant 39 : i32
    %dma_wait3A_95 = arith.constant 384 : i32
    %dma_wait3A_96 = arith.constant 0 : i32
    %dma_wait3A_97 = tpu.memref_slice %arg8[%dma_wait3A_95, %dma_wait3A_96] : memref<512x64xf32, #tpu.memory_space<vmem>> -> memref<128x64xf32, #tpu.memory_space<vmem>>
    %dma_wait3A_98 = arith.constant 0 : i32
    %dma_wait3A_99 = tpu.memref_slice %arg7[%dma_wait3A_94, %dma_wait3A_98] : memref<40x128xi32, #tpu.memory_space<vmem>> -> memref<1x128xi32, #tpu.memory_space<vmem>>
    %dma_wait3A_100 = tpu.memref_squeeze %dma_wait3A_99 : memref<1x128xi32, #tpu.memory_space<vmem>> -> memref<128xi32, #tpu.memory_space<vmem>>
    %dma_wait3A_101 = arith.constant 0 : i32
    %dma_wait3A_102 = arith.constant 0 : i32
    %dma_wait3A_103 = tpu.memref_slice %arg9[%dma_wait3A_101, %dma_wait3A_102] : memref<10112x64xf32, #tpu.memory_space<vmem_shared>> -> memref<10112x64xf32, #tpu.memory_space<vmem_shared>>
    tpu.wait_indirect_dma semaphore(%arg18 : memref<!tpu.dma_semaphore, #tpu.memory_space<semaphore_mem>>) src(%dma_wait3A_97 : memref<128x64xf32, #tpu.memory_space<vmem>>) dst(%dma_wait3A_103 : memref<10112x64xf32, #tpu.memory_space<vmem_shared>>)
    %barrier3A_104 = arith.constant 0 : index
    tpu.barrier barrier_id(%barrier3A_104)
    "tpu.region"() ({
      %run_scoped3A = tpu.sem_alloc : memref<!tpu.dma_semaphore, #tpu.memory_space<semaphore_mem>>
      %dma_start3A_109 = arith.constant 0 : i32
      %dma_start3A_110 = arith.constant 0 : i32
      %dma_start3A_111 = tpu.memref_slice %arg8[%dma_start3A_109, %dma_start3A_110] : memref<512x64xf32, #tpu.memory_space<vmem>> -> memref<320x64xf32, #tpu.memory_space<vmem>>
      %dma_start3A_112 = arith.constant 0 : i32
      %dma_start3A_113 = tpu.memref_slice %arg9[%mul3A_2, %dma_start3A_112] : memref<10112x64xf32, #tpu.memory_space<vmem_shared>> -> memref<320x64xf32, #tpu.memory_space<vmem_shared>>
      %dma_start3A_114 = arith.constant 0 : i32
      %dma_start3A_115 = arith.constant 0 : i32
      %dma_start3A_116 = tpu.memref_slice %arg8[%dma_start3A_114, %dma_start3A_115] : memref<512x64xf32, #tpu.memory_space<vmem>> -> memref<320x64xf32, #tpu.memory_space<vmem>>
      %dma_start3A_117 = arith.constant 0 : i32
      %dma_start3A_118 = tpu.memref_slice %arg9[%mul3A_2, %dma_start3A_117] : memref<10112x64xf32, #tpu.memory_space<vmem_shared>> -> memref<320x64xf32, #tpu.memory_space<vmem_shared>>
      tpu.enqueue_dma source(%dma_start3A_118 : memref<320x64xf32, #tpu.memory_space<vmem_shared>>) target(%dma_start3A_116 : memref<320x64xf32, #tpu.memory_space<vmem>>) target_semaphore(%run_scoped3A : memref<!tpu.dma_semaphore, #tpu.memory_space<semaphore_mem>>)
      %dma_wait3A_119 = arith.constant 0 : i32
      %dma_wait3A_120 = arith.constant 0 : i32
      %dma_wait3A_121 = tpu.memref_slice %arg8[%dma_wait3A_119, %dma_wait3A_120] : memref<512x64xf32, #tpu.memory_space<vmem>> -> memref<320x64xf32, #tpu.memory_space<vmem>>
      %dma_wait3A_122 = arith.constant 0 : i32
      %dma_wait3A_123 = tpu.memref_slice %arg9[%mul3A_2, %dma_wait3A_122] : memref<10112x64xf32, #tpu.memory_space<vmem_shared>> -> memref<320x64xf32, #tpu.memory_space<vmem_shared>>
      %dma_wait3A_124 = arith.constant 0 : i32
      %dma_wait3A_125 = arith.constant 0 : i32
      %dma_wait3A_126 = tpu.memref_slice %arg8[%dma_wait3A_124, %dma_wait3A_125] : memref<512x64xf32, #tpu.memory_space<vmem>> -> memref<320x64xf32, #tpu.memory_space<vmem>>
      %dma_wait3A_127 = arith.constant 0 : i32
      %dma_wait3A_128 = tpu.memref_slice %arg9[%mul3A_2, %dma_wait3A_127] : memref<10112x64xf32, #tpu.memory_space<vmem_shared>> -> memref<320x64xf32, #tpu.memory_space<vmem_shared>>
      tpu.wait_dma2 semaphore(%run_scoped3A : memref<!tpu.dma_semaphore, #tpu.memory_space<semaphore_mem>>) src(%dma_wait3A_128 : memref<320x64xf32, #tpu.memory_space<vmem_shared>>) dst(%dma_wait3A_126 : memref<320x64xf32, #tpu.memory_space<vmem>>)
      tpu.yield
    }) : () -> ()
    "tpu.region"() ({
      %run_scoped3A = tpu.sem_alloc : memref<!tpu.dma_semaphore, #tpu.memory_space<semaphore_mem>>
      %dma_start3A_109 = arith.constant 0 : i32
      %dma_start3A_110 = arith.constant 0 : i32
      %dma_start3A_111 = tpu.memref_slice %arg8[%dma_start3A_109, %dma_start3A_110] : memref<512x64xf32, #tpu.memory_space<vmem>> -> memref<320x64xf32, #tpu.memory_space<vmem>>
      %dma_start3A_112 = arith.constant 0 : i32
      %dma_start3A_113 = tpu.memref_slice %arg5[%arg0, %mul3A_2, %dma_start3A_112] : memref<2x10112x64xf32, #tpu.memory_space<hbm>> -> memref<1x320x64xf32, #tpu.memory_space<hbm>>
      %dma_start3A_114 = tpu.memref_squeeze %dma_start3A_113 : memref<1x320x64xf32, #tpu.memory_space<hbm>> -> memref<320x64xf32, #tpu.memory_space<hbm>>
      %dma_start3A_115 = arith.constant 0 : i32
      %dma_start3A_116 = tpu.memref_slice %arg5[%arg0, %mul3A_2, %dma_start3A_115] : memref<2x10112x64xf32, #tpu.memory_space<hbm>> -> memref<1x320x64xf32, #tpu.memory_space<hbm>>
      %dma_start3A_117 = tpu.memref_squeeze %dma_start3A_116 : memref<1x320x64xf32, #tpu.memory_space<hbm>> -> memref<320x64xf32, #tpu.memory_space<hbm>>
      %dma_start3A_118 = arith.constant 0 : i32
      %dma_start3A_119 = arith.constant 0 : i32
      %dma_start3A_120 = tpu.memref_slice %arg8[%dma_start3A_118, %dma_start3A_119] : memref<512x64xf32, #tpu.memory_space<vmem>> -> memref<320x64xf32, #tpu.memory_space<vmem>>
      tpu.enqueue_dma source(%dma_start3A_120 : memref<320x64xf32, #tpu.memory_space<vmem>>) target(%dma_start3A_117 : memref<320x64xf32, #tpu.memory_space<hbm>>) target_semaphore(%run_scoped3A : memref<!tpu.dma_semaphore, #tpu.memory_space<semaphore_mem>>)
      %dma_wait3A_121 = arith.constant 0 : i32
      %dma_wait3A_122 = arith.constant 0 : i32
      %dma_wait3A_123 = tpu.memref_slice %arg8[%dma_wait3A_121, %dma_wait3A_122] : memref<512x64xf32, #tpu.memory_space<vmem>> -> memref<320x64xf32, #tpu.memory_space<vmem>>
      %dma_wait3A_124 = arith.constant 0 : i32
      %dma_wait3A_125 = tpu.memref_slice %arg5[%arg0, %mul3A_2, %dma_wait3A_124] : memref<2x10112x64xf32, #tpu.memory_space<hbm>> -> memref<1x320x64xf32, #tpu.memory_space<hbm>>
      %dma_wait3A_126 = tpu.memref_squeeze %dma_wait3A_125 : memref<1x320x64xf32, #tpu.memory_space<hbm>> -> memref<320x64xf32, #tpu.memory_space<hbm>>
      %dma_wait3A_127 = arith.constant 0 : i32
      %dma_wait3A_128 = tpu.memref_slice %arg5[%arg0, %mul3A_2, %dma_wait3A_127] : memref<2x10112x64xf32, #tpu.memory_space<hbm>> -> memref<1x320x64xf32, #tpu.memory_space<hbm>>
      %dma_wait3A_129 = tpu.memref_squeeze %dma_wait3A_128 : memref<1x320x64xf32, #tpu.memory_space<hbm>> -> memref<320x64xf32, #tpu.memory_space<hbm>>
      %dma_wait3A_130 = arith.constant 0 : i32
      %dma_wait3A_131 = arith.constant 0 : i32
      %dma_wait3A_132 = tpu.memref_slice %arg8[%dma_wait3A_130, %dma_wait3A_131] : memref<512x64xf32, #tpu.memory_space<vmem>> -> memref<320x64xf32, #tpu.memory_space<vmem>>
      tpu.wait_dma2 semaphore(%run_scoped3A : memref<!tpu.dma_semaphore, #tpu.memory_space<semaphore_mem>>) src(%dma_wait3A_132 : memref<320x64xf32, #tpu.memory_space<vmem>>) dst(%dma_wait3A_129 : memref<320x64xf32, #tpu.memory_space<hbm>>)
      tpu.yield
    }) : () -> ()
    %add3A_105 = arith.constant 320 : i32
    %add3A_106 = arith.addi %mul3A_2, %add3A_105 : i32
    "tpu.region"() ({
      %run_scoped3A = tpu.sem_alloc : memref<!tpu.dma_semaphore, #tpu.memory_space<semaphore_mem>>
      %dma_start3A_109 = arith.constant 0 : i32
      %dma_start3A_110 = arith.constant 0 : i32
      %dma_start3A_111 = tpu.memref_slice %arg8[%dma_start3A_109, %dma_start3A_110] : memref<512x64xf32, #tpu.memory_space<vmem>> -> memref<312x64xf32, #tpu.memory_space<vmem>>
      %dma_start3A_112 = arith.constant 0 : i32
      %dma_start3A_113 = tpu.memref_slice %arg9[%add3A_106, %dma_start3A_112] : memref<10112x64xf32, #tpu.memory_space<vmem_shared>> -> memref<312x64xf32, #tpu.memory_space<vmem_shared>>
      %dma_start3A_114 = arith.constant 0 : i32
      %dma_start3A_115 = arith.constant 0 : i32
      %dma_start3A_116 = tpu.memref_slice %arg8[%dma_start3A_114, %dma_start3A_115] : memref<512x64xf32, #tpu.memory_space<vmem>> -> memref<312x64xf32, #tpu.memory_space<vmem>>
      %dma_start3A_117 = arith.constant 0 : i32
      %dma_start3A_118 = tpu.memref_slice %arg9[%add3A_106, %dma_start3A_117] : memref<10112x64xf32, #tpu.memory_space<vmem_shared>> -> memref<312x64xf32, #tpu.memory_space<vmem_shared>>
      tpu.enqueue_dma source(%dma_start3A_118 : memref<312x64xf32, #tpu.memory_space<vmem_shared>>) target(%dma_start3A_116 : memref<312x64xf32, #tpu.memory_space<vmem>>) target_semaphore(%run_scoped3A : memref<!tpu.dma_semaphore, #tpu.memory_space<semaphore_mem>>)
      %dma_wait3A_119 = arith.constant 0 : i32
      %dma_wait3A_120 = arith.constant 0 : i32
      %dma_wait3A_121 = tpu.memref_slice %arg8[%dma_wait3A_119, %dma_wait3A_120] : memref<512x64xf32, #tpu.memory_space<vmem>> -> memref<312x64xf32, #tpu.memory_space<vmem>>
      %dma_wait3A_122 = arith.constant 0 : i32
      %dma_wait3A_123 = tpu.memref_slice %arg9[%add3A_106, %dma_wait3A_122] : memref<10112x64xf32, #tpu.memory_space<vmem_shared>> -> memref<312x64xf32, #tpu.memory_space<vmem_shared>>
      %dma_wait3A_124 = arith.constant 0 : i32
      %dma_wait3A_125 = arith.constant 0 : i32
      %dma_wait3A_126 = tpu.memref_slice %arg8[%dma_wait3A_124, %dma_wait3A_125] : memref<512x64xf32, #tpu.memory_space<vmem>> -> memref<312x64xf32, #tpu.memory_space<vmem>>
      %dma_wait3A_127 = arith.constant 0 : i32
      %dma_wait3A_128 = tpu.memref_slice %arg9[%add3A_106, %dma_wait3A_127] : memref<10112x64xf32, #tpu.memory_space<vmem_shared>> -> memref<312x64xf32, #tpu.memory_space<vmem_shared>>
      tpu.wait_dma2 semaphore(%run_scoped3A : memref<!tpu.dma_semaphore, #tpu.memory_space<semaphore_mem>>) src(%dma_wait3A_128 : memref<312x64xf32, #tpu.memory_space<vmem_shared>>) dst(%dma_wait3A_126 : memref<312x64xf32, #tpu.memory_space<vmem>>)
      tpu.yield
    }) : () -> ()
    %add3A_107 = arith.constant 320 : i32
    %add3A_108 = arith.addi %mul3A_2, %add3A_107 : i32
    "tpu.region"() ({
      %run_scoped3A = tpu.sem_alloc : memref<!tpu.dma_semaphore, #tpu.memory_space<semaphore_mem>>
      %dma_start3A_109 = arith.constant 0 : i32
      %dma_start3A_110 = arith.constant 0 : i32
      %dma_start3A_111 = tpu.memref_slice %arg8[%dma_start3A_109, %dma_start3A_110] : memref<512x64xf32, #tpu.memory_space<vmem>> -> memref<312x64xf32, #tpu.memory_space<vmem>>
      %dma_start3A_112 = arith.constant 0 : i32
      %dma_start3A_113 = tpu.memref_slice %arg5[%arg0, %add3A_108, %dma_start3A_112] : memref<2x10112x64xf32, #tpu.memory_space<hbm>> -> memref<1x312x64xf32, #tpu.memory_space<hbm>>
      %dma_start3A_114 = tpu.memref_squeeze %dma_start3A_113 : memref<1x312x64xf32, #tpu.memory_space<hbm>> -> memref<312x64xf32, #tpu.memory_space<hbm>>
      %dma_start3A_115 = arith.constant 0 : i32
      %dma_start3A_116 = tpu.memref_slice %arg5[%arg0, %add3A_108, %dma_start3A_115] : memref<2x10112x64xf32, #tpu.memory_space<hbm>> -> memref<1x312x64xf32, #tpu.memory_space<hbm>>
      %dma_start3A_117 = tpu.memref_squeeze %dma_start3A_116 : memref<1x312x64xf32, #tpu.memory_space<hbm>> -> memref<312x64xf32, #tpu.memory_space<hbm>>
      %dma_start3A_118 = arith.constant 0 : i32
      %dma_start3A_119 = arith.constant 0 : i32
      %dma_start3A_120 = tpu.memref_slice %arg8[%dma_start3A_118, %dma_start3A_119] : memref<512x64xf32, #tpu.memory_space<vmem>> -> memref<312x64xf32, #tpu.memory_space<vmem>>
      tpu.enqueue_dma source(%dma_start3A_120 : memref<312x64xf32, #tpu.memory_space<vmem>>) target(%dma_start3A_117 : memref<312x64xf32, #tpu.memory_space<hbm>>) target_semaphore(%run_scoped3A : memref<!tpu.dma_semaphore, #tpu.memory_space<semaphore_mem>>)
      %dma_wait3A_121 = arith.constant 0 : i32
      %dma_wait3A_122 = arith.constant 0 : i32
      %dma_wait3A_123 = tpu.memref_slice %arg8[%dma_wait3A_121, %dma_wait3A_122] : memref<512x64xf32, #tpu.memory_space<vmem>> -> memref<312x64xf32, #tpu.memory_space<vmem>>
      %dma_wait3A_124 = arith.constant 0 : i32
      %dma_wait3A_125 = tpu.memref_slice %arg5[%arg0, %add3A_108, %dma_wait3A_124] : memref<2x10112x64xf32, #tpu.memory_space<hbm>> -> memref<1x312x64xf32, #tpu.memory_space<hbm>>
      %dma_wait3A_126 = tpu.memref_squeeze %dma_wait3A_125 : memref<1x312x64xf32, #tpu.memory_space<hbm>> -> memref<312x64xf32, #tpu.memory_space<hbm>>
      %dma_wait3A_127 = arith.constant 0 : i32
      %dma_wait3A_128 = tpu.memref_slice %arg5[%arg0, %add3A_108, %dma_wait3A_127] : memref<2x10112x64xf32, #tpu.memory_space<hbm>> -> memref<1x312x64xf32, #tpu.memory_space<hbm>>
      %dma_wait3A_129 = tpu.memref_squeeze %dma_wait3A_128 : memref<1x312x64xf32, #tpu.memory_space<hbm>> -> memref<312x64xf32, #tpu.memory_space<hbm>>
      %dma_wait3A_130 = arith.constant 0 : i32
      %dma_wait3A_131 = arith.constant 0 : i32
      %dma_wait3A_132 = tpu.memref_slice %arg8[%dma_wait3A_130, %dma_wait3A_131] : memref<512x64xf32, #tpu.memory_space<vmem>> -> memref<312x64xf32, #tpu.memory_space<vmem>>
      tpu.wait_dma2 semaphore(%run_scoped3A : memref<!tpu.dma_semaphore, #tpu.memory_space<semaphore_mem>>) src(%dma_wait3A_132 : memref<312x64xf32, #tpu.memory_space<vmem>>) dst(%dma_wait3A_129 : memref<312x64xf32, #tpu.memory_space<hbm>>)
      tpu.yield
    }) : () -> ()
    return
  }
}

#map = affine_map<(d0, d1) -> (0, 0, 0)>
#map1 = affine_map<(d0, d1) -> (0, 0)>
module attributes {stable_mosaic.version = 14 : i64} {
  func.func @_deg_body(%arg0: i32, %arg1: i32, %arg2: memref<32x80x128xi32, #tpu.memory_space<hbm>>, %arg3: memref<10112x8xf32, #tpu.memory_space<hbm>>, %arg4: memref<128x8xf32, #tpu.memory_space<hbm>>, %arg5: memref<2x10112x8xf32, #tpu.memory_space<hbm>>, %arg6: memref<80x128xi32, #tpu.memory_space<vmem>>, %arg7: memref<128x8xf32, #tpu.memory_space<vmem>>, %arg8: memref<632x8xf32, #tpu.memory_space<vmem>>, %arg9: memref<10112x8xf32, #tpu.memory_space<vmem_shared>>, %arg10: memref<!tpu.dma_semaphore, #tpu.memory_space<semaphore_mem>>) attributes {dimension_semantics = [#tpu.dimension_semantics<core_parallel>, #tpu.dimension_semantics<subcore_parallel>], iteration_bounds = array<i64: 2, 16>, scalar_prefetch = 0 : i64, scratch_operands = 5 : i64, tpu.core_type = #tpu.core_type<sc_vector_subcore>, window_params = [{transform_indices = #map}, {transform_indices = #map1}, {transform_indices = #map1}, {transform_indices = #map}]} {
    %mul3A = arith.constant 16 : i32
    %mul3A_0 = arith.muli %arg0, %mul3A : i32
    %add3A = arith.addi %mul3A_0, %arg1 : i32
    %mul3A_1 = arith.constant 632 : i32
    %mul3A_2 = arith.muli %arg1, %mul3A_1 : i32
    "tpu.region"() ({
      %run_scoped3A = tpu.sem_alloc : memref<!tpu.dma_semaphore, #tpu.memory_space<semaphore_mem>>
      %dma_start3A = arith.constant 0 : i32
      %dma_start3A_15 = tpu.memref_slice %arg3[%mul3A_2, %dma_start3A] : memref<10112x8xf32, #tpu.memory_space<hbm>> -> memref<632x8xf32, #tpu.memory_space<hbm>>
      %dma_start3A_16 = arith.constant 0 : i32
      %dma_start3A_17 = tpu.memref_slice %arg3[%mul3A_2, %dma_start3A_16] : memref<10112x8xf32, #tpu.memory_space<hbm>> -> memref<632x8xf32, #tpu.memory_space<hbm>>
      tpu.enqueue_dma source(%dma_start3A_17 : memref<632x8xf32, #tpu.memory_space<hbm>>) target(%arg8 : memref<632x8xf32, #tpu.memory_space<vmem>>) target_semaphore(%run_scoped3A : memref<!tpu.dma_semaphore, #tpu.memory_space<semaphore_mem>>)
      %dma_wait3A = arith.constant 0 : i32
      %dma_wait3A_18 = tpu.memref_slice %arg3[%mul3A_2, %dma_wait3A] : memref<10112x8xf32, #tpu.memory_space<hbm>> -> memref<632x8xf32, #tpu.memory_space<hbm>>
      %dma_wait3A_19 = arith.constant 0 : i32
      %dma_wait3A_20 = tpu.memref_slice %arg3[%mul3A_2, %dma_wait3A_19] : memref<10112x8xf32, #tpu.memory_space<hbm>> -> memref<632x8xf32, #tpu.memory_space<hbm>>
      tpu.wait_dma2 semaphore(%run_scoped3A : memref<!tpu.dma_semaphore, #tpu.memory_space<semaphore_mem>>) src(%dma_wait3A_20 : memref<632x8xf32, #tpu.memory_space<hbm>>) dst(%arg8 : memref<632x8xf32, #tpu.memory_space<vmem>>)
      tpu.yield
    }) : () -> ()
    "tpu.region"() ({
      %run_scoped3A = tpu.sem_alloc : memref<!tpu.dma_semaphore, #tpu.memory_space<semaphore_mem>>
      %dma_start3A = arith.constant 0 : i32
      %dma_start3A_15 = tpu.memref_slice %arg9[%mul3A_2, %dma_start3A] : memref<10112x8xf32, #tpu.memory_space<vmem_shared>> -> memref<632x8xf32, #tpu.memory_space<vmem_shared>>
      %dma_start3A_16 = arith.constant 0 : i32
      %dma_start3A_17 = tpu.memref_slice %arg9[%mul3A_2, %dma_start3A_16] : memref<10112x8xf32, #tpu.memory_space<vmem_shared>> -> memref<632x8xf32, #tpu.memory_space<vmem_shared>>
      tpu.enqueue_dma source(%arg8 : memref<632x8xf32, #tpu.memory_space<vmem>>) target(%dma_start3A_17 : memref<632x8xf32, #tpu.memory_space<vmem_shared>>) target_semaphore(%run_scoped3A : memref<!tpu.dma_semaphore, #tpu.memory_space<semaphore_mem>>)
      %dma_wait3A = arith.constant 0 : i32
      %dma_wait3A_18 = tpu.memref_slice %arg9[%mul3A_2, %dma_wait3A] : memref<10112x8xf32, #tpu.memory_space<vmem_shared>> -> memref<632x8xf32, #tpu.memory_space<vmem_shared>>
      %dma_wait3A_19 = arith.constant 0 : i32
      %dma_wait3A_20 = tpu.memref_slice %arg9[%mul3A_2, %dma_wait3A_19] : memref<10112x8xf32, #tpu.memory_space<vmem_shared>> -> memref<632x8xf32, #tpu.memory_space<vmem_shared>>
      tpu.wait_dma2 semaphore(%run_scoped3A : memref<!tpu.dma_semaphore, #tpu.memory_space<semaphore_mem>>) src(%arg8 : memref<632x8xf32, #tpu.memory_space<vmem>>) dst(%dma_wait3A_20 : memref<632x8xf32, #tpu.memory_space<vmem_shared>>)
      tpu.yield
    }) : () -> ()
    "tpu.region"() ({
      %run_scoped3A = tpu.sem_alloc : memref<!tpu.dma_semaphore, #tpu.memory_space<semaphore_mem>>
      tpu.enqueue_dma source(%arg4 : memref<128x8xf32, #tpu.memory_space<hbm>>) target(%arg7 : memref<128x8xf32, #tpu.memory_space<vmem>>) target_semaphore(%run_scoped3A : memref<!tpu.dma_semaphore, #tpu.memory_space<semaphore_mem>>)
      tpu.wait_dma2 semaphore(%run_scoped3A : memref<!tpu.dma_semaphore, #tpu.memory_space<semaphore_mem>>) src(%arg4 : memref<128x8xf32, #tpu.memory_space<hbm>>) dst(%arg7 : memref<128x8xf32, #tpu.memory_space<vmem>>)
      tpu.yield
    }) : () -> ()
    "tpu.region"() ({
      %run_scoped3A = tpu.sem_alloc : memref<!tpu.dma_semaphore, #tpu.memory_space<semaphore_mem>>
      %dma_start3A = arith.constant 0 : i32
      %dma_start3A_15 = arith.constant 0 : i32
      %dma_start3A_16 = tpu.memref_slice %arg2[%add3A, %dma_start3A, %dma_start3A_15] : memref<32x80x128xi32, #tpu.memory_space<hbm>> -> memref<1x80x128xi32, #tpu.memory_space<hbm>>
      %dma_start3A_17 = tpu.memref_squeeze %dma_start3A_16 : memref<1x80x128xi32, #tpu.memory_space<hbm>> -> memref<80x128xi32, #tpu.memory_space<hbm>>
      %dma_start3A_18 = arith.constant 0 : i32
      %dma_start3A_19 = arith.constant 0 : i32
      %dma_start3A_20 = tpu.memref_slice %arg2[%add3A, %dma_start3A_18, %dma_start3A_19] : memref<32x80x128xi32, #tpu.memory_space<hbm>> -> memref<1x80x128xi32, #tpu.memory_space<hbm>>
      %dma_start3A_21 = tpu.memref_squeeze %dma_start3A_20 : memref<1x80x128xi32, #tpu.memory_space<hbm>> -> memref<80x128xi32, #tpu.memory_space<hbm>>
      tpu.enqueue_dma source(%dma_start3A_21 : memref<80x128xi32, #tpu.memory_space<hbm>>) target(%arg6 : memref<80x128xi32, #tpu.memory_space<vmem>>) target_semaphore(%run_scoped3A : memref<!tpu.dma_semaphore, #tpu.memory_space<semaphore_mem>>)
      %dma_wait3A = arith.constant 0 : i32
      %dma_wait3A_22 = arith.constant 0 : i32
      %dma_wait3A_23 = tpu.memref_slice %arg2[%add3A, %dma_wait3A, %dma_wait3A_22] : memref<32x80x128xi32, #tpu.memory_space<hbm>> -> memref<1x80x128xi32, #tpu.memory_space<hbm>>
      %dma_wait3A_24 = tpu.memref_squeeze %dma_wait3A_23 : memref<1x80x128xi32, #tpu.memory_space<hbm>> -> memref<80x128xi32, #tpu.memory_space<hbm>>
      %dma_wait3A_25 = arith.constant 0 : i32
      %dma_wait3A_26 = arith.constant 0 : i32
      %dma_wait3A_27 = tpu.memref_slice %arg2[%add3A, %dma_wait3A_25, %dma_wait3A_26] : memref<32x80x128xi32, #tpu.memory_space<hbm>> -> memref<1x80x128xi32, #tpu.memory_space<hbm>>
      %dma_wait3A_28 = tpu.memref_squeeze %dma_wait3A_27 : memref<1x80x128xi32, #tpu.memory_space<hbm>> -> memref<80x128xi32, #tpu.memory_space<hbm>>
      tpu.wait_dma2 semaphore(%run_scoped3A : memref<!tpu.dma_semaphore, #tpu.memory_space<semaphore_mem>>) src(%dma_wait3A_28 : memref<80x128xi32, #tpu.memory_space<hbm>>) dst(%arg6 : memref<80x128xi32, #tpu.memory_space<vmem>>)
      tpu.yield
    }) : () -> ()
    %barrier3A = arith.constant 0 : index
    tpu.barrier barrier_id(%barrier3A)
    %scan3A = arith.constant 0 : i32
    %scan3A_3 = arith.constant 0 : i32
    %scan3A_4 = arith.constant 80 : i32
    %scan3A_5 = arith.addi %scan3A_3, %scan3A_4 : i32
    %scan3A_6 = arith.constant 1 : i32
    scf.for %scan3A_15 = %scan3A_3 to %scan3A_5 step %scan3A_6  : i32 {
      %dma_start3A = arith.constant 0 : i32
      %dma_start3A_16 = tpu.memref_slice %arg6[%scan3A_15, %dma_start3A] : memref<80x128xi32, #tpu.memory_space<vmem>> -> memref<1x128xi32, #tpu.memory_space<vmem>>
      %dma_start3A_17 = tpu.memref_squeeze %dma_start3A_16 : memref<1x128xi32, #tpu.memory_space<vmem>> -> memref<128xi32, #tpu.memory_space<vmem>>
      %dma_start3A_18 = arith.constant 0 : i32
      %dma_start3A_19 = arith.constant 0 : i32
      %dma_start3A_20 = tpu.memref_slice %arg9[%dma_start3A_18, %dma_start3A_19] : memref<10112x8xf32, #tpu.memory_space<vmem_shared>> -> memref<10112x8xf32, #tpu.memory_space<vmem_shared>>
      tpu.enqueue_indirect_dma source(%arg7 : memref<128x8xf32, #tpu.memory_space<vmem>>) target(%dma_start3A_20 : memref<10112x8xf32, #tpu.memory_space<vmem_shared>>) offsets(%dma_start3A_17 : memref<128xi32, #tpu.memory_space<vmem>>) semaphore(%arg10 : memref<!tpu.dma_semaphore, #tpu.memory_space<semaphore_mem>>) {add = true}
    }
    %scan3A_7 = arith.constant 80 : i32
    %scan3A_8 = arith.constant 0 : i32
    %scan3A_9 = arith.constant 0 : i32
    %scan3A_10 = arith.constant 80 : i32
    %scan3A_11 = arith.addi %scan3A_9, %scan3A_10 : i32
    %scan3A_12 = arith.constant 1 : i32
    scf.for %scan3A_15 = %scan3A_9 to %scan3A_11 step %scan3A_12  : i32 {
      %dma_wait3A = arith.constant 0 : i32
      %dma_wait3A_16 = tpu.memref_slice %arg6[%scan3A_15, %dma_wait3A] : memref<80x128xi32, #tpu.memory_space<vmem>> -> memref<1x128xi32, #tpu.memory_space<vmem>>
      %dma_wait3A_17 = tpu.memref_squeeze %dma_wait3A_16 : memref<1x128xi32, #tpu.memory_space<vmem>> -> memref<128xi32, #tpu.memory_space<vmem>>
      %dma_wait3A_18 = arith.constant 0 : i32
      %dma_wait3A_19 = arith.constant 0 : i32
      %dma_wait3A_20 = tpu.memref_slice %arg9[%dma_wait3A_18, %dma_wait3A_19] : memref<10112x8xf32, #tpu.memory_space<vmem_shared>> -> memref<10112x8xf32, #tpu.memory_space<vmem_shared>>
      tpu.wait_indirect_dma semaphore(%arg10 : memref<!tpu.dma_semaphore, #tpu.memory_space<semaphore_mem>>) src(%arg7 : memref<128x8xf32, #tpu.memory_space<vmem>>) dst(%dma_wait3A_20 : memref<10112x8xf32, #tpu.memory_space<vmem_shared>>)
    }
    %scan3A_13 = arith.constant 80 : i32
    %barrier3A_14 = arith.constant 0 : index
    tpu.barrier barrier_id(%barrier3A_14)
    "tpu.region"() ({
      %run_scoped3A = tpu.sem_alloc : memref<!tpu.dma_semaphore, #tpu.memory_space<semaphore_mem>>
      %dma_start3A = arith.constant 0 : i32
      %dma_start3A_15 = tpu.memref_slice %arg9[%mul3A_2, %dma_start3A] : memref<10112x8xf32, #tpu.memory_space<vmem_shared>> -> memref<632x8xf32, #tpu.memory_space<vmem_shared>>
      %dma_start3A_16 = arith.constant 0 : i32
      %dma_start3A_17 = tpu.memref_slice %arg9[%mul3A_2, %dma_start3A_16] : memref<10112x8xf32, #tpu.memory_space<vmem_shared>> -> memref<632x8xf32, #tpu.memory_space<vmem_shared>>
      tpu.enqueue_dma source(%dma_start3A_17 : memref<632x8xf32, #tpu.memory_space<vmem_shared>>) target(%arg8 : memref<632x8xf32, #tpu.memory_space<vmem>>) target_semaphore(%run_scoped3A : memref<!tpu.dma_semaphore, #tpu.memory_space<semaphore_mem>>)
      %dma_wait3A = arith.constant 0 : i32
      %dma_wait3A_18 = tpu.memref_slice %arg9[%mul3A_2, %dma_wait3A] : memref<10112x8xf32, #tpu.memory_space<vmem_shared>> -> memref<632x8xf32, #tpu.memory_space<vmem_shared>>
      %dma_wait3A_19 = arith.constant 0 : i32
      %dma_wait3A_20 = tpu.memref_slice %arg9[%mul3A_2, %dma_wait3A_19] : memref<10112x8xf32, #tpu.memory_space<vmem_shared>> -> memref<632x8xf32, #tpu.memory_space<vmem_shared>>
      tpu.wait_dma2 semaphore(%run_scoped3A : memref<!tpu.dma_semaphore, #tpu.memory_space<semaphore_mem>>) src(%dma_wait3A_20 : memref<632x8xf32, #tpu.memory_space<vmem_shared>>) dst(%arg8 : memref<632x8xf32, #tpu.memory_space<vmem>>)
      tpu.yield
    }) : () -> ()
    "tpu.region"() ({
      %run_scoped3A = tpu.sem_alloc : memref<!tpu.dma_semaphore, #tpu.memory_space<semaphore_mem>>
      %dma_start3A = arith.constant 0 : i32
      %dma_start3A_15 = tpu.memref_slice %arg5[%arg0, %mul3A_2, %dma_start3A] : memref<2x10112x8xf32, #tpu.memory_space<hbm>> -> memref<1x632x8xf32, #tpu.memory_space<hbm>>
      %dma_start3A_16 = tpu.memref_squeeze %dma_start3A_15 : memref<1x632x8xf32, #tpu.memory_space<hbm>> -> memref<632x8xf32, #tpu.memory_space<hbm>>
      %dma_start3A_17 = arith.constant 0 : i32
      %dma_start3A_18 = tpu.memref_slice %arg5[%arg0, %mul3A_2, %dma_start3A_17] : memref<2x10112x8xf32, #tpu.memory_space<hbm>> -> memref<1x632x8xf32, #tpu.memory_space<hbm>>
      %dma_start3A_19 = tpu.memref_squeeze %dma_start3A_18 : memref<1x632x8xf32, #tpu.memory_space<hbm>> -> memref<632x8xf32, #tpu.memory_space<hbm>>
      tpu.enqueue_dma source(%arg8 : memref<632x8xf32, #tpu.memory_space<vmem>>) target(%dma_start3A_19 : memref<632x8xf32, #tpu.memory_space<hbm>>) target_semaphore(%run_scoped3A : memref<!tpu.dma_semaphore, #tpu.memory_space<semaphore_mem>>)
      %dma_wait3A = arith.constant 0 : i32
      %dma_wait3A_20 = tpu.memref_slice %arg5[%arg0, %mul3A_2, %dma_wait3A] : memref<2x10112x8xf32, #tpu.memory_space<hbm>> -> memref<1x632x8xf32, #tpu.memory_space<hbm>>
      %dma_wait3A_21 = tpu.memref_squeeze %dma_wait3A_20 : memref<1x632x8xf32, #tpu.memory_space<hbm>> -> memref<632x8xf32, #tpu.memory_space<hbm>>
      %dma_wait3A_22 = arith.constant 0 : i32
      %dma_wait3A_23 = tpu.memref_slice %arg5[%arg0, %mul3A_2, %dma_wait3A_22] : memref<2x10112x8xf32, #tpu.memory_space<hbm>> -> memref<1x632x8xf32, #tpu.memory_space<hbm>>
      %dma_wait3A_24 = tpu.memref_squeeze %dma_wait3A_23 : memref<1x632x8xf32, #tpu.memory_space<hbm>> -> memref<632x8xf32, #tpu.memory_space<hbm>>
      tpu.wait_dma2 semaphore(%run_scoped3A : memref<!tpu.dma_semaphore, #tpu.memory_space<semaphore_mem>>) src(%arg8 : memref<632x8xf32, #tpu.memory_space<vmem>>) dst(%dma_wait3A_24 : memref<632x8xf32, #tpu.memory_space<hbm>>)
      tpu.yield
    }) : () -> ()
    return
  }
}

#map = affine_map<(d0, d1) -> (0, 0)>
#map1 = affine_map<(d0, d1) -> (0, 0, 0)>
module attributes {stable_mosaic.version = 14 : i64} {
  func.func @_agg_body(%arg0: i32, %arg1: i32, %arg2: memref<10112x64xf32, #tpu.memory_space<hbm>>, %arg3: memref<32x80x128xi32, #tpu.memory_space<hbm>>, %arg4: memref<32x80x128xi32, #tpu.memory_space<hbm>>, %arg5: memref<2x10112x64xf32, #tpu.memory_space<hbm>>, %arg6: memref<40x128xi32, #tpu.memory_space<vmem>>, %arg7: memref<40x128xi32, #tpu.memory_space<vmem>>, %arg8: memref<512x64xf32, #tpu.memory_space<vmem>>, %arg9: memref<10112x64xf32, #tpu.memory_space<vmem_shared>>, %arg10: memref<10112x64xf32, #tpu.memory_space<vmem_shared>>, %arg11: memref<!tpu.dma_semaphore, #tpu.memory_space<semaphore_mem>>, %arg12: memref<!tpu.dma_semaphore, #tpu.memory_space<semaphore_mem>>, %arg13: memref<!tpu.dma_semaphore, #tpu.memory_space<semaphore_mem>>, %arg14: memref<!tpu.dma_semaphore, #tpu.memory_space<semaphore_mem>>, %arg15: memref<!tpu.dma_semaphore, #tpu.memory_space<semaphore_mem>>, %arg16: memref<!tpu.dma_semaphore, #tpu.memory_space<semaphore_mem>>, %arg17: memref<!tpu.dma_semaphore, #tpu.memory_space<semaphore_mem>>, %arg18: memref<!tpu.dma_semaphore, #tpu.memory_space<semaphore_mem>>) attributes {dimension_semantics = [#tpu.dimension_semantics<core_parallel>, #tpu.dimension_semantics<subcore_parallel>], iteration_bounds = array<i64: 2, 16>, scalar_prefetch = 0 : i64, scratch_operands = 13 : i64, tpu.core_type = #tpu.core_type<sc_vector_subcore>, window_params = [{transform_indices = #map}, {transform_indices = #map1}, {transform_indices = #map1}, {transform_indices = #map1}]} {
    %mul3A = arith.constant 16 : i32
    %mul3A_0 = arith.muli %arg0, %mul3A : i32
    %add3A = arith.addi %mul3A_0, %arg1 : i32
    %mul3A_1 = arith.constant 632 : i32
    %mul3A_2 = arith.muli %arg1, %mul3A_1 : i32
    "tpu.region"() ({
      %run_scoped3A = tpu.sem_alloc : memref<!tpu.dma_semaphore, #tpu.memory_space<semaphore_mem>>
      %dma_start3A_109 = arith.constant 0 : i32
      %dma_start3A_110 = arith.constant 0 : i32
      %dma_start3A_111 = tpu.memref_slice %arg8[%dma_start3A_109, %dma_start3A_110] : memref<512x64xf32, #tpu.memory_space<vmem>> -> memref<320x64xf32, #tpu.memory_space<vmem>>
      %dma_start3A_112 = arith.constant 0 : i32
      %dma_start3A_113 = tpu.memref_slice %arg2[%mul3A_2, %dma_start3A_112] : memref<10112x64xf32, #tpu.memory_space<hbm>> -> memref<320x64xf32, #tpu.memory_space<hbm>>
      %dma_start3A_114 = arith.constant 0 : i32
      %dma_start3A_115 = arith.constant 0 : i32
      %dma_start3A_116 = tpu.memref_slice %arg8[%dma_start3A_114, %dma_start3A_115] : memref<512x64xf32, #tpu.memory_space<vmem>> -> memref<320x64xf32, #tpu.memory_space<vmem>>
      %dma_start3A_117 = arith.constant 0 : i32
      %dma_start3A_118 = tpu.memref_slice %arg2[%mul3A_2, %dma_start3A_117] : memref<10112x64xf32, #tpu.memory_space<hbm>> -> memref<320x64xf32, #tpu.memory_space<hbm>>
      tpu.enqueue_dma source(%dma_start3A_118 : memref<320x64xf32, #tpu.memory_space<hbm>>) target(%dma_start3A_116 : memref<320x64xf32, #tpu.memory_space<vmem>>) target_semaphore(%run_scoped3A : memref<!tpu.dma_semaphore, #tpu.memory_space<semaphore_mem>>)
      %dma_wait3A_119 = arith.constant 0 : i32
      %dma_wait3A_120 = arith.constant 0 : i32
      %dma_wait3A_121 = tpu.memref_slice %arg8[%dma_wait3A_119, %dma_wait3A_120] : memref<512x64xf32, #tpu.memory_space<vmem>> -> memref<320x64xf32, #tpu.memory_space<vmem>>
      %dma_wait3A_122 = arith.constant 0 : i32
      %dma_wait3A_123 = tpu.memref_slice %arg2[%mul3A_2, %dma_wait3A_122] : memref<10112x64xf32, #tpu.memory_space<hbm>> -> memref<320x64xf32, #tpu.memory_space<hbm>>
      %dma_wait3A_124 = arith.constant 0 : i32
      %dma_wait3A_125 = arith.constant 0 : i32
      %dma_wait3A_126 = tpu.memref_slice %arg8[%dma_wait3A_124, %dma_wait3A_125] : memref<512x64xf32, #tpu.memory_space<vmem>> -> memref<320x64xf32, #tpu.memory_space<vmem>>
      %dma_wait3A_127 = arith.constant 0 : i32
      %dma_wait3A_128 = tpu.memref_slice %arg2[%mul3A_2, %dma_wait3A_127] : memref<10112x64xf32, #tpu.memory_space<hbm>> -> memref<320x64xf32, #tpu.memory_space<hbm>>
      tpu.wait_dma2 semaphore(%run_scoped3A : memref<!tpu.dma_semaphore, #tpu.memory_space<semaphore_mem>>) src(%dma_wait3A_128 : memref<320x64xf32, #tpu.memory_space<hbm>>) dst(%dma_wait3A_126 : memref<320x64xf32, #tpu.memory_space<vmem>>)
      tpu.yield
    }) : () -> ()
    "tpu.region"() ({
      %run_scoped3A = tpu.sem_alloc : memref<!tpu.dma_semaphore, #tpu.memory_space<semaphore_mem>>
      %dma_start3A_109 = arith.constant 0 : i32
      %dma_start3A_110 = arith.constant 0 : i32
      %dma_start3A_111 = tpu.memref_slice %arg8[%dma_start3A_109, %dma_start3A_110] : memref<512x64xf32, #tpu.memory_space<vmem>> -> memref<320x64xf32, #tpu.memory_space<vmem>>
      %dma_start3A_112 = arith.constant 0 : i32
      %dma_start3A_113 = tpu.memref_slice %arg10[%mul3A_2, %dma_start3A_112] : memref<10112x64xf32, #tpu.memory_space<vmem_shared>> -> memref<320x64xf32, #tpu.memory_space<vmem_shared>>
      %dma_start3A_114 = arith.constant 0 : i32
      %dma_start3A_115 = tpu.memref_slice %arg10[%mul3A_2, %dma_start3A_114] : memref<10112x64xf32, #tpu.memory_space<vmem_shared>> -> memref<320x64xf32, #tpu.memory_space<vmem_shared>>
      %dma_start3A_116 = arith.constant 0 : i32
      %dma_start3A_117 = arith.constant 0 : i32
      %dma_start3A_118 = tpu.memref_slice %arg8[%dma_start3A_116, %dma_start3A_117] : memref<512x64xf32, #tpu.memory_space<vmem>> -> memref<320x64xf32, #tpu.memory_space<vmem>>
      tpu.enqueue_dma source(%dma_start3A_118 : memref<320x64xf32, #tpu.memory_space<vmem>>) target(%dma_start3A_115 : memref<320x64xf32, #tpu.memory_space<vmem_shared>>) target_semaphore(%run_scoped3A : memref<!tpu.dma_semaphore, #tpu.memory_space<semaphore_mem>>)
      %dma_wait3A_119 = arith.constant 0 : i32
      %dma_wait3A_120 = arith.constant 0 : i32
      %dma_wait3A_121 = tpu.memref_slice %arg8[%dma_wait3A_119, %dma_wait3A_120] : memref<512x64xf32, #tpu.memory_space<vmem>> -> memref<320x64xf32, #tpu.memory_space<vmem>>
      %dma_wait3A_122 = arith.constant 0 : i32
      %dma_wait3A_123 = tpu.memref_slice %arg10[%mul3A_2, %dma_wait3A_122] : memref<10112x64xf32, #tpu.memory_space<vmem_shared>> -> memref<320x64xf32, #tpu.memory_space<vmem_shared>>
      %dma_wait3A_124 = arith.constant 0 : i32
      %dma_wait3A_125 = tpu.memref_slice %arg10[%mul3A_2, %dma_wait3A_124] : memref<10112x64xf32, #tpu.memory_space<vmem_shared>> -> memref<320x64xf32, #tpu.memory_space<vmem_shared>>
      %dma_wait3A_126 = arith.constant 0 : i32
      %dma_wait3A_127 = arith.constant 0 : i32
      %dma_wait3A_128 = tpu.memref_slice %arg8[%dma_wait3A_126, %dma_wait3A_127] : memref<512x64xf32, #tpu.memory_space<vmem>> -> memref<320x64xf32, #tpu.memory_space<vmem>>
      tpu.wait_dma2 semaphore(%run_scoped3A : memref<!tpu.dma_semaphore, #tpu.memory_space<semaphore_mem>>) src(%dma_wait3A_128 : memref<320x64xf32, #tpu.memory_space<vmem>>) dst(%dma_wait3A_125 : memref<320x64xf32, #tpu.memory_space<vmem_shared>>)
      tpu.yield
    }) : () -> ()
    %add3A_3 = arith.constant 320 : i32
    %add3A_4 = arith.addi %mul3A_2, %add3A_3 : i32
    "tpu.region"() ({
      %run_scoped3A = tpu.sem_alloc : memref<!tpu.dma_semaphore, #tpu.memory_space<semaphore_mem>>
      %dma_start3A_109 = arith.constant 0 : i32
      %dma_start3A_110 = arith.constant 0 : i32
      %dma_start3A_111 = tpu.memref_slice %arg8[%dma_start3A_109, %dma_start3A_110] : memref<512x64xf32, #tpu.memory_space<vmem>> -> memref<312x64xf32, #tpu.memory_space<vmem>>
      %dma_start3A_112 = arith.constant 0 : i32
      %dma_start3A_113 = tpu.memref_slice %arg2[%add3A_4, %dma_start3A_112] : memref<10112x64xf32, #tpu.memory_space<hbm>> -> memref<312x64xf32, #tpu.memory_space<hbm>>
      %dma_start3A_114 = arith.constant 0 : i32
      %dma_start3A_115 = arith.constant 0 : i32
      %dma_start3A_116 = tpu.memref_slice %arg8[%dma_start3A_114, %dma_start3A_115] : memref<512x64xf32, #tpu.memory_space<vmem>> -> memref<312x64xf32, #tpu.memory_space<vmem>>
      %dma_start3A_117 = arith.constant 0 : i32
      %dma_start3A_118 = tpu.memref_slice %arg2[%add3A_4, %dma_start3A_117] : memref<10112x64xf32, #tpu.memory_space<hbm>> -> memref<312x64xf32, #tpu.memory_space<hbm>>
      tpu.enqueue_dma source(%dma_start3A_118 : memref<312x64xf32, #tpu.memory_space<hbm>>) target(%dma_start3A_116 : memref<312x64xf32, #tpu.memory_space<vmem>>) target_semaphore(%run_scoped3A : memref<!tpu.dma_semaphore, #tpu.memory_space<semaphore_mem>>)
      %dma_wait3A_119 = arith.constant 0 : i32
      %dma_wait3A_120 = arith.constant 0 : i32
      %dma_wait3A_121 = tpu.memref_slice %arg8[%dma_wait3A_119, %dma_wait3A_120] : memref<512x64xf32, #tpu.memory_space<vmem>> -> memref<312x64xf32, #tpu.memory_space<vmem>>
      %dma_wait3A_122 = arith.constant 0 : i32
      %dma_wait3A_123 = tpu.memref_slice %arg2[%add3A_4, %dma_wait3A_122] : memref<10112x64xf32, #tpu.memory_space<hbm>> -> memref<312x64xf32, #tpu.memory_space<hbm>>
      %dma_wait3A_124 = arith.constant 0 : i32
      %dma_wait3A_125 = arith.constant 0 : i32
      %dma_wait3A_126 = tpu.memref_slice %arg8[%dma_wait3A_124, %dma_wait3A_125] : memref<512x64xf32, #tpu.memory_space<vmem>> -> memref<312x64xf32, #tpu.memory_space<vmem>>
      %dma_wait3A_127 = arith.constant 0 : i32
      %dma_wait3A_128 = tpu.memref_slice %arg2[%add3A_4, %dma_wait3A_127] : memref<10112x64xf32, #tpu.memory_space<hbm>> -> memref<312x64xf32, #tpu.memory_space<hbm>>
      tpu.wait_dma2 semaphore(%run_scoped3A : memref<!tpu.dma_semaphore, #tpu.memory_space<semaphore_mem>>) src(%dma_wait3A_128 : memref<312x64xf32, #tpu.memory_space<hbm>>) dst(%dma_wait3A_126 : memref<312x64xf32, #tpu.memory_space<vmem>>)
      tpu.yield
    }) : () -> ()
    %add3A_5 = arith.constant 320 : i32
    %add3A_6 = arith.addi %mul3A_2, %add3A_5 : i32
    "tpu.region"() ({
      %run_scoped3A = tpu.sem_alloc : memref<!tpu.dma_semaphore, #tpu.memory_space<semaphore_mem>>
      %dma_start3A_109 = arith.constant 0 : i32
      %dma_start3A_110 = arith.constant 0 : i32
      %dma_start3A_111 = tpu.memref_slice %arg8[%dma_start3A_109, %dma_start3A_110] : memref<512x64xf32, #tpu.memory_space<vmem>> -> memref<312x64xf32, #tpu.memory_space<vmem>>
      %dma_start3A_112 = arith.constant 0 : i32
      %dma_start3A_113 = tpu.memref_slice %arg10[%add3A_6, %dma_start3A_112] : memref<10112x64xf32, #tpu.memory_space<vmem_shared>> -> memref<312x64xf32, #tpu.memory_space<vmem_shared>>
      %dma_start3A_114 = arith.constant 0 : i32
      %dma_start3A_115 = tpu.memref_slice %arg10[%add3A_6, %dma_start3A_114] : memref<10112x64xf32, #tpu.memory_space<vmem_shared>> -> memref<312x64xf32, #tpu.memory_space<vmem_shared>>
      %dma_start3A_116 = arith.constant 0 : i32
      %dma_start3A_117 = arith.constant 0 : i32
      %dma_start3A_118 = tpu.memref_slice %arg8[%dma_start3A_116, %dma_start3A_117] : memref<512x64xf32, #tpu.memory_space<vmem>> -> memref<312x64xf32, #tpu.memory_space<vmem>>
      tpu.enqueue_dma source(%dma_start3A_118 : memref<312x64xf32, #tpu.memory_space<vmem>>) target(%dma_start3A_115 : memref<312x64xf32, #tpu.memory_space<vmem_shared>>) target_semaphore(%run_scoped3A : memref<!tpu.dma_semaphore, #tpu.memory_space<semaphore_mem>>)
      %dma_wait3A_119 = arith.constant 0 : i32
      %dma_wait3A_120 = arith.constant 0 : i32
      %dma_wait3A_121 = tpu.memref_slice %arg8[%dma_wait3A_119, %dma_wait3A_120] : memref<512x64xf32, #tpu.memory_space<vmem>> -> memref<312x64xf32, #tpu.memory_space<vmem>>
      %dma_wait3A_122 = arith.constant 0 : i32
      %dma_wait3A_123 = tpu.memref_slice %arg10[%add3A_6, %dma_wait3A_122] : memref<10112x64xf32, #tpu.memory_space<vmem_shared>> -> memref<312x64xf32, #tpu.memory_space<vmem_shared>>
      %dma_wait3A_124 = arith.constant 0 : i32
      %dma_wait3A_125 = tpu.memref_slice %arg10[%add3A_6, %dma_wait3A_124] : memref<10112x64xf32, #tpu.memory_space<vmem_shared>> -> memref<312x64xf32, #tpu.memory_space<vmem_shared>>
      %dma_wait3A_126 = arith.constant 0 : i32
      %dma_wait3A_127 = arith.constant 0 : i32
      %dma_wait3A_128 = tpu.memref_slice %arg8[%dma_wait3A_126, %dma_wait3A_127] : memref<512x64xf32, #tpu.memory_space<vmem>> -> memref<312x64xf32, #tpu.memory_space<vmem>>
      tpu.wait_dma2 semaphore(%run_scoped3A : memref<!tpu.dma_semaphore, #tpu.memory_space<semaphore_mem>>) src(%dma_wait3A_128 : memref<312x64xf32, #tpu.memory_space<vmem>>) dst(%dma_wait3A_125 : memref<312x64xf32, #tpu.memory_space<vmem_shared>>)
      tpu.yield
    }) : () -> ()
    %scan3A = arith.constant 0 : i32
    %scan3A_7 = arith.constant 0 : i32
    %scan3A_8 = arith.constant 320 : i32
    %scan3A_9 = arith.addi %scan3A_7, %scan3A_8 : i32
    %scan3A_10 = arith.constant 1 : i32
    scf.for %scan3A_109 = %scan3A_7 to %scan3A_9 step %scan3A_10  : i32 {
      %broadcast_in_dim3A = arith.constant 0.000000e+00 : f32
      %broadcast_in_dim3A_110 = vector.broadcast %broadcast_in_dim3A : f32 to vector<16xf32>
      %swap3A = arith.index_cast %scan3A_109 : i32 to index
      %swap3A_111 = arith.constant 0 : index
      %swap3A_112 = tpu.vector_load %arg8[%swap3A, %swap3A_111] {strides = array<i32>} : memref<512x64xf32, #tpu.memory_space<vmem>>, vector<1x16xf32>,
      %swap3A_113 = vector.shape_cast %swap3A_112 : vector<1x16xf32> to vector<16xf32>
      %swap3A_114 = vector.shape_cast %broadcast_in_dim3A_110 : vector<16xf32> to vector<1x16xf32>
      tpu.vector_store %arg8[%swap3A, %swap3A_111], %swap3A_114 {strides = array<i32>} : memref<512x64xf32, #tpu.memory_space<vmem>>, vector<1x16xf32>,
      %broadcast_in_dim3A_115 = arith.constant 0.000000e+00 : f32
      %broadcast_in_dim3A_116 = vector.broadcast %broadcast_in_dim3A_115 : f32 to vector<16xf32>
      %swap3A_117 = arith.index_cast %scan3A_109 : i32 to index
      %swap3A_118 = arith.constant 16 : index
      %swap3A_119 = tpu.vector_load %arg8[%swap3A_117, %swap3A_118] {strides = array<i32>} : memref<512x64xf32, #tpu.memory_space<vmem>>, vector<1x16xf32>,
      %swap3A_120 = vector.shape_cast %swap3A_119 : vector<1x16xf32> to vector<16xf32>
      %swap3A_121 = vector.shape_cast %broadcast_in_dim3A_116 : vector<16xf32> to vector<1x16xf32>
      tpu.vector_store %arg8[%swap3A_117, %swap3A_118], %swap3A_121 {strides = array<i32>} : memref<512x64xf32, #tpu.memory_space<vmem>>, vector<1x16xf32>,
      %broadcast_in_dim3A_122 = arith.constant 0.000000e+00 : f32
      %broadcast_in_dim3A_123 = vector.broadcast %broadcast_in_dim3A_122 : f32 to vector<16xf32>
      %swap3A_124 = arith.index_cast %scan3A_109 : i32 to index
      %swap3A_125 = arith.constant 32 : index
      %swap3A_126 = tpu.vector_load %arg8[%swap3A_124, %swap3A_125] {strides = array<i32>} : memref<512x64xf32, #tpu.memory_space<vmem>>, vector<1x16xf32>,
      %swap3A_127 = vector.shape_cast %swap3A_126 : vector<1x16xf32> to vector<16xf32>
      %swap3A_128 = vector.shape_cast %broadcast_in_dim3A_123 : vector<16xf32> to vector<1x16xf32>
      tpu.vector_store %arg8[%swap3A_124, %swap3A_125], %swap3A_128 {strides = array<i32>} : memref<512x64xf32, #tpu.memory_space<vmem>>, vector<1x16xf32>,
      %broadcast_in_dim3A_129 = arith.constant 0.000000e+00 : f32
      %broadcast_in_dim3A_130 = vector.broadcast %broadcast_in_dim3A_129 : f32 to vector<16xf32>
      %swap3A_131 = arith.index_cast %scan3A_109 : i32 to index
      %swap3A_132 = arith.constant 48 : index
      %swap3A_133 = tpu.vector_load %arg8[%swap3A_131, %swap3A_132] {strides = array<i32>} : memref<512x64xf32, #tpu.memory_space<vmem>>, vector<1x16xf32>,
      %swap3A_134 = vector.shape_cast %swap3A_133 : vector<1x16xf32> to vector<16xf32>
      %swap3A_135 = vector.shape_cast %broadcast_in_dim3A_130 : vector<16xf32> to vector<1x16xf32>
      tpu.vector_store %arg8[%swap3A_131, %swap3A_132], %swap3A_135 {strides = array<i32>} : memref<512x64xf32, #tpu.memory_space<vmem>>, vector<1x16xf32>,
    }
    %scan3A_11 = arith.constant 320 : i32
    "tpu.region"() ({
      %run_scoped3A = tpu.sem_alloc : memref<!tpu.dma_semaphore, #tpu.memory_space<semaphore_mem>>
      %dma_start3A_109 = arith.constant 0 : i32
      %dma_start3A_110 = arith.constant 0 : i32
      %dma_start3A_111 = tpu.memref_slice %arg8[%dma_start3A_109, %dma_start3A_110] : memref<512x64xf32, #tpu.memory_space<vmem>> -> memref<320x64xf32, #tpu.memory_space<vmem>>
      %dma_start3A_112 = arith.constant 0 : i32
      %dma_start3A_113 = tpu.memref_slice %arg9[%mul3A_2, %dma_start3A_112] : memref<10112x64xf32, #tpu.memory_space<vmem_shared>> -> memref<320x64xf32, #tpu.memory_space<vmem_shared>>
      %dma_start3A_114 = arith.constant 0 : i32
      %dma_start3A_115 = tpu.memref_slice %arg9[%mul3A_2, %dma_start3A_114] : memref<10112x64xf32, #tpu.memory_space<vmem_shared>> -> memref<320x64xf32, #tpu.memory_space<vmem_shared>>
      %dma_start3A_116 = arith.constant 0 : i32
      %dma_start3A_117 = arith.constant 0 : i32
      %dma_start3A_118 = tpu.memref_slice %arg8[%dma_start3A_116, %dma_start3A_117] : memref<512x64xf32, #tpu.memory_space<vmem>> -> memref<320x64xf32, #tpu.memory_space<vmem>>
      tpu.enqueue_dma source(%dma_start3A_118 : memref<320x64xf32, #tpu.memory_space<vmem>>) target(%dma_start3A_115 : memref<320x64xf32, #tpu.memory_space<vmem_shared>>) target_semaphore(%run_scoped3A : memref<!tpu.dma_semaphore, #tpu.memory_space<semaphore_mem>>)
      %dma_wait3A_119 = arith.constant 0 : i32
      %dma_wait3A_120 = arith.constant 0 : i32
      %dma_wait3A_121 = tpu.memref_slice %arg8[%dma_wait3A_119, %dma_wait3A_120] : memref<512x64xf32, #tpu.memory_space<vmem>> -> memref<320x64xf32, #tpu.memory_space<vmem>>
      %dma_wait3A_122 = arith.constant 0 : i32
      %dma_wait3A_123 = tpu.memref_slice %arg9[%mul3A_2, %dma_wait3A_122] : memref<10112x64xf32, #tpu.memory_space<vmem_shared>> -> memref<320x64xf32, #tpu.memory_space<vmem_shared>>
      %dma_wait3A_124 = arith.constant 0 : i32
      %dma_wait3A_125 = tpu.memref_slice %arg9[%mul3A_2, %dma_wait3A_124] : memref<10112x64xf32, #tpu.memory_space<vmem_shared>> -> memref<320x64xf32, #tpu.memory_space<vmem_shared>>
      %dma_wait3A_126 = arith.constant 0 : i32
      %dma_wait3A_127 = arith.constant 0 : i32
      %dma_wait3A_128 = tpu.memref_slice %arg8[%dma_wait3A_126, %dma_wait3A_127] : memref<512x64xf32, #tpu.memory_space<vmem>> -> memref<320x64xf32, #tpu.memory_space<vmem>>
      tpu.wait_dma2 semaphore(%run_scoped3A : memref<!tpu.dma_semaphore, #tpu.memory_space<semaphore_mem>>) src(%dma_wait3A_128 : memref<320x64xf32, #tpu.memory_space<vmem>>) dst(%dma_wait3A_125 : memref<320x64xf32, #tpu.memory_space<vmem_shared>>)
      tpu.yield
    }) : () -> ()
    %add3A_12 = arith.constant 320 : i32
    %add3A_13 = arith.addi %mul3A_2, %add3A_12 : i32
    "tpu.region"() ({
      %run_scoped3A = tpu.sem_alloc : memref<!tpu.dma_semaphore, #tpu.memory_space<semaphore_mem>>
      %dma_start3A_109 = arith.constant 0 : i32
      %dma_start3A_110 = arith.constant 0 : i32
      %dma_start3A_111 = tpu.memref_slice %arg8[%dma_start3A_109, %dma_start3A_110] : memref<512x64xf32, #tpu.memory_space<vmem>> -> memref<312x64xf32, #tpu.memory_space<vmem>>
      %dma_start3A_112 = arith.constant 0 : i32
      %dma_start3A_113 = tpu.memref_slice %arg9[%add3A_13, %dma_start3A_112] : memref<10112x64xf32, #tpu.memory_space<vmem_shared>> -> memref<312x64xf32, #tpu.memory_space<vmem_shared>>
      %dma_start3A_114 = arith.constant 0 : i32
      %dma_start3A_115 = tpu.memref_slice %arg9[%add3A_13, %dma_start3A_114] : memref<10112x64xf32, #tpu.memory_space<vmem_shared>> -> memref<312x64xf32, #tpu.memory_space<vmem_shared>>
      %dma_start3A_116 = arith.constant 0 : i32
      %dma_start3A_117 = arith.constant 0 : i32
      %dma_start3A_118 = tpu.memref_slice %arg8[%dma_start3A_116, %dma_start3A_117] : memref<512x64xf32, #tpu.memory_space<vmem>> -> memref<312x64xf32, #tpu.memory_space<vmem>>
      tpu.enqueue_dma source(%dma_start3A_118 : memref<312x64xf32, #tpu.memory_space<vmem>>) target(%dma_start3A_115 : memref<312x64xf32, #tpu.memory_space<vmem_shared>>) target_semaphore(%run_scoped3A : memref<!tpu.dma_semaphore, #tpu.memory_space<semaphore_mem>>)
      %dma_wait3A_119 = arith.constant 0 : i32
      %dma_wait3A_120 = arith.constant 0 : i32
      %dma_wait3A_121 = tpu.memref_slice %arg8[%dma_wait3A_119, %dma_wait3A_120] : memref<512x64xf32, #tpu.memory_space<vmem>> -> memref<312x64xf32, #tpu.memory_space<vmem>>
      %dma_wait3A_122 = arith.constant 0 : i32
      %dma_wait3A_123 = tpu.memref_slice %arg9[%add3A_13, %dma_wait3A_122] : memref<10112x64xf32, #tpu.memory_space<vmem_shared>> -> memref<312x64xf32, #tpu.memory_space<vmem_shared>>
      %dma_wait3A_124 = arith.constant 0 : i32
      %dma_wait3A_125 = tpu.memref_slice %arg9[%add3A_13, %dma_wait3A_124] : memref<10112x64xf32, #tpu.memory_space<vmem_shared>> -> memref<312x64xf32, #tpu.memory_space<vmem_shared>>
      %dma_wait3A_126 = arith.constant 0 : i32
      %dma_wait3A_127 = arith.constant 0 : i32
      %dma_wait3A_128 = tpu.memref_slice %arg8[%dma_wait3A_126, %dma_wait3A_127] : memref<512x64xf32, #tpu.memory_space<vmem>> -> memref<312x64xf32, #tpu.memory_space<vmem>>
      tpu.wait_dma2 semaphore(%run_scoped3A : memref<!tpu.dma_semaphore, #tpu.memory_space<semaphore_mem>>) src(%dma_wait3A_128 : memref<312x64xf32, #tpu.memory_space<vmem>>) dst(%dma_wait3A_125 : memref<312x64xf32, #tpu.memory_space<vmem_shared>>)
      tpu.yield
    }) : () -> ()
    %barrier3A = arith.constant 0 : index
    tpu.barrier barrier_id(%barrier3A)
    "tpu.region"() ({
      %run_scoped3A = tpu.sem_alloc : memref<!tpu.dma_semaphore, #tpu.memory_space<semaphore_mem>>
      %dma_start3A_109 = arith.constant 0 : i32
      %dma_start3A_110 = arith.constant 0 : i32
      %dma_start3A_111 = tpu.memref_slice %arg3[%add3A, %dma_start3A_109, %dma_start3A_110] : memref<32x80x128xi32, #tpu.memory_space<hbm>> -> memref<1x40x128xi32, #tpu.memory_space<hbm>>
      %dma_start3A_112 = tpu.memref_squeeze %dma_start3A_111 : memref<1x40x128xi32, #tpu.memory_space<hbm>> -> memref<40x128xi32, #tpu.memory_space<hbm>>
      %dma_start3A_113 = arith.constant 0 : i32
      %dma_start3A_114 = arith.constant 0 : i32
      %dma_start3A_115 = tpu.memref_slice %arg3[%add3A, %dma_start3A_113, %dma_start3A_114] : memref<32x80x128xi32, #tpu.memory_space<hbm>> -> memref<1x40x128xi32, #tpu.memory_space<hbm>>
      %dma_start3A_116 = tpu.memref_squeeze %dma_start3A_115 : memref<1x40x128xi32, #tpu.memory_space<hbm>> -> memref<40x128xi32, #tpu.memory_space<hbm>>
      tpu.enqueue_dma source(%dma_start3A_116 : memref<40x128xi32, #tpu.memory_space<hbm>>) target(%arg6 : memref<40x128xi32, #tpu.memory_space<vmem>>) target_semaphore(%run_scoped3A : memref<!tpu.dma_semaphore, #tpu.memory_space<semaphore_mem>>)
      %dma_wait3A_117 = arith.constant 0 : i32
      %dma_wait3A_118 = arith.constant 0 : i32
      %dma_wait3A_119 = tpu.memref_slice %arg3[%add3A, %dma_wait3A_117, %dma_wait3A_118] : memref<32x80x128xi32, #tpu.memory_space<hbm>> -> memref<1x40x128xi32, #tpu.memory_space<hbm>>
      %dma_wait3A_120 = tpu.memref_squeeze %dma_wait3A_119 : memref<1x40x128xi32, #tpu.memory_space<hbm>> -> memref<40x128xi32, #tpu.memory_space<hbm>>
      %dma_wait3A_121 = arith.constant 0 : i32
      %dma_wait3A_122 = arith.constant 0 : i32
      %dma_wait3A_123 = tpu.memref_slice %arg3[%add3A, %dma_wait3A_121, %dma_wait3A_122] : memref<32x80x128xi32, #tpu.memory_space<hbm>> -> memref<1x40x128xi32, #tpu.memory_space<hbm>>
      %dma_wait3A_124 = tpu.memref_squeeze %dma_wait3A_123 : memref<1x40x128xi32, #tpu.memory_space<hbm>> -> memref<40x128xi32, #tpu.memory_space<hbm>>
      tpu.wait_dma2 semaphore(%run_scoped3A : memref<!tpu.dma_semaphore, #tpu.memory_space<semaphore_mem>>) src(%dma_wait3A_124 : memref<40x128xi32, #tpu.memory_space<hbm>>) dst(%arg6 : memref<40x128xi32, #tpu.memory_space<vmem>>)
      tpu.yield
    }) : () -> ()
    "tpu.region"() ({
      %run_scoped3A = tpu.sem_alloc : memref<!tpu.dma_semaphore, #tpu.memory_space<semaphore_mem>>
      %dma_start3A_109 = arith.constant 0 : i32
      %dma_start3A_110 = arith.constant 0 : i32
      %dma_start3A_111 = tpu.memref_slice %arg4[%add3A, %dma_start3A_109, %dma_start3A_110] : memref<32x80x128xi32, #tpu.memory_space<hbm>> -> memref<1x40x128xi32, #tpu.memory_space<hbm>>
      %dma_start3A_112 = tpu.memref_squeeze %dma_start3A_111 : memref<1x40x128xi32, #tpu.memory_space<hbm>> -> memref<40x128xi32, #tpu.memory_space<hbm>>
      %dma_start3A_113 = arith.constant 0 : i32
      %dma_start3A_114 = arith.constant 0 : i32
      %dma_start3A_115 = tpu.memref_slice %arg4[%add3A, %dma_start3A_113, %dma_start3A_114] : memref<32x80x128xi32, #tpu.memory_space<hbm>> -> memref<1x40x128xi32, #tpu.memory_space<hbm>>
      %dma_start3A_116 = tpu.memref_squeeze %dma_start3A_115 : memref<1x40x128xi32, #tpu.memory_space<hbm>> -> memref<40x128xi32, #tpu.memory_space<hbm>>
      tpu.enqueue_dma source(%dma_start3A_116 : memref<40x128xi32, #tpu.memory_space<hbm>>) target(%arg7 : memref<40x128xi32, #tpu.memory_space<vmem>>) target_semaphore(%run_scoped3A : memref<!tpu.dma_semaphore, #tpu.memory_space<semaphore_mem>>)
      %dma_wait3A_117 = arith.constant 0 : i32
      %dma_wait3A_118 = arith.constant 0 : i32
      %dma_wait3A_119 = tpu.memref_slice %arg4[%add3A, %dma_wait3A_117, %dma_wait3A_118] : memref<32x80x128xi32, #tpu.memory_space<hbm>> -> memref<1x40x128xi32, #tpu.memory_space<hbm>>
      %dma_wait3A_120 = tpu.memref_squeeze %dma_wait3A_119 : memref<1x40x128xi32, #tpu.memory_space<hbm>> -> memref<40x128xi32, #tpu.memory_space<hbm>>
      %dma_wait3A_121 = arith.constant 0 : i32
      %dma_wait3A_122 = arith.constant 0 : i32
      %dma_wait3A_123 = tpu.memref_slice %arg4[%add3A, %dma_wait3A_121, %dma_wait3A_122] : memref<32x80x128xi32, #tpu.memory_space<hbm>> -> memref<1x40x128xi32, #tpu.memory_space<hbm>>
      %dma_wait3A_124 = tpu.memref_squeeze %dma_wait3A_123 : memref<1x40x128xi32, #tpu.memory_space<hbm>> -> memref<40x128xi32, #tpu.memory_space<hbm>>
      tpu.wait_dma2 semaphore(%run_scoped3A : memref<!tpu.dma_semaphore, #tpu.memory_space<semaphore_mem>>) src(%dma_wait3A_124 : memref<40x128xi32, #tpu.memory_space<hbm>>) dst(%arg7 : memref<40x128xi32, #tpu.memory_space<vmem>>)
      tpu.yield
    }) : () -> ()
    %dma_start3A = arith.constant 0 : i32
    %dma_start3A_14 = arith.constant 0 : i32
    %dma_start3A_15 = arith.constant 0 : i32
    %dma_start3A_16 = tpu.memref_slice %arg8[%dma_start3A_14, %dma_start3A_15] : memref<512x64xf32, #tpu.memory_space<vmem>> -> memref<128x64xf32, #tpu.memory_space<vmem>>
    %dma_start3A_17 = arith.constant 0 : i32
    %dma_start3A_18 = tpu.memref_slice %arg6[%dma_start3A, %dma_start3A_17] : memref<40x128xi32, #tpu.memory_space<vmem>> -> memref<1x128xi32, #tpu.memory_space<vmem>>
    %dma_start3A_19 = tpu.memref_squeeze %dma_start3A_18 : memref<1x128xi32, #tpu.memory_space<vmem>> -> memref<128xi32, #tpu.memory_space<vmem>>
    %dma_start3A_20 = arith.constant 0 : i32
    %dma_start3A_21 = arith.constant 0 : i32
    %dma_start3A_22 = tpu.memref_slice %arg10[%dma_start3A_20, %dma_start3A_21] : memref<10112x64xf32, #tpu.memory_space<vmem_shared>> -> memref<10112x64xf32, #tpu.memory_space<vmem_shared>>
    tpu.enqueue_indirect_dma source(%dma_start3A_22 : memref<10112x64xf32, #tpu.memory_space<vmem_shared>>) target(%dma_start3A_16 : memref<128x64xf32, #tpu.memory_space<vmem>>) offsets(%dma_start3A_19 : memref<128xi32, #tpu.memory_space<vmem>>) semaphore(%arg11 : memref<!tpu.dma_semaphore, #tpu.memory_space<semaphore_mem>>)
    %dma_start3A_23 = arith.constant 1 : i32
    %dma_start3A_24 = arith.constant 128 : i32
    %dma_start3A_25 = arith.constant 0 : i32
    %dma_start3A_26 = tpu.memref_slice %arg8[%dma_start3A_24, %dma_start3A_25] : memref<512x64xf32, #tpu.memory_space<vmem>> -> memref<128x64xf32, #tpu.memory_space<vmem>>
    %dma_start3A_27 = arith.constant 0 : i32
    %dma_start3A_28 = tpu.memref_slice %arg6[%dma_start3A_23, %dma_start3A_27] : memref<40x128xi32, #tpu.memory_space<vmem>> -> memref<1x128xi32, #tpu.memory_space<vmem>>
    %dma_start3A_29 = tpu.memref_squeeze %dma_start3A_28 : memref<1x128xi32, #tpu.memory_space<vmem>> -> memref<128xi32, #tpu.memory_space<vmem>>
    %dma_start3A_30 = arith.constant 0 : i32
    %dma_start3A_31 = arith.constant 0 : i32
    %dma_start3A_32 = tpu.memref_slice %arg10[%dma_start3A_30, %dma_start3A_31] : memref<10112x64xf32, #tpu.memory_space<vmem_shared>> -> memref<10112x64xf32, #tpu.memory_space<vmem_shared>>
    tpu.enqueue_indirect_dma source(%dma_start3A_32 : memref<10112x64xf32, #tpu.memory_space<vmem_shared>>) target(%dma_start3A_26 : memref<128x64xf32, #tpu.memory_space<vmem>>) offsets(%dma_start3A_29 : memref<128xi32, #tpu.memory_space<vmem>>) semaphore(%arg12 : memref<!tpu.dma_semaphore, #tpu.memory_space<semaphore_mem>>)
    %scan3A_33 = arith.constant 0 : i32
    %scan3A_34 = arith.constant 0 : i32
    %scan3A_35 = arith.constant 10 : i32
    %scan3A_36 = arith.addi %scan3A_34, %scan3A_35 : i32
    %scan3A_37 = arith.constant 1 : i32
    scf.for %scan3A_109 = %scan3A_34 to %scan3A_36 step %scan3A_37  : i32 {
      %mul3A_110 = arith.constant 4 : i32
      %mul3A_111 = arith.muli %mul3A_110, %scan3A_109 : i32
      %add3A_112 = arith.constant 0 : i32
      %add3A_113 = arith.addi %mul3A_111, %add3A_112 : i32
      %dma_wait3A_114 = arith.constant 0 : i32
      %dma_wait3A_115 = arith.constant 0 : i32
      %dma_wait3A_116 = tpu.memref_slice %arg8[%dma_wait3A_114, %dma_wait3A_115] : memref<512x64xf32, #tpu.memory_space<vmem>> -> memref<128x64xf32, #tpu.memory_space<vmem>>
      %dma_wait3A_117 = arith.constant 0 : i32
      %dma_wait3A_118 = tpu.memref_slice %arg6[%add3A_113, %dma_wait3A_117] : memref<40x128xi32, #tpu.memory_space<vmem>> -> memref<1x128xi32, #tpu.memory_space<vmem>>
      %dma_wait3A_119 = tpu.memref_squeeze %dma_wait3A_118 : memref<1x128xi32, #tpu.memory_space<vmem>> -> memref<128xi32, #tpu.memory_space<vmem>>
      %dma_wait3A_120 = arith.constant 0 : i32
      %dma_wait3A_121 = arith.constant 0 : i32
      %dma_wait3A_122 = tpu.memref_slice %arg10[%dma_wait3A_120, %dma_wait3A_121] : memref<10112x64xf32, #tpu.memory_space<vmem_shared>> -> memref<10112x64xf32, #tpu.memory_space<vmem_shared>>
      tpu.wait_indirect_dma semaphore(%arg11 : memref<!tpu.dma_semaphore, #tpu.memory_space<semaphore_mem>>) src(%dma_wait3A_122 : memref<10112x64xf32, #tpu.memory_space<vmem_shared>>) dst(%dma_wait3A_116 : memref<128x64xf32, #tpu.memory_space<vmem>>)
      %dma_start3A_123 = arith.constant 0 : i32
      %dma_start3A_124 = arith.constant 0 : i32
      %dma_start3A_125 = tpu.memref_slice %arg8[%dma_start3A_123, %dma_start3A_124] : memref<512x64xf32, #tpu.memory_space<vmem>> -> memref<128x64xf32, #tpu.memory_space<vmem>>
      %dma_start3A_126 = arith.constant 0 : i32
      %dma_start3A_127 = tpu.memref_slice %arg7[%add3A_113, %dma_start3A_126] : memref<40x128xi32, #tpu.memory_space<vmem>> -> memref<1x128xi32, #tpu.memory_space<vmem>>
      %dma_start3A_128 = tpu.memref_squeeze %dma_start3A_127 : memref<1x128xi32, #tpu.memory_space<vmem>> -> memref<128xi32, #tpu.memory_space<vmem>>
      %dma_start3A_129 = arith.constant 0 : i32
      %dma_start3A_130 = arith.constant 0 : i32
      %dma_start3A_131 = tpu.memref_slice %arg9[%dma_start3A_129, %dma_start3A_130] : memref<10112x64xf32, #tpu.memory_space<vmem_shared>> -> memref<10112x64xf32, #tpu.memory_space<vmem_shared>>
      tpu.enqueue_indirect_dma source(%dma_start3A_125 : memref<128x64xf32, #tpu.memory_space<vmem>>) target(%dma_start3A_131 : memref<10112x64xf32, #tpu.memory_space<vmem_shared>>) offsets(%dma_start3A_128 : memref<128xi32, #tpu.memory_space<vmem>>) semaphore(%arg15 : memref<!tpu.dma_semaphore, #tpu.memory_space<semaphore_mem>>) {add = true}
      %ge3A = arith.constant 2 : i32
      %ge3A_132 = arith.cmpi sge, %add3A_113, %ge3A : i32
      %convert_element_type3A = arith.extui %ge3A_132 : i1 to i32
      %cond3A = arith.constant 0 : i32
      %cond3A_133 = arith.cmpi ne, %convert_element_type3A, %cond3A : i32
      scf.if %cond3A_133 {
        %sub3A = arith.constant 2 : i32
        %sub3A_242 = arith.subi %add3A_113, %sub3A : i32
        %dma_wait3A_243 = arith.constant 256 : i32
        %dma_wait3A_244 = arith.constant 0 : i32
        %dma_wait3A_245 = tpu.memref_slice %arg8[%dma_wait3A_243, %dma_wait3A_244] : memref<512x64xf32, #tpu.memory_space<vmem>> -> memref<128x64xf32, #tpu.memory_space<vmem>>
        %dma_wait3A_246 = arith.constant 0 : i32
        %dma_wait3A_247 = tpu.memref_slice %arg7[%sub3A_242, %dma_wait3A_246] : memref<40x128xi32, #tpu.memory_space<vmem>> -> memref<1x128xi32, #tpu.memory_space<vmem>>
        %dma_wait3A_248 = tpu.memref_squeeze %dma_wait3A_247 : memref<1x128xi32, #tpu.memory_space<vmem>> -> memref<128xi32, #tpu.memory_space<vmem>>
        %dma_wait3A_249 = arith.constant 0 : i32
        %dma_wait3A_250 = arith.constant 0 : i32
        %dma_wait3A_251 = tpu.memref_slice %arg9[%dma_wait3A_249, %dma_wait3A_250] : memref<10112x64xf32, #tpu.memory_space<vmem_shared>> -> memref<10112x64xf32, #tpu.memory_space<vmem_shared>>
        tpu.wait_indirect_dma semaphore(%arg17 : memref<!tpu.dma_semaphore, #tpu.memory_space<semaphore_mem>>) src(%dma_wait3A_245 : memref<128x64xf32, #tpu.memory_space<vmem>>) dst(%dma_wait3A_251 : memref<10112x64xf32, #tpu.memory_space<vmem_shared>>)
      } else {
      }
      %add3A_134 = arith.constant 2 : i32
      %add3A_135 = arith.addi %add3A_113, %add3A_134 : i32
      %lt3A = arith.constant 40 : i32
      %lt3A_136 = arith.cmpi slt, %add3A_135, %lt3A : i32
      %convert_element_type3A_137 = arith.extui %lt3A_136 : i1 to i32
      %cond3A_138 = arith.constant 0 : i32
      %cond3A_139 = arith.cmpi ne, %convert_element_type3A_137, %cond3A_138 : i32
      scf.if %cond3A_139 {
        %add3A_242 = arith.constant 2 : i32
        %add3A_243 = arith.addi %add3A_113, %add3A_242 : i32
        %dma_start3A_244 = arith.constant 256 : i32
        %dma_start3A_245 = arith.constant 0 : i32
        %dma_start3A_246 = tpu.memref_slice %arg8[%dma_start3A_244, %dma_start3A_245] : memref<512x64xf32, #tpu.memory_space<vmem>> -> memref<128x64xf32, #tpu.memory_space<vmem>>
        %dma_start3A_247 = arith.constant 0 : i32
        %dma_start3A_248 = tpu.memref_slice %arg6[%add3A_243, %dma_start3A_247] : memref<40x128xi32, #tpu.memory_space<vmem>> -> memref<1x128xi32, #tpu.memory_space<vmem>>
        %dma_start3A_249 = tpu.memref_squeeze %dma_start3A_248 : memref<1x128xi32, #tpu.memory_space<vmem>> -> memref<128xi32, #tpu.memory_space<vmem>>
        %dma_start3A_250 = arith.constant 0 : i32
        %dma_start3A_251 = arith.constant 0 : i32
        %dma_start3A_252 = tpu.memref_slice %arg10[%dma_start3A_250, %dma_start3A_251] : memref<10112x64xf32, #tpu.memory_space<vmem_shared>> -> memref<10112x64xf32, #tpu.memory_space<vmem_shared>>
        tpu.enqueue_indirect_dma source(%dma_start3A_252 : memref<10112x64xf32, #tpu.memory_space<vmem_shared>>) target(%dma_start3A_246 : memref<128x64xf32, #tpu.memory_space<vmem>>) offsets(%dma_start3A_249 : memref<128xi32, #tpu.memory_space<vmem>>) semaphore(%arg13 : memref<!tpu.dma_semaphore, #tpu.memory_space<semaphore_mem>>)
      } else {
      }
      %mul3A_140 = arith.constant 4 : i32
      %mul3A_141 = arith.muli %mul3A_140, %scan3A_109 : i32
      %add3A_142 = arith.constant 1 : i32
      %add3A_143 = arith.addi %mul3A_141, %add3A_142 : i32
      %dma_wait3A_144 = arith.constant 128 : i32
      %dma_wait3A_145 = arith.constant 0 : i32
      %dma_wait3A_146 = tpu.memref_slice %arg8[%dma_wait3A_144, %dma_wait3A_145] : memref<512x64xf32, #tpu.memory_space<vmem>> -> memref<128x64xf32, #tpu.memory_space<vmem>>
      %dma_wait3A_147 = arith.constant 0 : i32
      %dma_wait3A_148 = tpu.memref_slice %arg6[%add3A_143, %dma_wait3A_147] : memref<40x128xi32, #tpu.memory_space<vmem>> -> memref<1x128xi32, #tpu.memory_space<vmem>>
      %dma_wait3A_149 = tpu.memref_squeeze %dma_wait3A_148 : memref<1x128xi32, #tpu.memory_space<vmem>> -> memref<128xi32, #tpu.memory_space<vmem>>
      %dma_wait3A_150 = arith.constant 0 : i32
      %dma_wait3A_151 = arith.constant 0 : i32
      %dma_wait3A_152 = tpu.memref_slice %arg10[%dma_wait3A_150, %dma_wait3A_151] : memref<10112x64xf32, #tpu.memory_space<vmem_shared>> -> memref<10112x64xf32, #tpu.memory_space<vmem_shared>>
      tpu.wait_indirect_dma semaphore(%arg12 : memref<!tpu.dma_semaphore, #tpu.memory_space<semaphore_mem>>) src(%dma_wait3A_152 : memref<10112x64xf32, #tpu.memory_space<vmem_shared>>) dst(%dma_wait3A_146 : memref<128x64xf32, #tpu.memory_space<vmem>>)
      %dma_start3A_153 = arith.constant 128 : i32
      %dma_start3A_154 = arith.constant 0 : i32
      %dma_start3A_155 = tpu.memref_slice %arg8[%dma_start3A_153, %dma_start3A_154] : memref<512x64xf32, #tpu.memory_space<vmem>> -> memref<128x64xf32, #tpu.memory_space<vmem>>
      %dma_start3A_156 = arith.constant 0 : i32
      %dma_start3A_157 = tpu.memref_slice %arg7[%add3A_143, %dma_start3A_156] : memref<40x128xi32, #tpu.memory_space<vmem>> -> memref<1x128xi32, #tpu.memory_space<vmem>>
      %dma_start3A_158 = tpu.memref_squeeze %dma_start3A_157 : memref<1x128xi32, #tpu.memory_space<vmem>> -> memref<128xi32, #tpu.memory_space<vmem>>
      %dma_start3A_159 = arith.constant 0 : i32
      %dma_start3A_160 = arith.constant 0 : i32
      %dma_start3A_161 = tpu.memref_slice %arg9[%dma_start3A_159, %dma_start3A_160] : memref<10112x64xf32, #tpu.memory_space<vmem_shared>> -> memref<10112x64xf32, #tpu.memory_space<vmem_shared>>
      tpu.enqueue_indirect_dma source(%dma_start3A_155 : memref<128x64xf32, #tpu.memory_space<vmem>>) target(%dma_start3A_161 : memref<10112x64xf32, #tpu.memory_space<vmem_shared>>) offsets(%dma_start3A_158 : memref<128xi32, #tpu.memory_space<vmem>>) semaphore(%arg16 : memref<!tpu.dma_semaphore, #tpu.memory_space<semaphore_mem>>) {add = true}
      %ge3A_162 = arith.constant 2 : i32
      %ge3A_163 = arith.cmpi sge, %add3A_143, %ge3A_162 : i32
      %convert_element_type3A_164 = arith.extui %ge3A_163 : i1 to i32
      %cond3A_165 = arith.constant 0 : i32
      %cond3A_166 = arith.cmpi ne, %convert_element_type3A_164, %cond3A_165 : i32
      scf.if %cond3A_166 {
        %sub3A = arith.constant 2 : i32
        %sub3A_242 = arith.subi %add3A_143, %sub3A : i32
        %dma_wait3A_243 = arith.constant 384 : i32
        %dma_wait3A_244 = arith.constant 0 : i32
        %dma_wait3A_245 = tpu.memref_slice %arg8[%dma_wait3A_243, %dma_wait3A_244] : memref<512x64xf32, #tpu.memory_space<vmem>> -> memref<128x64xf32, #tpu.memory_space<vmem>>
        %dma_wait3A_246 = arith.constant 0 : i32
        %dma_wait3A_247 = tpu.memref_slice %arg7[%sub3A_242, %dma_wait3A_246] : memref<40x128xi32, #tpu.memory_space<vmem>> -> memref<1x128xi32, #tpu.memory_space<vmem>>
        %dma_wait3A_248 = tpu.memref_squeeze %dma_wait3A_247 : memref<1x128xi32, #tpu.memory_space<vmem>> -> memref<128xi32, #tpu.memory_space<vmem>>
        %dma_wait3A_249 = arith.constant 0 : i32
        %dma_wait3A_250 = arith.constant 0 : i32
        %dma_wait3A_251 = tpu.memref_slice %arg9[%dma_wait3A_249, %dma_wait3A_250] : memref<10112x64xf32, #tpu.memory_space<vmem_shared>> -> memref<10112x64xf32, #tpu.memory_space<vmem_shared>>
        tpu.wait_indirect_dma semaphore(%arg18 : memref<!tpu.dma_semaphore, #tpu.memory_space<semaphore_mem>>) src(%dma_wait3A_245 : memref<128x64xf32, #tpu.memory_space<vmem>>) dst(%dma_wait3A_251 : memref<10112x64xf32, #tpu.memory_space<vmem_shared>>)
      } else {
      }
      %add3A_167 = arith.constant 2 : i32
      %add3A_168 = arith.addi %add3A_143, %add3A_167 : i32
      %lt3A_169 = arith.constant 40 : i32
      %lt3A_170 = arith.cmpi slt, %add3A_168, %lt3A_169 : i32
      %convert_element_type3A_171 = arith.extui %lt3A_170 : i1 to i32
      %cond3A_172 = arith.constant 0 : i32
      %cond3A_173 = arith.cmpi ne, %convert_element_type3A_171, %cond3A_172 : i32
      scf.if %cond3A_173 {
        %add3A_242 = arith.constant 2 : i32
        %add3A_243 = arith.addi %add3A_143, %add3A_242 : i32
        %dma_start3A_244 = arith.constant 384 : i32
        %dma_start3A_245 = arith.constant 0 : i32
        %dma_start3A_246 = tpu.memref_slice %arg8[%dma_start3A_244, %dma_start3A_245] : memref<512x64xf32, #tpu.memory_space<vmem>> -> memref<128x64xf32, #tpu.memory_space<vmem>>
        %dma_start3A_247 = arith.constant 0 : i32
        %dma_start3A_248 = tpu.memref_slice %arg6[%add3A_243, %dma_start3A_247] : memref<40x128xi32, #tpu.memory_space<vmem>> -> memref<1x128xi32, #tpu.memory_space<vmem>>
        %dma_start3A_249 = tpu.memref_squeeze %dma_start3A_248 : memref<1x128xi32, #tpu.memory_space<vmem>> -> memref<128xi32, #tpu.memory_space<vmem>>
        %dma_start3A_250 = arith.constant 0 : i32
        %dma_start3A_251 = arith.constant 0 : i32
        %dma_start3A_252 = tpu.memref_slice %arg10[%dma_start3A_250, %dma_start3A_251] : memref<10112x64xf32, #tpu.memory_space<vmem_shared>> -> memref<10112x64xf32, #tpu.memory_space<vmem_shared>>
        tpu.enqueue_indirect_dma source(%dma_start3A_252 : memref<10112x64xf32, #tpu.memory_space<vmem_shared>>) target(%dma_start3A_246 : memref<128x64xf32, #tpu.memory_space<vmem>>) offsets(%dma_start3A_249 : memref<128xi32, #tpu.memory_space<vmem>>) semaphore(%arg14 : memref<!tpu.dma_semaphore, #tpu.memory_space<semaphore_mem>>)
      } else {
      }
      %mul3A_174 = arith.constant 4 : i32
      %mul3A_175 = arith.muli %mul3A_174, %scan3A_109 : i32
      %add3A_176 = arith.constant 2 : i32
      %add3A_177 = arith.addi %mul3A_175, %add3A_176 : i32
      %dma_wait3A_178 = arith.constant 256 : i32
      %dma_wait3A_179 = arith.constant 0 : i32
      %dma_wait3A_180 = tpu.memref_slice %arg8[%dma_wait3A_178, %dma_wait3A_179] : memref<512x64xf32, #tpu.memory_space<vmem>> -> memref<128x64xf32, #tpu.memory_space<vmem>>
      %dma_wait3A_181 = arith.constant 0 : i32
      %dma_wait3A_182 = tpu.memref_slice %arg6[%add3A_177, %dma_wait3A_181] : memref<40x128xi32, #tpu.memory_space<vmem>> -> memref<1x128xi32, #tpu.memory_space<vmem>>
      %dma_wait3A_183 = tpu.memref_squeeze %dma_wait3A_182 : memref<1x128xi32, #tpu.memory_space<vmem>> -> memref<128xi32, #tpu.memory_space<vmem>>
      %dma_wait3A_184 = arith.constant 0 : i32
      %dma_wait3A_185 = arith.constant 0 : i32
      %dma_wait3A_186 = tpu.memref_slice %arg10[%dma_wait3A_184, %dma_wait3A_185] : memref<10112x64xf32, #tpu.memory_space<vmem_shared>> -> memref<10112x64xf32, #tpu.memory_space<vmem_shared>>
      tpu.wait_indirect_dma semaphore(%arg13 : memref<!tpu.dma_semaphore, #tpu.memory_space<semaphore_mem>>) src(%dma_wait3A_186 : memref<10112x64xf32, #tpu.memory_space<vmem_shared>>) dst(%dma_wait3A_180 : memref<128x64xf32, #tpu.memory_space<vmem>>)
      %dma_start3A_187 = arith.constant 256 : i32
      %dma_start3A_188 = arith.constant 0 : i32
      %dma_start3A_189 = tpu.memref_slice %arg8[%dma_start3A_187, %dma_start3A_188] : memref<512x64xf32, #tpu.memory_space<vmem>> -> memref<128x64xf32, #tpu.memory_space<vmem>>
      %dma_start3A_190 = arith.constant 0 : i32
      %dma_start3A_191 = tpu.memref_slice %arg7[%add3A_177, %dma_start3A_190] : memref<40x128xi32, #tpu.memory_space<vmem>> -> memref<1x128xi32, #tpu.memory_space<vmem>>
      %dma_start3A_192 = tpu.memref_squeeze %dma_start3A_191 : memref<1x128xi32, #tpu.memory_space<vmem>> -> memref<128xi32, #tpu.memory_space<vmem>>
      %dma_start3A_193 = arith.constant 0 : i32
      %dma_start3A_194 = arith.constant 0 : i32
      %dma_start3A_195 = tpu.memref_slice %arg9[%dma_start3A_193, %dma_start3A_194] : memref<10112x64xf32, #tpu.memory_space<vmem_shared>> -> memref<10112x64xf32, #tpu.memory_space<vmem_shared>>
      tpu.enqueue_indirect_dma source(%dma_start3A_189 : memref<128x64xf32, #tpu.memory_space<vmem>>) target(%dma_start3A_195 : memref<10112x64xf32, #tpu.memory_space<vmem_shared>>) offsets(%dma_start3A_192 : memref<128xi32, #tpu.memory_space<vmem>>) semaphore(%arg17 : memref<!tpu.dma_semaphore, #tpu.memory_space<semaphore_mem>>) {add = true}
      %ge3A_196 = arith.constant 2 : i32
      %ge3A_197 = arith.cmpi sge, %add3A_177, %ge3A_196 : i32
      %convert_element_type3A_198 = arith.extui %ge3A_197 : i1 to i32
      %cond3A_199 = arith.constant 0 : i32
      %cond3A_200 = arith.cmpi ne, %convert_element_type3A_198, %cond3A_199 : i32
      scf.if %cond3A_200 {
        %sub3A = arith.constant 2 : i32
        %sub3A_242 = arith.subi %add3A_177, %sub3A : i32
        %dma_wait3A_243 = arith.constant 0 : i32
        %dma_wait3A_244 = arith.constant 0 : i32
        %dma_wait3A_245 = tpu.memref_slice %arg8[%dma_wait3A_243, %dma_wait3A_244] : memref<512x64xf32, #tpu.memory_space<vmem>> -> memref<128x64xf32, #tpu.memory_space<vmem>>
        %dma_wait3A_246 = arith.constant 0 : i32
        %dma_wait3A_247 = tpu.memref_slice %arg7[%sub3A_242, %dma_wait3A_246] : memref<40x128xi32, #tpu.memory_space<vmem>> -> memref<1x128xi32, #tpu.memory_space<vmem>>
        %dma_wait3A_248 = tpu.memref_squeeze %dma_wait3A_247 : memref<1x128xi32, #tpu.memory_space<vmem>> -> memref<128xi32, #tpu.memory_space<vmem>>
        %dma_wait3A_249 = arith.constant 0 : i32
        %dma_wait3A_250 = arith.constant 0 : i32
        %dma_wait3A_251 = tpu.memref_slice %arg9[%dma_wait3A_249, %dma_wait3A_250] : memref<10112x64xf32, #tpu.memory_space<vmem_shared>> -> memref<10112x64xf32, #tpu.memory_space<vmem_shared>>
        tpu.wait_indirect_dma semaphore(%arg15 : memref<!tpu.dma_semaphore, #tpu.memory_space<semaphore_mem>>) src(%dma_wait3A_245 : memref<128x64xf32, #tpu.memory_space<vmem>>) dst(%dma_wait3A_251 : memref<10112x64xf32, #tpu.memory_space<vmem_shared>>)
      } else {
      }
      %add3A_201 = arith.constant 2 : i32
      %add3A_202 = arith.addi %add3A_177, %add3A_201 : i32
      %lt3A_203 = arith.constant 40 : i32
      %lt3A_204 = arith.cmpi slt, %add3A_202, %lt3A_203 : i32
      %convert_element_type3A_205 = arith.extui %lt3A_204 : i1 to i32
      %cond3A_206 = arith.constant 0 : i32
      %cond3A_207 = arith.cmpi ne, %convert_element_type3A_205, %cond3A_206 : i32
      scf.if %cond3A_207 {
        %add3A_242 = arith.constant 2 : i32
        %add3A_243 = arith.addi %add3A_177, %add3A_242 : i32
        %dma_start3A_244 = arith.constant 0 : i32
        %dma_start3A_245 = arith.constant 0 : i32
        %dma_start3A_246 = tpu.memref_slice %arg8[%dma_start3A_244, %dma_start3A_245] : memref<512x64xf32, #tpu.memory_space<vmem>> -> memref<128x64xf32, #tpu.memory_space<vmem>>
        %dma_start3A_247 = arith.constant 0 : i32
        %dma_start3A_248 = tpu.memref_slice %arg6[%add3A_243, %dma_start3A_247] : memref<40x128xi32, #tpu.memory_space<vmem>> -> memref<1x128xi32, #tpu.memory_space<vmem>>
        %dma_start3A_249 = tpu.memref_squeeze %dma_start3A_248 : memref<1x128xi32, #tpu.memory_space<vmem>> -> memref<128xi32, #tpu.memory_space<vmem>>
        %dma_start3A_250 = arith.constant 0 : i32
        %dma_start3A_251 = arith.constant 0 : i32
        %dma_start3A_252 = tpu.memref_slice %arg10[%dma_start3A_250, %dma_start3A_251] : memref<10112x64xf32, #tpu.memory_space<vmem_shared>> -> memref<10112x64xf32, #tpu.memory_space<vmem_shared>>
        tpu.enqueue_indirect_dma source(%dma_start3A_252 : memref<10112x64xf32, #tpu.memory_space<vmem_shared>>) target(%dma_start3A_246 : memref<128x64xf32, #tpu.memory_space<vmem>>) offsets(%dma_start3A_249 : memref<128xi32, #tpu.memory_space<vmem>>) semaphore(%arg11 : memref<!tpu.dma_semaphore, #tpu.memory_space<semaphore_mem>>)
      } else {
      }
      %mul3A_208 = arith.constant 4 : i32
      %mul3A_209 = arith.muli %mul3A_208, %scan3A_109 : i32
      %add3A_210 = arith.constant 3 : i32
      %add3A_211 = arith.addi %mul3A_209, %add3A_210 : i32
      %dma_wait3A_212 = arith.constant 384 : i32
      %dma_wait3A_213 = arith.constant 0 : i32
      %dma_wait3A_214 = tpu.memref_slice %arg8[%dma_wait3A_212, %dma_wait3A_213] : memref<512x64xf32, #tpu.memory_space<vmem>> -> memref<128x64xf32, #tpu.memory_space<vmem>>
      %dma_wait3A_215 = arith.constant 0 : i32
      %dma_wait3A_216 = tpu.memref_slice %arg6[%add3A_211, %dma_wait3A_215] : memref<40x128xi32, #tpu.memory_space<vmem>> -> memref<1x128xi32, #tpu.memory_space<vmem>>
      %dma_wait3A_217 = tpu.memref_squeeze %dma_wait3A_216 : memref<1x128xi32, #tpu.memory_space<vmem>> -> memref<128xi32, #tpu.memory_space<vmem>>
      %dma_wait3A_218 = arith.constant 0 : i32
      %dma_wait3A_219 = arith.constant 0 : i32
      %dma_wait3A_220 = tpu.memref_slice %arg10[%dma_wait3A_218, %dma_wait3A_219] : memref<10112x64xf32, #tpu.memory_space<vmem_shared>> -> memref<10112x64xf32, #tpu.memory_space<vmem_shared>>
      tpu.wait_indirect_dma semaphore(%arg14 : memref<!tpu.dma_semaphore, #tpu.memory_space<semaphore_mem>>) src(%dma_wait3A_220 : memref<10112x64xf32, #tpu.memory_space<vmem_shared>>) dst(%dma_wait3A_214 : memref<128x64xf32, #tpu.memory_space<vmem>>)
      %dma_start3A_221 = arith.constant 384 : i32
      %dma_start3A_222 = arith.constant 0 : i32
      %dma_start3A_223 = tpu.memref_slice %arg8[%dma_start3A_221, %dma_start3A_222] : memref<512x64xf32, #tpu.memory_space<vmem>> -> memref<128x64xf32, #tpu.memory_space<vmem>>
      %dma_start3A_224 = arith.constant 0 : i32
      %dma_start3A_225 = tpu.memref_slice %arg7[%add3A_211, %dma_start3A_224] : memref<40x128xi32, #tpu.memory_space<vmem>> -> memref<1x128xi32, #tpu.memory_space<vmem>>
      %dma_start3A_226 = tpu.memref_squeeze %dma_start3A_225 : memref<1x128xi32, #tpu.memory_space<vmem>> -> memref<128xi32, #tpu.memory_space<vmem>>
      %dma_start3A_227 = arith.constant 0 : i32
      %dma_start3A_228 = arith.constant 0 : i32
      %dma_start3A_229 = tpu.memref_slice %arg9[%dma_start3A_227, %dma_start3A_228] : memref<10112x64xf32, #tpu.memory_space<vmem_shared>> -> memref<10112x64xf32, #tpu.memory_space<vmem_shared>>
      tpu.enqueue_indirect_dma source(%dma_start3A_223 : memref<128x64xf32, #tpu.memory_space<vmem>>) target(%dma_start3A_229 : memref<10112x64xf32, #tpu.memory_space<vmem_shared>>) offsets(%dma_start3A_226 : memref<128xi32, #tpu.memory_space<vmem>>) semaphore(%arg18 : memref<!tpu.dma_semaphore, #tpu.memory_space<semaphore_mem>>) {add = true}
      %ge3A_230 = arith.constant 2 : i32
      %ge3A_231 = arith.cmpi sge, %add3A_211, %ge3A_230 : i32
      %convert_element_type3A_232 = arith.extui %ge3A_231 : i1 to i32
      %cond3A_233 = arith.constant 0 : i32
      %cond3A_234 = arith.cmpi ne, %convert_element_type3A_232, %cond3A_233 : i32
      scf.if %cond3A_234 {
        %sub3A = arith.constant 2 : i32
        %sub3A_242 = arith.subi %add3A_211, %sub3A : i32
        %dma_wait3A_243 = arith.constant 128 : i32
        %dma_wait3A_244 = arith.constant 0 : i32
        %dma_wait3A_245 = tpu.memref_slice %arg8[%dma_wait3A_243, %dma_wait3A_244] : memref<512x64xf32, #tpu.memory_space<vmem>> -> memref<128x64xf32, #tpu.memory_space<vmem>>
        %dma_wait3A_246 = arith.constant 0 : i32
        %dma_wait3A_247 = tpu.memref_slice %arg7[%sub3A_242, %dma_wait3A_246] : memref<40x128xi32, #tpu.memory_space<vmem>> -> memref<1x128xi32, #tpu.memory_space<vmem>>
        %dma_wait3A_248 = tpu.memref_squeeze %dma_wait3A_247 : memref<1x128xi32, #tpu.memory_space<vmem>> -> memref<128xi32, #tpu.memory_space<vmem>>
        %dma_wait3A_249 = arith.constant 0 : i32
        %dma_wait3A_250 = arith.constant 0 : i32
        %dma_wait3A_251 = tpu.memref_slice %arg9[%dma_wait3A_249, %dma_wait3A_250] : memref<10112x64xf32, #tpu.memory_space<vmem_shared>> -> memref<10112x64xf32, #tpu.memory_space<vmem_shared>>
        tpu.wait_indirect_dma semaphore(%arg16 : memref<!tpu.dma_semaphore, #tpu.memory_space<semaphore_mem>>) src(%dma_wait3A_245 : memref<128x64xf32, #tpu.memory_space<vmem>>) dst(%dma_wait3A_251 : memref<10112x64xf32, #tpu.memory_space<vmem_shared>>)
      } else {
      }
      %add3A_235 = arith.constant 2 : i32
      %add3A_236 = arith.addi %add3A_211, %add3A_235 : i32
      %lt3A_237 = arith.constant 40 : i32
      %lt3A_238 = arith.cmpi slt, %add3A_236, %lt3A_237 : i32
      %convert_element_type3A_239 = arith.extui %lt3A_238 : i1 to i32
      %cond3A_240 = arith.constant 0 : i32
      %cond3A_241 = arith.cmpi ne, %convert_element_type3A_239, %cond3A_240 : i32
      scf.if %cond3A_241 {
        %add3A_242 = arith.constant 2 : i32
        %add3A_243 = arith.addi %add3A_211, %add3A_242 : i32
        %dma_start3A_244 = arith.constant 128 : i32
        %dma_start3A_245 = arith.constant 0 : i32
        %dma_start3A_246 = tpu.memref_slice %arg8[%dma_start3A_244, %dma_start3A_245] : memref<512x64xf32, #tpu.memory_space<vmem>> -> memref<128x64xf32, #tpu.memory_space<vmem>>
        %dma_start3A_247 = arith.constant 0 : i32
        %dma_start3A_248 = tpu.memref_slice %arg6[%add3A_243, %dma_start3A_247] : memref<40x128xi32, #tpu.memory_space<vmem>> -> memref<1x128xi32, #tpu.memory_space<vmem>>
        %dma_start3A_249 = tpu.memref_squeeze %dma_start3A_248 : memref<1x128xi32, #tpu.memory_space<vmem>> -> memref<128xi32, #tpu.memory_space<vmem>>
        %dma_start3A_250 = arith.constant 0 : i32
        %dma_start3A_251 = arith.constant 0 : i32
        %dma_start3A_252 = tpu.memref_slice %arg10[%dma_start3A_250, %dma_start3A_251] : memref<10112x64xf32, #tpu.memory_space<vmem_shared>> -> memref<10112x64xf32, #tpu.memory_space<vmem_shared>>
        tpu.enqueue_indirect_dma source(%dma_start3A_252 : memref<10112x64xf32, #tpu.memory_space<vmem_shared>>) target(%dma_start3A_246 : memref<128x64xf32, #tpu.memory_space<vmem>>) offsets(%dma_start3A_249 : memref<128xi32, #tpu.memory_space<vmem>>) semaphore(%arg12 : memref<!tpu.dma_semaphore, #tpu.memory_space<semaphore_mem>>)
      } else {
      }
    }
    %scan3A_38 = arith.constant 10 : i32
    %dma_wait3A = arith.constant 38 : i32
    %dma_wait3A_39 = arith.constant 256 : i32
    %dma_wait3A_40 = arith.constant 0 : i32
    %dma_wait3A_41 = tpu.memref_slice %arg8[%dma_wait3A_39, %dma_wait3A_40] : memref<512x64xf32, #tpu.memory_space<vmem>> -> memref<128x64xf32, #tpu.memory_space<vmem>>
    %dma_wait3A_42 = arith.constant 0 : i32
    %dma_wait3A_43 = tpu.memref_slice %arg7[%dma_wait3A, %dma_wait3A_42] : memref<40x128xi32, #tpu.memory_space<vmem>> -> memref<1x128xi32, #tpu.memory_space<vmem>>
    %dma_wait3A_44 = tpu.memref_squeeze %dma_wait3A_43 : memref<1x128xi32, #tpu.memory_space<vmem>> -> memref<128xi32, #tpu.memory_space<vmem>>
    %dma_wait3A_45 = arith.constant 0 : i32
    %dma_wait3A_46 = arith.constant 0 : i32
    %dma_wait3A_47 = tpu.memref_slice %arg9[%dma_wait3A_45, %dma_wait3A_46] : memref<10112x64xf32, #tpu.memory_space<vmem_shared>> -> memref<10112x64xf32, #tpu.memory_space<vmem_shared>>
    tpu.wait_indirect_dma semaphore(%arg17 : memref<!tpu.dma_semaphore, #tpu.memory_space<semaphore_mem>>) src(%dma_wait3A_41 : memref<128x64xf32, #tpu.memory_space<vmem>>) dst(%dma_wait3A_47 : memref<10112x64xf32, #tpu.memory_space<vmem_shared>>)
    %dma_wait3A_48 = arith.constant 39 : i32
    %dma_wait3A_49 = arith.constant 384 : i32
    %dma_wait3A_50 = arith.constant 0 : i32
    %dma_wait3A_51 = tpu.memref_slice %arg8[%dma_wait3A_49, %dma_wait3A_50] : memref<512x64xf32, #tpu.memory_space<vmem>> -> memref<128x64xf32, #tpu.memory_space<vmem>>
    %dma_wait3A_52 = arith.constant 0 : i32
    %dma_wait3A_53 = tpu.memref_slice %arg7[%dma_wait3A_48, %dma_wait3A_52] : memref<40x128xi32, #tpu.memory_space<vmem>> -> memref<1x128xi32, #tpu.memory_space<vmem>>
    %dma_wait3A_54 = tpu.memref_squeeze %dma_wait3A_53 : memref<1x128xi32, #tpu.memory_space<vmem>> -> memref<128xi32, #tpu.memory_space<vmem>>
    %dma_wait3A_55 = arith.constant 0 : i32
    %dma_wait3A_56 = arith.constant 0 : i32
    %dma_wait3A_57 = tpu.memref_slice %arg9[%dma_wait3A_55, %dma_wait3A_56] : memref<10112x64xf32, #tpu.memory_space<vmem_shared>> -> memref<10112x64xf32, #tpu.memory_space<vmem_shared>>
    tpu.wait_indirect_dma semaphore(%arg18 : memref<!tpu.dma_semaphore, #tpu.memory_space<semaphore_mem>>) src(%dma_wait3A_51 : memref<128x64xf32, #tpu.memory_space<vmem>>) dst(%dma_wait3A_57 : memref<10112x64xf32, #tpu.memory_space<vmem_shared>>)
    "tpu.region"() ({
      %run_scoped3A = tpu.sem_alloc : memref<!tpu.dma_semaphore, #tpu.memory_space<semaphore_mem>>
      %dma_start3A_109 = arith.constant 40 : i32
      %dma_start3A_110 = arith.constant 0 : i32
      %dma_start3A_111 = tpu.memref_slice %arg3[%add3A, %dma_start3A_109, %dma_start3A_110] : memref<32x80x128xi32, #tpu.memory_space<hbm>> -> memref<1x40x128xi32, #tpu.memory_space<hbm>>
      %dma_start3A_112 = tpu.memref_squeeze %dma_start3A_111 : memref<1x40x128xi32, #tpu.memory_space<hbm>> -> memref<40x128xi32, #tpu.memory_space<hbm>>
      %dma_start3A_113 = arith.constant 40 : i32
      %dma_start3A_114 = arith.constant 0 : i32
      %dma_start3A_115 = tpu.memref_slice %arg3[%add3A, %dma_start3A_113, %dma_start3A_114] : memref<32x80x128xi32, #tpu.memory_space<hbm>> -> memref<1x40x128xi32, #tpu.memory_space<hbm>>
      %dma_start3A_116 = tpu.memref_squeeze %dma_start3A_115 : memref<1x40x128xi32, #tpu.memory_space<hbm>> -> memref<40x128xi32, #tpu.memory_space<hbm>>
      tpu.enqueue_dma source(%dma_start3A_116 : memref<40x128xi32, #tpu.memory_space<hbm>>) target(%arg6 : memref<40x128xi32, #tpu.memory_space<vmem>>) target_semaphore(%run_scoped3A : memref<!tpu.dma_semaphore, #tpu.memory_space<semaphore_mem>>)
      %dma_wait3A_117 = arith.constant 40 : i32
      %dma_wait3A_118 = arith.constant 0 : i32
      %dma_wait3A_119 = tpu.memref_slice %arg3[%add3A, %dma_wait3A_117, %dma_wait3A_118] : memref<32x80x128xi32, #tpu.memory_space<hbm>> -> memref<1x40x128xi32, #tpu.memory_space<hbm>>
      %dma_wait3A_120 = tpu.memref_squeeze %dma_wait3A_119 : memref<1x40x128xi32, #tpu.memory_space<hbm>> -> memref<40x128xi32, #tpu.memory_space<hbm>>
      %dma_wait3A_121 = arith.constant 40 : i32
      %dma_wait3A_122 = arith.constant 0 : i32
      %dma_wait3A_123 = tpu.memref_slice %arg3[%add3A, %dma_wait3A_121, %dma_wait3A_122] : memref<32x80x128xi32, #tpu.memory_space<hbm>> -> memref<1x40x128xi32, #tpu.memory_space<hbm>>
      %dma_wait3A_124 = tpu.memref_squeeze %dma_wait3A_123 : memref<1x40x128xi32, #tpu.memory_space<hbm>> -> memref<40x128xi32, #tpu.memory_space<hbm>>
      tpu.wait_dma2 semaphore(%run_scoped3A : memref<!tpu.dma_semaphore, #tpu.memory_space<semaphore_mem>>) src(%dma_wait3A_124 : memref<40x128xi32, #tpu.memory_space<hbm>>) dst(%arg6 : memref<40x128xi32, #tpu.memory_space<vmem>>)
      tpu.yield
    }) : () -> ()
    "tpu.region"() ({
      %run_scoped3A = tpu.sem_alloc : memref<!tpu.dma_semaphore, #tpu.memory_space<semaphore_mem>>
      %dma_start3A_109 = arith.constant 40 : i32
      %dma_start3A_110 = arith.constant 0 : i32
      %dma_start3A_111 = tpu.memref_slice %arg4[%add3A, %dma_start3A_109, %dma_start3A_110] : memref<32x80x128xi32, #tpu.memory_space<hbm>> -> memref<1x40x128xi32, #tpu.memory_space<hbm>>
      %dma_start3A_112 = tpu.memref_squeeze %dma_start3A_111 : memref<1x40x128xi32, #tpu.memory_space<hbm>> -> memref<40x128xi32, #tpu.memory_space<hbm>>
      %dma_start3A_113 = arith.constant 40 : i32
      %dma_start3A_114 = arith.constant 0 : i32
      %dma_start3A_115 = tpu.memref_slice %arg4[%add3A, %dma_start3A_113, %dma_start3A_114] : memref<32x80x128xi32, #tpu.memory_space<hbm>> -> memref<1x40x128xi32, #tpu.memory_space<hbm>>
      %dma_start3A_116 = tpu.memref_squeeze %dma_start3A_115 : memref<1x40x128xi32, #tpu.memory_space<hbm>> -> memref<40x128xi32, #tpu.memory_space<hbm>>
      tpu.enqueue_dma source(%dma_start3A_116 : memref<40x128xi32, #tpu.memory_space<hbm>>) target(%arg7 : memref<40x128xi32, #tpu.memory_space<vmem>>) target_semaphore(%run_scoped3A : memref<!tpu.dma_semaphore, #tpu.memory_space<semaphore_mem>>)
      %dma_wait3A_117 = arith.constant 40 : i32
      %dma_wait3A_118 = arith.constant 0 : i32
      %dma_wait3A_119 = tpu.memref_slice %arg4[%add3A, %dma_wait3A_117, %dma_wait3A_118] : memref<32x80x128xi32, #tpu.memory_space<hbm>> -> memref<1x40x128xi32, #tpu.memory_space<hbm>>
      %dma_wait3A_120 = tpu.memref_squeeze %dma_wait3A_119 : memref<1x40x128xi32, #tpu.memory_space<hbm>> -> memref<40x128xi32, #tpu.memory_space<hbm>>
      %dma_wait3A_121 = arith.constant 40 : i32
      %dma_wait3A_122 = arith.constant 0 : i32
      %dma_wait3A_123 = tpu.memref_slice %arg4[%add3A, %dma_wait3A_121, %dma_wait3A_122] : memref<32x80x128xi32, #tpu.memory_space<hbm>> -> memref<1x40x128xi32, #tpu.memory_space<hbm>>
      %dma_wait3A_124 = tpu.memref_squeeze %dma_wait3A_123 : memref<1x40x128xi32, #tpu.memory_space<hbm>> -> memref<40x128xi32, #tpu.memory_space<hbm>>
      tpu.wait_dma2 semaphore(%run_scoped3A : memref<!tpu.dma_semaphore, #tpu.memory_space<semaphore_mem>>) src(%dma_wait3A_124 : memref<40x128xi32, #tpu.memory_space<hbm>>) dst(%arg7 : memref<40x128xi32, #tpu.memory_space<vmem>>)
      tpu.yield
    }) : () -> ()
    %dma_start3A_58 = arith.constant 0 : i32
    %dma_start3A_59 = arith.constant 0 : i32
    %dma_start3A_60 = arith.constant 0 : i32
    %dma_start3A_61 = tpu.memref_slice %arg8[%dma_start3A_59, %dma_start3A_60] : memref<512x64xf32, #tpu.memory_space<vmem>> -> memref<128x64xf32, #tpu.memory_space<vmem>>
    %dma_start3A_62 = arith.constant 0 : i32
    %dma_start3A_63 = tpu.memref_slice %arg6[%dma_start3A_58, %dma_start3A_62] : memref<40x128xi32, #tpu.memory_space<vmem>> -> memref<1x128xi32, #tpu.memory_space<vmem>>
    %dma_start3A_64 = tpu.memref_squeeze %dma_start3A_63 : memref<1x128xi32, #tpu.memory_space<vmem>> -> memref<128xi32, #tpu.memory_space<vmem>>
    %dma_start3A_65 = arith.constant 0 : i32
    %dma_start3A_66 = arith.constant 0 : i32
    %dma_start3A_67 = tpu.memref_slice %arg10[%dma_start3A_65, %dma_start3A_66] : memref<10112x64xf32, #tpu.memory_space<vmem_shared>> -> memref<10112x64xf32, #tpu.memory_space<vmem_shared>>
    tpu.enqueue_indirect_dma source(%dma_start3A_67 : memref<10112x64xf32, #tpu.memory_space<vmem_shared>>) target(%dma_start3A_61 : memref<128x64xf32, #tpu.memory_space<vmem>>) offsets(%dma_start3A_64 : memref<128xi32, #tpu.memory_space<vmem>>) semaphore(%arg11 : memref<!tpu.dma_semaphore, #tpu.memory_space<semaphore_mem>>)
    %dma_start3A_68 = arith.constant 1 : i32
    %dma_start3A_69 = arith.constant 128 : i32
    %dma_start3A_70 = arith.constant 0 : i32
    %dma_start3A_71 = tpu.memref_slice %arg8[%dma_start3A_69, %dma_start3A_70] : memref<512x64xf32, #tpu.memory_space<vmem>> -> memref<128x64xf32, #tpu.memory_space<vmem>>
    %dma_start3A_72 = arith.constant 0 : i32
    %dma_start3A_73 = tpu.memref_slice %arg6[%dma_start3A_68, %dma_start3A_72] : memref<40x128xi32, #tpu.memory_space<vmem>> -> memref<1x128xi32, #tpu.memory_space<vmem>>
    %dma_start3A_74 = tpu.memref_squeeze %dma_start3A_73 : memref<1x128xi32, #tpu.memory_space<vmem>> -> memref<128xi32, #tpu.memory_space<vmem>>
    %dma_start3A_75 = arith.constant 0 : i32
    %dma_start3A_76 = arith.constant 0 : i32
    %dma_start3A_77 = tpu.memref_slice %arg10[%dma_start3A_75, %dma_start3A_76] : memref<10112x64xf32, #tpu.memory_space<vmem_shared>> -> memref<10112x64xf32, #tpu.memory_space<vmem_shared>>
    tpu.enqueue_indirect_dma source(%dma_start3A_77 : memref<10112x64xf32, #tpu.memory_space<vmem_shared>>) target(%dma_start3A_71 : memref<128x64xf32, #tpu.memory_space<vmem>>) offsets(%dma_start3A_74 : memref<128xi32, #tpu.memory_space<vmem>>) semaphore(%arg12 : memref<!tpu.dma_semaphore, #tpu.memory_space<semaphore_mem>>)
    %scan3A_78 = arith.constant 0 : i32
    %scan3A_79 = arith.constant 0 : i32
    %scan3A_80 = arith.constant 10 : i32
    %scan3A_81 = arith.addi %scan3A_79, %scan3A_80 : i32
    %scan3A_82 = arith.constant 1 : i32
    scf.for %scan3A_109 = %scan3A_79 to %scan3A_81 step %scan3A_82  : i32 {
      %mul3A_110 = arith.constant 4 : i32
      %mul3A_111 = arith.muli %mul3A_110, %scan3A_109 : i32
      %add3A_112 = arith.constant 0 : i32
      %add3A_113 = arith.addi %mul3A_111, %add3A_112 : i32
      %dma_wait3A_114 = arith.constant 0 : i32
      %dma_wait3A_115 = arith.constant 0 : i32
      %dma_wait3A_116 = tpu.memref_slice %arg8[%dma_wait3A_114, %dma_wait3A_115] : memref<512x64xf32, #tpu.memory_space<vmem>> -> memref<128x64xf32, #tpu.memory_space<vmem>>
      %dma_wait3A_117 = arith.constant 0 : i32
      %dma_wait3A_118 = tpu.memref_slice %arg6[%add3A_113, %dma_wait3A_117] : memref<40x128xi32, #tpu.memory_space<vmem>> -> memref<1x128xi32, #tpu.memory_space<vmem>>
      %dma_wait3A_119 = tpu.memref_squeeze %dma_wait3A_118 : memref<1x128xi32, #tpu.memory_space<vmem>> -> memref<128xi32, #tpu.memory_space<vmem>>
      %dma_wait3A_120 = arith.constant 0 : i32
      %dma_wait3A_121 = arith.constant 0 : i32
      %dma_wait3A_122 = tpu.memref_slice %arg10[%dma_wait3A_120, %dma_wait3A_121] : memref<10112x64xf32, #tpu.memory_space<vmem_shared>> -> memref<10112x64xf32, #tpu.memory_space<vmem_shared>>
      tpu.wait_indirect_dma semaphore(%arg11 : memref<!tpu.dma_semaphore, #tpu.memory_space<semaphore_mem>>) src(%dma_wait3A_122 : memref<10112x64xf32, #tpu.memory_space<vmem_shared>>) dst(%dma_wait3A_116 : memref<128x64xf32, #tpu.memory_space<vmem>>)
      %dma_start3A_123 = arith.constant 0 : i32
      %dma_start3A_124 = arith.constant 0 : i32
      %dma_start3A_125 = tpu.memref_slice %arg8[%dma_start3A_123, %dma_start3A_124] : memref<512x64xf32, #tpu.memory_space<vmem>> -> memref<128x64xf32, #tpu.memory_space<vmem>>
      %dma_start3A_126 = arith.constant 0 : i32
      %dma_start3A_127 = tpu.memref_slice %arg7[%add3A_113, %dma_start3A_126] : memref<40x128xi32, #tpu.memory_space<vmem>> -> memref<1x128xi32, #tpu.memory_space<vmem>>
      %dma_start3A_128 = tpu.memref_squeeze %dma_start3A_127 : memref<1x128xi32, #tpu.memory_space<vmem>> -> memref<128xi32, #tpu.memory_space<vmem>>
      %dma_start3A_129 = arith.constant 0 : i32
      %dma_start3A_130 = arith.constant 0 : i32
      %dma_start3A_131 = tpu.memref_slice %arg9[%dma_start3A_129, %dma_start3A_130] : memref<10112x64xf32, #tpu.memory_space<vmem_shared>> -> memref<10112x64xf32, #tpu.memory_space<vmem_shared>>
      tpu.enqueue_indirect_dma source(%dma_start3A_125 : memref<128x64xf32, #tpu.memory_space<vmem>>) target(%dma_start3A_131 : memref<10112x64xf32, #tpu.memory_space<vmem_shared>>) offsets(%dma_start3A_128 : memref<128xi32, #tpu.memory_space<vmem>>) semaphore(%arg15 : memref<!tpu.dma_semaphore, #tpu.memory_space<semaphore_mem>>) {add = true}
      %ge3A = arith.constant 2 : i32
      %ge3A_132 = arith.cmpi sge, %add3A_113, %ge3A : i32
      %convert_element_type3A = arith.extui %ge3A_132 : i1 to i32
      %cond3A = arith.constant 0 : i32
      %cond3A_133 = arith.cmpi ne, %convert_element_type3A, %cond3A : i32
      scf.if %cond3A_133 {
        %sub3A = arith.constant 2 : i32
        %sub3A_242 = arith.subi %add3A_113, %sub3A : i32
        %dma_wait3A_243 = arith.constant 256 : i32
        %dma_wait3A_244 = arith.constant 0 : i32
        %dma_wait3A_245 = tpu.memref_slice %arg8[%dma_wait3A_243, %dma_wait3A_244] : memref<512x64xf32, #tpu.memory_space<vmem>> -> memref<128x64xf32, #tpu.memory_space<vmem>>
        %dma_wait3A_246 = arith.constant 0 : i32
        %dma_wait3A_247 = tpu.memref_slice %arg7[%sub3A_242, %dma_wait3A_246] : memref<40x128xi32, #tpu.memory_space<vmem>> -> memref<1x128xi32, #tpu.memory_space<vmem>>
        %dma_wait3A_248 = tpu.memref_squeeze %dma_wait3A_247 : memref<1x128xi32, #tpu.memory_space<vmem>> -> memref<128xi32, #tpu.memory_space<vmem>>
        %dma_wait3A_249 = arith.constant 0 : i32
        %dma_wait3A_250 = arith.constant 0 : i32
        %dma_wait3A_251 = tpu.memref_slice %arg9[%dma_wait3A_249, %dma_wait3A_250] : memref<10112x64xf32, #tpu.memory_space<vmem_shared>> -> memref<10112x64xf32, #tpu.memory_space<vmem_shared>>
        tpu.wait_indirect_dma semaphore(%arg17 : memref<!tpu.dma_semaphore, #tpu.memory_space<semaphore_mem>>) src(%dma_wait3A_245 : memref<128x64xf32, #tpu.memory_space<vmem>>) dst(%dma_wait3A_251 : memref<10112x64xf32, #tpu.memory_space<vmem_shared>>)
      } else {
      }
      %add3A_134 = arith.constant 2 : i32
      %add3A_135 = arith.addi %add3A_113, %add3A_134 : i32
      %lt3A = arith.constant 40 : i32
      %lt3A_136 = arith.cmpi slt, %add3A_135, %lt3A : i32
      %convert_element_type3A_137 = arith.extui %lt3A_136 : i1 to i32
      %cond3A_138 = arith.constant 0 : i32
      %cond3A_139 = arith.cmpi ne, %convert_element_type3A_137, %cond3A_138 : i32
      scf.if %cond3A_139 {
        %add3A_242 = arith.constant 2 : i32
        %add3A_243 = arith.addi %add3A_113, %add3A_242 : i32
        %dma_start3A_244 = arith.constant 256 : i32
        %dma_start3A_245 = arith.constant 0 : i32
        %dma_start3A_246 = tpu.memref_slice %arg8[%dma_start3A_244, %dma_start3A_245] : memref<512x64xf32, #tpu.memory_space<vmem>> -> memref<128x64xf32, #tpu.memory_space<vmem>>
        %dma_start3A_247 = arith.constant 0 : i32
        %dma_start3A_248 = tpu.memref_slice %arg6[%add3A_243, %dma_start3A_247] : memref<40x128xi32, #tpu.memory_space<vmem>> -> memref<1x128xi32, #tpu.memory_space<vmem>>
        %dma_start3A_249 = tpu.memref_squeeze %dma_start3A_248 : memref<1x128xi32, #tpu.memory_space<vmem>> -> memref<128xi32, #tpu.memory_space<vmem>>
        %dma_start3A_250 = arith.constant 0 : i32
        %dma_start3A_251 = arith.constant 0 : i32
        %dma_start3A_252 = tpu.memref_slice %arg10[%dma_start3A_250, %dma_start3A_251] : memref<10112x64xf32, #tpu.memory_space<vmem_shared>> -> memref<10112x64xf32, #tpu.memory_space<vmem_shared>>
        tpu.enqueue_indirect_dma source(%dma_start3A_252 : memref<10112x64xf32, #tpu.memory_space<vmem_shared>>) target(%dma_start3A_246 : memref<128x64xf32, #tpu.memory_space<vmem>>) offsets(%dma_start3A_249 : memref<128xi32, #tpu.memory_space<vmem>>) semaphore(%arg13 : memref<!tpu.dma_semaphore, #tpu.memory_space<semaphore_mem>>)
      } else {
      }
      %mul3A_140 = arith.constant 4 : i32
      %mul3A_141 = arith.muli %mul3A_140, %scan3A_109 : i32
      %add3A_142 = arith.constant 1 : i32
      %add3A_143 = arith.addi %mul3A_141, %add3A_142 : i32
      %dma_wait3A_144 = arith.constant 128 : i32
      %dma_wait3A_145 = arith.constant 0 : i32
      %dma_wait3A_146 = tpu.memref_slice %arg8[%dma_wait3A_144, %dma_wait3A_145] : memref<512x64xf32, #tpu.memory_space<vmem>> -> memref<128x64xf32, #tpu.memory_space<vmem>>
      %dma_wait3A_147 = arith.constant 0 : i32
      %dma_wait3A_148 = tpu.memref_slice %arg6[%add3A_143, %dma_wait3A_147] : memref<40x128xi32, #tpu.memory_space<vmem>> -> memref<1x128xi32, #tpu.memory_space<vmem>>
      %dma_wait3A_149 = tpu.memref_squeeze %dma_wait3A_148 : memref<1x128xi32, #tpu.memory_space<vmem>> -> memref<128xi32, #tpu.memory_space<vmem>>
      %dma_wait3A_150 = arith.constant 0 : i32
      %dma_wait3A_151 = arith.constant 0 : i32
      %dma_wait3A_152 = tpu.memref_slice %arg10[%dma_wait3A_150, %dma_wait3A_151] : memref<10112x64xf32, #tpu.memory_space<vmem_shared>> -> memref<10112x64xf32, #tpu.memory_space<vmem_shared>>
      tpu.wait_indirect_dma semaphore(%arg12 : memref<!tpu.dma_semaphore, #tpu.memory_space<semaphore_mem>>) src(%dma_wait3A_152 : memref<10112x64xf32, #tpu.memory_space<vmem_shared>>) dst(%dma_wait3A_146 : memref<128x64xf32, #tpu.memory_space<vmem>>)
      %dma_start3A_153 = arith.constant 128 : i32
      %dma_start3A_154 = arith.constant 0 : i32
      %dma_start3A_155 = tpu.memref_slice %arg8[%dma_start3A_153, %dma_start3A_154] : memref<512x64xf32, #tpu.memory_space<vmem>> -> memref<128x64xf32, #tpu.memory_space<vmem>>
      %dma_start3A_156 = arith.constant 0 : i32
      %dma_start3A_157 = tpu.memref_slice %arg7[%add3A_143, %dma_start3A_156] : memref<40x128xi32, #tpu.memory_space<vmem>> -> memref<1x128xi32, #tpu.memory_space<vmem>>
      %dma_start3A_158 = tpu.memref_squeeze %dma_start3A_157 : memref<1x128xi32, #tpu.memory_space<vmem>> -> memref<128xi32, #tpu.memory_space<vmem>>
      %dma_start3A_159 = arith.constant 0 : i32
      %dma_start3A_160 = arith.constant 0 : i32
      %dma_start3A_161 = tpu.memref_slice %arg9[%dma_start3A_159, %dma_start3A_160] : memref<10112x64xf32, #tpu.memory_space<vmem_shared>> -> memref<10112x64xf32, #tpu.memory_space<vmem_shared>>
      tpu.enqueue_indirect_dma source(%dma_start3A_155 : memref<128x64xf32, #tpu.memory_space<vmem>>) target(%dma_start3A_161 : memref<10112x64xf32, #tpu.memory_space<vmem_shared>>) offsets(%dma_start3A_158 : memref<128xi32, #tpu.memory_space<vmem>>) semaphore(%arg16 : memref<!tpu.dma_semaphore, #tpu.memory_space<semaphore_mem>>) {add = true}
      %ge3A_162 = arith.constant 2 : i32
      %ge3A_163 = arith.cmpi sge, %add3A_143, %ge3A_162 : i32
      %convert_element_type3A_164 = arith.extui %ge3A_163 : i1 to i32
      %cond3A_165 = arith.constant 0 : i32
      %cond3A_166 = arith.cmpi ne, %convert_element_type3A_164, %cond3A_165 : i32
      scf.if %cond3A_166 {
        %sub3A = arith.constant 2 : i32
        %sub3A_242 = arith.subi %add3A_143, %sub3A : i32
        %dma_wait3A_243 = arith.constant 384 : i32
        %dma_wait3A_244 = arith.constant 0 : i32
        %dma_wait3A_245 = tpu.memref_slice %arg8[%dma_wait3A_243, %dma_wait3A_244] : memref<512x64xf32, #tpu.memory_space<vmem>> -> memref<128x64xf32, #tpu.memory_space<vmem>>
        %dma_wait3A_246 = arith.constant 0 : i32
        %dma_wait3A_247 = tpu.memref_slice %arg7[%sub3A_242, %dma_wait3A_246] : memref<40x128xi32, #tpu.memory_space<vmem>> -> memref<1x128xi32, #tpu.memory_space<vmem>>
        %dma_wait3A_248 = tpu.memref_squeeze %dma_wait3A_247 : memref<1x128xi32, #tpu.memory_space<vmem>> -> memref<128xi32, #tpu.memory_space<vmem>>
        %dma_wait3A_249 = arith.constant 0 : i32
        %dma_wait3A_250 = arith.constant 0 : i32
        %dma_wait3A_251 = tpu.memref_slice %arg9[%dma_wait3A_249, %dma_wait3A_250] : memref<10112x64xf32, #tpu.memory_space<vmem_shared>> -> memref<10112x64xf32, #tpu.memory_space<vmem_shared>>
        tpu.wait_indirect_dma semaphore(%arg18 : memref<!tpu.dma_semaphore, #tpu.memory_space<semaphore_mem>>) src(%dma_wait3A_245 : memref<128x64xf32, #tpu.memory_space<vmem>>) dst(%dma_wait3A_251 : memref<10112x64xf32, #tpu.memory_space<vmem_shared>>)
      } else {
      }
      %add3A_167 = arith.constant 2 : i32
      %add3A_168 = arith.addi %add3A_143, %add3A_167 : i32
      %lt3A_169 = arith.constant 40 : i32
      %lt3A_170 = arith.cmpi slt, %add3A_168, %lt3A_169 : i32
      %convert_element_type3A_171 = arith.extui %lt3A_170 : i1 to i32
      %cond3A_172 = arith.constant 0 : i32
      %cond3A_173 = arith.cmpi ne, %convert_element_type3A_171, %cond3A_172 : i32
      scf.if %cond3A_173 {
        %add3A_242 = arith.constant 2 : i32
        %add3A_243 = arith.addi %add3A_143, %add3A_242 : i32
        %dma_start3A_244 = arith.constant 384 : i32
        %dma_start3A_245 = arith.constant 0 : i32
        %dma_start3A_246 = tpu.memref_slice %arg8[%dma_start3A_244, %dma_start3A_245] : memref<512x64xf32, #tpu.memory_space<vmem>> -> memref<128x64xf32, #tpu.memory_space<vmem>>
        %dma_start3A_247 = arith.constant 0 : i32
        %dma_start3A_248 = tpu.memref_slice %arg6[%add3A_243, %dma_start3A_247] : memref<40x128xi32, #tpu.memory_space<vmem>> -> memref<1x128xi32, #tpu.memory_space<vmem>>
        %dma_start3A_249 = tpu.memref_squeeze %dma_start3A_248 : memref<1x128xi32, #tpu.memory_space<vmem>> -> memref<128xi32, #tpu.memory_space<vmem>>
        %dma_start3A_250 = arith.constant 0 : i32
        %dma_start3A_251 = arith.constant 0 : i32
        %dma_start3A_252 = tpu.memref_slice %arg10[%dma_start3A_250, %dma_start3A_251] : memref<10112x64xf32, #tpu.memory_space<vmem_shared>> -> memref<10112x64xf32, #tpu.memory_space<vmem_shared>>
        tpu.enqueue_indirect_dma source(%dma_start3A_252 : memref<10112x64xf32, #tpu.memory_space<vmem_shared>>) target(%dma_start3A_246 : memref<128x64xf32, #tpu.memory_space<vmem>>) offsets(%dma_start3A_249 : memref<128xi32, #tpu.memory_space<vmem>>) semaphore(%arg14 : memref<!tpu.dma_semaphore, #tpu.memory_space<semaphore_mem>>)
      } else {
      }
      %mul3A_174 = arith.constant 4 : i32
      %mul3A_175 = arith.muli %mul3A_174, %scan3A_109 : i32
      %add3A_176 = arith.constant 2 : i32
      %add3A_177 = arith.addi %mul3A_175, %add3A_176 : i32
      %dma_wait3A_178 = arith.constant 256 : i32
      %dma_wait3A_179 = arith.constant 0 : i32
      %dma_wait3A_180 = tpu.memref_slice %arg8[%dma_wait3A_178, %dma_wait3A_179] : memref<512x64xf32, #tpu.memory_space<vmem>> -> memref<128x64xf32, #tpu.memory_space<vmem>>
      %dma_wait3A_181 = arith.constant 0 : i32
      %dma_wait3A_182 = tpu.memref_slice %arg6[%add3A_177, %dma_wait3A_181] : memref<40x128xi32, #tpu.memory_space<vmem>> -> memref<1x128xi32, #tpu.memory_space<vmem>>
      %dma_wait3A_183 = tpu.memref_squeeze %dma_wait3A_182 : memref<1x128xi32, #tpu.memory_space<vmem>> -> memref<128xi32, #tpu.memory_space<vmem>>
      %dma_wait3A_184 = arith.constant 0 : i32
      %dma_wait3A_185 = arith.constant 0 : i32
      %dma_wait3A_186 = tpu.memref_slice %arg10[%dma_wait3A_184, %dma_wait3A_185] : memref<10112x64xf32, #tpu.memory_space<vmem_shared>> -> memref<10112x64xf32, #tpu.memory_space<vmem_shared>>
      tpu.wait_indirect_dma semaphore(%arg13 : memref<!tpu.dma_semaphore, #tpu.memory_space<semaphore_mem>>) src(%dma_wait3A_186 : memref<10112x64xf32, #tpu.memory_space<vmem_shared>>) dst(%dma_wait3A_180 : memref<128x64xf32, #tpu.memory_space<vmem>>)
      %dma_start3A_187 = arith.constant 256 : i32
      %dma_start3A_188 = arith.constant 0 : i32
      %dma_start3A_189 = tpu.memref_slice %arg8[%dma_start3A_187, %dma_start3A_188] : memref<512x64xf32, #tpu.memory_space<vmem>> -> memref<128x64xf32, #tpu.memory_space<vmem>>
      %dma_start3A_190 = arith.constant 0 : i32
      %dma_start3A_191 = tpu.memref_slice %arg7[%add3A_177, %dma_start3A_190] : memref<40x128xi32, #tpu.memory_space<vmem>> -> memref<1x128xi32, #tpu.memory_space<vmem>>
      %dma_start3A_192 = tpu.memref_squeeze %dma_start3A_191 : memref<1x128xi32, #tpu.memory_space<vmem>> -> memref<128xi32, #tpu.memory_space<vmem>>
      %dma_start3A_193 = arith.constant 0 : i32
      %dma_start3A_194 = arith.constant 0 : i32
      %dma_start3A_195 = tpu.memref_slice %arg9[%dma_start3A_193, %dma_start3A_194] : memref<10112x64xf32, #tpu.memory_space<vmem_shared>> -> memref<10112x64xf32, #tpu.memory_space<vmem_shared>>
      tpu.enqueue_indirect_dma source(%dma_start3A_189 : memref<128x64xf32, #tpu.memory_space<vmem>>) target(%dma_start3A_195 : memref<10112x64xf32, #tpu.memory_space<vmem_shared>>) offsets(%dma_start3A_192 : memref<128xi32, #tpu.memory_space<vmem>>) semaphore(%arg17 : memref<!tpu.dma_semaphore, #tpu.memory_space<semaphore_mem>>) {add = true}
      %ge3A_196 = arith.constant 2 : i32
      %ge3A_197 = arith.cmpi sge, %add3A_177, %ge3A_196 : i32
      %convert_element_type3A_198 = arith.extui %ge3A_197 : i1 to i32
      %cond3A_199 = arith.constant 0 : i32
      %cond3A_200 = arith.cmpi ne, %convert_element_type3A_198, %cond3A_199 : i32
      scf.if %cond3A_200 {
        %sub3A = arith.constant 2 : i32
        %sub3A_242 = arith.subi %add3A_177, %sub3A : i32
        %dma_wait3A_243 = arith.constant 0 : i32
        %dma_wait3A_244 = arith.constant 0 : i32
        %dma_wait3A_245 = tpu.memref_slice %arg8[%dma_wait3A_243, %dma_wait3A_244] : memref<512x64xf32, #tpu.memory_space<vmem>> -> memref<128x64xf32, #tpu.memory_space<vmem>>
        %dma_wait3A_246 = arith.constant 0 : i32
        %dma_wait3A_247 = tpu.memref_slice %arg7[%sub3A_242, %dma_wait3A_246] : memref<40x128xi32, #tpu.memory_space<vmem>> -> memref<1x128xi32, #tpu.memory_space<vmem>>
        %dma_wait3A_248 = tpu.memref_squeeze %dma_wait3A_247 : memref<1x128xi32, #tpu.memory_space<vmem>> -> memref<128xi32, #tpu.memory_space<vmem>>
        %dma_wait3A_249 = arith.constant 0 : i32
        %dma_wait3A_250 = arith.constant 0 : i32
        %dma_wait3A_251 = tpu.memref_slice %arg9[%dma_wait3A_249, %dma_wait3A_250] : memref<10112x64xf32, #tpu.memory_space<vmem_shared>> -> memref<10112x64xf32, #tpu.memory_space<vmem_shared>>
        tpu.wait_indirect_dma semaphore(%arg15 : memref<!tpu.dma_semaphore, #tpu.memory_space<semaphore_mem>>) src(%dma_wait3A_245 : memref<128x64xf32, #tpu.memory_space<vmem>>) dst(%dma_wait3A_251 : memref<10112x64xf32, #tpu.memory_space<vmem_shared>>)
      } else {
      }
      %add3A_201 = arith.constant 2 : i32
      %add3A_202 = arith.addi %add3A_177, %add3A_201 : i32
      %lt3A_203 = arith.constant 40 : i32
      %lt3A_204 = arith.cmpi slt, %add3A_202, %lt3A_203 : i32
      %convert_element_type3A_205 = arith.extui %lt3A_204 : i1 to i32
      %cond3A_206 = arith.constant 0 : i32
      %cond3A_207 = arith.cmpi ne, %convert_element_type3A_205, %cond3A_206 : i32
      scf.if %cond3A_207 {
        %add3A_242 = arith.constant 2 : i32
        %add3A_243 = arith.addi %add3A_177, %add3A_242 : i32
        %dma_start3A_244 = arith.constant 0 : i32
        %dma_start3A_245 = arith.constant 0 : i32
        %dma_start3A_246 = tpu.memref_slice %arg8[%dma_start3A_244, %dma_start3A_245] : memref<512x64xf32, #tpu.memory_space<vmem>> -> memref<128x64xf32, #tpu.memory_space<vmem>>
        %dma_start3A_247 = arith.constant 0 : i32
        %dma_start3A_248 = tpu.memref_slice %arg6[%add3A_243, %dma_start3A_247] : memref<40x128xi32, #tpu.memory_space<vmem>> -> memref<1x128xi32, #tpu.memory_space<vmem>>
        %dma_start3A_249 = tpu.memref_squeeze %dma_start3A_248 : memref<1x128xi32, #tpu.memory_space<vmem>> -> memref<128xi32, #tpu.memory_space<vmem>>
        %dma_start3A_250 = arith.constant 0 : i32
        %dma_start3A_251 = arith.constant 0 : i32
        %dma_start3A_252 = tpu.memref_slice %arg10[%dma_start3A_250, %dma_start3A_251] : memref<10112x64xf32, #tpu.memory_space<vmem_shared>> -> memref<10112x64xf32, #tpu.memory_space<vmem_shared>>
        tpu.enqueue_indirect_dma source(%dma_start3A_252 : memref<10112x64xf32, #tpu.memory_space<vmem_shared>>) target(%dma_start3A_246 : memref<128x64xf32, #tpu.memory_space<vmem>>) offsets(%dma_start3A_249 : memref<128xi32, #tpu.memory_space<vmem>>) semaphore(%arg11 : memref<!tpu.dma_semaphore, #tpu.memory_space<semaphore_mem>>)
      } else {
      }
      %mul3A_208 = arith.constant 4 : i32
      %mul3A_209 = arith.muli %mul3A_208, %scan3A_109 : i32
      %add3A_210 = arith.constant 3 : i32
      %add3A_211 = arith.addi %mul3A_209, %add3A_210 : i32
      %dma_wait3A_212 = arith.constant 384 : i32
      %dma_wait3A_213 = arith.constant 0 : i32
      %dma_wait3A_214 = tpu.memref_slice %arg8[%dma_wait3A_212, %dma_wait3A_213] : memref<512x64xf32, #tpu.memory_space<vmem>> -> memref<128x64xf32, #tpu.memory_space<vmem>>
      %dma_wait3A_215 = arith.constant 0 : i32
      %dma_wait3A_216 = tpu.memref_slice %arg6[%add3A_211, %dma_wait3A_215] : memref<40x128xi32, #tpu.memory_space<vmem>> -> memref<1x128xi32, #tpu.memory_space<vmem>>
      %dma_wait3A_217 = tpu.memref_squeeze %dma_wait3A_216 : memref<1x128xi32, #tpu.memory_space<vmem>> -> memref<128xi32, #tpu.memory_space<vmem>>
      %dma_wait3A_218 = arith.constant 0 : i32
      %dma_wait3A_219 = arith.constant 0 : i32
      %dma_wait3A_220 = tpu.memref_slice %arg10[%dma_wait3A_218, %dma_wait3A_219] : memref<10112x64xf32, #tpu.memory_space<vmem_shared>> -> memref<10112x64xf32, #tpu.memory_space<vmem_shared>>
      tpu.wait_indirect_dma semaphore(%arg14 : memref<!tpu.dma_semaphore, #tpu.memory_space<semaphore_mem>>) src(%dma_wait3A_220 : memref<10112x64xf32, #tpu.memory_space<vmem_shared>>) dst(%dma_wait3A_214 : memref<128x64xf32, #tpu.memory_space<vmem>>)
      %dma_start3A_221 = arith.constant 384 : i32
      %dma_start3A_222 = arith.constant 0 : i32
      %dma_start3A_223 = tpu.memref_slice %arg8[%dma_start3A_221, %dma_start3A_222] : memref<512x64xf32, #tpu.memory_space<vmem>> -> memref<128x64xf32, #tpu.memory_space<vmem>>
      %dma_start3A_224 = arith.constant 0 : i32
      %dma_start3A_225 = tpu.memref_slice %arg7[%add3A_211, %dma_start3A_224] : memref<40x128xi32, #tpu.memory_space<vmem>> -> memref<1x128xi32, #tpu.memory_space<vmem>>
      %dma_start3A_226 = tpu.memref_squeeze %dma_start3A_225 : memref<1x128xi32, #tpu.memory_space<vmem>> -> memref<128xi32, #tpu.memory_space<vmem>>
      %dma_start3A_227 = arith.constant 0 : i32
      %dma_start3A_228 = arith.constant 0 : i32
      %dma_start3A_229 = tpu.memref_slice %arg9[%dma_start3A_227, %dma_start3A_228] : memref<10112x64xf32, #tpu.memory_space<vmem_shared>> -> memref<10112x64xf32, #tpu.memory_space<vmem_shared>>
      tpu.enqueue_indirect_dma source(%dma_start3A_223 : memref<128x64xf32, #tpu.memory_space<vmem>>) target(%dma_start3A_229 : memref<10112x64xf32, #tpu.memory_space<vmem_shared>>) offsets(%dma_start3A_226 : memref<128xi32, #tpu.memory_space<vmem>>) semaphore(%arg18 : memref<!tpu.dma_semaphore, #tpu.memory_space<semaphore_mem>>) {add = true}
      %ge3A_230 = arith.constant 2 : i32
      %ge3A_231 = arith.cmpi sge, %add3A_211, %ge3A_230 : i32
      %convert_element_type3A_232 = arith.extui %ge3A_231 : i1 to i32
      %cond3A_233 = arith.constant 0 : i32
      %cond3A_234 = arith.cmpi ne, %convert_element_type3A_232, %cond3A_233 : i32
      scf.if %cond3A_234 {
        %sub3A = arith.constant 2 : i32
        %sub3A_242 = arith.subi %add3A_211, %sub3A : i32
        %dma_wait3A_243 = arith.constant 128 : i32
        %dma_wait3A_244 = arith.constant 0 : i32
        %dma_wait3A_245 = tpu.memref_slice %arg8[%dma_wait3A_243, %dma_wait3A_244] : memref<512x64xf32, #tpu.memory_space<vmem>> -> memref<128x64xf32, #tpu.memory_space<vmem>>
        %dma_wait3A_246 = arith.constant 0 : i32
        %dma_wait3A_247 = tpu.memref_slice %arg7[%sub3A_242, %dma_wait3A_246] : memref<40x128xi32, #tpu.memory_space<vmem>> -> memref<1x128xi32, #tpu.memory_space<vmem>>
        %dma_wait3A_248 = tpu.memref_squeeze %dma_wait3A_247 : memref<1x128xi32, #tpu.memory_space<vmem>> -> memref<128xi32, #tpu.memory_space<vmem>>
        %dma_wait3A_249 = arith.constant 0 : i32
        %dma_wait3A_250 = arith.constant 0 : i32
        %dma_wait3A_251 = tpu.memref_slice %arg9[%dma_wait3A_249, %dma_wait3A_250] : memref<10112x64xf32, #tpu.memory_space<vmem_shared>> -> memref<10112x64xf32, #tpu.memory_space<vmem_shared>>
        tpu.wait_indirect_dma semaphore(%arg16 : memref<!tpu.dma_semaphore, #tpu.memory_space<semaphore_mem>>) src(%dma_wait3A_245 : memref<128x64xf32, #tpu.memory_space<vmem>>) dst(%dma_wait3A_251 : memref<10112x64xf32, #tpu.memory_space<vmem_shared>>)
      } else {
      }
      %add3A_235 = arith.constant 2 : i32
      %add3A_236 = arith.addi %add3A_211, %add3A_235 : i32
      %lt3A_237 = arith.constant 40 : i32
      %lt3A_238 = arith.cmpi slt, %add3A_236, %lt3A_237 : i32
      %convert_element_type3A_239 = arith.extui %lt3A_238 : i1 to i32
      %cond3A_240 = arith.constant 0 : i32
      %cond3A_241 = arith.cmpi ne, %convert_element_type3A_239, %cond3A_240 : i32
      scf.if %cond3A_241 {
        %add3A_242 = arith.constant 2 : i32
        %add3A_243 = arith.addi %add3A_211, %add3A_242 : i32
        %dma_start3A_244 = arith.constant 128 : i32
        %dma_start3A_245 = arith.constant 0 : i32
        %dma_start3A_246 = tpu.memref_slice %arg8[%dma_start3A_244, %dma_start3A_245] : memref<512x64xf32, #tpu.memory_space<vmem>> -> memref<128x64xf32, #tpu.memory_space<vmem>>
        %dma_start3A_247 = arith.constant 0 : i32
        %dma_start3A_248 = tpu.memref_slice %arg6[%add3A_243, %dma_start3A_247] : memref<40x128xi32, #tpu.memory_space<vmem>> -> memref<1x128xi32, #tpu.memory_space<vmem>>
        %dma_start3A_249 = tpu.memref_squeeze %dma_start3A_248 : memref<1x128xi32, #tpu.memory_space<vmem>> -> memref<128xi32, #tpu.memory_space<vmem>>
        %dma_start3A_250 = arith.constant 0 : i32
        %dma_start3A_251 = arith.constant 0 : i32
        %dma_start3A_252 = tpu.memref_slice %arg10[%dma_start3A_250, %dma_start3A_251] : memref<10112x64xf32, #tpu.memory_space<vmem_shared>> -> memref<10112x64xf32, #tpu.memory_space<vmem_shared>>
        tpu.enqueue_indirect_dma source(%dma_start3A_252 : memref<10112x64xf32, #tpu.memory_space<vmem_shared>>) target(%dma_start3A_246 : memref<128x64xf32, #tpu.memory_space<vmem>>) offsets(%dma_start3A_249 : memref<128xi32, #tpu.memory_space<vmem>>) semaphore(%arg12 : memref<!tpu.dma_semaphore, #tpu.memory_space<semaphore_mem>>)
      } else {
      }
    }
    %scan3A_83 = arith.constant 10 : i32
    %dma_wait3A_84 = arith.constant 38 : i32
    %dma_wait3A_85 = arith.constant 256 : i32
    %dma_wait3A_86 = arith.constant 0 : i32
    %dma_wait3A_87 = tpu.memref_slice %arg8[%dma_wait3A_85, %dma_wait3A_86] : memref<512x64xf32, #tpu.memory_space<vmem>> -> memref<128x64xf32, #tpu.memory_space<vmem>>
    %dma_wait3A_88 = arith.constant 0 : i32
    %dma_wait3A_89 = tpu.memref_slice %arg7[%dma_wait3A_84, %dma_wait3A_88] : memref<40x128xi32, #tpu.memory_space<vmem>> -> memref<1x128xi32, #tpu.memory_space<vmem>>
    %dma_wait3A_90 = tpu.memref_squeeze %dma_wait3A_89 : memref<1x128xi32, #tpu.memory_space<vmem>> -> memref<128xi32, #tpu.memory_space<vmem>>
    %dma_wait3A_91 = arith.constant 0 : i32
    %dma_wait3A_92 = arith.constant 0 : i32
    %dma_wait3A_93 = tpu.memref_slice %arg9[%dma_wait3A_91, %dma_wait3A_92] : memref<10112x64xf32, #tpu.memory_space<vmem_shared>> -> memref<10112x64xf32, #tpu.memory_space<vmem_shared>>
    tpu.wait_indirect_dma semaphore(%arg17 : memref<!tpu.dma_semaphore, #tpu.memory_space<semaphore_mem>>) src(%dma_wait3A_87 : memref<128x64xf32, #tpu.memory_space<vmem>>) dst(%dma_wait3A_93 : memref<10112x64xf32, #tpu.memory_space<vmem_shared>>)
    %dma_wait3A_94 = arith.constant 39 : i32
    %dma_wait3A_95 = arith.constant 384 : i32
    %dma_wait3A_96 = arith.constant 0 : i32
    %dma_wait3A_97 = tpu.memref_slice %arg8[%dma_wait3A_95, %dma_wait3A_96] : memref<512x64xf32, #tpu.memory_space<vmem>> -> memref<128x64xf32, #tpu.memory_space<vmem>>
    %dma_wait3A_98 = arith.constant 0 : i32
    %dma_wait3A_99 = tpu.memref_slice %arg7[%dma_wait3A_94, %dma_wait3A_98] : memref<40x128xi32, #tpu.memory_space<vmem>> -> memref<1x128xi32, #tpu.memory_space<vmem>>
    %dma_wait3A_100 = tpu.memref_squeeze %dma_wait3A_99 : memref<1x128xi32, #tpu.memory_space<vmem>> -> memref<128xi32, #tpu.memory_space<vmem>>
    %dma_wait3A_101 = arith.constant 0 : i32
    %dma_wait3A_102 = arith.constant 0 : i32
    %dma_wait3A_103 = tpu.memref_slice %arg9[%dma_wait3A_101, %dma_wait3A_102] : memref<10112x64xf32, #tpu.memory_space<vmem_shared>> -> memref<10112x64xf32, #tpu.memory_space<vmem_shared>>
    tpu.wait_indirect_dma semaphore(%arg18 : memref<!tpu.dma_semaphore, #tpu.memory_space<semaphore_mem>>) src(%dma_wait3A_97 : memref<128x64xf32, #tpu.memory_space<vmem>>) dst(%dma_wait3A_103 : memref<10112x64xf32, #tpu.memory_space<vmem_shared>>)
    %barrier3A_104 = arith.constant 0 : index
    tpu.barrier barrier_id(%barrier3A_104)
    "tpu.region"() ({
      %run_scoped3A = tpu.sem_alloc : memref<!tpu.dma_semaphore, #tpu.memory_space<semaphore_mem>>
      %dma_start3A_109 = arith.constant 0 : i32
      %dma_start3A_110 = arith.constant 0 : i32
      %dma_start3A_111 = tpu.memref_slice %arg8[%dma_start3A_109, %dma_start3A_110] : memref<512x64xf32, #tpu.memory_space<vmem>> -> memref<320x64xf32, #tpu.memory_space<vmem>>
      %dma_start3A_112 = arith.constant 0 : i32
      %dma_start3A_113 = tpu.memref_slice %arg9[%mul3A_2, %dma_start3A_112] : memref<10112x64xf32, #tpu.memory_space<vmem_shared>> -> memref<320x64xf32, #tpu.memory_space<vmem_shared>>
      %dma_start3A_114 = arith.constant 0 : i32
      %dma_start3A_115 = arith.constant 0 : i32
      %dma_start3A_116 = tpu.memref_slice %arg8[%dma_start3A_114, %dma_start3A_115] : memref<512x64xf32, #tpu.memory_space<vmem>> -> memref<320x64xf32, #tpu.memory_space<vmem>>
      %dma_start3A_117 = arith.constant 0 : i32
      %dma_start3A_118 = tpu.memref_slice %arg9[%mul3A_2, %dma_start3A_117] : memref<10112x64xf32, #tpu.memory_space<vmem_shared>> -> memref<320x64xf32, #tpu.memory_space<vmem_shared>>
      tpu.enqueue_dma source(%dma_start3A_118 : memref<320x64xf32, #tpu.memory_space<vmem_shared>>) target(%dma_start3A_116 : memref<320x64xf32, #tpu.memory_space<vmem>>) target_semaphore(%run_scoped3A : memref<!tpu.dma_semaphore, #tpu.memory_space<semaphore_mem>>)
      %dma_wait3A_119 = arith.constant 0 : i32
      %dma_wait3A_120 = arith.constant 0 : i32
      %dma_wait3A_121 = tpu.memref_slice %arg8[%dma_wait3A_119, %dma_wait3A_120] : memref<512x64xf32, #tpu.memory_space<vmem>> -> memref<320x64xf32, #tpu.memory_space<vmem>>
      %dma_wait3A_122 = arith.constant 0 : i32
      %dma_wait3A_123 = tpu.memref_slice %arg9[%mul3A_2, %dma_wait3A_122] : memref<10112x64xf32, #tpu.memory_space<vmem_shared>> -> memref<320x64xf32, #tpu.memory_space<vmem_shared>>
      %dma_wait3A_124 = arith.constant 0 : i32
      %dma_wait3A_125 = arith.constant 0 : i32
      %dma_wait3A_126 = tpu.memref_slice %arg8[%dma_wait3A_124, %dma_wait3A_125] : memref<512x64xf32, #tpu.memory_space<vmem>> -> memref<320x64xf32, #tpu.memory_space<vmem>>
      %dma_wait3A_127 = arith.constant 0 : i32
      %dma_wait3A_128 = tpu.memref_slice %arg9[%mul3A_2, %dma_wait3A_127] : memref<10112x64xf32, #tpu.memory_space<vmem_shared>> -> memref<320x64xf32, #tpu.memory_space<vmem_shared>>
      tpu.wait_dma2 semaphore(%run_scoped3A : memref<!tpu.dma_semaphore, #tpu.memory_space<semaphore_mem>>) src(%dma_wait3A_128 : memref<320x64xf32, #tpu.memory_space<vmem_shared>>) dst(%dma_wait3A_126 : memref<320x64xf32, #tpu.memory_space<vmem>>)
      tpu.yield
    }) : () -> ()
    "tpu.region"() ({
      %run_scoped3A = tpu.sem_alloc : memref<!tpu.dma_semaphore, #tpu.memory_space<semaphore_mem>>
      %dma_start3A_109 = arith.constant 0 : i32
      %dma_start3A_110 = arith.constant 0 : i32
      %dma_start3A_111 = tpu.memref_slice %arg8[%dma_start3A_109, %dma_start3A_110] : memref<512x64xf32, #tpu.memory_space<vmem>> -> memref<320x64xf32, #tpu.memory_space<vmem>>
      %dma_start3A_112 = arith.constant 0 : i32
      %dma_start3A_113 = tpu.memref_slice %arg5[%arg0, %mul3A_2, %dma_start3A_112] : memref<2x10112x64xf32, #tpu.memory_space<hbm>> -> memref<1x320x64xf32, #tpu.memory_space<hbm>>
      %dma_start3A_114 = tpu.memref_squeeze %dma_start3A_113 : memref<1x320x64xf32, #tpu.memory_space<hbm>> -> memref<320x64xf32, #tpu.memory_space<hbm>>
      %dma_start3A_115 = arith.constant 0 : i32
      %dma_start3A_116 = tpu.memref_slice %arg5[%arg0, %mul3A_2, %dma_start3A_115] : memref<2x10112x64xf32, #tpu.memory_space<hbm>> -> memref<1x320x64xf32, #tpu.memory_space<hbm>>
      %dma_start3A_117 = tpu.memref_squeeze %dma_start3A_116 : memref<1x320x64xf32, #tpu.memory_space<hbm>> -> memref<320x64xf32, #tpu.memory_space<hbm>>
      %dma_start3A_118 = arith.constant 0 : i32
      %dma_start3A_119 = arith.constant 0 : i32
      %dma_start3A_120 = tpu.memref_slice %arg8[%dma_start3A_118, %dma_start3A_119] : memref<512x64xf32, #tpu.memory_space<vmem>> -> memref<320x64xf32, #tpu.memory_space<vmem>>
      tpu.enqueue_dma source(%dma_start3A_120 : memref<320x64xf32, #tpu.memory_space<vmem>>) target(%dma_start3A_117 : memref<320x64xf32, #tpu.memory_space<hbm>>) target_semaphore(%run_scoped3A : memref<!tpu.dma_semaphore, #tpu.memory_space<semaphore_mem>>)
      %dma_wait3A_121 = arith.constant 0 : i32
      %dma_wait3A_122 = arith.constant 0 : i32
      %dma_wait3A_123 = tpu.memref_slice %arg8[%dma_wait3A_121, %dma_wait3A_122] : memref<512x64xf32, #tpu.memory_space<vmem>> -> memref<320x64xf32, #tpu.memory_space<vmem>>
      %dma_wait3A_124 = arith.constant 0 : i32
      %dma_wait3A_125 = tpu.memref_slice %arg5[%arg0, %mul3A_2, %dma_wait3A_124] : memref<2x10112x64xf32, #tpu.memory_space<hbm>> -> memref<1x320x64xf32, #tpu.memory_space<hbm>>
      %dma_wait3A_126 = tpu.memref_squeeze %dma_wait3A_125 : memref<1x320x64xf32, #tpu.memory_space<hbm>> -> memref<320x64xf32, #tpu.memory_space<hbm>>
      %dma_wait3A_127 = arith.constant 0 : i32
      %dma_wait3A_128 = tpu.memref_slice %arg5[%arg0, %mul3A_2, %dma_wait3A_127] : memref<2x10112x64xf32, #tpu.memory_space<hbm>> -> memref<1x320x64xf32, #tpu.memory_space<hbm>>
      %dma_wait3A_129 = tpu.memref_squeeze %dma_wait3A_128 : memref<1x320x64xf32, #tpu.memory_space<hbm>> -> memref<320x64xf32, #tpu.memory_space<hbm>>
      %dma_wait3A_130 = arith.constant 0 : i32
      %dma_wait3A_131 = arith.constant 0 : i32
      %dma_wait3A_132 = tpu.memref_slice %arg8[%dma_wait3A_130, %dma_wait3A_131] : memref<512x64xf32, #tpu.memory_space<vmem>> -> memref<320x64xf32, #tpu.memory_space<vmem>>
      tpu.wait_dma2 semaphore(%run_scoped3A : memref<!tpu.dma_semaphore, #tpu.memory_space<semaphore_mem>>) src(%dma_wait3A_132 : memref<320x64xf32, #tpu.memory_space<vmem>>) dst(%dma_wait3A_129 : memref<320x64xf32, #tpu.memory_space<hbm>>)
      tpu.yield
    }) : () -> ()
    %add3A_105 = arith.constant 320 : i32
    %add3A_106 = arith.addi %mul3A_2, %add3A_105 : i32
    "tpu.region"() ({
      %run_scoped3A = tpu.sem_alloc : memref<!tpu.dma_semaphore, #tpu.memory_space<semaphore_mem>>
      %dma_start3A_109 = arith.constant 0 : i32
      %dma_start3A_110 = arith.constant 0 : i32
      %dma_start3A_111 = tpu.memref_slice %arg8[%dma_start3A_109, %dma_start3A_110] : memref<512x64xf32, #tpu.memory_space<vmem>> -> memref<312x64xf32, #tpu.memory_space<vmem>>
      %dma_start3A_112 = arith.constant 0 : i32
      %dma_start3A_113 = tpu.memref_slice %arg9[%add3A_106, %dma_start3A_112] : memref<10112x64xf32, #tpu.memory_space<vmem_shared>> -> memref<312x64xf32, #tpu.memory_space<vmem_shared>>
      %dma_start3A_114 = arith.constant 0 : i32
      %dma_start3A_115 = arith.constant 0 : i32
      %dma_start3A_116 = tpu.memref_slice %arg8[%dma_start3A_114, %dma_start3A_115] : memref<512x64xf32, #tpu.memory_space<vmem>> -> memref<312x64xf32, #tpu.memory_space<vmem>>
      %dma_start3A_117 = arith.constant 0 : i32
      %dma_start3A_118 = tpu.memref_slice %arg9[%add3A_106, %dma_start3A_117] : memref<10112x64xf32, #tpu.memory_space<vmem_shared>> -> memref<312x64xf32, #tpu.memory_space<vmem_shared>>
      tpu.enqueue_dma source(%dma_start3A_118 : memref<312x64xf32, #tpu.memory_space<vmem_shared>>) target(%dma_start3A_116 : memref<312x64xf32, #tpu.memory_space<vmem>>) target_semaphore(%run_scoped3A : memref<!tpu.dma_semaphore, #tpu.memory_space<semaphore_mem>>)
      %dma_wait3A_119 = arith.constant 0 : i32
      %dma_wait3A_120 = arith.constant 0 : i32
      %dma_wait3A_121 = tpu.memref_slice %arg8[%dma_wait3A_119, %dma_wait3A_120] : memref<512x64xf32, #tpu.memory_space<vmem>> -> memref<312x64xf32, #tpu.memory_space<vmem>>
      %dma_wait3A_122 = arith.constant 0 : i32
      %dma_wait3A_123 = tpu.memref_slice %arg9[%add3A_106, %dma_wait3A_122] : memref<10112x64xf32, #tpu.memory_space<vmem_shared>> -> memref<312x64xf32, #tpu.memory_space<vmem_shared>>
      %dma_wait3A_124 = arith.constant 0 : i32
      %dma_wait3A_125 = arith.constant 0 : i32
      %dma_wait3A_126 = tpu.memref_slice %arg8[%dma_wait3A_124, %dma_wait3A_125] : memref<512x64xf32, #tpu.memory_space<vmem>> -> memref<312x64xf32, #tpu.memory_space<vmem>>
      %dma_wait3A_127 = arith.constant 0 : i32
      %dma_wait3A_128 = tpu.memref_slice %arg9[%add3A_106, %dma_wait3A_127] : memref<10112x64xf32, #tpu.memory_space<vmem_shared>> -> memref<312x64xf32, #tpu.memory_space<vmem_shared>>
      tpu.wait_dma2 semaphore(%run_scoped3A : memref<!tpu.dma_semaphore, #tpu.memory_space<semaphore_mem>>) src(%dma_wait3A_128 : memref<312x64xf32, #tpu.memory_space<vmem_shared>>) dst(%dma_wait3A_126 : memref<312x64xf32, #tpu.memory_space<vmem>>)
      tpu.yield
    }) : () -> ()
    %add3A_107 = arith.constant 320 : i32
    %add3A_108 = arith.addi %mul3A_2, %add3A_107 : i32
    "tpu.region"() ({
      %run_scoped3A = tpu.sem_alloc : memref<!tpu.dma_semaphore, #tpu.memory_space<semaphore_mem>>
      %dma_start3A_109 = arith.constant 0 : i32
      %dma_start3A_110 = arith.constant 0 : i32
      %dma_start3A_111 = tpu.memref_slice %arg8[%dma_start3A_109, %dma_start3A_110] : memref<512x64xf32, #tpu.memory_space<vmem>> -> memref<312x64xf32, #tpu.memory_space<vmem>>
      %dma_start3A_112 = arith.constant 0 : i32
      %dma_start3A_113 = tpu.memref_slice %arg5[%arg0, %add3A_108, %dma_start3A_112] : memref<2x10112x64xf32, #tpu.memory_space<hbm>> -> memref<1x312x64xf32, #tpu.memory_space<hbm>>
      %dma_start3A_114 = tpu.memref_squeeze %dma_start3A_113 : memref<1x312x64xf32, #tpu.memory_space<hbm>> -> memref<312x64xf32, #tpu.memory_space<hbm>>
      %dma_start3A_115 = arith.constant 0 : i32
      %dma_start3A_116 = tpu.memref_slice %arg5[%arg0, %add3A_108, %dma_start3A_115] : memref<2x10112x64xf32, #tpu.memory_space<hbm>> -> memref<1x312x64xf32, #tpu.memory_space<hbm>>
      %dma_start3A_117 = tpu.memref_squeeze %dma_start3A_116 : memref<1x312x64xf32, #tpu.memory_space<hbm>> -> memref<312x64xf32, #tpu.memory_space<hbm>>
      %dma_start3A_118 = arith.constant 0 : i32
      %dma_start3A_119 = arith.constant 0 : i32
      %dma_start3A_120 = tpu.memref_slice %arg8[%dma_start3A_118, %dma_start3A_119] : memref<512x64xf32, #tpu.memory_space<vmem>> -> memref<312x64xf32, #tpu.memory_space<vmem>>
      tpu.enqueue_dma source(%dma_start3A_120 : memref<312x64xf32, #tpu.memory_space<vmem>>) target(%dma_start3A_117 : memref<312x64xf32, #tpu.memory_space<hbm>>) target_semaphore(%run_scoped3A : memref<!tpu.dma_semaphore, #tpu.memory_space<semaphore_mem>>)
      %dma_wait3A_121 = arith.constant 0 : i32
      %dma_wait3A_122 = arith.constant 0 : i32
      %dma_wait3A_123 = tpu.memref_slice %arg8[%dma_wait3A_121, %dma_wait3A_122] : memref<512x64xf32, #tpu.memory_space<vmem>> -> memref<312x64xf32, #tpu.memory_space<vmem>>
      %dma_wait3A_124 = arith.constant 0 : i32
      %dma_wait3A_125 = tpu.memref_slice %arg5[%arg0, %add3A_108, %dma_wait3A_124] : memref<2x10112x64xf32, #tpu.memory_space<hbm>> -> memref<1x312x64xf32, #tpu.memory_space<hbm>>
      %dma_wait3A_126 = tpu.memref_squeeze %dma_wait3A_125 : memref<1x312x64xf32, #tpu.memory_space<hbm>> -> memref<312x64xf32, #tpu.memory_space<hbm>>
      %dma_wait3A_127 = arith.constant 0 : i32
      %dma_wait3A_128 = tpu.memref_slice %arg5[%arg0, %add3A_108, %dma_wait3A_127] : memref<2x10112x64xf32, #tpu.memory_space<hbm>> -> memref<1x312x64xf32, #tpu.memory_space<hbm>>
      %dma_wait3A_129 = tpu.memref_squeeze %dma_wait3A_128 : memref<1x312x64xf32, #tpu.memory_space<hbm>> -> memref<312x64xf32, #tpu.memory_space<hbm>>
      %dma_wait3A_130 = arith.constant 0 : i32
      %dma_wait3A_131 = arith.constant 0 : i32
      %dma_wait3A_132 = tpu.memref_slice %arg8[%dma_wait3A_130, %dma_wait3A_131] : memref<512x64xf32, #tpu.memory_space<vmem>> -> memref<312x64xf32, #tpu.memory_space<vmem>>
      tpu.wait_dma2 semaphore(%run_scoped3A : memref<!tpu.dma_semaphore, #tpu.memory_space<semaphore_mem>>) src(%dma_wait3A_132 : memref<312x64xf32, #tpu.memory_space<vmem>>) dst(%dma_wait3A_129 : memref<312x64xf32, #tpu.memory_space<hbm>>)
      tpu.yield
    }) : () -> ()
    return
  }
}

#map = affine_map<(d0, d1) -> (0, 0)>
#map1 = affine_map<(d0, d1) -> (0, 0, 0)>
module attributes {stable_mosaic.version = 14 : i64} {
  func.func @_agg_body(%arg0: i32, %arg1: i32, %arg2: memref<10112x64xf32, #tpu.memory_space<hbm>>, %arg3: memref<32x80x128xi32, #tpu.memory_space<hbm>>, %arg4: memref<32x80x128xi32, #tpu.memory_space<hbm>>, %arg5: memref<2x10112x64xf32, #tpu.memory_space<hbm>>, %arg6: memref<40x128xi32, #tpu.memory_space<vmem>>, %arg7: memref<40x128xi32, #tpu.memory_space<vmem>>, %arg8: memref<512x64xf32, #tpu.memory_space<vmem>>, %arg9: memref<10112x64xf32, #tpu.memory_space<vmem_shared>>, %arg10: memref<10112x64xf32, #tpu.memory_space<vmem_shared>>, %arg11: memref<!tpu.dma_semaphore, #tpu.memory_space<semaphore_mem>>, %arg12: memref<!tpu.dma_semaphore, #tpu.memory_space<semaphore_mem>>, %arg13: memref<!tpu.dma_semaphore, #tpu.memory_space<semaphore_mem>>, %arg14: memref<!tpu.dma_semaphore, #tpu.memory_space<semaphore_mem>>, %arg15: memref<!tpu.dma_semaphore, #tpu.memory_space<semaphore_mem>>, %arg16: memref<!tpu.dma_semaphore, #tpu.memory_space<semaphore_mem>>, %arg17: memref<!tpu.dma_semaphore, #tpu.memory_space<semaphore_mem>>, %arg18: memref<!tpu.dma_semaphore, #tpu.memory_space<semaphore_mem>>) attributes {dimension_semantics = [#tpu.dimension_semantics<core_parallel>, #tpu.dimension_semantics<subcore_parallel>], iteration_bounds = array<i64: 2, 16>, scalar_prefetch = 0 : i64, scratch_operands = 13 : i64, tpu.core_type = #tpu.core_type<sc_vector_subcore>, window_params = [{transform_indices = #map}, {transform_indices = #map1}, {transform_indices = #map1}, {transform_indices = #map1}]} {
    %mul3A = arith.constant 16 : i32
    %mul3A_0 = arith.muli %arg0, %mul3A : i32
    %add3A = arith.addi %mul3A_0, %arg1 : i32
    %mul3A_1 = arith.constant 632 : i32
    %mul3A_2 = arith.muli %arg1, %mul3A_1 : i32
    "tpu.region"() ({
      %run_scoped3A = tpu.sem_alloc : memref<!tpu.dma_semaphore, #tpu.memory_space<semaphore_mem>>
      %dma_start3A_109 = arith.constant 0 : i32
      %dma_start3A_110 = arith.constant 0 : i32
      %dma_start3A_111 = tpu.memref_slice %arg8[%dma_start3A_109, %dma_start3A_110] : memref<512x64xf32, #tpu.memory_space<vmem>> -> memref<320x64xf32, #tpu.memory_space<vmem>>
      %dma_start3A_112 = arith.constant 0 : i32
      %dma_start3A_113 = tpu.memref_slice %arg2[%mul3A_2, %dma_start3A_112] : memref<10112x64xf32, #tpu.memory_space<hbm>> -> memref<320x64xf32, #tpu.memory_space<hbm>>
      %dma_start3A_114 = arith.constant 0 : i32
      %dma_start3A_115 = arith.constant 0 : i32
      %dma_start3A_116 = tpu.memref_slice %arg8[%dma_start3A_114, %dma_start3A_115] : memref<512x64xf32, #tpu.memory_space<vmem>> -> memref<320x64xf32, #tpu.memory_space<vmem>>
      %dma_start3A_117 = arith.constant 0 : i32
      %dma_start3A_118 = tpu.memref_slice %arg2[%mul3A_2, %dma_start3A_117] : memref<10112x64xf32, #tpu.memory_space<hbm>> -> memref<320x64xf32, #tpu.memory_space<hbm>>
      tpu.enqueue_dma source(%dma_start3A_118 : memref<320x64xf32, #tpu.memory_space<hbm>>) target(%dma_start3A_116 : memref<320x64xf32, #tpu.memory_space<vmem>>) target_semaphore(%run_scoped3A : memref<!tpu.dma_semaphore, #tpu.memory_space<semaphore_mem>>)
      %dma_wait3A_119 = arith.constant 0 : i32
      %dma_wait3A_120 = arith.constant 0 : i32
      %dma_wait3A_121 = tpu.memref_slice %arg8[%dma_wait3A_119, %dma_wait3A_120] : memref<512x64xf32, #tpu.memory_space<vmem>> -> memref<320x64xf32, #tpu.memory_space<vmem>>
      %dma_wait3A_122 = arith.constant 0 : i32
      %dma_wait3A_123 = tpu.memref_slice %arg2[%mul3A_2, %dma_wait3A_122] : memref<10112x64xf32, #tpu.memory_space<hbm>> -> memref<320x64xf32, #tpu.memory_space<hbm>>
      %dma_wait3A_124 = arith.constant 0 : i32
      %dma_wait3A_125 = arith.constant 0 : i32
      %dma_wait3A_126 = tpu.memref_slice %arg8[%dma_wait3A_124, %dma_wait3A_125] : memref<512x64xf32, #tpu.memory_space<vmem>> -> memref<320x64xf32, #tpu.memory_space<vmem>>
      %dma_wait3A_127 = arith.constant 0 : i32
      %dma_wait3A_128 = tpu.memref_slice %arg2[%mul3A_2, %dma_wait3A_127] : memref<10112x64xf32, #tpu.memory_space<hbm>> -> memref<320x64xf32, #tpu.memory_space<hbm>>
      tpu.wait_dma2 semaphore(%run_scoped3A : memref<!tpu.dma_semaphore, #tpu.memory_space<semaphore_mem>>) src(%dma_wait3A_128 : memref<320x64xf32, #tpu.memory_space<hbm>>) dst(%dma_wait3A_126 : memref<320x64xf32, #tpu.memory_space<vmem>>)
      tpu.yield
    }) : () -> ()
    "tpu.region"() ({
      %run_scoped3A = tpu.sem_alloc : memref<!tpu.dma_semaphore, #tpu.memory_space<semaphore_mem>>
      %dma_start3A_109 = arith.constant 0 : i32
      %dma_start3A_110 = arith.constant 0 : i32
      %dma_start3A_111 = tpu.memref_slice %arg8[%dma_start3A_109, %dma_start3A_110] : memref<512x64xf32, #tpu.memory_space<vmem>> -> memref<320x64xf32, #tpu.memory_space<vmem>>
      %dma_start3A_112 = arith.constant 0 : i32
      %dma_start3A_113 = tpu.memref_slice %arg10[%mul3A_2, %dma_start3A_112] : memref<10112x64xf32, #tpu.memory_space<vmem_shared>> -> memref<320x64xf32, #tpu.memory_space<vmem_shared>>
      %dma_start3A_114 = arith.constant 0 : i32
      %dma_start3A_115 = tpu.memref_slice %arg10[%mul3A_2, %dma_start3A_114] : memref<10112x64xf32, #tpu.memory_space<vmem_shared>> -> memref<320x64xf32, #tpu.memory_space<vmem_shared>>
      %dma_start3A_116 = arith.constant 0 : i32
      %dma_start3A_117 = arith.constant 0 : i32
      %dma_start3A_118 = tpu.memref_slice %arg8[%dma_start3A_116, %dma_start3A_117] : memref<512x64xf32, #tpu.memory_space<vmem>> -> memref<320x64xf32, #tpu.memory_space<vmem>>
      tpu.enqueue_dma source(%dma_start3A_118 : memref<320x64xf32, #tpu.memory_space<vmem>>) target(%dma_start3A_115 : memref<320x64xf32, #tpu.memory_space<vmem_shared>>) target_semaphore(%run_scoped3A : memref<!tpu.dma_semaphore, #tpu.memory_space<semaphore_mem>>)
      %dma_wait3A_119 = arith.constant 0 : i32
      %dma_wait3A_120 = arith.constant 0 : i32
      %dma_wait3A_121 = tpu.memref_slice %arg8[%dma_wait3A_119, %dma_wait3A_120] : memref<512x64xf32, #tpu.memory_space<vmem>> -> memref<320x64xf32, #tpu.memory_space<vmem>>
      %dma_wait3A_122 = arith.constant 0 : i32
      %dma_wait3A_123 = tpu.memref_slice %arg10[%mul3A_2, %dma_wait3A_122] : memref<10112x64xf32, #tpu.memory_space<vmem_shared>> -> memref<320x64xf32, #tpu.memory_space<vmem_shared>>
      %dma_wait3A_124 = arith.constant 0 : i32
      %dma_wait3A_125 = tpu.memref_slice %arg10[%mul3A_2, %dma_wait3A_124] : memref<10112x64xf32, #tpu.memory_space<vmem_shared>> -> memref<320x64xf32, #tpu.memory_space<vmem_shared>>
      %dma_wait3A_126 = arith.constant 0 : i32
      %dma_wait3A_127 = arith.constant 0 : i32
      %dma_wait3A_128 = tpu.memref_slice %arg8[%dma_wait3A_126, %dma_wait3A_127] : memref<512x64xf32, #tpu.memory_space<vmem>> -> memref<320x64xf32, #tpu.memory_space<vmem>>
      tpu.wait_dma2 semaphore(%run_scoped3A : memref<!tpu.dma_semaphore, #tpu.memory_space<semaphore_mem>>) src(%dma_wait3A_128 : memref<320x64xf32, #tpu.memory_space<vmem>>) dst(%dma_wait3A_125 : memref<320x64xf32, #tpu.memory_space<vmem_shared>>)
      tpu.yield
    }) : () -> ()
    %add3A_3 = arith.constant 320 : i32
    %add3A_4 = arith.addi %mul3A_2, %add3A_3 : i32
    "tpu.region"() ({
      %run_scoped3A = tpu.sem_alloc : memref<!tpu.dma_semaphore, #tpu.memory_space<semaphore_mem>>
      %dma_start3A_109 = arith.constant 0 : i32
      %dma_start3A_110 = arith.constant 0 : i32
      %dma_start3A_111 = tpu.memref_slice %arg8[%dma_start3A_109, %dma_start3A_110] : memref<512x64xf32, #tpu.memory_space<vmem>> -> memref<312x64xf32, #tpu.memory_space<vmem>>
      %dma_start3A_112 = arith.constant 0 : i32
      %dma_start3A_113 = tpu.memref_slice %arg2[%add3A_4, %dma_start3A_112] : memref<10112x64xf32, #tpu.memory_space<hbm>> -> memref<312x64xf32, #tpu.memory_space<hbm>>
      %dma_start3A_114 = arith.constant 0 : i32
      %dma_start3A_115 = arith.constant 0 : i32
      %dma_start3A_116 = tpu.memref_slice %arg8[%dma_start3A_114, %dma_start3A_115] : memref<512x64xf32, #tpu.memory_space<vmem>> -> memref<312x64xf32, #tpu.memory_space<vmem>>
      %dma_start3A_117 = arith.constant 0 : i32
      %dma_start3A_118 = tpu.memref_slice %arg2[%add3A_4, %dma_start3A_117] : memref<10112x64xf32, #tpu.memory_space<hbm>> -> memref<312x64xf32, #tpu.memory_space<hbm>>
      tpu.enqueue_dma source(%dma_start3A_118 : memref<312x64xf32, #tpu.memory_space<hbm>>) target(%dma_start3A_116 : memref<312x64xf32, #tpu.memory_space<vmem>>) target_semaphore(%run_scoped3A : memref<!tpu.dma_semaphore, #tpu.memory_space<semaphore_mem>>)
      %dma_wait3A_119 = arith.constant 0 : i32
      %dma_wait3A_120 = arith.constant 0 : i32
      %dma_wait3A_121 = tpu.memref_slice %arg8[%dma_wait3A_119, %dma_wait3A_120] : memref<512x64xf32, #tpu.memory_space<vmem>> -> memref<312x64xf32, #tpu.memory_space<vmem>>
      %dma_wait3A_122 = arith.constant 0 : i32
      %dma_wait3A_123 = tpu.memref_slice %arg2[%add3A_4, %dma_wait3A_122] : memref<10112x64xf32, #tpu.memory_space<hbm>> -> memref<312x64xf32, #tpu.memory_space<hbm>>
      %dma_wait3A_124 = arith.constant 0 : i32
      %dma_wait3A_125 = arith.constant 0 : i32
      %dma_wait3A_126 = tpu.memref_slice %arg8[%dma_wait3A_124, %dma_wait3A_125] : memref<512x64xf32, #tpu.memory_space<vmem>> -> memref<312x64xf32, #tpu.memory_space<vmem>>
      %dma_wait3A_127 = arith.constant 0 : i32
      %dma_wait3A_128 = tpu.memref_slice %arg2[%add3A_4, %dma_wait3A_127] : memref<10112x64xf32, #tpu.memory_space<hbm>> -> memref<312x64xf32, #tpu.memory_space<hbm>>
      tpu.wait_dma2 semaphore(%run_scoped3A : memref<!tpu.dma_semaphore, #tpu.memory_space<semaphore_mem>>) src(%dma_wait3A_128 : memref<312x64xf32, #tpu.memory_space<hbm>>) dst(%dma_wait3A_126 : memref<312x64xf32, #tpu.memory_space<vmem>>)
      tpu.yield
    }) : () -> ()
    %add3A_5 = arith.constant 320 : i32
    %add3A_6 = arith.addi %mul3A_2, %add3A_5 : i32
    "tpu.region"() ({
      %run_scoped3A = tpu.sem_alloc : memref<!tpu.dma_semaphore, #tpu.memory_space<semaphore_mem>>
      %dma_start3A_109 = arith.constant 0 : i32
      %dma_start3A_110 = arith.constant 0 : i32
      %dma_start3A_111 = tpu.memref_slice %arg8[%dma_start3A_109, %dma_start3A_110] : memref<512x64xf32, #tpu.memory_space<vmem>> -> memref<312x64xf32, #tpu.memory_space<vmem>>
      %dma_start3A_112 = arith.constant 0 : i32
      %dma_start3A_113 = tpu.memref_slice %arg10[%add3A_6, %dma_start3A_112] : memref<10112x64xf32, #tpu.memory_space<vmem_shared>> -> memref<312x64xf32, #tpu.memory_space<vmem_shared>>
      %dma_start3A_114 = arith.constant 0 : i32
      %dma_start3A_115 = tpu.memref_slice %arg10[%add3A_6, %dma_start3A_114] : memref<10112x64xf32, #tpu.memory_space<vmem_shared>> -> memref<312x64xf32, #tpu.memory_space<vmem_shared>>
      %dma_start3A_116 = arith.constant 0 : i32
      %dma_start3A_117 = arith.constant 0 : i32
      %dma_start3A_118 = tpu.memref_slice %arg8[%dma_start3A_116, %dma_start3A_117] : memref<512x64xf32, #tpu.memory_space<vmem>> -> memref<312x64xf32, #tpu.memory_space<vmem>>
      tpu.enqueue_dma source(%dma_start3A_118 : memref<312x64xf32, #tpu.memory_space<vmem>>) target(%dma_start3A_115 : memref<312x64xf32, #tpu.memory_space<vmem_shared>>) target_semaphore(%run_scoped3A : memref<!tpu.dma_semaphore, #tpu.memory_space<semaphore_mem>>)
      %dma_wait3A_119 = arith.constant 0 : i32
      %dma_wait3A_120 = arith.constant 0 : i32
      %dma_wait3A_121 = tpu.memref_slice %arg8[%dma_wait3A_119, %dma_wait3A_120] : memref<512x64xf32, #tpu.memory_space<vmem>> -> memref<312x64xf32, #tpu.memory_space<vmem>>
      %dma_wait3A_122 = arith.constant 0 : i32
      %dma_wait3A_123 = tpu.memref_slice %arg10[%add3A_6, %dma_wait3A_122] : memref<10112x64xf32, #tpu.memory_space<vmem_shared>> -> memref<312x64xf32, #tpu.memory_space<vmem_shared>>
      %dma_wait3A_124 = arith.constant 0 : i32
      %dma_wait3A_125 = tpu.memref_slice %arg10[%add3A_6, %dma_wait3A_124] : memref<10112x64xf32, #tpu.memory_space<vmem_shared>> -> memref<312x64xf32, #tpu.memory_space<vmem_shared>>
      %dma_wait3A_126 = arith.constant 0 : i32
      %dma_wait3A_127 = arith.constant 0 : i32
      %dma_wait3A_128 = tpu.memref_slice %arg8[%dma_wait3A_126, %dma_wait3A_127] : memref<512x64xf32, #tpu.memory_space<vmem>> -> memref<312x64xf32, #tpu.memory_space<vmem>>
      tpu.wait_dma2 semaphore(%run_scoped3A : memref<!tpu.dma_semaphore, #tpu.memory_space<semaphore_mem>>) src(%dma_wait3A_128 : memref<312x64xf32, #tpu.memory_space<vmem>>) dst(%dma_wait3A_125 : memref<312x64xf32, #tpu.memory_space<vmem_shared>>)
      tpu.yield
    }) : () -> ()
    %scan3A = arith.constant 0 : i32
    %scan3A_7 = arith.constant 0 : i32
    %scan3A_8 = arith.constant 320 : i32
    %scan3A_9 = arith.addi %scan3A_7, %scan3A_8 : i32
    %scan3A_10 = arith.constant 1 : i32
    scf.for %scan3A_109 = %scan3A_7 to %scan3A_9 step %scan3A_10  : i32 {
      %broadcast_in_dim3A = arith.constant 0.000000e+00 : f32
      %broadcast_in_dim3A_110 = vector.broadcast %broadcast_in_dim3A : f32 to vector<16xf32>
      %swap3A = arith.index_cast %scan3A_109 : i32 to index
      %swap3A_111 = arith.constant 0 : index
      %swap3A_112 = tpu.vector_load %arg8[%swap3A, %swap3A_111] {strides = array<i32>} : memref<512x64xf32, #tpu.memory_space<vmem>>, vector<1x16xf32>,
      %swap3A_113 = vector.shape_cast %swap3A_112 : vector<1x16xf32> to vector<16xf32>
      %swap3A_114 = vector.shape_cast %broadcast_in_dim3A_110 : vector<16xf32> to vector<1x16xf32>
      tpu.vector_store %arg8[%swap3A, %swap3A_111], %swap3A_114 {strides = array<i32>} : memref<512x64xf32, #tpu.memory_space<vmem>>, vector<1x16xf32>,
      %broadcast_in_dim3A_115 = arith.constant 0.000000e+00 : f32
      %broadcast_in_dim3A_116 = vector.broadcast %broadcast_in_dim3A_115 : f32 to vector<16xf32>
      %swap3A_117 = arith.index_cast %scan3A_109 : i32 to index
      %swap3A_118 = arith.constant 16 : index
      %swap3A_119 = tpu.vector_load %arg8[%swap3A_117, %swap3A_118] {strides = array<i32>} : memref<512x64xf32, #tpu.memory_space<vmem>>, vector<1x16xf32>,
      %swap3A_120 = vector.shape_cast %swap3A_119 : vector<1x16xf32> to vector<16xf32>
      %swap3A_121 = vector.shape_cast %broadcast_in_dim3A_116 : vector<16xf32> to vector<1x16xf32>
      tpu.vector_store %arg8[%swap3A_117, %swap3A_118], %swap3A_121 {strides = array<i32>} : memref<512x64xf32, #tpu.memory_space<vmem>>, vector<1x16xf32>,
      %broadcast_in_dim3A_122 = arith.constant 0.000000e+00 : f32
      %broadcast_in_dim3A_123 = vector.broadcast %broadcast_in_dim3A_122 : f32 to vector<16xf32>
      %swap3A_124 = arith.index_cast %scan3A_109 : i32 to index
      %swap3A_125 = arith.constant 32 : index
      %swap3A_126 = tpu.vector_load %arg8[%swap3A_124, %swap3A_125] {strides = array<i32>} : memref<512x64xf32, #tpu.memory_space<vmem>>, vector<1x16xf32>,
      %swap3A_127 = vector.shape_cast %swap3A_126 : vector<1x16xf32> to vector<16xf32>
      %swap3A_128 = vector.shape_cast %broadcast_in_dim3A_123 : vector<16xf32> to vector<1x16xf32>
      tpu.vector_store %arg8[%swap3A_124, %swap3A_125], %swap3A_128 {strides = array<i32>} : memref<512x64xf32, #tpu.memory_space<vmem>>, vector<1x16xf32>,
      %broadcast_in_dim3A_129 = arith.constant 0.000000e+00 : f32
      %broadcast_in_dim3A_130 = vector.broadcast %broadcast_in_dim3A_129 : f32 to vector<16xf32>
      %swap3A_131 = arith.index_cast %scan3A_109 : i32 to index
      %swap3A_132 = arith.constant 48 : index
      %swap3A_133 = tpu.vector_load %arg8[%swap3A_131, %swap3A_132] {strides = array<i32>} : memref<512x64xf32, #tpu.memory_space<vmem>>, vector<1x16xf32>,
      %swap3A_134 = vector.shape_cast %swap3A_133 : vector<1x16xf32> to vector<16xf32>
      %swap3A_135 = vector.shape_cast %broadcast_in_dim3A_130 : vector<16xf32> to vector<1x16xf32>
      tpu.vector_store %arg8[%swap3A_131, %swap3A_132], %swap3A_135 {strides = array<i32>} : memref<512x64xf32, #tpu.memory_space<vmem>>, vector<1x16xf32>,
    }
    %scan3A_11 = arith.constant 320 : i32
    "tpu.region"() ({
      %run_scoped3A = tpu.sem_alloc : memref<!tpu.dma_semaphore, #tpu.memory_space<semaphore_mem>>
      %dma_start3A_109 = arith.constant 0 : i32
      %dma_start3A_110 = arith.constant 0 : i32
      %dma_start3A_111 = tpu.memref_slice %arg8[%dma_start3A_109, %dma_start3A_110] : memref<512x64xf32, #tpu.memory_space<vmem>> -> memref<320x64xf32, #tpu.memory_space<vmem>>
      %dma_start3A_112 = arith.constant 0 : i32
      %dma_start3A_113 = tpu.memref_slice %arg9[%mul3A_2, %dma_start3A_112] : memref<10112x64xf32, #tpu.memory_space<vmem_shared>> -> memref<320x64xf32, #tpu.memory_space<vmem_shared>>
      %dma_start3A_114 = arith.constant 0 : i32
      %dma_start3A_115 = tpu.memref_slice %arg9[%mul3A_2, %dma_start3A_114] : memref<10112x64xf32, #tpu.memory_space<vmem_shared>> -> memref<320x64xf32, #tpu.memory_space<vmem_shared>>
      %dma_start3A_116 = arith.constant 0 : i32
      %dma_start3A_117 = arith.constant 0 : i32
      %dma_start3A_118 = tpu.memref_slice %arg8[%dma_start3A_116, %dma_start3A_117] : memref<512x64xf32, #tpu.memory_space<vmem>> -> memref<320x64xf32, #tpu.memory_space<vmem>>
      tpu.enqueue_dma source(%dma_start3A_118 : memref<320x64xf32, #tpu.memory_space<vmem>>) target(%dma_start3A_115 : memref<320x64xf32, #tpu.memory_space<vmem_shared>>) target_semaphore(%run_scoped3A : memref<!tpu.dma_semaphore, #tpu.memory_space<semaphore_mem>>)
      %dma_wait3A_119 = arith.constant 0 : i32
      %dma_wait3A_120 = arith.constant 0 : i32
      %dma_wait3A_121 = tpu.memref_slice %arg8[%dma_wait3A_119, %dma_wait3A_120] : memref<512x64xf32, #tpu.memory_space<vmem>> -> memref<320x64xf32, #tpu.memory_space<vmem>>
      %dma_wait3A_122 = arith.constant 0 : i32
      %dma_wait3A_123 = tpu.memref_slice %arg9[%mul3A_2, %dma_wait3A_122] : memref<10112x64xf32, #tpu.memory_space<vmem_shared>> -> memref<320x64xf32, #tpu.memory_space<vmem_shared>>
      %dma_wait3A_124 = arith.constant 0 : i32
      %dma_wait3A_125 = tpu.memref_slice %arg9[%mul3A_2, %dma_wait3A_124] : memref<10112x64xf32, #tpu.memory_space<vmem_shared>> -> memref<320x64xf32, #tpu.memory_space<vmem_shared>>
      %dma_wait3A_126 = arith.constant 0 : i32
      %dma_wait3A_127 = arith.constant 0 : i32
      %dma_wait3A_128 = tpu.memref_slice %arg8[%dma_wait3A_126, %dma_wait3A_127] : memref<512x64xf32, #tpu.memory_space<vmem>> -> memref<320x64xf32, #tpu.memory_space<vmem>>
      tpu.wait_dma2 semaphore(%run_scoped3A : memref<!tpu.dma_semaphore, #tpu.memory_space<semaphore_mem>>) src(%dma_wait3A_128 : memref<320x64xf32, #tpu.memory_space<vmem>>) dst(%dma_wait3A_125 : memref<320x64xf32, #tpu.memory_space<vmem_shared>>)
      tpu.yield
    }) : () -> ()
    %add3A_12 = arith.constant 320 : i32
    %add3A_13 = arith.addi %mul3A_2, %add3A_12 : i32
    "tpu.region"() ({
      %run_scoped3A = tpu.sem_alloc : memref<!tpu.dma_semaphore, #tpu.memory_space<semaphore_mem>>
      %dma_start3A_109 = arith.constant 0 : i32
      %dma_start3A_110 = arith.constant 0 : i32
      %dma_start3A_111 = tpu.memref_slice %arg8[%dma_start3A_109, %dma_start3A_110] : memref<512x64xf32, #tpu.memory_space<vmem>> -> memref<312x64xf32, #tpu.memory_space<vmem>>
      %dma_start3A_112 = arith.constant 0 : i32
      %dma_start3A_113 = tpu.memref_slice %arg9[%add3A_13, %dma_start3A_112] : memref<10112x64xf32, #tpu.memory_space<vmem_shared>> -> memref<312x64xf32, #tpu.memory_space<vmem_shared>>
      %dma_start3A_114 = arith.constant 0 : i32
      %dma_start3A_115 = tpu.memref_slice %arg9[%add3A_13, %dma_start3A_114] : memref<10112x64xf32, #tpu.memory_space<vmem_shared>> -> memref<312x64xf32, #tpu.memory_space<vmem_shared>>
      %dma_start3A_116 = arith.constant 0 : i32
      %dma_start3A_117 = arith.constant 0 : i32
      %dma_start3A_118 = tpu.memref_slice %arg8[%dma_start3A_116, %dma_start3A_117] : memref<512x64xf32, #tpu.memory_space<vmem>> -> memref<312x64xf32, #tpu.memory_space<vmem>>
      tpu.enqueue_dma source(%dma_start3A_118 : memref<312x64xf32, #tpu.memory_space<vmem>>) target(%dma_start3A_115 : memref<312x64xf32, #tpu.memory_space<vmem_shared>>) target_semaphore(%run_scoped3A : memref<!tpu.dma_semaphore, #tpu.memory_space<semaphore_mem>>)
      %dma_wait3A_119 = arith.constant 0 : i32
      %dma_wait3A_120 = arith.constant 0 : i32
      %dma_wait3A_121 = tpu.memref_slice %arg8[%dma_wait3A_119, %dma_wait3A_120] : memref<512x64xf32, #tpu.memory_space<vmem>> -> memref<312x64xf32, #tpu.memory_space<vmem>>
      %dma_wait3A_122 = arith.constant 0 : i32
      %dma_wait3A_123 = tpu.memref_slice %arg9[%add3A_13, %dma_wait3A_122] : memref<10112x64xf32, #tpu.memory_space<vmem_shared>> -> memref<312x64xf32, #tpu.memory_space<vmem_shared>>
      %dma_wait3A_124 = arith.constant 0 : i32
      %dma_wait3A_125 = tpu.memref_slice %arg9[%add3A_13, %dma_wait3A_124] : memref<10112x64xf32, #tpu.memory_space<vmem_shared>> -> memref<312x64xf32, #tpu.memory_space<vmem_shared>>
      %dma_wait3A_126 = arith.constant 0 : i32
      %dma_wait3A_127 = arith.constant 0 : i32
      %dma_wait3A_128 = tpu.memref_slice %arg8[%dma_wait3A_126, %dma_wait3A_127] : memref<512x64xf32, #tpu.memory_space<vmem>> -> memref<312x64xf32, #tpu.memory_space<vmem>>
      tpu.wait_dma2 semaphore(%run_scoped3A : memref<!tpu.dma_semaphore, #tpu.memory_space<semaphore_mem>>) src(%dma_wait3A_128 : memref<312x64xf32, #tpu.memory_space<vmem>>) dst(%dma_wait3A_125 : memref<312x64xf32, #tpu.memory_space<vmem_shared>>)
      tpu.yield
    }) : () -> ()
    %barrier3A = arith.constant 0 : index
    tpu.barrier barrier_id(%barrier3A)
    "tpu.region"() ({
      %run_scoped3A = tpu.sem_alloc : memref<!tpu.dma_semaphore, #tpu.memory_space<semaphore_mem>>
      %dma_start3A_109 = arith.constant 0 : i32
      %dma_start3A_110 = arith.constant 0 : i32
      %dma_start3A_111 = tpu.memref_slice %arg3[%add3A, %dma_start3A_109, %dma_start3A_110] : memref<32x80x128xi32, #tpu.memory_space<hbm>> -> memref<1x40x128xi32, #tpu.memory_space<hbm>>
      %dma_start3A_112 = tpu.memref_squeeze %dma_start3A_111 : memref<1x40x128xi32, #tpu.memory_space<hbm>> -> memref<40x128xi32, #tpu.memory_space<hbm>>
      %dma_start3A_113 = arith.constant 0 : i32
      %dma_start3A_114 = arith.constant 0 : i32
      %dma_start3A_115 = tpu.memref_slice %arg3[%add3A, %dma_start3A_113, %dma_start3A_114] : memref<32x80x128xi32, #tpu.memory_space<hbm>> -> memref<1x40x128xi32, #tpu.memory_space<hbm>>
      %dma_start3A_116 = tpu.memref_squeeze %dma_start3A_115 : memref<1x40x128xi32, #tpu.memory_space<hbm>> -> memref<40x128xi32, #tpu.memory_space<hbm>>
      tpu.enqueue_dma source(%dma_start3A_116 : memref<40x128xi32, #tpu.memory_space<hbm>>) target(%arg6 : memref<40x128xi32, #tpu.memory_space<vmem>>) target_semaphore(%run_scoped3A : memref<!tpu.dma_semaphore, #tpu.memory_space<semaphore_mem>>)
      %dma_wait3A_117 = arith.constant 0 : i32
      %dma_wait3A_118 = arith.constant 0 : i32
      %dma_wait3A_119 = tpu.memref_slice %arg3[%add3A, %dma_wait3A_117, %dma_wait3A_118] : memref<32x80x128xi32, #tpu.memory_space<hbm>> -> memref<1x40x128xi32, #tpu.memory_space<hbm>>
      %dma_wait3A_120 = tpu.memref_squeeze %dma_wait3A_119 : memref<1x40x128xi32, #tpu.memory_space<hbm>> -> memref<40x128xi32, #tpu.memory_space<hbm>>
      %dma_wait3A_121 = arith.constant 0 : i32
      %dma_wait3A_122 = arith.constant 0 : i32
      %dma_wait3A_123 = tpu.memref_slice %arg3[%add3A, %dma_wait3A_121, %dma_wait3A_122] : memref<32x80x128xi32, #tpu.memory_space<hbm>> -> memref<1x40x128xi32, #tpu.memory_space<hbm>>
      %dma_wait3A_124 = tpu.memref_squeeze %dma_wait3A_123 : memref<1x40x128xi32, #tpu.memory_space<hbm>> -> memref<40x128xi32, #tpu.memory_space<hbm>>
      tpu.wait_dma2 semaphore(%run_scoped3A : memref<!tpu.dma_semaphore, #tpu.memory_space<semaphore_mem>>) src(%dma_wait3A_124 : memref<40x128xi32, #tpu.memory_space<hbm>>) dst(%arg6 : memref<40x128xi32, #tpu.memory_space<vmem>>)
      tpu.yield
    }) : () -> ()
    "tpu.region"() ({
      %run_scoped3A = tpu.sem_alloc : memref<!tpu.dma_semaphore, #tpu.memory_space<semaphore_mem>>
      %dma_start3A_109 = arith.constant 0 : i32
      %dma_start3A_110 = arith.constant 0 : i32
      %dma_start3A_111 = tpu.memref_slice %arg4[%add3A, %dma_start3A_109, %dma_start3A_110] : memref<32x80x128xi32, #tpu.memory_space<hbm>> -> memref<1x40x128xi32, #tpu.memory_space<hbm>>
      %dma_start3A_112 = tpu.memref_squeeze %dma_start3A_111 : memref<1x40x128xi32, #tpu.memory_space<hbm>> -> memref<40x128xi32, #tpu.memory_space<hbm>>
      %dma_start3A_113 = arith.constant 0 : i32
      %dma_start3A_114 = arith.constant 0 : i32
      %dma_start3A_115 = tpu.memref_slice %arg4[%add3A, %dma_start3A_113, %dma_start3A_114] : memref<32x80x128xi32, #tpu.memory_space<hbm>> -> memref<1x40x128xi32, #tpu.memory_space<hbm>>
      %dma_start3A_116 = tpu.memref_squeeze %dma_start3A_115 : memref<1x40x128xi32, #tpu.memory_space<hbm>> -> memref<40x128xi32, #tpu.memory_space<hbm>>
      tpu.enqueue_dma source(%dma_start3A_116 : memref<40x128xi32, #tpu.memory_space<hbm>>) target(%arg7 : memref<40x128xi32, #tpu.memory_space<vmem>>) target_semaphore(%run_scoped3A : memref<!tpu.dma_semaphore, #tpu.memory_space<semaphore_mem>>)
      %dma_wait3A_117 = arith.constant 0 : i32
      %dma_wait3A_118 = arith.constant 0 : i32
      %dma_wait3A_119 = tpu.memref_slice %arg4[%add3A, %dma_wait3A_117, %dma_wait3A_118] : memref<32x80x128xi32, #tpu.memory_space<hbm>> -> memref<1x40x128xi32, #tpu.memory_space<hbm>>
      %dma_wait3A_120 = tpu.memref_squeeze %dma_wait3A_119 : memref<1x40x128xi32, #tpu.memory_space<hbm>> -> memref<40x128xi32, #tpu.memory_space<hbm>>
      %dma_wait3A_121 = arith.constant 0 : i32
      %dma_wait3A_122 = arith.constant 0 : i32
      %dma_wait3A_123 = tpu.memref_slice %arg4[%add3A, %dma_wait3A_121, %dma_wait3A_122] : memref<32x80x128xi32, #tpu.memory_space<hbm>> -> memref<1x40x128xi32, #tpu.memory_space<hbm>>
      %dma_wait3A_124 = tpu.memref_squeeze %dma_wait3A_123 : memref<1x40x128xi32, #tpu.memory_space<hbm>> -> memref<40x128xi32, #tpu.memory_space<hbm>>
      tpu.wait_dma2 semaphore(%run_scoped3A : memref<!tpu.dma_semaphore, #tpu.memory_space<semaphore_mem>>) src(%dma_wait3A_124 : memref<40x128xi32, #tpu.memory_space<hbm>>) dst(%arg7 : memref<40x128xi32, #tpu.memory_space<vmem>>)
      tpu.yield
    }) : () -> ()
    %dma_start3A = arith.constant 0 : i32
    %dma_start3A_14 = arith.constant 0 : i32
    %dma_start3A_15 = arith.constant 0 : i32
    %dma_start3A_16 = tpu.memref_slice %arg8[%dma_start3A_14, %dma_start3A_15] : memref<512x64xf32, #tpu.memory_space<vmem>> -> memref<128x64xf32, #tpu.memory_space<vmem>>
    %dma_start3A_17 = arith.constant 0 : i32
    %dma_start3A_18 = tpu.memref_slice %arg6[%dma_start3A, %dma_start3A_17] : memref<40x128xi32, #tpu.memory_space<vmem>> -> memref<1x128xi32, #tpu.memory_space<vmem>>
    %dma_start3A_19 = tpu.memref_squeeze %dma_start3A_18 : memref<1x128xi32, #tpu.memory_space<vmem>> -> memref<128xi32, #tpu.memory_space<vmem>>
    %dma_start3A_20 = arith.constant 0 : i32
    %dma_start3A_21 = arith.constant 0 : i32
    %dma_start3A_22 = tpu.memref_slice %arg10[%dma_start3A_20, %dma_start3A_21] : memref<10112x64xf32, #tpu.memory_space<vmem_shared>> -> memref<10112x64xf32, #tpu.memory_space<vmem_shared>>
    tpu.enqueue_indirect_dma source(%dma_start3A_22 : memref<10112x64xf32, #tpu.memory_space<vmem_shared>>) target(%dma_start3A_16 : memref<128x64xf32, #tpu.memory_space<vmem>>) offsets(%dma_start3A_19 : memref<128xi32, #tpu.memory_space<vmem>>) semaphore(%arg11 : memref<!tpu.dma_semaphore, #tpu.memory_space<semaphore_mem>>)
    %dma_start3A_23 = arith.constant 1 : i32
    %dma_start3A_24 = arith.constant 128 : i32
    %dma_start3A_25 = arith.constant 0 : i32
    %dma_start3A_26 = tpu.memref_slice %arg8[%dma_start3A_24, %dma_start3A_25] : memref<512x64xf32, #tpu.memory_space<vmem>> -> memref<128x64xf32, #tpu.memory_space<vmem>>
    %dma_start3A_27 = arith.constant 0 : i32
    %dma_start3A_28 = tpu.memref_slice %arg6[%dma_start3A_23, %dma_start3A_27] : memref<40x128xi32, #tpu.memory_space<vmem>> -> memref<1x128xi32, #tpu.memory_space<vmem>>
    %dma_start3A_29 = tpu.memref_squeeze %dma_start3A_28 : memref<1x128xi32, #tpu.memory_space<vmem>> -> memref<128xi32, #tpu.memory_space<vmem>>
    %dma_start3A_30 = arith.constant 0 : i32
    %dma_start3A_31 = arith.constant 0 : i32
    %dma_start3A_32 = tpu.memref_slice %arg10[%dma_start3A_30, %dma_start3A_31] : memref<10112x64xf32, #tpu.memory_space<vmem_shared>> -> memref<10112x64xf32, #tpu.memory_space<vmem_shared>>
    tpu.enqueue_indirect_dma source(%dma_start3A_32 : memref<10112x64xf32, #tpu.memory_space<vmem_shared>>) target(%dma_start3A_26 : memref<128x64xf32, #tpu.memory_space<vmem>>) offsets(%dma_start3A_29 : memref<128xi32, #tpu.memory_space<vmem>>) semaphore(%arg12 : memref<!tpu.dma_semaphore, #tpu.memory_space<semaphore_mem>>)
    %scan3A_33 = arith.constant 0 : i32
    %scan3A_34 = arith.constant 0 : i32
    %scan3A_35 = arith.constant 10 : i32
    %scan3A_36 = arith.addi %scan3A_34, %scan3A_35 : i32
    %scan3A_37 = arith.constant 1 : i32
    scf.for %scan3A_109 = %scan3A_34 to %scan3A_36 step %scan3A_37  : i32 {
      %mul3A_110 = arith.constant 4 : i32
      %mul3A_111 = arith.muli %mul3A_110, %scan3A_109 : i32
      %add3A_112 = arith.constant 0 : i32
      %add3A_113 = arith.addi %mul3A_111, %add3A_112 : i32
      %dma_wait3A_114 = arith.constant 0 : i32
      %dma_wait3A_115 = arith.constant 0 : i32
      %dma_wait3A_116 = tpu.memref_slice %arg8[%dma_wait3A_114, %dma_wait3A_115] : memref<512x64xf32, #tpu.memory_space<vmem>> -> memref<128x64xf32, #tpu.memory_space<vmem>>
      %dma_wait3A_117 = arith.constant 0 : i32
      %dma_wait3A_118 = tpu.memref_slice %arg6[%add3A_113, %dma_wait3A_117] : memref<40x128xi32, #tpu.memory_space<vmem>> -> memref<1x128xi32, #tpu.memory_space<vmem>>
      %dma_wait3A_119 = tpu.memref_squeeze %dma_wait3A_118 : memref<1x128xi32, #tpu.memory_space<vmem>> -> memref<128xi32, #tpu.memory_space<vmem>>
      %dma_wait3A_120 = arith.constant 0 : i32
      %dma_wait3A_121 = arith.constant 0 : i32
      %dma_wait3A_122 = tpu.memref_slice %arg10[%dma_wait3A_120, %dma_wait3A_121] : memref<10112x64xf32, #tpu.memory_space<vmem_shared>> -> memref<10112x64xf32, #tpu.memory_space<vmem_shared>>
      tpu.wait_indirect_dma semaphore(%arg11 : memref<!tpu.dma_semaphore, #tpu.memory_space<semaphore_mem>>) src(%dma_wait3A_122 : memref<10112x64xf32, #tpu.memory_space<vmem_shared>>) dst(%dma_wait3A_116 : memref<128x64xf32, #tpu.memory_space<vmem>>)
      %dma_start3A_123 = arith.constant 0 : i32
      %dma_start3A_124 = arith.constant 0 : i32
      %dma_start3A_125 = tpu.memref_slice %arg8[%dma_start3A_123, %dma_start3A_124] : memref<512x64xf32, #tpu.memory_space<vmem>> -> memref<128x64xf32, #tpu.memory_space<vmem>>
      %dma_start3A_126 = arith.constant 0 : i32
      %dma_start3A_127 = tpu.memref_slice %arg7[%add3A_113, %dma_start3A_126] : memref<40x128xi32, #tpu.memory_space<vmem>> -> memref<1x128xi32, #tpu.memory_space<vmem>>
      %dma_start3A_128 = tpu.memref_squeeze %dma_start3A_127 : memref<1x128xi32, #tpu.memory_space<vmem>> -> memref<128xi32, #tpu.memory_space<vmem>>
      %dma_start3A_129 = arith.constant 0 : i32
      %dma_start3A_130 = arith.constant 0 : i32
      %dma_start3A_131 = tpu.memref_slice %arg9[%dma_start3A_129, %dma_start3A_130] : memref<10112x64xf32, #tpu.memory_space<vmem_shared>> -> memref<10112x64xf32, #tpu.memory_space<vmem_shared>>
      tpu.enqueue_indirect_dma source(%dma_start3A_125 : memref<128x64xf32, #tpu.memory_space<vmem>>) target(%dma_start3A_131 : memref<10112x64xf32, #tpu.memory_space<vmem_shared>>) offsets(%dma_start3A_128 : memref<128xi32, #tpu.memory_space<vmem>>) semaphore(%arg15 : memref<!tpu.dma_semaphore, #tpu.memory_space<semaphore_mem>>) {add = true}
      %ge3A = arith.constant 2 : i32
      %ge3A_132 = arith.cmpi sge, %add3A_113, %ge3A : i32
      %convert_element_type3A = arith.extui %ge3A_132 : i1 to i32
      %cond3A = arith.constant 0 : i32
      %cond3A_133 = arith.cmpi ne, %convert_element_type3A, %cond3A : i32
      scf.if %cond3A_133 {
        %sub3A = arith.constant 2 : i32
        %sub3A_242 = arith.subi %add3A_113, %sub3A : i32
        %dma_wait3A_243 = arith.constant 256 : i32
        %dma_wait3A_244 = arith.constant 0 : i32
        %dma_wait3A_245 = tpu.memref_slice %arg8[%dma_wait3A_243, %dma_wait3A_244] : memref<512x64xf32, #tpu.memory_space<vmem>> -> memref<128x64xf32, #tpu.memory_space<vmem>>
        %dma_wait3A_246 = arith.constant 0 : i32
        %dma_wait3A_247 = tpu.memref_slice %arg7[%sub3A_242, %dma_wait3A_246] : memref<40x128xi32, #tpu.memory_space<vmem>> -> memref<1x128xi32, #tpu.memory_space<vmem>>
        %dma_wait3A_248 = tpu.memref_squeeze %dma_wait3A_247 : memref<1x128xi32, #tpu.memory_space<vmem>> -> memref<128xi32, #tpu.memory_space<vmem>>
        %dma_wait3A_249 = arith.constant 0 : i32
        %dma_wait3A_250 = arith.constant 0 : i32
        %dma_wait3A_251 = tpu.memref_slice %arg9[%dma_wait3A_249, %dma_wait3A_250] : memref<10112x64xf32, #tpu.memory_space<vmem_shared>> -> memref<10112x64xf32, #tpu.memory_space<vmem_shared>>
        tpu.wait_indirect_dma semaphore(%arg17 : memref<!tpu.dma_semaphore, #tpu.memory_space<semaphore_mem>>) src(%dma_wait3A_245 : memref<128x64xf32, #tpu.memory_space<vmem>>) dst(%dma_wait3A_251 : memref<10112x64xf32, #tpu.memory_space<vmem_shared>>)
      } else {
      }
      %add3A_134 = arith.constant 2 : i32
      %add3A_135 = arith.addi %add3A_113, %add3A_134 : i32
      %lt3A = arith.constant 40 : i32
      %lt3A_136 = arith.cmpi slt, %add3A_135, %lt3A : i32
      %convert_element_type3A_137 = arith.extui %lt3A_136 : i1 to i32
      %cond3A_138 = arith.constant 0 : i32
      %cond3A_139 = arith.cmpi ne, %convert_element_type3A_137, %cond3A_138 : i32
      scf.if %cond3A_139 {
        %add3A_242 = arith.constant 2 : i32
        %add3A_243 = arith.addi %add3A_113, %add3A_242 : i32
        %dma_start3A_244 = arith.constant 256 : i32
        %dma_start3A_245 = arith.constant 0 : i32
        %dma_start3A_246 = tpu.memref_slice %arg8[%dma_start3A_244, %dma_start3A_245] : memref<512x64xf32, #tpu.memory_space<vmem>> -> memref<128x64xf32, #tpu.memory_space<vmem>>
        %dma_start3A_247 = arith.constant 0 : i32
        %dma_start3A_248 = tpu.memref_slice %arg6[%add3A_243, %dma_start3A_247] : memref<40x128xi32, #tpu.memory_space<vmem>> -> memref<1x128xi32, #tpu.memory_space<vmem>>
        %dma_start3A_249 = tpu.memref_squeeze %dma_start3A_248 : memref<1x128xi32, #tpu.memory_space<vmem>> -> memref<128xi32, #tpu.memory_space<vmem>>
        %dma_start3A_250 = arith.constant 0 : i32
        %dma_start3A_251 = arith.constant 0 : i32
        %dma_start3A_252 = tpu.memref_slice %arg10[%dma_start3A_250, %dma_start3A_251] : memref<10112x64xf32, #tpu.memory_space<vmem_shared>> -> memref<10112x64xf32, #tpu.memory_space<vmem_shared>>
        tpu.enqueue_indirect_dma source(%dma_start3A_252 : memref<10112x64xf32, #tpu.memory_space<vmem_shared>>) target(%dma_start3A_246 : memref<128x64xf32, #tpu.memory_space<vmem>>) offsets(%dma_start3A_249 : memref<128xi32, #tpu.memory_space<vmem>>) semaphore(%arg13 : memref<!tpu.dma_semaphore, #tpu.memory_space<semaphore_mem>>)
      } else {
      }
      %mul3A_140 = arith.constant 4 : i32
      %mul3A_141 = arith.muli %mul3A_140, %scan3A_109 : i32
      %add3A_142 = arith.constant 1 : i32
      %add3A_143 = arith.addi %mul3A_141, %add3A_142 : i32
      %dma_wait3A_144 = arith.constant 128 : i32
      %dma_wait3A_145 = arith.constant 0 : i32
      %dma_wait3A_146 = tpu.memref_slice %arg8[%dma_wait3A_144, %dma_wait3A_145] : memref<512x64xf32, #tpu.memory_space<vmem>> -> memref<128x64xf32, #tpu.memory_space<vmem>>
      %dma_wait3A_147 = arith.constant 0 : i32
      %dma_wait3A_148 = tpu.memref_slice %arg6[%add3A_143, %dma_wait3A_147] : memref<40x128xi32, #tpu.memory_space<vmem>> -> memref<1x128xi32, #tpu.memory_space<vmem>>
      %dma_wait3A_149 = tpu.memref_squeeze %dma_wait3A_148 : memref<1x128xi32, #tpu.memory_space<vmem>> -> memref<128xi32, #tpu.memory_space<vmem>>
      %dma_wait3A_150 = arith.constant 0 : i32
      %dma_wait3A_151 = arith.constant 0 : i32
      %dma_wait3A_152 = tpu.memref_slice %arg10[%dma_wait3A_150, %dma_wait3A_151] : memref<10112x64xf32, #tpu.memory_space<vmem_shared>> -> memref<10112x64xf32, #tpu.memory_space<vmem_shared>>
      tpu.wait_indirect_dma semaphore(%arg12 : memref<!tpu.dma_semaphore, #tpu.memory_space<semaphore_mem>>) src(%dma_wait3A_152 : memref<10112x64xf32, #tpu.memory_space<vmem_shared>>) dst(%dma_wait3A_146 : memref<128x64xf32, #tpu.memory_space<vmem>>)
      %dma_start3A_153 = arith.constant 128 : i32
      %dma_start3A_154 = arith.constant 0 : i32
      %dma_start3A_155 = tpu.memref_slice %arg8[%dma_start3A_153, %dma_start3A_154] : memref<512x64xf32, #tpu.memory_space<vmem>> -> memref<128x64xf32, #tpu.memory_space<vmem>>
      %dma_start3A_156 = arith.constant 0 : i32
      %dma_start3A_157 = tpu.memref_slice %arg7[%add3A_143, %dma_start3A_156] : memref<40x128xi32, #tpu.memory_space<vmem>> -> memref<1x128xi32, #tpu.memory_space<vmem>>
      %dma_start3A_158 = tpu.memref_squeeze %dma_start3A_157 : memref<1x128xi32, #tpu.memory_space<vmem>> -> memref<128xi32, #tpu.memory_space<vmem>>
      %dma_start3A_159 = arith.constant 0 : i32
      %dma_start3A_160 = arith.constant 0 : i32
      %dma_start3A_161 = tpu.memref_slice %arg9[%dma_start3A_159, %dma_start3A_160] : memref<10112x64xf32, #tpu.memory_space<vmem_shared>> -> memref<10112x64xf32, #tpu.memory_space<vmem_shared>>
      tpu.enqueue_indirect_dma source(%dma_start3A_155 : memref<128x64xf32, #tpu.memory_space<vmem>>) target(%dma_start3A_161 : memref<10112x64xf32, #tpu.memory_space<vmem_shared>>) offsets(%dma_start3A_158 : memref<128xi32, #tpu.memory_space<vmem>>) semaphore(%arg16 : memref<!tpu.dma_semaphore, #tpu.memory_space<semaphore_mem>>) {add = true}
      %ge3A_162 = arith.constant 2 : i32
      %ge3A_163 = arith.cmpi sge, %add3A_143, %ge3A_162 : i32
      %convert_element_type3A_164 = arith.extui %ge3A_163 : i1 to i32
      %cond3A_165 = arith.constant 0 : i32
      %cond3A_166 = arith.cmpi ne, %convert_element_type3A_164, %cond3A_165 : i32
      scf.if %cond3A_166 {
        %sub3A = arith.constant 2 : i32
        %sub3A_242 = arith.subi %add3A_143, %sub3A : i32
        %dma_wait3A_243 = arith.constant 384 : i32
        %dma_wait3A_244 = arith.constant 0 : i32
        %dma_wait3A_245 = tpu.memref_slice %arg8[%dma_wait3A_243, %dma_wait3A_244] : memref<512x64xf32, #tpu.memory_space<vmem>> -> memref<128x64xf32, #tpu.memory_space<vmem>>
        %dma_wait3A_246 = arith.constant 0 : i32
        %dma_wait3A_247 = tpu.memref_slice %arg7[%sub3A_242, %dma_wait3A_246] : memref<40x128xi32, #tpu.memory_space<vmem>> -> memref<1x128xi32, #tpu.memory_space<vmem>>
        %dma_wait3A_248 = tpu.memref_squeeze %dma_wait3A_247 : memref<1x128xi32, #tpu.memory_space<vmem>> -> memref<128xi32, #tpu.memory_space<vmem>>
        %dma_wait3A_249 = arith.constant 0 : i32
        %dma_wait3A_250 = arith.constant 0 : i32
        %dma_wait3A_251 = tpu.memref_slice %arg9[%dma_wait3A_249, %dma_wait3A_250] : memref<10112x64xf32, #tpu.memory_space<vmem_shared>> -> memref<10112x64xf32, #tpu.memory_space<vmem_shared>>
        tpu.wait_indirect_dma semaphore(%arg18 : memref<!tpu.dma_semaphore, #tpu.memory_space<semaphore_mem>>) src(%dma_wait3A_245 : memref<128x64xf32, #tpu.memory_space<vmem>>) dst(%dma_wait3A_251 : memref<10112x64xf32, #tpu.memory_space<vmem_shared>>)
      } else {
      }
      %add3A_167 = arith.constant 2 : i32
      %add3A_168 = arith.addi %add3A_143, %add3A_167 : i32
      %lt3A_169 = arith.constant 40 : i32
      %lt3A_170 = arith.cmpi slt, %add3A_168, %lt3A_169 : i32
      %convert_element_type3A_171 = arith.extui %lt3A_170 : i1 to i32
      %cond3A_172 = arith.constant 0 : i32
      %cond3A_173 = arith.cmpi ne, %convert_element_type3A_171, %cond3A_172 : i32
      scf.if %cond3A_173 {
        %add3A_242 = arith.constant 2 : i32
        %add3A_243 = arith.addi %add3A_143, %add3A_242 : i32
        %dma_start3A_244 = arith.constant 384 : i32
        %dma_start3A_245 = arith.constant 0 : i32
        %dma_start3A_246 = tpu.memref_slice %arg8[%dma_start3A_244, %dma_start3A_245] : memref<512x64xf32, #tpu.memory_space<vmem>> -> memref<128x64xf32, #tpu.memory_space<vmem>>
        %dma_start3A_247 = arith.constant 0 : i32
        %dma_start3A_248 = tpu.memref_slice %arg6[%add3A_243, %dma_start3A_247] : memref<40x128xi32, #tpu.memory_space<vmem>> -> memref<1x128xi32, #tpu.memory_space<vmem>>
        %dma_start3A_249 = tpu.memref_squeeze %dma_start3A_248 : memref<1x128xi32, #tpu.memory_space<vmem>> -> memref<128xi32, #tpu.memory_space<vmem>>
        %dma_start3A_250 = arith.constant 0 : i32
        %dma_start3A_251 = arith.constant 0 : i32
        %dma_start3A_252 = tpu.memref_slice %arg10[%dma_start3A_250, %dma_start3A_251] : memref<10112x64xf32, #tpu.memory_space<vmem_shared>> -> memref<10112x64xf32, #tpu.memory_space<vmem_shared>>
        tpu.enqueue_indirect_dma source(%dma_start3A_252 : memref<10112x64xf32, #tpu.memory_space<vmem_shared>>) target(%dma_start3A_246 : memref<128x64xf32, #tpu.memory_space<vmem>>) offsets(%dma_start3A_249 : memref<128xi32, #tpu.memory_space<vmem>>) semaphore(%arg14 : memref<!tpu.dma_semaphore, #tpu.memory_space<semaphore_mem>>)
      } else {
      }
      %mul3A_174 = arith.constant 4 : i32
      %mul3A_175 = arith.muli %mul3A_174, %scan3A_109 : i32
      %add3A_176 = arith.constant 2 : i32
      %add3A_177 = arith.addi %mul3A_175, %add3A_176 : i32
      %dma_wait3A_178 = arith.constant 256 : i32
      %dma_wait3A_179 = arith.constant 0 : i32
      %dma_wait3A_180 = tpu.memref_slice %arg8[%dma_wait3A_178, %dma_wait3A_179] : memref<512x64xf32, #tpu.memory_space<vmem>> -> memref<128x64xf32, #tpu.memory_space<vmem>>
      %dma_wait3A_181 = arith.constant 0 : i32
      %dma_wait3A_182 = tpu.memref_slice %arg6[%add3A_177, %dma_wait3A_181] : memref<40x128xi32, #tpu.memory_space<vmem>> -> memref<1x128xi32, #tpu.memory_space<vmem>>
      %dma_wait3A_183 = tpu.memref_squeeze %dma_wait3A_182 : memref<1x128xi32, #tpu.memory_space<vmem>> -> memref<128xi32, #tpu.memory_space<vmem>>
      %dma_wait3A_184 = arith.constant 0 : i32
      %dma_wait3A_185 = arith.constant 0 : i32
      %dma_wait3A_186 = tpu.memref_slice %arg10[%dma_wait3A_184, %dma_wait3A_185] : memref<10112x64xf32, #tpu.memory_space<vmem_shared>> -> memref<10112x64xf32, #tpu.memory_space<vmem_shared>>
      tpu.wait_indirect_dma semaphore(%arg13 : memref<!tpu.dma_semaphore, #tpu.memory_space<semaphore_mem>>) src(%dma_wait3A_186 : memref<10112x64xf32, #tpu.memory_space<vmem_shared>>) dst(%dma_wait3A_180 : memref<128x64xf32, #tpu.memory_space<vmem>>)
      %dma_start3A_187 = arith.constant 256 : i32
      %dma_start3A_188 = arith.constant 0 : i32
      %dma_start3A_189 = tpu.memref_slice %arg8[%dma_start3A_187, %dma_start3A_188] : memref<512x64xf32, #tpu.memory_space<vmem>> -> memref<128x64xf32, #tpu.memory_space<vmem>>
      %dma_start3A_190 = arith.constant 0 : i32
      %dma_start3A_191 = tpu.memref_slice %arg7[%add3A_177, %dma_start3A_190] : memref<40x128xi32, #tpu.memory_space<vmem>> -> memref<1x128xi32, #tpu.memory_space<vmem>>
      %dma_start3A_192 = tpu.memref_squeeze %dma_start3A_191 : memref<1x128xi32, #tpu.memory_space<vmem>> -> memref<128xi32, #tpu.memory_space<vmem>>
      %dma_start3A_193 = arith.constant 0 : i32
      %dma_start3A_194 = arith.constant 0 : i32
      %dma_start3A_195 = tpu.memref_slice %arg9[%dma_start3A_193, %dma_start3A_194] : memref<10112x64xf32, #tpu.memory_space<vmem_shared>> -> memref<10112x64xf32, #tpu.memory_space<vmem_shared>>
      tpu.enqueue_indirect_dma source(%dma_start3A_189 : memref<128x64xf32, #tpu.memory_space<vmem>>) target(%dma_start3A_195 : memref<10112x64xf32, #tpu.memory_space<vmem_shared>>) offsets(%dma_start3A_192 : memref<128xi32, #tpu.memory_space<vmem>>) semaphore(%arg17 : memref<!tpu.dma_semaphore, #tpu.memory_space<semaphore_mem>>) {add = true}
      %ge3A_196 = arith.constant 2 : i32
      %ge3A_197 = arith.cmpi sge, %add3A_177, %ge3A_196 : i32
      %convert_element_type3A_198 = arith.extui %ge3A_197 : i1 to i32
      %cond3A_199 = arith.constant 0 : i32
      %cond3A_200 = arith.cmpi ne, %convert_element_type3A_198, %cond3A_199 : i32
      scf.if %cond3A_200 {
        %sub3A = arith.constant 2 : i32
        %sub3A_242 = arith.subi %add3A_177, %sub3A : i32
        %dma_wait3A_243 = arith.constant 0 : i32
        %dma_wait3A_244 = arith.constant 0 : i32
        %dma_wait3A_245 = tpu.memref_slice %arg8[%dma_wait3A_243, %dma_wait3A_244] : memref<512x64xf32, #tpu.memory_space<vmem>> -> memref<128x64xf32, #tpu.memory_space<vmem>>
        %dma_wait3A_246 = arith.constant 0 : i32
        %dma_wait3A_247 = tpu.memref_slice %arg7[%sub3A_242, %dma_wait3A_246] : memref<40x128xi32, #tpu.memory_space<vmem>> -> memref<1x128xi32, #tpu.memory_space<vmem>>
        %dma_wait3A_248 = tpu.memref_squeeze %dma_wait3A_247 : memref<1x128xi32, #tpu.memory_space<vmem>> -> memref<128xi32, #tpu.memory_space<vmem>>
        %dma_wait3A_249 = arith.constant 0 : i32
        %dma_wait3A_250 = arith.constant 0 : i32
        %dma_wait3A_251 = tpu.memref_slice %arg9[%dma_wait3A_249, %dma_wait3A_250] : memref<10112x64xf32, #tpu.memory_space<vmem_shared>> -> memref<10112x64xf32, #tpu.memory_space<vmem_shared>>
        tpu.wait_indirect_dma semaphore(%arg15 : memref<!tpu.dma_semaphore, #tpu.memory_space<semaphore_mem>>) src(%dma_wait3A_245 : memref<128x64xf32, #tpu.memory_space<vmem>>) dst(%dma_wait3A_251 : memref<10112x64xf32, #tpu.memory_space<vmem_shared>>)
      } else {
      }
      %add3A_201 = arith.constant 2 : i32
      %add3A_202 = arith.addi %add3A_177, %add3A_201 : i32
      %lt3A_203 = arith.constant 40 : i32
      %lt3A_204 = arith.cmpi slt, %add3A_202, %lt3A_203 : i32
      %convert_element_type3A_205 = arith.extui %lt3A_204 : i1 to i32
      %cond3A_206 = arith.constant 0 : i32
      %cond3A_207 = arith.cmpi ne, %convert_element_type3A_205, %cond3A_206 : i32
      scf.if %cond3A_207 {
        %add3A_242 = arith.constant 2 : i32
        %add3A_243 = arith.addi %add3A_177, %add3A_242 : i32
        %dma_start3A_244 = arith.constant 0 : i32
        %dma_start3A_245 = arith.constant 0 : i32
        %dma_start3A_246 = tpu.memref_slice %arg8[%dma_start3A_244, %dma_start3A_245] : memref<512x64xf32, #tpu.memory_space<vmem>> -> memref<128x64xf32, #tpu.memory_space<vmem>>
        %dma_start3A_247 = arith.constant 0 : i32
        %dma_start3A_248 = tpu.memref_slice %arg6[%add3A_243, %dma_start3A_247] : memref<40x128xi32, #tpu.memory_space<vmem>> -> memref<1x128xi32, #tpu.memory_space<vmem>>
        %dma_start3A_249 = tpu.memref_squeeze %dma_start3A_248 : memref<1x128xi32, #tpu.memory_space<vmem>> -> memref<128xi32, #tpu.memory_space<vmem>>
        %dma_start3A_250 = arith.constant 0 : i32
        %dma_start3A_251 = arith.constant 0 : i32
        %dma_start3A_252 = tpu.memref_slice %arg10[%dma_start3A_250, %dma_start3A_251] : memref<10112x64xf32, #tpu.memory_space<vmem_shared>> -> memref<10112x64xf32, #tpu.memory_space<vmem_shared>>
        tpu.enqueue_indirect_dma source(%dma_start3A_252 : memref<10112x64xf32, #tpu.memory_space<vmem_shared>>) target(%dma_start3A_246 : memref<128x64xf32, #tpu.memory_space<vmem>>) offsets(%dma_start3A_249 : memref<128xi32, #tpu.memory_space<vmem>>) semaphore(%arg11 : memref<!tpu.dma_semaphore, #tpu.memory_space<semaphore_mem>>)
      } else {
      }
      %mul3A_208 = arith.constant 4 : i32
      %mul3A_209 = arith.muli %mul3A_208, %scan3A_109 : i32
      %add3A_210 = arith.constant 3 : i32
      %add3A_211 = arith.addi %mul3A_209, %add3A_210 : i32
      %dma_wait3A_212 = arith.constant 384 : i32
      %dma_wait3A_213 = arith.constant 0 : i32
      %dma_wait3A_214 = tpu.memref_slice %arg8[%dma_wait3A_212, %dma_wait3A_213] : memref<512x64xf32, #tpu.memory_space<vmem>> -> memref<128x64xf32, #tpu.memory_space<vmem>>
      %dma_wait3A_215 = arith.constant 0 : i32
      %dma_wait3A_216 = tpu.memref_slice %arg6[%add3A_211, %dma_wait3A_215] : memref<40x128xi32, #tpu.memory_space<vmem>> -> memref<1x128xi32, #tpu.memory_space<vmem>>
      %dma_wait3A_217 = tpu.memref_squeeze %dma_wait3A_216 : memref<1x128xi32, #tpu.memory_space<vmem>> -> memref<128xi32, #tpu.memory_space<vmem>>
      %dma_wait3A_218 = arith.constant 0 : i32
      %dma_wait3A_219 = arith.constant 0 : i32
      %dma_wait3A_220 = tpu.memref_slice %arg10[%dma_wait3A_218, %dma_wait3A_219] : memref<10112x64xf32, #tpu.memory_space<vmem_shared>> -> memref<10112x64xf32, #tpu.memory_space<vmem_shared>>
      tpu.wait_indirect_dma semaphore(%arg14 : memref<!tpu.dma_semaphore, #tpu.memory_space<semaphore_mem>>) src(%dma_wait3A_220 : memref<10112x64xf32, #tpu.memory_space<vmem_shared>>) dst(%dma_wait3A_214 : memref<128x64xf32, #tpu.memory_space<vmem>>)
      %dma_start3A_221 = arith.constant 384 : i32
      %dma_start3A_222 = arith.constant 0 : i32
      %dma_start3A_223 = tpu.memref_slice %arg8[%dma_start3A_221, %dma_start3A_222] : memref<512x64xf32, #tpu.memory_space<vmem>> -> memref<128x64xf32, #tpu.memory_space<vmem>>
      %dma_start3A_224 = arith.constant 0 : i32
      %dma_start3A_225 = tpu.memref_slice %arg7[%add3A_211, %dma_start3A_224] : memref<40x128xi32, #tpu.memory_space<vmem>> -> memref<1x128xi32, #tpu.memory_space<vmem>>
      %dma_start3A_226 = tpu.memref_squeeze %dma_start3A_225 : memref<1x128xi32, #tpu.memory_space<vmem>> -> memref<128xi32, #tpu.memory_space<vmem>>
      %dma_start3A_227 = arith.constant 0 : i32
      %dma_start3A_228 = arith.constant 0 : i32
      %dma_start3A_229 = tpu.memref_slice %arg9[%dma_start3A_227, %dma_start3A_228] : memref<10112x64xf32, #tpu.memory_space<vmem_shared>> -> memref<10112x64xf32, #tpu.memory_space<vmem_shared>>
      tpu.enqueue_indirect_dma source(%dma_start3A_223 : memref<128x64xf32, #tpu.memory_space<vmem>>) target(%dma_start3A_229 : memref<10112x64xf32, #tpu.memory_space<vmem_shared>>) offsets(%dma_start3A_226 : memref<128xi32, #tpu.memory_space<vmem>>) semaphore(%arg18 : memref<!tpu.dma_semaphore, #tpu.memory_space<semaphore_mem>>) {add = true}
      %ge3A_230 = arith.constant 2 : i32
      %ge3A_231 = arith.cmpi sge, %add3A_211, %ge3A_230 : i32
      %convert_element_type3A_232 = arith.extui %ge3A_231 : i1 to i32
      %cond3A_233 = arith.constant 0 : i32
      %cond3A_234 = arith.cmpi ne, %convert_element_type3A_232, %cond3A_233 : i32
      scf.if %cond3A_234 {
        %sub3A = arith.constant 2 : i32
        %sub3A_242 = arith.subi %add3A_211, %sub3A : i32
        %dma_wait3A_243 = arith.constant 128 : i32
        %dma_wait3A_244 = arith.constant 0 : i32
        %dma_wait3A_245 = tpu.memref_slice %arg8[%dma_wait3A_243, %dma_wait3A_244] : memref<512x64xf32, #tpu.memory_space<vmem>> -> memref<128x64xf32, #tpu.memory_space<vmem>>
        %dma_wait3A_246 = arith.constant 0 : i32
        %dma_wait3A_247 = tpu.memref_slice %arg7[%sub3A_242, %dma_wait3A_246] : memref<40x128xi32, #tpu.memory_space<vmem>> -> memref<1x128xi32, #tpu.memory_space<vmem>>
        %dma_wait3A_248 = tpu.memref_squeeze %dma_wait3A_247 : memref<1x128xi32, #tpu.memory_space<vmem>> -> memref<128xi32, #tpu.memory_space<vmem>>
        %dma_wait3A_249 = arith.constant 0 : i32
        %dma_wait3A_250 = arith.constant 0 : i32
        %dma_wait3A_251 = tpu.memref_slice %arg9[%dma_wait3A_249, %dma_wait3A_250] : memref<10112x64xf32, #tpu.memory_space<vmem_shared>> -> memref<10112x64xf32, #tpu.memory_space<vmem_shared>>
        tpu.wait_indirect_dma semaphore(%arg16 : memref<!tpu.dma_semaphore, #tpu.memory_space<semaphore_mem>>) src(%dma_wait3A_245 : memref<128x64xf32, #tpu.memory_space<vmem>>) dst(%dma_wait3A_251 : memref<10112x64xf32, #tpu.memory_space<vmem_shared>>)
      } else {
      }
      %add3A_235 = arith.constant 2 : i32
      %add3A_236 = arith.addi %add3A_211, %add3A_235 : i32
      %lt3A_237 = arith.constant 40 : i32
      %lt3A_238 = arith.cmpi slt, %add3A_236, %lt3A_237 : i32
      %convert_element_type3A_239 = arith.extui %lt3A_238 : i1 to i32
      %cond3A_240 = arith.constant 0 : i32
      %cond3A_241 = arith.cmpi ne, %convert_element_type3A_239, %cond3A_240 : i32
      scf.if %cond3A_241 {
        %add3A_242 = arith.constant 2 : i32
        %add3A_243 = arith.addi %add3A_211, %add3A_242 : i32
        %dma_start3A_244 = arith.constant 128 : i32
        %dma_start3A_245 = arith.constant 0 : i32
        %dma_start3A_246 = tpu.memref_slice %arg8[%dma_start3A_244, %dma_start3A_245] : memref<512x64xf32, #tpu.memory_space<vmem>> -> memref<128x64xf32, #tpu.memory_space<vmem>>
        %dma_start3A_247 = arith.constant 0 : i32
        %dma_start3A_248 = tpu.memref_slice %arg6[%add3A_243, %dma_start3A_247] : memref<40x128xi32, #tpu.memory_space<vmem>> -> memref<1x128xi32, #tpu.memory_space<vmem>>
        %dma_start3A_249 = tpu.memref_squeeze %dma_start3A_248 : memref<1x128xi32, #tpu.memory_space<vmem>> -> memref<128xi32, #tpu.memory_space<vmem>>
        %dma_start3A_250 = arith.constant 0 : i32
        %dma_start3A_251 = arith.constant 0 : i32
        %dma_start3A_252 = tpu.memref_slice %arg10[%dma_start3A_250, %dma_start3A_251] : memref<10112x64xf32, #tpu.memory_space<vmem_shared>> -> memref<10112x64xf32, #tpu.memory_space<vmem_shared>>
        tpu.enqueue_indirect_dma source(%dma_start3A_252 : memref<10112x64xf32, #tpu.memory_space<vmem_shared>>) target(%dma_start3A_246 : memref<128x64xf32, #tpu.memory_space<vmem>>) offsets(%dma_start3A_249 : memref<128xi32, #tpu.memory_space<vmem>>) semaphore(%arg12 : memref<!tpu.dma_semaphore, #tpu.memory_space<semaphore_mem>>)
      } else {
      }
    }
    %scan3A_38 = arith.constant 10 : i32
    %dma_wait3A = arith.constant 38 : i32
    %dma_wait3A_39 = arith.constant 256 : i32
    %dma_wait3A_40 = arith.constant 0 : i32
    %dma_wait3A_41 = tpu.memref_slice %arg8[%dma_wait3A_39, %dma_wait3A_40] : memref<512x64xf32, #tpu.memory_space<vmem>> -> memref<128x64xf32, #tpu.memory_space<vmem>>
    %dma_wait3A_42 = arith.constant 0 : i32
    %dma_wait3A_43 = tpu.memref_slice %arg7[%dma_wait3A, %dma_wait3A_42] : memref<40x128xi32, #tpu.memory_space<vmem>> -> memref<1x128xi32, #tpu.memory_space<vmem>>
    %dma_wait3A_44 = tpu.memref_squeeze %dma_wait3A_43 : memref<1x128xi32, #tpu.memory_space<vmem>> -> memref<128xi32, #tpu.memory_space<vmem>>
    %dma_wait3A_45 = arith.constant 0 : i32
    %dma_wait3A_46 = arith.constant 0 : i32
    %dma_wait3A_47 = tpu.memref_slice %arg9[%dma_wait3A_45, %dma_wait3A_46] : memref<10112x64xf32, #tpu.memory_space<vmem_shared>> -> memref<10112x64xf32, #tpu.memory_space<vmem_shared>>
    tpu.wait_indirect_dma semaphore(%arg17 : memref<!tpu.dma_semaphore, #tpu.memory_space<semaphore_mem>>) src(%dma_wait3A_41 : memref<128x64xf32, #tpu.memory_space<vmem>>) dst(%dma_wait3A_47 : memref<10112x64xf32, #tpu.memory_space<vmem_shared>>)
    %dma_wait3A_48 = arith.constant 39 : i32
    %dma_wait3A_49 = arith.constant 384 : i32
    %dma_wait3A_50 = arith.constant 0 : i32
    %dma_wait3A_51 = tpu.memref_slice %arg8[%dma_wait3A_49, %dma_wait3A_50] : memref<512x64xf32, #tpu.memory_space<vmem>> -> memref<128x64xf32, #tpu.memory_space<vmem>>
    %dma_wait3A_52 = arith.constant 0 : i32
    %dma_wait3A_53 = tpu.memref_slice %arg7[%dma_wait3A_48, %dma_wait3A_52] : memref<40x128xi32, #tpu.memory_space<vmem>> -> memref<1x128xi32, #tpu.memory_space<vmem>>
    %dma_wait3A_54 = tpu.memref_squeeze %dma_wait3A_53 : memref<1x128xi32, #tpu.memory_space<vmem>> -> memref<128xi32, #tpu.memory_space<vmem>>
    %dma_wait3A_55 = arith.constant 0 : i32
    %dma_wait3A_56 = arith.constant 0 : i32
    %dma_wait3A_57 = tpu.memref_slice %arg9[%dma_wait3A_55, %dma_wait3A_56] : memref<10112x64xf32, #tpu.memory_space<vmem_shared>> -> memref<10112x64xf32, #tpu.memory_space<vmem_shared>>
    tpu.wait_indirect_dma semaphore(%arg18 : memref<!tpu.dma_semaphore, #tpu.memory_space<semaphore_mem>>) src(%dma_wait3A_51 : memref<128x64xf32, #tpu.memory_space<vmem>>) dst(%dma_wait3A_57 : memref<10112x64xf32, #tpu.memory_space<vmem_shared>>)
    "tpu.region"() ({
      %run_scoped3A = tpu.sem_alloc : memref<!tpu.dma_semaphore, #tpu.memory_space<semaphore_mem>>
      %dma_start3A_109 = arith.constant 40 : i32
      %dma_start3A_110 = arith.constant 0 : i32
      %dma_start3A_111 = tpu.memref_slice %arg3[%add3A, %dma_start3A_109, %dma_start3A_110] : memref<32x80x128xi32, #tpu.memory_space<hbm>> -> memref<1x40x128xi32, #tpu.memory_space<hbm>>
      %dma_start3A_112 = tpu.memref_squeeze %dma_start3A_111 : memref<1x40x128xi32, #tpu.memory_space<hbm>> -> memref<40x128xi32, #tpu.memory_space<hbm>>
      %dma_start3A_113 = arith.constant 40 : i32
      %dma_start3A_114 = arith.constant 0 : i32
      %dma_start3A_115 = tpu.memref_slice %arg3[%add3A, %dma_start3A_113, %dma_start3A_114] : memref<32x80x128xi32, #tpu.memory_space<hbm>> -> memref<1x40x128xi32, #tpu.memory_space<hbm>>
      %dma_start3A_116 = tpu.memref_squeeze %dma_start3A_115 : memref<1x40x128xi32, #tpu.memory_space<hbm>> -> memref<40x128xi32, #tpu.memory_space<hbm>>
      tpu.enqueue_dma source(%dma_start3A_116 : memref<40x128xi32, #tpu.memory_space<hbm>>) target(%arg6 : memref<40x128xi32, #tpu.memory_space<vmem>>) target_semaphore(%run_scoped3A : memref<!tpu.dma_semaphore, #tpu.memory_space<semaphore_mem>>)
      %dma_wait3A_117 = arith.constant 40 : i32
      %dma_wait3A_118 = arith.constant 0 : i32
      %dma_wait3A_119 = tpu.memref_slice %arg3[%add3A, %dma_wait3A_117, %dma_wait3A_118] : memref<32x80x128xi32, #tpu.memory_space<hbm>> -> memref<1x40x128xi32, #tpu.memory_space<hbm>>
      %dma_wait3A_120 = tpu.memref_squeeze %dma_wait3A_119 : memref<1x40x128xi32, #tpu.memory_space<hbm>> -> memref<40x128xi32, #tpu.memory_space<hbm>>
      %dma_wait3A_121 = arith.constant 40 : i32
      %dma_wait3A_122 = arith.constant 0 : i32
      %dma_wait3A_123 = tpu.memref_slice %arg3[%add3A, %dma_wait3A_121, %dma_wait3A_122] : memref<32x80x128xi32, #tpu.memory_space<hbm>> -> memref<1x40x128xi32, #tpu.memory_space<hbm>>
      %dma_wait3A_124 = tpu.memref_squeeze %dma_wait3A_123 : memref<1x40x128xi32, #tpu.memory_space<hbm>> -> memref<40x128xi32, #tpu.memory_space<hbm>>
      tpu.wait_dma2 semaphore(%run_scoped3A : memref<!tpu.dma_semaphore, #tpu.memory_space<semaphore_mem>>) src(%dma_wait3A_124 : memref<40x128xi32, #tpu.memory_space<hbm>>) dst(%arg6 : memref<40x128xi32, #tpu.memory_space<vmem>>)
      tpu.yield
    }) : () -> ()
    "tpu.region"() ({
      %run_scoped3A = tpu.sem_alloc : memref<!tpu.dma_semaphore, #tpu.memory_space<semaphore_mem>>
      %dma_start3A_109 = arith.constant 40 : i32
      %dma_start3A_110 = arith.constant 0 : i32
      %dma_start3A_111 = tpu.memref_slice %arg4[%add3A, %dma_start3A_109, %dma_start3A_110] : memref<32x80x128xi32, #tpu.memory_space<hbm>> -> memref<1x40x128xi32, #tpu.memory_space<hbm>>
      %dma_start3A_112 = tpu.memref_squeeze %dma_start3A_111 : memref<1x40x128xi32, #tpu.memory_space<hbm>> -> memref<40x128xi32, #tpu.memory_space<hbm>>
      %dma_start3A_113 = arith.constant 40 : i32
      %dma_start3A_114 = arith.constant 0 : i32
      %dma_start3A_115 = tpu.memref_slice %arg4[%add3A, %dma_start3A_113, %dma_start3A_114] : memref<32x80x128xi32, #tpu.memory_space<hbm>> -> memref<1x40x128xi32, #tpu.memory_space<hbm>>
      %dma_start3A_116 = tpu.memref_squeeze %dma_start3A_115 : memref<1x40x128xi32, #tpu.memory_space<hbm>> -> memref<40x128xi32, #tpu.memory_space<hbm>>
      tpu.enqueue_dma source(%dma_start3A_116 : memref<40x128xi32, #tpu.memory_space<hbm>>) target(%arg7 : memref<40x128xi32, #tpu.memory_space<vmem>>) target_semaphore(%run_scoped3A : memref<!tpu.dma_semaphore, #tpu.memory_space<semaphore_mem>>)
      %dma_wait3A_117 = arith.constant 40 : i32
      %dma_wait3A_118 = arith.constant 0 : i32
      %dma_wait3A_119 = tpu.memref_slice %arg4[%add3A, %dma_wait3A_117, %dma_wait3A_118] : memref<32x80x128xi32, #tpu.memory_space<hbm>> -> memref<1x40x128xi32, #tpu.memory_space<hbm>>
      %dma_wait3A_120 = tpu.memref_squeeze %dma_wait3A_119 : memref<1x40x128xi32, #tpu.memory_space<hbm>> -> memref<40x128xi32, #tpu.memory_space<hbm>>
      %dma_wait3A_121 = arith.constant 40 : i32
      %dma_wait3A_122 = arith.constant 0 : i32
      %dma_wait3A_123 = tpu.memref_slice %arg4[%add3A, %dma_wait3A_121, %dma_wait3A_122] : memref<32x80x128xi32, #tpu.memory_space<hbm>> -> memref<1x40x128xi32, #tpu.memory_space<hbm>>
      %dma_wait3A_124 = tpu.memref_squeeze %dma_wait3A_123 : memref<1x40x128xi32, #tpu.memory_space<hbm>> -> memref<40x128xi32, #tpu.memory_space<hbm>>
      tpu.wait_dma2 semaphore(%run_scoped3A : memref<!tpu.dma_semaphore, #tpu.memory_space<semaphore_mem>>) src(%dma_wait3A_124 : memref<40x128xi32, #tpu.memory_space<hbm>>) dst(%arg7 : memref<40x128xi32, #tpu.memory_space<vmem>>)
      tpu.yield
    }) : () -> ()
    %dma_start3A_58 = arith.constant 0 : i32
    %dma_start3A_59 = arith.constant 0 : i32
    %dma_start3A_60 = arith.constant 0 : i32
    %dma_start3A_61 = tpu.memref_slice %arg8[%dma_start3A_59, %dma_start3A_60] : memref<512x64xf32, #tpu.memory_space<vmem>> -> memref<128x64xf32, #tpu.memory_space<vmem>>
    %dma_start3A_62 = arith.constant 0 : i32
    %dma_start3A_63 = tpu.memref_slice %arg6[%dma_start3A_58, %dma_start3A_62] : memref<40x128xi32, #tpu.memory_space<vmem>> -> memref<1x128xi32, #tpu.memory_space<vmem>>
    %dma_start3A_64 = tpu.memref_squeeze %dma_start3A_63 : memref<1x128xi32, #tpu.memory_space<vmem>> -> memref<128xi32, #tpu.memory_space<vmem>>
    %dma_start3A_65 = arith.constant 0 : i32
    %dma_start3A_66 = arith.constant 0 : i32
    %dma_start3A_67 = tpu.memref_slice %arg10[%dma_start3A_65, %dma_start3A_66] : memref<10112x64xf32, #tpu.memory_space<vmem_shared>> -> memref<10112x64xf32, #tpu.memory_space<vmem_shared>>
    tpu.enqueue_indirect_dma source(%dma_start3A_67 : memref<10112x64xf32, #tpu.memory_space<vmem_shared>>) target(%dma_start3A_61 : memref<128x64xf32, #tpu.memory_space<vmem>>) offsets(%dma_start3A_64 : memref<128xi32, #tpu.memory_space<vmem>>) semaphore(%arg11 : memref<!tpu.dma_semaphore, #tpu.memory_space<semaphore_mem>>)
    %dma_start3A_68 = arith.constant 1 : i32
    %dma_start3A_69 = arith.constant 128 : i32
    %dma_start3A_70 = arith.constant 0 : i32
    %dma_start3A_71 = tpu.memref_slice %arg8[%dma_start3A_69, %dma_start3A_70] : memref<512x64xf32, #tpu.memory_space<vmem>> -> memref<128x64xf32, #tpu.memory_space<vmem>>
    %dma_start3A_72 = arith.constant 0 : i32
    %dma_start3A_73 = tpu.memref_slice %arg6[%dma_start3A_68, %dma_start3A_72] : memref<40x128xi32, #tpu.memory_space<vmem>> -> memref<1x128xi32, #tpu.memory_space<vmem>>
    %dma_start3A_74 = tpu.memref_squeeze %dma_start3A_73 : memref<1x128xi32, #tpu.memory_space<vmem>> -> memref<128xi32, #tpu.memory_space<vmem>>
    %dma_start3A_75 = arith.constant 0 : i32
    %dma_start3A_76 = arith.constant 0 : i32
    %dma_start3A_77 = tpu.memref_slice %arg10[%dma_start3A_75, %dma_start3A_76] : memref<10112x64xf32, #tpu.memory_space<vmem_shared>> -> memref<10112x64xf32, #tpu.memory_space<vmem_shared>>
    tpu.enqueue_indirect_dma source(%dma_start3A_77 : memref<10112x64xf32, #tpu.memory_space<vmem_shared>>) target(%dma_start3A_71 : memref<128x64xf32, #tpu.memory_space<vmem>>) offsets(%dma_start3A_74 : memref<128xi32, #tpu.memory_space<vmem>>) semaphore(%arg12 : memref<!tpu.dma_semaphore, #tpu.memory_space<semaphore_mem>>)
    %scan3A_78 = arith.constant 0 : i32
    %scan3A_79 = arith.constant 0 : i32
    %scan3A_80 = arith.constant 10 : i32
    %scan3A_81 = arith.addi %scan3A_79, %scan3A_80 : i32
    %scan3A_82 = arith.constant 1 : i32
    scf.for %scan3A_109 = %scan3A_79 to %scan3A_81 step %scan3A_82  : i32 {
      %mul3A_110 = arith.constant 4 : i32
      %mul3A_111 = arith.muli %mul3A_110, %scan3A_109 : i32
      %add3A_112 = arith.constant 0 : i32
      %add3A_113 = arith.addi %mul3A_111, %add3A_112 : i32
      %dma_wait3A_114 = arith.constant 0 : i32
      %dma_wait3A_115 = arith.constant 0 : i32
      %dma_wait3A_116 = tpu.memref_slice %arg8[%dma_wait3A_114, %dma_wait3A_115] : memref<512x64xf32, #tpu.memory_space<vmem>> -> memref<128x64xf32, #tpu.memory_space<vmem>>
      %dma_wait3A_117 = arith.constant 0 : i32
      %dma_wait3A_118 = tpu.memref_slice %arg6[%add3A_113, %dma_wait3A_117] : memref<40x128xi32, #tpu.memory_space<vmem>> -> memref<1x128xi32, #tpu.memory_space<vmem>>
      %dma_wait3A_119 = tpu.memref_squeeze %dma_wait3A_118 : memref<1x128xi32, #tpu.memory_space<vmem>> -> memref<128xi32, #tpu.memory_space<vmem>>
      %dma_wait3A_120 = arith.constant 0 : i32
      %dma_wait3A_121 = arith.constant 0 : i32
      %dma_wait3A_122 = tpu.memref_slice %arg10[%dma_wait3A_120, %dma_wait3A_121] : memref<10112x64xf32, #tpu.memory_space<vmem_shared>> -> memref<10112x64xf32, #tpu.memory_space<vmem_shared>>
      tpu.wait_indirect_dma semaphore(%arg11 : memref<!tpu.dma_semaphore, #tpu.memory_space<semaphore_mem>>) src(%dma_wait3A_122 : memref<10112x64xf32, #tpu.memory_space<vmem_shared>>) dst(%dma_wait3A_116 : memref<128x64xf32, #tpu.memory_space<vmem>>)
      %dma_start3A_123 = arith.constant 0 : i32
      %dma_start3A_124 = arith.constant 0 : i32
      %dma_start3A_125 = tpu.memref_slice %arg8[%dma_start3A_123, %dma_start3A_124] : memref<512x64xf32, #tpu.memory_space<vmem>> -> memref<128x64xf32, #tpu.memory_space<vmem>>
      %dma_start3A_126 = arith.constant 0 : i32
      %dma_start3A_127 = tpu.memref_slice %arg7[%add3A_113, %dma_start3A_126] : memref<40x128xi32, #tpu.memory_space<vmem>> -> memref<1x128xi32, #tpu.memory_space<vmem>>
      %dma_start3A_128 = tpu.memref_squeeze %dma_start3A_127 : memref<1x128xi32, #tpu.memory_space<vmem>> -> memref<128xi32, #tpu.memory_space<vmem>>
      %dma_start3A_129 = arith.constant 0 : i32
      %dma_start3A_130 = arith.constant 0 : i32
      %dma_start3A_131 = tpu.memref_slice %arg9[%dma_start3A_129, %dma_start3A_130] : memref<10112x64xf32, #tpu.memory_space<vmem_shared>> -> memref<10112x64xf32, #tpu.memory_space<vmem_shared>>
      tpu.enqueue_indirect_dma source(%dma_start3A_125 : memref<128x64xf32, #tpu.memory_space<vmem>>) target(%dma_start3A_131 : memref<10112x64xf32, #tpu.memory_space<vmem_shared>>) offsets(%dma_start3A_128 : memref<128xi32, #tpu.memory_space<vmem>>) semaphore(%arg15 : memref<!tpu.dma_semaphore, #tpu.memory_space<semaphore_mem>>) {add = true}
      %ge3A = arith.constant 2 : i32
      %ge3A_132 = arith.cmpi sge, %add3A_113, %ge3A : i32
      %convert_element_type3A = arith.extui %ge3A_132 : i1 to i32
      %cond3A = arith.constant 0 : i32
      %cond3A_133 = arith.cmpi ne, %convert_element_type3A, %cond3A : i32
      scf.if %cond3A_133 {
        %sub3A = arith.constant 2 : i32
        %sub3A_242 = arith.subi %add3A_113, %sub3A : i32
        %dma_wait3A_243 = arith.constant 256 : i32
        %dma_wait3A_244 = arith.constant 0 : i32
        %dma_wait3A_245 = tpu.memref_slice %arg8[%dma_wait3A_243, %dma_wait3A_244] : memref<512x64xf32, #tpu.memory_space<vmem>> -> memref<128x64xf32, #tpu.memory_space<vmem>>
        %dma_wait3A_246 = arith.constant 0 : i32
        %dma_wait3A_247 = tpu.memref_slice %arg7[%sub3A_242, %dma_wait3A_246] : memref<40x128xi32, #tpu.memory_space<vmem>> -> memref<1x128xi32, #tpu.memory_space<vmem>>
        %dma_wait3A_248 = tpu.memref_squeeze %dma_wait3A_247 : memref<1x128xi32, #tpu.memory_space<vmem>> -> memref<128xi32, #tpu.memory_space<vmem>>
        %dma_wait3A_249 = arith.constant 0 : i32
        %dma_wait3A_250 = arith.constant 0 : i32
        %dma_wait3A_251 = tpu.memref_slice %arg9[%dma_wait3A_249, %dma_wait3A_250] : memref<10112x64xf32, #tpu.memory_space<vmem_shared>> -> memref<10112x64xf32, #tpu.memory_space<vmem_shared>>
        tpu.wait_indirect_dma semaphore(%arg17 : memref<!tpu.dma_semaphore, #tpu.memory_space<semaphore_mem>>) src(%dma_wait3A_245 : memref<128x64xf32, #tpu.memory_space<vmem>>) dst(%dma_wait3A_251 : memref<10112x64xf32, #tpu.memory_space<vmem_shared>>)
      } else {
      }
      %add3A_134 = arith.constant 2 : i32
      %add3A_135 = arith.addi %add3A_113, %add3A_134 : i32
      %lt3A = arith.constant 40 : i32
      %lt3A_136 = arith.cmpi slt, %add3A_135, %lt3A : i32
      %convert_element_type3A_137 = arith.extui %lt3A_136 : i1 to i32
      %cond3A_138 = arith.constant 0 : i32
      %cond3A_139 = arith.cmpi ne, %convert_element_type3A_137, %cond3A_138 : i32
      scf.if %cond3A_139 {
        %add3A_242 = arith.constant 2 : i32
        %add3A_243 = arith.addi %add3A_113, %add3A_242 : i32
        %dma_start3A_244 = arith.constant 256 : i32
        %dma_start3A_245 = arith.constant 0 : i32
        %dma_start3A_246 = tpu.memref_slice %arg8[%dma_start3A_244, %dma_start3A_245] : memref<512x64xf32, #tpu.memory_space<vmem>> -> memref<128x64xf32, #tpu.memory_space<vmem>>
        %dma_start3A_247 = arith.constant 0 : i32
        %dma_start3A_248 = tpu.memref_slice %arg6[%add3A_243, %dma_start3A_247] : memref<40x128xi32, #tpu.memory_space<vmem>> -> memref<1x128xi32, #tpu.memory_space<vmem>>
        %dma_start3A_249 = tpu.memref_squeeze %dma_start3A_248 : memref<1x128xi32, #tpu.memory_space<vmem>> -> memref<128xi32, #tpu.memory_space<vmem>>
        %dma_start3A_250 = arith.constant 0 : i32
        %dma_start3A_251 = arith.constant 0 : i32
        %dma_start3A_252 = tpu.memref_slice %arg10[%dma_start3A_250, %dma_start3A_251] : memref<10112x64xf32, #tpu.memory_space<vmem_shared>> -> memref<10112x64xf32, #tpu.memory_space<vmem_shared>>
        tpu.enqueue_indirect_dma source(%dma_start3A_252 : memref<10112x64xf32, #tpu.memory_space<vmem_shared>>) target(%dma_start3A_246 : memref<128x64xf32, #tpu.memory_space<vmem>>) offsets(%dma_start3A_249 : memref<128xi32, #tpu.memory_space<vmem>>) semaphore(%arg13 : memref<!tpu.dma_semaphore, #tpu.memory_space<semaphore_mem>>)
      } else {
      }
      %mul3A_140 = arith.constant 4 : i32
      %mul3A_141 = arith.muli %mul3A_140, %scan3A_109 : i32
      %add3A_142 = arith.constant 1 : i32
      %add3A_143 = arith.addi %mul3A_141, %add3A_142 : i32
      %dma_wait3A_144 = arith.constant 128 : i32
      %dma_wait3A_145 = arith.constant 0 : i32
      %dma_wait3A_146 = tpu.memref_slice %arg8[%dma_wait3A_144, %dma_wait3A_145] : memref<512x64xf32, #tpu.memory_space<vmem>> -> memref<128x64xf32, #tpu.memory_space<vmem>>
      %dma_wait3A_147 = arith.constant 0 : i32
      %dma_wait3A_148 = tpu.memref_slice %arg6[%add3A_143, %dma_wait3A_147] : memref<40x128xi32, #tpu.memory_space<vmem>> -> memref<1x128xi32, #tpu.memory_space<vmem>>
      %dma_wait3A_149 = tpu.memref_squeeze %dma_wait3A_148 : memref<1x128xi32, #tpu.memory_space<vmem>> -> memref<128xi32, #tpu.memory_space<vmem>>
      %dma_wait3A_150 = arith.constant 0 : i32
      %dma_wait3A_151 = arith.constant 0 : i32
      %dma_wait3A_152 = tpu.memref_slice %arg10[%dma_wait3A_150, %dma_wait3A_151] : memref<10112x64xf32, #tpu.memory_space<vmem_shared>> -> memref<10112x64xf32, #tpu.memory_space<vmem_shared>>
      tpu.wait_indirect_dma semaphore(%arg12 : memref<!tpu.dma_semaphore, #tpu.memory_space<semaphore_mem>>) src(%dma_wait3A_152 : memref<10112x64xf32, #tpu.memory_space<vmem_shared>>) dst(%dma_wait3A_146 : memref<128x64xf32, #tpu.memory_space<vmem>>)
      %dma_start3A_153 = arith.constant 128 : i32
      %dma_start3A_154 = arith.constant 0 : i32
      %dma_start3A_155 = tpu.memref_slice %arg8[%dma_start3A_153, %dma_start3A_154] : memref<512x64xf32, #tpu.memory_space<vmem>> -> memref<128x64xf32, #tpu.memory_space<vmem>>
      %dma_start3A_156 = arith.constant 0 : i32
      %dma_start3A_157 = tpu.memref_slice %arg7[%add3A_143, %dma_start3A_156] : memref<40x128xi32, #tpu.memory_space<vmem>> -> memref<1x128xi32, #tpu.memory_space<vmem>>
      %dma_start3A_158 = tpu.memref_squeeze %dma_start3A_157 : memref<1x128xi32, #tpu.memory_space<vmem>> -> memref<128xi32, #tpu.memory_space<vmem>>
      %dma_start3A_159 = arith.constant 0 : i32
      %dma_start3A_160 = arith.constant 0 : i32
      %dma_start3A_161 = tpu.memref_slice %arg9[%dma_start3A_159, %dma_start3A_160] : memref<10112x64xf32, #tpu.memory_space<vmem_shared>> -> memref<10112x64xf32, #tpu.memory_space<vmem_shared>>
      tpu.enqueue_indirect_dma source(%dma_start3A_155 : memref<128x64xf32, #tpu.memory_space<vmem>>) target(%dma_start3A_161 : memref<10112x64xf32, #tpu.memory_space<vmem_shared>>) offsets(%dma_start3A_158 : memref<128xi32, #tpu.memory_space<vmem>>) semaphore(%arg16 : memref<!tpu.dma_semaphore, #tpu.memory_space<semaphore_mem>>) {add = true}
      %ge3A_162 = arith.constant 2 : i32
      %ge3A_163 = arith.cmpi sge, %add3A_143, %ge3A_162 : i32
      %convert_element_type3A_164 = arith.extui %ge3A_163 : i1 to i32
      %cond3A_165 = arith.constant 0 : i32
      %cond3A_166 = arith.cmpi ne, %convert_element_type3A_164, %cond3A_165 : i32
      scf.if %cond3A_166 {
        %sub3A = arith.constant 2 : i32
        %sub3A_242 = arith.subi %add3A_143, %sub3A : i32
        %dma_wait3A_243 = arith.constant 384 : i32
        %dma_wait3A_244 = arith.constant 0 : i32
        %dma_wait3A_245 = tpu.memref_slice %arg8[%dma_wait3A_243, %dma_wait3A_244] : memref<512x64xf32, #tpu.memory_space<vmem>> -> memref<128x64xf32, #tpu.memory_space<vmem>>
        %dma_wait3A_246 = arith.constant 0 : i32
        %dma_wait3A_247 = tpu.memref_slice %arg7[%sub3A_242, %dma_wait3A_246] : memref<40x128xi32, #tpu.memory_space<vmem>> -> memref<1x128xi32, #tpu.memory_space<vmem>>
        %dma_wait3A_248 = tpu.memref_squeeze %dma_wait3A_247 : memref<1x128xi32, #tpu.memory_space<vmem>> -> memref<128xi32, #tpu.memory_space<vmem>>
        %dma_wait3A_249 = arith.constant 0 : i32
        %dma_wait3A_250 = arith.constant 0 : i32
        %dma_wait3A_251 = tpu.memref_slice %arg9[%dma_wait3A_249, %dma_wait3A_250] : memref<10112x64xf32, #tpu.memory_space<vmem_shared>> -> memref<10112x64xf32, #tpu.memory_space<vmem_shared>>
        tpu.wait_indirect_dma semaphore(%arg18 : memref<!tpu.dma_semaphore, #tpu.memory_space<semaphore_mem>>) src(%dma_wait3A_245 : memref<128x64xf32, #tpu.memory_space<vmem>>) dst(%dma_wait3A_251 : memref<10112x64xf32, #tpu.memory_space<vmem_shared>>)
      } else {
      }
      %add3A_167 = arith.constant 2 : i32
      %add3A_168 = arith.addi %add3A_143, %add3A_167 : i32
      %lt3A_169 = arith.constant 40 : i32
      %lt3A_170 = arith.cmpi slt, %add3A_168, %lt3A_169 : i32
      %convert_element_type3A_171 = arith.extui %lt3A_170 : i1 to i32
      %cond3A_172 = arith.constant 0 : i32
      %cond3A_173 = arith.cmpi ne, %convert_element_type3A_171, %cond3A_172 : i32
      scf.if %cond3A_173 {
        %add3A_242 = arith.constant 2 : i32
        %add3A_243 = arith.addi %add3A_143, %add3A_242 : i32
        %dma_start3A_244 = arith.constant 384 : i32
        %dma_start3A_245 = arith.constant 0 : i32
        %dma_start3A_246 = tpu.memref_slice %arg8[%dma_start3A_244, %dma_start3A_245] : memref<512x64xf32, #tpu.memory_space<vmem>> -> memref<128x64xf32, #tpu.memory_space<vmem>>
        %dma_start3A_247 = arith.constant 0 : i32
        %dma_start3A_248 = tpu.memref_slice %arg6[%add3A_243, %dma_start3A_247] : memref<40x128xi32, #tpu.memory_space<vmem>> -> memref<1x128xi32, #tpu.memory_space<vmem>>
        %dma_start3A_249 = tpu.memref_squeeze %dma_start3A_248 : memref<1x128xi32, #tpu.memory_space<vmem>> -> memref<128xi32, #tpu.memory_space<vmem>>
        %dma_start3A_250 = arith.constant 0 : i32
        %dma_start3A_251 = arith.constant 0 : i32
        %dma_start3A_252 = tpu.memref_slice %arg10[%dma_start3A_250, %dma_start3A_251] : memref<10112x64xf32, #tpu.memory_space<vmem_shared>> -> memref<10112x64xf32, #tpu.memory_space<vmem_shared>>
        tpu.enqueue_indirect_dma source(%dma_start3A_252 : memref<10112x64xf32, #tpu.memory_space<vmem_shared>>) target(%dma_start3A_246 : memref<128x64xf32, #tpu.memory_space<vmem>>) offsets(%dma_start3A_249 : memref<128xi32, #tpu.memory_space<vmem>>) semaphore(%arg14 : memref<!tpu.dma_semaphore, #tpu.memory_space<semaphore_mem>>)
      } else {
      }
      %mul3A_174 = arith.constant 4 : i32
      %mul3A_175 = arith.muli %mul3A_174, %scan3A_109 : i32
      %add3A_176 = arith.constant 2 : i32
      %add3A_177 = arith.addi %mul3A_175, %add3A_176 : i32
      %dma_wait3A_178 = arith.constant 256 : i32
      %dma_wait3A_179 = arith.constant 0 : i32
      %dma_wait3A_180 = tpu.memref_slice %arg8[%dma_wait3A_178, %dma_wait3A_179] : memref<512x64xf32, #tpu.memory_space<vmem>> -> memref<128x64xf32, #tpu.memory_space<vmem>>
      %dma_wait3A_181 = arith.constant 0 : i32
      %dma_wait3A_182 = tpu.memref_slice %arg6[%add3A_177, %dma_wait3A_181] : memref<40x128xi32, #tpu.memory_space<vmem>> -> memref<1x128xi32, #tpu.memory_space<vmem>>
      %dma_wait3A_183 = tpu.memref_squeeze %dma_wait3A_182 : memref<1x128xi32, #tpu.memory_space<vmem>> -> memref<128xi32, #tpu.memory_space<vmem>>
      %dma_wait3A_184 = arith.constant 0 : i32
      %dma_wait3A_185 = arith.constant 0 : i32
      %dma_wait3A_186 = tpu.memref_slice %arg10[%dma_wait3A_184, %dma_wait3A_185] : memref<10112x64xf32, #tpu.memory_space<vmem_shared>> -> memref<10112x64xf32, #tpu.memory_space<vmem_shared>>
      tpu.wait_indirect_dma semaphore(%arg13 : memref<!tpu.dma_semaphore, #tpu.memory_space<semaphore_mem>>) src(%dma_wait3A_186 : memref<10112x64xf32, #tpu.memory_space<vmem_shared>>) dst(%dma_wait3A_180 : memref<128x64xf32, #tpu.memory_space<vmem>>)
      %dma_start3A_187 = arith.constant 256 : i32
      %dma_start3A_188 = arith.constant 0 : i32
      %dma_start3A_189 = tpu.memref_slice %arg8[%dma_start3A_187, %dma_start3A_188] : memref<512x64xf32, #tpu.memory_space<vmem>> -> memref<128x64xf32, #tpu.memory_space<vmem>>
      %dma_start3A_190 = arith.constant 0 : i32
      %dma_start3A_191 = tpu.memref_slice %arg7[%add3A_177, %dma_start3A_190] : memref<40x128xi32, #tpu.memory_space<vmem>> -> memref<1x128xi32, #tpu.memory_space<vmem>>
      %dma_start3A_192 = tpu.memref_squeeze %dma_start3A_191 : memref<1x128xi32, #tpu.memory_space<vmem>> -> memref<128xi32, #tpu.memory_space<vmem>>
      %dma_start3A_193 = arith.constant 0 : i32
      %dma_start3A_194 = arith.constant 0 : i32
      %dma_start3A_195 = tpu.memref_slice %arg9[%dma_start3A_193, %dma_start3A_194] : memref<10112x64xf32, #tpu.memory_space<vmem_shared>> -> memref<10112x64xf32, #tpu.memory_space<vmem_shared>>
      tpu.enqueue_indirect_dma source(%dma_start3A_189 : memref<128x64xf32, #tpu.memory_space<vmem>>) target(%dma_start3A_195 : memref<10112x64xf32, #tpu.memory_space<vmem_shared>>) offsets(%dma_start3A_192 : memref<128xi32, #tpu.memory_space<vmem>>) semaphore(%arg17 : memref<!tpu.dma_semaphore, #tpu.memory_space<semaphore_mem>>) {add = true}
      %ge3A_196 = arith.constant 2 : i32
      %ge3A_197 = arith.cmpi sge, %add3A_177, %ge3A_196 : i32
      %convert_element_type3A_198 = arith.extui %ge3A_197 : i1 to i32
      %cond3A_199 = arith.constant 0 : i32
      %cond3A_200 = arith.cmpi ne, %convert_element_type3A_198, %cond3A_199 : i32
      scf.if %cond3A_200 {
        %sub3A = arith.constant 2 : i32
        %sub3A_242 = arith.subi %add3A_177, %sub3A : i32
        %dma_wait3A_243 = arith.constant 0 : i32
        %dma_wait3A_244 = arith.constant 0 : i32
        %dma_wait3A_245 = tpu.memref_slice %arg8[%dma_wait3A_243, %dma_wait3A_244] : memref<512x64xf32, #tpu.memory_space<vmem>> -> memref<128x64xf32, #tpu.memory_space<vmem>>
        %dma_wait3A_246 = arith.constant 0 : i32
        %dma_wait3A_247 = tpu.memref_slice %arg7[%sub3A_242, %dma_wait3A_246] : memref<40x128xi32, #tpu.memory_space<vmem>> -> memref<1x128xi32, #tpu.memory_space<vmem>>
        %dma_wait3A_248 = tpu.memref_squeeze %dma_wait3A_247 : memref<1x128xi32, #tpu.memory_space<vmem>> -> memref<128xi32, #tpu.memory_space<vmem>>
        %dma_wait3A_249 = arith.constant 0 : i32
        %dma_wait3A_250 = arith.constant 0 : i32
        %dma_wait3A_251 = tpu.memref_slice %arg9[%dma_wait3A_249, %dma_wait3A_250] : memref<10112x64xf32, #tpu.memory_space<vmem_shared>> -> memref<10112x64xf32, #tpu.memory_space<vmem_shared>>
        tpu.wait_indirect_dma semaphore(%arg15 : memref<!tpu.dma_semaphore, #tpu.memory_space<semaphore_mem>>) src(%dma_wait3A_245 : memref<128x64xf32, #tpu.memory_space<vmem>>) dst(%dma_wait3A_251 : memref<10112x64xf32, #tpu.memory_space<vmem_shared>>)
      } else {
      }
      %add3A_201 = arith.constant 2 : i32
      %add3A_202 = arith.addi %add3A_177, %add3A_201 : i32
      %lt3A_203 = arith.constant 40 : i32
      %lt3A_204 = arith.cmpi slt, %add3A_202, %lt3A_203 : i32
      %convert_element_type3A_205 = arith.extui %lt3A_204 : i1 to i32
      %cond3A_206 = arith.constant 0 : i32
      %cond3A_207 = arith.cmpi ne, %convert_element_type3A_205, %cond3A_206 : i32
      scf.if %cond3A_207 {
        %add3A_242 = arith.constant 2 : i32
        %add3A_243 = arith.addi %add3A_177, %add3A_242 : i32
        %dma_start3A_244 = arith.constant 0 : i32
        %dma_start3A_245 = arith.constant 0 : i32
        %dma_start3A_246 = tpu.memref_slice %arg8[%dma_start3A_244, %dma_start3A_245] : memref<512x64xf32, #tpu.memory_space<vmem>> -> memref<128x64xf32, #tpu.memory_space<vmem>>
        %dma_start3A_247 = arith.constant 0 : i32
        %dma_start3A_248 = tpu.memref_slice %arg6[%add3A_243, %dma_start3A_247] : memref<40x128xi32, #tpu.memory_space<vmem>> -> memref<1x128xi32, #tpu.memory_space<vmem>>
        %dma_start3A_249 = tpu.memref_squeeze %dma_start3A_248 : memref<1x128xi32, #tpu.memory_space<vmem>> -> memref<128xi32, #tpu.memory_space<vmem>>
        %dma_start3A_250 = arith.constant 0 : i32
        %dma_start3A_251 = arith.constant 0 : i32
        %dma_start3A_252 = tpu.memref_slice %arg10[%dma_start3A_250, %dma_start3A_251] : memref<10112x64xf32, #tpu.memory_space<vmem_shared>> -> memref<10112x64xf32, #tpu.memory_space<vmem_shared>>
        tpu.enqueue_indirect_dma source(%dma_start3A_252 : memref<10112x64xf32, #tpu.memory_space<vmem_shared>>) target(%dma_start3A_246 : memref<128x64xf32, #tpu.memory_space<vmem>>) offsets(%dma_start3A_249 : memref<128xi32, #tpu.memory_space<vmem>>) semaphore(%arg11 : memref<!tpu.dma_semaphore, #tpu.memory_space<semaphore_mem>>)
      } else {
      }
      %mul3A_208 = arith.constant 4 : i32
      %mul3A_209 = arith.muli %mul3A_208, %scan3A_109 : i32
      %add3A_210 = arith.constant 3 : i32
      %add3A_211 = arith.addi %mul3A_209, %add3A_210 : i32
      %dma_wait3A_212 = arith.constant 384 : i32
      %dma_wait3A_213 = arith.constant 0 : i32
      %dma_wait3A_214 = tpu.memref_slice %arg8[%dma_wait3A_212, %dma_wait3A_213] : memref<512x64xf32, #tpu.memory_space<vmem>> -> memref<128x64xf32, #tpu.memory_space<vmem>>
      %dma_wait3A_215 = arith.constant 0 : i32
      %dma_wait3A_216 = tpu.memref_slice %arg6[%add3A_211, %dma_wait3A_215] : memref<40x128xi32, #tpu.memory_space<vmem>> -> memref<1x128xi32, #tpu.memory_space<vmem>>
      %dma_wait3A_217 = tpu.memref_squeeze %dma_wait3A_216 : memref<1x128xi32, #tpu.memory_space<vmem>> -> memref<128xi32, #tpu.memory_space<vmem>>
      %dma_wait3A_218 = arith.constant 0 : i32
      %dma_wait3A_219 = arith.constant 0 : i32
      %dma_wait3A_220 = tpu.memref_slice %arg10[%dma_wait3A_218, %dma_wait3A_219] : memref<10112x64xf32, #tpu.memory_space<vmem_shared>> -> memref<10112x64xf32, #tpu.memory_space<vmem_shared>>
      tpu.wait_indirect_dma semaphore(%arg14 : memref<!tpu.dma_semaphore, #tpu.memory_space<semaphore_mem>>) src(%dma_wait3A_220 : memref<10112x64xf32, #tpu.memory_space<vmem_shared>>) dst(%dma_wait3A_214 : memref<128x64xf32, #tpu.memory_space<vmem>>)
      %dma_start3A_221 = arith.constant 384 : i32
      %dma_start3A_222 = arith.constant 0 : i32
      %dma_start3A_223 = tpu.memref_slice %arg8[%dma_start3A_221, %dma_start3A_222] : memref<512x64xf32, #tpu.memory_space<vmem>> -> memref<128x64xf32, #tpu.memory_space<vmem>>
      %dma_start3A_224 = arith.constant 0 : i32
      %dma_start3A_225 = tpu.memref_slice %arg7[%add3A_211, %dma_start3A_224] : memref<40x128xi32, #tpu.memory_space<vmem>> -> memref<1x128xi32, #tpu.memory_space<vmem>>
      %dma_start3A_226 = tpu.memref_squeeze %dma_start3A_225 : memref<1x128xi32, #tpu.memory_space<vmem>> -> memref<128xi32, #tpu.memory_space<vmem>>
      %dma_start3A_227 = arith.constant 0 : i32
      %dma_start3A_228 = arith.constant 0 : i32
      %dma_start3A_229 = tpu.memref_slice %arg9[%dma_start3A_227, %dma_start3A_228] : memref<10112x64xf32, #tpu.memory_space<vmem_shared>> -> memref<10112x64xf32, #tpu.memory_space<vmem_shared>>
      tpu.enqueue_indirect_dma source(%dma_start3A_223 : memref<128x64xf32, #tpu.memory_space<vmem>>) target(%dma_start3A_229 : memref<10112x64xf32, #tpu.memory_space<vmem_shared>>) offsets(%dma_start3A_226 : memref<128xi32, #tpu.memory_space<vmem>>) semaphore(%arg18 : memref<!tpu.dma_semaphore, #tpu.memory_space<semaphore_mem>>) {add = true}
      %ge3A_230 = arith.constant 2 : i32
      %ge3A_231 = arith.cmpi sge, %add3A_211, %ge3A_230 : i32
      %convert_element_type3A_232 = arith.extui %ge3A_231 : i1 to i32
      %cond3A_233 = arith.constant 0 : i32
      %cond3A_234 = arith.cmpi ne, %convert_element_type3A_232, %cond3A_233 : i32
      scf.if %cond3A_234 {
        %sub3A = arith.constant 2 : i32
        %sub3A_242 = arith.subi %add3A_211, %sub3A : i32
        %dma_wait3A_243 = arith.constant 128 : i32
        %dma_wait3A_244 = arith.constant 0 : i32
        %dma_wait3A_245 = tpu.memref_slice %arg8[%dma_wait3A_243, %dma_wait3A_244] : memref<512x64xf32, #tpu.memory_space<vmem>> -> memref<128x64xf32, #tpu.memory_space<vmem>>
        %dma_wait3A_246 = arith.constant 0 : i32
        %dma_wait3A_247 = tpu.memref_slice %arg7[%sub3A_242, %dma_wait3A_246] : memref<40x128xi32, #tpu.memory_space<vmem>> -> memref<1x128xi32, #tpu.memory_space<vmem>>
        %dma_wait3A_248 = tpu.memref_squeeze %dma_wait3A_247 : memref<1x128xi32, #tpu.memory_space<vmem>> -> memref<128xi32, #tpu.memory_space<vmem>>
        %dma_wait3A_249 = arith.constant 0 : i32
        %dma_wait3A_250 = arith.constant 0 : i32
        %dma_wait3A_251 = tpu.memref_slice %arg9[%dma_wait3A_249, %dma_wait3A_250] : memref<10112x64xf32, #tpu.memory_space<vmem_shared>> -> memref<10112x64xf32, #tpu.memory_space<vmem_shared>>
        tpu.wait_indirect_dma semaphore(%arg16 : memref<!tpu.dma_semaphore, #tpu.memory_space<semaphore_mem>>) src(%dma_wait3A_245 : memref<128x64xf32, #tpu.memory_space<vmem>>) dst(%dma_wait3A_251 : memref<10112x64xf32, #tpu.memory_space<vmem_shared>>)
      } else {
      }
      %add3A_235 = arith.constant 2 : i32
      %add3A_236 = arith.addi %add3A_211, %add3A_235 : i32
      %lt3A_237 = arith.constant 40 : i32
      %lt3A_238 = arith.cmpi slt, %add3A_236, %lt3A_237 : i32
      %convert_element_type3A_239 = arith.extui %lt3A_238 : i1 to i32
      %cond3A_240 = arith.constant 0 : i32
      %cond3A_241 = arith.cmpi ne, %convert_element_type3A_239, %cond3A_240 : i32
      scf.if %cond3A_241 {
        %add3A_242 = arith.constant 2 : i32
        %add3A_243 = arith.addi %add3A_211, %add3A_242 : i32
        %dma_start3A_244 = arith.constant 128 : i32
        %dma_start3A_245 = arith.constant 0 : i32
        %dma_start3A_246 = tpu.memref_slice %arg8[%dma_start3A_244, %dma_start3A_245] : memref<512x64xf32, #tpu.memory_space<vmem>> -> memref<128x64xf32, #tpu.memory_space<vmem>>
        %dma_start3A_247 = arith.constant 0 : i32
        %dma_start3A_248 = tpu.memref_slice %arg6[%add3A_243, %dma_start3A_247] : memref<40x128xi32, #tpu.memory_space<vmem>> -> memref<1x128xi32, #tpu.memory_space<vmem>>
        %dma_start3A_249 = tpu.memref_squeeze %dma_start3A_248 : memref<1x128xi32, #tpu.memory_space<vmem>> -> memref<128xi32, #tpu.memory_space<vmem>>
        %dma_start3A_250 = arith.constant 0 : i32
        %dma_start3A_251 = arith.constant 0 : i32
        %dma_start3A_252 = tpu.memref_slice %arg10[%dma_start3A_250, %dma_start3A_251] : memref<10112x64xf32, #tpu.memory_space<vmem_shared>> -> memref<10112x64xf32, #tpu.memory_space<vmem_shared>>
        tpu.enqueue_indirect_dma source(%dma_start3A_252 : memref<10112x64xf32, #tpu.memory_space<vmem_shared>>) target(%dma_start3A_246 : memref<128x64xf32, #tpu.memory_space<vmem>>) offsets(%dma_start3A_249 : memref<128xi32, #tpu.memory_space<vmem>>) semaphore(%arg12 : memref<!tpu.dma_semaphore, #tpu.memory_space<semaphore_mem>>)
      } else {
      }
    }
    %scan3A_83 = arith.constant 10 : i32
    %dma_wait3A_84 = arith.constant 38 : i32
    %dma_wait3A_85 = arith.constant 256 : i32
    %dma_wait3A_86 = arith.constant 0 : i32
    %dma_wait3A_87 = tpu.memref_slice %arg8[%dma_wait3A_85, %dma_wait3A_86] : memref<512x64xf32, #tpu.memory_space<vmem>> -> memref<128x64xf32, #tpu.memory_space<vmem>>
    %dma_wait3A_88 = arith.constant 0 : i32
    %dma_wait3A_89 = tpu.memref_slice %arg7[%dma_wait3A_84, %dma_wait3A_88] : memref<40x128xi32, #tpu.memory_space<vmem>> -> memref<1x128xi32, #tpu.memory_space<vmem>>
    %dma_wait3A_90 = tpu.memref_squeeze %dma_wait3A_89 : memref<1x128xi32, #tpu.memory_space<vmem>> -> memref<128xi32, #tpu.memory_space<vmem>>
    %dma_wait3A_91 = arith.constant 0 : i32
    %dma_wait3A_92 = arith.constant 0 : i32
    %dma_wait3A_93 = tpu.memref_slice %arg9[%dma_wait3A_91, %dma_wait3A_92] : memref<10112x64xf32, #tpu.memory_space<vmem_shared>> -> memref<10112x64xf32, #tpu.memory_space<vmem_shared>>
    tpu.wait_indirect_dma semaphore(%arg17 : memref<!tpu.dma_semaphore, #tpu.memory_space<semaphore_mem>>) src(%dma_wait3A_87 : memref<128x64xf32, #tpu.memory_space<vmem>>) dst(%dma_wait3A_93 : memref<10112x64xf32, #tpu.memory_space<vmem_shared>>)
    %dma_wait3A_94 = arith.constant 39 : i32
    %dma_wait3A_95 = arith.constant 384 : i32
    %dma_wait3A_96 = arith.constant 0 : i32
    %dma_wait3A_97 = tpu.memref_slice %arg8[%dma_wait3A_95, %dma_wait3A_96] : memref<512x64xf32, #tpu.memory_space<vmem>> -> memref<128x64xf32, #tpu.memory_space<vmem>>
    %dma_wait3A_98 = arith.constant 0 : i32
    %dma_wait3A_99 = tpu.memref_slice %arg7[%dma_wait3A_94, %dma_wait3A_98] : memref<40x128xi32, #tpu.memory_space<vmem>> -> memref<1x128xi32, #tpu.memory_space<vmem>>
    %dma_wait3A_100 = tpu.memref_squeeze %dma_wait3A_99 : memref<1x128xi32, #tpu.memory_space<vmem>> -> memref<128xi32, #tpu.memory_space<vmem>>
    %dma_wait3A_101 = arith.constant 0 : i32
    %dma_wait3A_102 = arith.constant 0 : i32
    %dma_wait3A_103 = tpu.memref_slice %arg9[%dma_wait3A_101, %dma_wait3A_102] : memref<10112x64xf32, #tpu.memory_space<vmem_shared>> -> memref<10112x64xf32, #tpu.memory_space<vmem_shared>>
    tpu.wait_indirect_dma semaphore(%arg18 : memref<!tpu.dma_semaphore, #tpu.memory_space<semaphore_mem>>) src(%dma_wait3A_97 : memref<128x64xf32, #tpu.memory_space<vmem>>) dst(%dma_wait3A_103 : memref<10112x64xf32, #tpu.memory_space<vmem_shared>>)
    %barrier3A_104 = arith.constant 0 : index
    tpu.barrier barrier_id(%barrier3A_104)
    "tpu.region"() ({
      %run_scoped3A = tpu.sem_alloc : memref<!tpu.dma_semaphore, #tpu.memory_space<semaphore_mem>>
      %dma_start3A_109 = arith.constant 0 : i32
      %dma_start3A_110 = arith.constant 0 : i32
      %dma_start3A_111 = tpu.memref_slice %arg8[%dma_start3A_109, %dma_start3A_110] : memref<512x64xf32, #tpu.memory_space<vmem>> -> memref<320x64xf32, #tpu.memory_space<vmem>>
      %dma_start3A_112 = arith.constant 0 : i32
      %dma_start3A_113 = tpu.memref_slice %arg9[%mul3A_2, %dma_start3A_112] : memref<10112x64xf32, #tpu.memory_space<vmem_shared>> -> memref<320x64xf32, #tpu.memory_space<vmem_shared>>
      %dma_start3A_114 = arith.constant 0 : i32
      %dma_start3A_115 = arith.constant 0 : i32
      %dma_start3A_116 = tpu.memref_slice %arg8[%dma_start3A_114, %dma_start3A_115] : memref<512x64xf32, #tpu.memory_space<vmem>> -> memref<320x64xf32, #tpu.memory_space<vmem>>
      %dma_start3A_117 = arith.constant 0 : i32
      %dma_start3A_118 = tpu.memref_slice %arg9[%mul3A_2, %dma_start3A_117] : memref<10112x64xf32, #tpu.memory_space<vmem_shared>> -> memref<320x64xf32, #tpu.memory_space<vmem_shared>>
      tpu.enqueue_dma source(%dma_start3A_118 : memref<320x64xf32, #tpu.memory_space<vmem_shared>>) target(%dma_start3A_116 : memref<320x64xf32, #tpu.memory_space<vmem>>) target_semaphore(%run_scoped3A : memref<!tpu.dma_semaphore, #tpu.memory_space<semaphore_mem>>)
      %dma_wait3A_119 = arith.constant 0 : i32
      %dma_wait3A_120 = arith.constant 0 : i32
      %dma_wait3A_121 = tpu.memref_slice %arg8[%dma_wait3A_119, %dma_wait3A_120] : memref<512x64xf32, #tpu.memory_space<vmem>> -> memref<320x64xf32, #tpu.memory_space<vmem>>
      %dma_wait3A_122 = arith.constant 0 : i32
      %dma_wait3A_123 = tpu.memref_slice %arg9[%mul3A_2, %dma_wait3A_122] : memref<10112x64xf32, #tpu.memory_space<vmem_shared>> -> memref<320x64xf32, #tpu.memory_space<vmem_shared>>
      %dma_wait3A_124 = arith.constant 0 : i32
      %dma_wait3A_125 = arith.constant 0 : i32
      %dma_wait3A_126 = tpu.memref_slice %arg8[%dma_wait3A_124, %dma_wait3A_125] : memref<512x64xf32, #tpu.memory_space<vmem>> -> memref<320x64xf32, #tpu.memory_space<vmem>>
      %dma_wait3A_127 = arith.constant 0 : i32
      %dma_wait3A_128 = tpu.memref_slice %arg9[%mul3A_2, %dma_wait3A_127] : memref<10112x64xf32, #tpu.memory_space<vmem_shared>> -> memref<320x64xf32, #tpu.memory_space<vmem_shared>>
      tpu.wait_dma2 semaphore(%run_scoped3A : memref<!tpu.dma_semaphore, #tpu.memory_space<semaphore_mem>>) src(%dma_wait3A_128 : memref<320x64xf32, #tpu.memory_space<vmem_shared>>) dst(%dma_wait3A_126 : memref<320x64xf32, #tpu.memory_space<vmem>>)
      tpu.yield
    }) : () -> ()
    "tpu.region"() ({
      %run_scoped3A = tpu.sem_alloc : memref<!tpu.dma_semaphore, #tpu.memory_space<semaphore_mem>>
      %dma_start3A_109 = arith.constant 0 : i32
      %dma_start3A_110 = arith.constant 0 : i32
      %dma_start3A_111 = tpu.memref_slice %arg8[%dma_start3A_109, %dma_start3A_110] : memref<512x64xf32, #tpu.memory_space<vmem>> -> memref<320x64xf32, #tpu.memory_space<vmem>>
      %dma_start3A_112 = arith.constant 0 : i32
      %dma_start3A_113 = tpu.memref_slice %arg5[%arg0, %mul3A_2, %dma_start3A_112] : memref<2x10112x64xf32, #tpu.memory_space<hbm>> -> memref<1x320x64xf32, #tpu.memory_space<hbm>>
      %dma_start3A_114 = tpu.memref_squeeze %dma_start3A_113 : memref<1x320x64xf32, #tpu.memory_space<hbm>> -> memref<320x64xf32, #tpu.memory_space<hbm>>
      %dma_start3A_115 = arith.constant 0 : i32
      %dma_start3A_116 = tpu.memref_slice %arg5[%arg0, %mul3A_2, %dma_start3A_115] : memref<2x10112x64xf32, #tpu.memory_space<hbm>> -> memref<1x320x64xf32, #tpu.memory_space<hbm>>
      %dma_start3A_117 = tpu.memref_squeeze %dma_start3A_116 : memref<1x320x64xf32, #tpu.memory_space<hbm>> -> memref<320x64xf32, #tpu.memory_space<hbm>>
      %dma_start3A_118 = arith.constant 0 : i32
      %dma_start3A_119 = arith.constant 0 : i32
      %dma_start3A_120 = tpu.memref_slice %arg8[%dma_start3A_118, %dma_start3A_119] : memref<512x64xf32, #tpu.memory_space<vmem>> -> memref<320x64xf32, #tpu.memory_space<vmem>>
      tpu.enqueue_dma source(%dma_start3A_120 : memref<320x64xf32, #tpu.memory_space<vmem>>) target(%dma_start3A_117 : memref<320x64xf32, #tpu.memory_space<hbm>>) target_semaphore(%run_scoped3A : memref<!tpu.dma_semaphore, #tpu.memory_space<semaphore_mem>>)
      %dma_wait3A_121 = arith.constant 0 : i32
      %dma_wait3A_122 = arith.constant 0 : i32
      %dma_wait3A_123 = tpu.memref_slice %arg8[%dma_wait3A_121, %dma_wait3A_122] : memref<512x64xf32, #tpu.memory_space<vmem>> -> memref<320x64xf32, #tpu.memory_space<vmem>>
      %dma_wait3A_124 = arith.constant 0 : i32
      %dma_wait3A_125 = tpu.memref_slice %arg5[%arg0, %mul3A_2, %dma_wait3A_124] : memref<2x10112x64xf32, #tpu.memory_space<hbm>> -> memref<1x320x64xf32, #tpu.memory_space<hbm>>
      %dma_wait3A_126 = tpu.memref_squeeze %dma_wait3A_125 : memref<1x320x64xf32, #tpu.memory_space<hbm>> -> memref<320x64xf32, #tpu.memory_space<hbm>>
      %dma_wait3A_127 = arith.constant 0 : i32
      %dma_wait3A_128 = tpu.memref_slice %arg5[%arg0, %mul3A_2, %dma_wait3A_127] : memref<2x10112x64xf32, #tpu.memory_space<hbm>> -> memref<1x320x64xf32, #tpu.memory_space<hbm>>
      %dma_wait3A_129 = tpu.memref_squeeze %dma_wait3A_128 : memref<1x320x64xf32, #tpu.memory_space<hbm>> -> memref<320x64xf32, #tpu.memory_space<hbm>>
      %dma_wait3A_130 = arith.constant 0 : i32
      %dma_wait3A_131 = arith.constant 0 : i32
      %dma_wait3A_132 = tpu.memref_slice %arg8[%dma_wait3A_130, %dma_wait3A_131] : memref<512x64xf32, #tpu.memory_space<vmem>> -> memref<320x64xf32, #tpu.memory_space<vmem>>
      tpu.wait_dma2 semaphore(%run_scoped3A : memref<!tpu.dma_semaphore, #tpu.memory_space<semaphore_mem>>) src(%dma_wait3A_132 : memref<320x64xf32, #tpu.memory_space<vmem>>) dst(%dma_wait3A_129 : memref<320x64xf32, #tpu.memory_space<hbm>>)
      tpu.yield
    }) : () -> ()
    %add3A_105 = arith.constant 320 : i32
    %add3A_106 = arith.addi %mul3A_2, %add3A_105 : i32
    "tpu.region"() ({
      %run_scoped3A = tpu.sem_alloc : memref<!tpu.dma_semaphore, #tpu.memory_space<semaphore_mem>>
      %dma_start3A_109 = arith.constant 0 : i32
      %dma_start3A_110 = arith.constant 0 : i32
      %dma_start3A_111 = tpu.memref_slice %arg8[%dma_start3A_109, %dma_start3A_110] : memref<512x64xf32, #tpu.memory_space<vmem>> -> memref<312x64xf32, #tpu.memory_space<vmem>>
      %dma_start3A_112 = arith.constant 0 : i32
      %dma_start3A_113 = tpu.memref_slice %arg9[%add3A_106, %dma_start3A_112] : memref<10112x64xf32, #tpu.memory_space<vmem_shared>> -> memref<312x64xf32, #tpu.memory_space<vmem_shared>>
      %dma_start3A_114 = arith.constant 0 : i32
      %dma_start3A_115 = arith.constant 0 : i32
      %dma_start3A_116 = tpu.memref_slice %arg8[%dma_start3A_114, %dma_start3A_115] : memref<512x64xf32, #tpu.memory_space<vmem>> -> memref<312x64xf32, #tpu.memory_space<vmem>>
      %dma_start3A_117 = arith.constant 0 : i32
      %dma_start3A_118 = tpu.memref_slice %arg9[%add3A_106, %dma_start3A_117] : memref<10112x64xf32, #tpu.memory_space<vmem_shared>> -> memref<312x64xf32, #tpu.memory_space<vmem_shared>>
      tpu.enqueue_dma source(%dma_start3A_118 : memref<312x64xf32, #tpu.memory_space<vmem_shared>>) target(%dma_start3A_116 : memref<312x64xf32, #tpu.memory_space<vmem>>) target_semaphore(%run_scoped3A : memref<!tpu.dma_semaphore, #tpu.memory_space<semaphore_mem>>)
      %dma_wait3A_119 = arith.constant 0 : i32
      %dma_wait3A_120 = arith.constant 0 : i32
      %dma_wait3A_121 = tpu.memref_slice %arg8[%dma_wait3A_119, %dma_wait3A_120] : memref<512x64xf32, #tpu.memory_space<vmem>> -> memref<312x64xf32, #tpu.memory_space<vmem>>
      %dma_wait3A_122 = arith.constant 0 : i32
      %dma_wait3A_123 = tpu.memref_slice %arg9[%add3A_106, %dma_wait3A_122] : memref<10112x64xf32, #tpu.memory_space<vmem_shared>> -> memref<312x64xf32, #tpu.memory_space<vmem_shared>>
      %dma_wait3A_124 = arith.constant 0 : i32
      %dma_wait3A_125 = arith.constant 0 : i32
      %dma_wait3A_126 = tpu.memref_slice %arg8[%dma_wait3A_124, %dma_wait3A_125] : memref<512x64xf32, #tpu.memory_space<vmem>> -> memref<312x64xf32, #tpu.memory_space<vmem>>
      %dma_wait3A_127 = arith.constant 0 : i32
      %dma_wait3A_128 = tpu.memref_slice %arg9[%add3A_106, %dma_wait3A_127] : memref<10112x64xf32, #tpu.memory_space<vmem_shared>> -> memref<312x64xf32, #tpu.memory_space<vmem_shared>>
      tpu.wait_dma2 semaphore(%run_scoped3A : memref<!tpu.dma_semaphore, #tpu.memory_space<semaphore_mem>>) src(%dma_wait3A_128 : memref<312x64xf32, #tpu.memory_space<vmem_shared>>) dst(%dma_wait3A_126 : memref<312x64xf32, #tpu.memory_space<vmem>>)
      tpu.yield
    }) : () -> ()
    %add3A_107 = arith.constant 320 : i32
    %add3A_108 = arith.addi %mul3A_2, %add3A_107 : i32
    "tpu.region"() ({
      %run_scoped3A = tpu.sem_alloc : memref<!tpu.dma_semaphore, #tpu.memory_space<semaphore_mem>>
      %dma_start3A_109 = arith.constant 0 : i32
      %dma_start3A_110 = arith.constant 0 : i32
      %dma_start3A_111 = tpu.memref_slice %arg8[%dma_start3A_109, %dma_start3A_110] : memref<512x64xf32, #tpu.memory_space<vmem>> -> memref<312x64xf32, #tpu.memory_space<vmem>>
      %dma_start3A_112 = arith.constant 0 : i32
      %dma_start3A_113 = tpu.memref_slice %arg5[%arg0, %add3A_108, %dma_start3A_112] : memref<2x10112x64xf32, #tpu.memory_space<hbm>> -> memref<1x312x64xf32, #tpu.memory_space<hbm>>
      %dma_start3A_114 = tpu.memref_squeeze %dma_start3A_113 : memref<1x312x64xf32, #tpu.memory_space<hbm>> -> memref<312x64xf32, #tpu.memory_space<hbm>>
      %dma_start3A_115 = arith.constant 0 : i32
      %dma_start3A_116 = tpu.memref_slice %arg5[%arg0, %add3A_108, %dma_start3A_115] : memref<2x10112x64xf32, #tpu.memory_space<hbm>> -> memref<1x312x64xf32, #tpu.memory_space<hbm>>
      %dma_start3A_117 = tpu.memref_squeeze %dma_start3A_116 : memref<1x312x64xf32, #tpu.memory_space<hbm>> -> memref<312x64xf32, #tpu.memory_space<hbm>>
      %dma_start3A_118 = arith.constant 0 : i32
      %dma_start3A_119 = arith.constant 0 : i32
      %dma_start3A_120 = tpu.memref_slice %arg8[%dma_start3A_118, %dma_start3A_119] : memref<512x64xf32, #tpu.memory_space<vmem>> -> memref<312x64xf32, #tpu.memory_space<vmem>>
      tpu.enqueue_dma source(%dma_start3A_120 : memref<312x64xf32, #tpu.memory_space<vmem>>) target(%dma_start3A_117 : memref<312x64xf32, #tpu.memory_space<hbm>>) target_semaphore(%run_scoped3A : memref<!tpu.dma_semaphore, #tpu.memory_space<semaphore_mem>>)
      %dma_wait3A_121 = arith.constant 0 : i32
      %dma_wait3A_122 = arith.constant 0 : i32
      %dma_wait3A_123 = tpu.memref_slice %arg8[%dma_wait3A_121, %dma_wait3A_122] : memref<512x64xf32, #tpu.memory_space<vmem>> -> memref<312x64xf32, #tpu.memory_space<vmem>>
      %dma_wait3A_124 = arith.constant 0 : i32
      %dma_wait3A_125 = tpu.memref_slice %arg5[%arg0, %add3A_108, %dma_wait3A_124] : memref<2x10112x64xf32, #tpu.memory_space<hbm>> -> memref<1x312x64xf32, #tpu.memory_space<hbm>>
      %dma_wait3A_126 = tpu.memref_squeeze %dma_wait3A_125 : memref<1x312x64xf32, #tpu.memory_space<hbm>> -> memref<312x64xf32, #tpu.memory_space<hbm>>
      %dma_wait3A_127 = arith.constant 0 : i32
      %dma_wait3A_128 = tpu.memref_slice %arg5[%arg0, %add3A_108, %dma_wait3A_127] : memref<2x10112x64xf32, #tpu.memory_space<hbm>> -> memref<1x312x64xf32, #tpu.memory_space<hbm>>
      %dma_wait3A_129 = tpu.memref_squeeze %dma_wait3A_128 : memref<1x312x64xf32, #tpu.memory_space<hbm>> -> memref<312x64xf32, #tpu.memory_space<hbm>>
      %dma_wait3A_130 = arith.constant 0 : i32
      %dma_wait3A_131 = arith.constant 0 : i32
      %dma_wait3A_132 = tpu.memref_slice %arg8[%dma_wait3A_130, %dma_wait3A_131] : memref<512x64xf32, #tpu.memory_space<vmem>> -> memref<312x64xf32, #tpu.memory_space<vmem>>
      tpu.wait_dma2 semaphore(%run_scoped3A : memref<!tpu.dma_semaphore, #tpu.memory_space<semaphore_mem>>) src(%dma_wait3A_132 : memref<312x64xf32, #tpu.memory_space<vmem>>) dst(%dma_wait3A_129 : memref<312x64xf32, #tpu.memory_space<hbm>>)
      tpu.yield
    }) : () -> ()
    return
  }
}

module attributes {stable_mosaic.version = 14 : i64} {
  func.func @_tc_xw_body(%arg0: memref<5056x256xf32, #tpu.memory_space<vmem>>, %arg1: memref<256x128xf32, #tpu.memory_space<vmem>>, %arg2: memref<5056x128xf32, #tpu.memory_space<vmem>>) attributes {dimension_semantics = [], scalar_prefetch = 0 : i64, scratch_operands = 0 : i64, tpu.core_type = #tpu.core_type<tc>} {
    %get3A = arith.constant 0 : index
    %get3A_0 = arith.constant 0 : index
    %get3A_1 = vector.load %arg0[%get3A, %get3A_0] : memref<5056x256xf32, #tpu.memory_space<vmem>>, vector<5056x256xf32>
    %get3A_2 = arith.constant 0 : index
    %get3A_3 = arith.constant 0 : index
    %get3A_4 = vector.load %arg1[%get3A_2, %get3A_3] : memref<256x128xf32, #tpu.memory_space<vmem>>, vector<256x128xf32>
    %dot_general3A = arith.constant dense<0.000000e+00> : vector<5056x128xf32>
    %dot_general3A_5 = tpu.matmul %get3A_1, %get3A_4, %dot_general3A {dimension_numbers = #tpu.dot_dimension_numbers<[1], [0], [0], [1], [0, 0, 1, 1], [], []>, transpose_lhs_hint = false} : vector<5056x256xf32>, vector<256x128xf32>, vector<5056x128xf32> -> vector<5056x128xf32>
    %swap3A = arith.constant 0 : index
    %swap3A_6 = arith.constant 0 : index
    %swap3A_7 = vector.load %arg2[%swap3A, %swap3A_6] : memref<5056x128xf32, #tpu.memory_space<vmem>>, vector<5056x128xf32>
    tpu.vector_store %arg2[%swap3A, %swap3A_6], %dot_general3A_5 {strides = array<i32>} : memref<5056x128xf32, #tpu.memory_space<vmem>>, vector<5056x128xf32>,
    return
  }
}

module attributes {stable_mosaic.version = 14 : i64} {
  func.func @_tc_scale_body(%arg0: memref<2x5056x16xf32, #tpu.memory_space<vmem>>, %arg1: memref<5056x128xf32, #tpu.memory_space<vmem>>, %arg2: memref<5056x128xf32, #tpu.memory_space<vmem>>, %arg3: memref<5056x128xf32, #tpu.memory_space<vmem>>) attributes {dimension_semantics = [], scalar_prefetch = 0 : i64, scratch_operands = 0 : i64, tpu.core_type = #tpu.core_type<tc>} {
    %get3A = arith.constant 0 : index
    %get3A_0 = arith.constant 0 : index
    %get3A_1 = arith.constant 0 : index
    %get3A_2 = vector.load %arg0[%get3A, %get3A_0, %get3A_1] : memref<2x5056x16xf32, #tpu.memory_space<vmem>>, vector<1x5056x1xf32>
    %get3A_3 = vector.shape_cast %get3A_2 : vector<1x5056x1xf32> to vector<5056x1xf32>
    %get3A_4 = arith.constant 1 : index
    %get3A_5 = arith.constant 0 : index
    %get3A_6 = arith.constant 0 : index
    %get3A_7 = vector.load %arg0[%get3A_4, %get3A_5, %get3A_6] : memref<2x5056x16xf32, #tpu.memory_space<vmem>>, vector<1x5056x1xf32>
    %get3A_8 = vector.shape_cast %get3A_7 : vector<1x5056x1xf32> to vector<5056x1xf32>
    %add3A = arith.addf %get3A_3, %get3A_8 : vector<5056x1xf32>
    %add3A_9 = arith.constant 1.000000e+00 : f32
    %add3A_10 = vector.broadcast %add3A_9 : f32 to vector<5056x1xf32>
    %add3A_11 = arith.addf %add3A, %add3A_10 : vector<5056x1xf32>
    %get3A_12 = arith.constant 0 : index
    %get3A_13 = arith.constant 0 : index
    %get3A_14 = arith.constant 8 : index
    %get3A_15 = vector.load %arg0[%get3A_12, %get3A_13, %get3A_14] : memref<2x5056x16xf32, #tpu.memory_space<vmem>>, vector<1x5056x1xf32>
    %get3A_16 = vector.shape_cast %get3A_15 : vector<1x5056x1xf32> to vector<5056x1xf32>
    %get3A_17 = arith.constant 1 : index
    %get3A_18 = arith.constant 0 : index
    %get3A_19 = arith.constant 8 : index
    %get3A_20 = vector.load %arg0[%get3A_17, %get3A_18, %get3A_19] : memref<2x5056x16xf32, #tpu.memory_space<vmem>>, vector<1x5056x1xf32>
    %get3A_21 = vector.shape_cast %get3A_20 : vector<1x5056x1xf32> to vector<5056x1xf32>
    %add3A_22 = arith.addf %get3A_16, %get3A_21 : vector<5056x1xf32>
    %add3A_23 = arith.constant 1.000000e+00 : f32
    %add3A_24 = vector.broadcast %add3A_23 : f32 to vector<5056x1xf32>
    %add3A_25 = arith.addf %add3A_22, %add3A_24 : vector<5056x1xf32>
    %rsqrt3A = math.rsqrt %add3A_11 : vector<5056x1xf32>
    %broadcast_in_dim3A = vector.shape_cast %rsqrt3A : vector<5056x1xf32> to vector<5056x1xf32>
    %broadcast_in_dim3A_26 = vector.broadcast %broadcast_in_dim3A : vector<5056x1xf32> to vector<5056x64xf32>
    %rsqrt3A_27 = math.rsqrt %add3A_25 : vector<5056x1xf32>
    %broadcast_in_dim3A_28 = vector.shape_cast %rsqrt3A_27 : vector<5056x1xf32> to vector<5056x1xf32>
    %broadcast_in_dim3A_29 = vector.broadcast %broadcast_in_dim3A_28 : vector<5056x1xf32> to vector<5056x64xf32>
    %concatenate3A = tpu.concatenate %broadcast_in_dim3A_26, %broadcast_in_dim3A_29 in 1 : vector<5056x64xf32>, vector<5056x64xf32> -> vector<5056x128xf32>
    %get3A_30 = arith.constant 0 : index
    %get3A_31 = arith.constant 0 : index
    %get3A_32 = vector.load %arg1[%get3A_30, %get3A_31] : memref<5056x128xf32, #tpu.memory_space<vmem>>, vector<5056x128xf32>
    %mul3A = arith.mulf %get3A_32, %concatenate3A : vector<5056x128xf32>
    %swap3A = arith.constant 0 : index
    %swap3A_33 = arith.constant 0 : index
    %swap3A_34 = vector.load %arg2[%swap3A, %swap3A_33] : memref<5056x128xf32, #tpu.memory_space<vmem>>, vector<5056x128xf32>
    tpu.vector_store %arg2[%swap3A, %swap3A_33], %mul3A {strides = array<i32>} : memref<5056x128xf32, #tpu.memory_space<vmem>>, vector<5056x128xf32>,
    %swap3A_35 = arith.constant 0 : index
    %swap3A_36 = arith.constant 0 : index
    %swap3A_37 = vector.load %arg3[%swap3A_35, %swap3A_36] : memref<5056x128xf32, #tpu.memory_space<vmem>>, vector<5056x128xf32>
    tpu.vector_store %arg3[%swap3A_35, %swap3A_36], %concatenate3A {strides = array<i32>} : memref<5056x128xf32, #tpu.memory_space<vmem>>, vector<5056x128xf32>,
    return
  }
}

module attributes {stable_mosaic.version = 14 : i64} {
  func.func @_tc_mid_body(%arg0: memref<2x5056x128xf32, #tpu.memory_space<vmem>>, %arg1: memref<5056x128xf32, #tpu.memory_space<vmem>>, %arg2: memref<5056x128xf32, #tpu.memory_space<vmem>>, %arg3: memref<1x128xf32, #tpu.memory_space<vmem>>, %arg4: memref<128x128xf32, #tpu.memory_space<vmem>>, %arg5: memref<5056x128xf32, #tpu.memory_space<vmem>>) attributes {dimension_semantics = [], scalar_prefetch = 0 : i64, scratch_operands = 0 : i64, tpu.core_type = #tpu.core_type<tc>} {
    %get3A = arith.constant 0 : index
    %get3A_0 = arith.constant 0 : index
    %get3A_1 = vector.load %arg2[%get3A, %get3A_0] : memref<5056x128xf32, #tpu.memory_space<vmem>>, vector<5056x128xf32>
    %get3A_2 = arith.constant 0 : index
    %get3A_3 = arith.constant 0 : index
    %get3A_4 = arith.constant 0 : index
    %get3A_5 = vector.load %arg0[%get3A_2, %get3A_3, %get3A_4] : memref<2x5056x128xf32, #tpu.memory_space<vmem>>, vector<1x5056x128xf32>
    %get3A_6 = vector.shape_cast %get3A_5 : vector<1x5056x128xf32> to vector<5056x128xf32>
    %get3A_7 = arith.constant 1 : index
    %get3A_8 = arith.constant 0 : index
    %get3A_9 = arith.constant 0 : index
    %get3A_10 = vector.load %arg0[%get3A_7, %get3A_8, %get3A_9] : memref<2x5056x128xf32, #tpu.memory_space<vmem>>, vector<1x5056x128xf32>
    %get3A_11 = vector.shape_cast %get3A_10 : vector<1x5056x128xf32> to vector<5056x128xf32>
    %add3A = arith.addf %get3A_6, %get3A_11 : vector<5056x128xf32>
    %get3A_12 = arith.constant 0 : index
    %get3A_13 = arith.constant 0 : index
    %get3A_14 = vector.load %arg1[%get3A_12, %get3A_13] : memref<5056x128xf32, #tpu.memory_space<vmem>>, vector<5056x128xf32>
    %add3A_15 = arith.addf %add3A, %get3A_14 : vector<5056x128xf32>
    %mul3A = arith.mulf %add3A_15, %get3A_1 : vector<5056x128xf32>
    %get3A_16 = arith.constant 0 : index
    %get3A_17 = arith.constant 0 : index
    %get3A_18 = vector.load %arg3[%get3A_16, %get3A_17] : memref<1x128xf32, #tpu.memory_space<vmem>>, vector<1x128xf32>
    %add3A_19 = vector.broadcast %get3A_18 : vector<1x128xf32> to vector<5056x128xf32>
    %add3A_20 = arith.addf %mul3A, %add3A_19 : vector<5056x128xf32>
    %max3A = arith.constant 0.000000e+00 : f32
    %max3A_21 = vector.broadcast %max3A : f32 to vector<5056x128xf32>
    %max3A_22 = arith.maximumf %add3A_20, %max3A_21 : vector<5056x128xf32>
    %get3A_23 = arith.constant 0 : index
    %get3A_24 = arith.constant 0 : index
    %get3A_25 = vector.load %arg4[%get3A_23, %get3A_24] : memref<128x128xf32, #tpu.memory_space<vmem>>, vector<128x128xf32>
    %dot_general3A = arith.constant dense<0.000000e+00> : vector<5056x128xf32>
    %dot_general3A_26 = tpu.matmul %max3A_22, %get3A_25, %dot_general3A {dimension_numbers = #tpu.dot_dimension_numbers<[1], [0], [0], [1], [0, 0, 1, 1], [], []>, transpose_lhs_hint = false} : vector<5056x128xf32>, vector<128x128xf32>, vector<5056x128xf32> -> vector<5056x128xf32>
    %mul3A_27 = arith.mulf %dot_general3A_26, %get3A_1 : vector<5056x128xf32>
    %swap3A = arith.constant 0 : index
    %swap3A_28 = arith.constant 0 : index
    %swap3A_29 = vector.load %arg5[%swap3A, %swap3A_28] : memref<5056x128xf32, #tpu.memory_space<vmem>>, vector<5056x128xf32>
    tpu.vector_store %arg5[%swap3A, %swap3A_28], %mul3A_27 {strides = array<i32>} : memref<5056x128xf32, #tpu.memory_space<vmem>>, vector<5056x128xf32>,
    return
  }
}

module attributes {stable_mosaic.version = 14 : i64} {
  func.func @_tc_final_body(%arg0: memref<2x5056x128xf32, #tpu.memory_space<vmem>>, %arg1: memref<5056x128xf32, #tpu.memory_space<vmem>>, %arg2: memref<5056x128xf32, #tpu.memory_space<vmem>>, %arg3: memref<1x128xf32, #tpu.memory_space<vmem>>, %arg4: memref<5056x2xi32, #tpu.memory_space<vmem>>, %arg5: memref<64x2xf32, #tpu.memory_space<vmem>>, %arg6: memref<1x2xf32, #tpu.memory_space<vmem>>, %arg7: memref<128x2xf32, #tpu.memory_space<vmem>>) attributes {dimension_semantics = [], scalar_prefetch = 0 : i64, scratch_operands = 0 : i64, tpu.core_type = #tpu.core_type<tc>} {
    %get3A = arith.constant 0 : index
    %get3A_0 = arith.constant 0 : index
    %get3A_1 = vector.load %arg2[%get3A, %get3A_0] : memref<5056x128xf32, #tpu.memory_space<vmem>>, vector<5056x128xf32>
    %get3A_2 = arith.constant 0 : index
    %get3A_3 = arith.constant 0 : index
    %get3A_4 = arith.constant 0 : index
    %get3A_5 = vector.load %arg0[%get3A_2, %get3A_3, %get3A_4] : memref<2x5056x128xf32, #tpu.memory_space<vmem>>, vector<1x5056x128xf32>
    %get3A_6 = vector.shape_cast %get3A_5 : vector<1x5056x128xf32> to vector<5056x128xf32>
    %get3A_7 = arith.constant 1 : index
    %get3A_8 = arith.constant 0 : index
    %get3A_9 = arith.constant 0 : index
    %get3A_10 = vector.load %arg0[%get3A_7, %get3A_8, %get3A_9] : memref<2x5056x128xf32, #tpu.memory_space<vmem>>, vector<1x5056x128xf32>
    %get3A_11 = vector.shape_cast %get3A_10 : vector<1x5056x128xf32> to vector<5056x128xf32>
    %add3A = arith.addf %get3A_6, %get3A_11 : vector<5056x128xf32>
    %get3A_12 = arith.constant 0 : index
    %get3A_13 = arith.constant 0 : index
    %get3A_14 = vector.load %arg1[%get3A_12, %get3A_13] : memref<5056x128xf32, #tpu.memory_space<vmem>>, vector<5056x128xf32>
    %add3A_15 = arith.addf %add3A, %get3A_14 : vector<5056x128xf32>
    %mul3A = arith.mulf %add3A_15, %get3A_1 : vector<5056x128xf32>
    %get3A_16 = arith.constant 0 : index
    %get3A_17 = arith.constant 0 : index
    %get3A_18 = vector.load %arg3[%get3A_16, %get3A_17] : memref<1x128xf32, #tpu.memory_space<vmem>>, vector<1x128xf32>
    %add3A_19 = vector.broadcast %get3A_18 : vector<1x128xf32> to vector<5056x128xf32>
    %add3A_20 = arith.addf %mul3A, %add3A_19 : vector<5056x128xf32>
    %max3A = arith.constant 0.000000e+00 : f32
    %max3A_21 = vector.broadcast %max3A : f32 to vector<5056x128xf32>
    %max3A_22 = arith.maximumf %add3A_20, %max3A_21 : vector<5056x128xf32>
    %iota3A = tpu.iota {dimensions = array<i32: 1>} : vector<5056x128xi32>
    %get3A_23 = arith.constant 0 : index
    %get3A_24 = arith.constant 0 : index
    %get3A_25 = vector.load %arg4[%get3A_23, %get3A_24] : memref<5056x2xi32, #tpu.memory_space<vmem>>, vector<5056x1xi32>
    %eq3A = vector.broadcast %get3A_25 : vector<5056x1xi32> to vector<5056x128xi32>
    %eq3A_26 = arith.cmpi eq, %eq3A, %iota3A : vector<5056x128xi32>
    %convert_element_type3A = arith.extui %eq3A_26 : vector<5056x128xi1> to vector<5056x128xi32>
    %convert_element_type3A_27 = arith.sitofp %convert_element_type3A : vector<5056x128xi32> to vector<5056x128xf32>
    %get3A_28 = arith.constant 0 : index
    %get3A_29 = arith.constant 1 : index
    %get3A_30 = vector.load %arg4[%get3A_28, %get3A_29] : memref<5056x2xi32, #tpu.memory_space<vmem>>, vector<5056x1xi32>
    %eq3A_31 = vector.broadcast %get3A_30 : vector<5056x1xi32> to vector<5056x128xi32>
    %eq3A_32 = arith.cmpi eq, %eq3A_31, %iota3A : vector<5056x128xi32>
    %convert_element_type3A_33 = arith.extui %eq3A_32 : vector<5056x128xi1> to vector<5056x128xi32>
    %convert_element_type3A_34 = arith.sitofp %convert_element_type3A_33 : vector<5056x128xi32> to vector<5056x128xf32>
    %slice3A = vector.extract_strided_slice %max3A_22 {offsets = [0, 0], sizes = [5056, 64], strides = [1, 1]} : vector<5056x128xf32> to vector<5056x64xf32>
    %dot_general3A = arith.constant dense<0.000000e+00> : vector<128x64xf32>
    %dot_general3A_35 = tpu.matmul %convert_element_type3A_27, %slice3A, %dot_general3A {dimension_numbers = #tpu.dot_dimension_numbers<[0], [0], [1], [1], [0, 1, 1, 1], [], []>, transpose_lhs_hint = false} : vector<5056x128xf32>, vector<5056x64xf32>, vector<128x64xf32> -> vector<128x64xf32>
    %slice3A_36 = vector.extract_strided_slice %max3A_22 {offsets = [0, 64], sizes = [5056, 64], strides = [1, 1]} : vector<5056x128xf32> to vector<5056x64xf32>
    %dot_general3A_37 = arith.constant dense<0.000000e+00> : vector<128x64xf32>
    %dot_general3A_38 = tpu.matmul %convert_element_type3A_34, %slice3A_36, %dot_general3A_37 {dimension_numbers = #tpu.dot_dimension_numbers<[0], [0], [1], [1], [0, 1, 1, 1], [], []>, transpose_lhs_hint = false} : vector<5056x128xf32>, vector<5056x64xf32>, vector<128x64xf32> -> vector<128x64xf32>
    %add3A_39 = arith.addf %dot_general3A_35, %dot_general3A_38 : vector<128x64xf32>
    %broadcast_in_dim3A = arith.constant 1.000000e+00 : f32
    %broadcast_in_dim3A_40 = vector.broadcast %broadcast_in_dim3A : f32 to vector<5056x1xf32>
    %dot_general3A_41 = arith.constant dense<0.000000e+00> : vector<128x1xf32>
    %dot_general3A_42 = tpu.matmul %convert_element_type3A_27, %broadcast_in_dim3A_40, %dot_general3A_41 {dimension_numbers = #tpu.dot_dimension_numbers<[0], [0], [1], [1], [0, 1, 1, 1], [], []>, transpose_lhs_hint = false} : vector<5056x128xf32>, vector<5056x1xf32>, vector<128x1xf32> -> vector<128x1xf32>
    %dot_general3A_43 = arith.constant dense<0.000000e+00> : vector<128x1xf32>
    %dot_general3A_44 = tpu.matmul %convert_element_type3A_34, %broadcast_in_dim3A_40, %dot_general3A_43 {dimension_numbers = #tpu.dot_dimension_numbers<[0], [0], [1], [1], [0, 1, 1, 1], [], []>, transpose_lhs_hint = false} : vector<5056x128xf32>, vector<5056x1xf32>, vector<128x1xf32> -> vector<128x1xf32>
    %add3A_45 = arith.addf %dot_general3A_42, %dot_general3A_44 : vector<128x1xf32>
    %max3A_46 = arith.constant 1.000000e+00 : f32
    %max3A_47 = vector.broadcast %max3A_46 : f32 to vector<128x1xf32>
    %max3A_48 = arith.maximumf %add3A_45, %max3A_47 : vector<128x1xf32>
    %div3A = vector.broadcast %max3A_48 : vector<128x1xf32> to vector<128x64xf32>
    %div3A_49 = arith.divf %add3A_39, %div3A : vector<128x64xf32>
    %get3A_50 = arith.constant 0 : index
    %get3A_51 = arith.constant 0 : index
    %get3A_52 = vector.load %arg5[%get3A_50, %get3A_51] : memref<64x2xf32, #tpu.memory_space<vmem>>, vector<64x2xf32>
    %dot_general3A_53 = arith.constant dense<0.000000e+00> : vector<128x2xf32>
    %dot_general3A_54 = tpu.matmul %div3A_49, %get3A_52, %dot_general3A_53 {dimension_numbers = #tpu.dot_dimension_numbers<[1], [0], [0], [1], [0, 0, 1, 1], [], []>, transpose_lhs_hint = false} : vector<128x64xf32>, vector<64x2xf32>, vector<128x2xf32> -> vector<128x2xf32>
    %get3A_55 = arith.constant 0 : index
    %get3A_56 = arith.constant 0 : index
    %get3A_57 = vector.load %arg6[%get3A_55, %get3A_56] : memref<1x2xf32, #tpu.memory_space<vmem>>, vector<1x2xf32>
    %add3A_58 = vector.broadcast %get3A_57 : vector<1x2xf32> to vector<128x2xf32>
    %add3A_59 = arith.addf %dot_general3A_54, %add3A_58 : vector<128x2xf32>
    %swap3A = arith.constant 0 : index
    %swap3A_60 = arith.constant 0 : index
    %swap3A_61 = vector.load %arg7[%swap3A, %swap3A_60] : memref<128x2xf32, #tpu.memory_space<vmem>>, vector<128x2xf32>
    tpu.vector_store %arg7[%swap3A, %swap3A_60], %add3A_59 {strides = array<i32>} : memref<128x2xf32, #tpu.memory_space<vmem>>, vector<128x2xf32>,
    return
  }
}

</mosaic_0001>

<sc_bundles>
// kernel: kernel.11.cloned.1.call-start
scs
__scs_entry_jumppad:
0x0: {  	(pc) =	sbr.rel $0x88, $3  }
0x1: {  	(tag) =	ssettag $0x0;
	lr =	simm.s32 $0x1  }
0x2: {  	[smem:$0x3F96] =	sst lr;
	_ =	strace $0xD0000000  }
0x3: {  	_ = 	snop  }
0x4: {  	_ = 	snop  }
0x5: {  	_ = 	snop  }
0x6: {  	_ = 	snop  }
0x7: {  	_ = 	snop  }
__scs_overlays_trampoline_lowered:
0x8: {  	[smem:$0x3FA5] =	sst s0  }
0x9: {  	[smem:$0x3FA6] =	sst s1  }
0xa: {  	[smem:$0x3FA7] =	sst s2  }
0xb: {  	[smem:$0x3FA8] =	sst s3  }
0xc: {  	[smem:$0x3FA9] =	sst s4  }
0xd: {  	[smem:$0x3FAA] =	sst s5  }
0xe: {  	[smem:$0x3FAB] =	sst s6  }
0xf: {  	[smem:$0x3FAC] =	sst s7  }
0x10: {  	[smem:$0x3FAD] =	sst s8  }
0x11: {  	[smem:$0x3FAE] =	sst s9;
	s0 =	simm.s32 @!p0 $0x0  }
0x12: {  	s1 =	sld [smem:$0x3F94];
	s0 =	simm.s32 @p0 $0x1  }
0x13: {  	[smem:$0x3FAF] =	sst s0;
	s0 =	simm.s32 @!p1 $0x0  }
0x14: {  	s2 =	sld [smem:$0x3F93];
	s0 =	simm.s32 @p1 $0x1  }
0x15: {  	[smem:$0x3FB0] =	sst s0;
	s0 =	simm.s32 @!p2 $0x0  }
0x16: {  	s3 =	sld [smem:$0x3FDB];
	s0 =	simm.s32 @p2 $0x1  }
0x17: {  	s4 =	simm.s32 $0x1BF5;
	[smem:$0x3FB2] =	sst s0  }
0x18: {  	s0 =	sld [smem:$0x3F95];
	_ =	swait.ge [sflag:s4], $0x0  }
0x19: {  	s7 =	sld [smem:$0x3F96]  }
0x1a: {  	s8 =	sadd.s32 $0xFFFFE003, lr  }
0x1b: {  	s9 =	sadd.s32 $0xFFFFFEF7, lr;
	s5 =	simm.s32 $0xFFFFFFFF;
	p2 =	slt.u32 s8, $0xFFFFF086  }
0x1c: {  	p1 =	slt.u32 s9, $0xF7A;
	s5 =	simm.s32 @!p2 $0x0  }
0x1d: {  	s5 =	simm.s32 @p1 $0x1;
	p0 =	seq.s32 s7, s2  }
0x1e: {  	s7 =	smul.u32 @!p0 $0xF7A, s2;
	p2 =	seq.s32 @!p0 s5, $0x0  }
0x1f: {  	s9 =	smul.u32 $0xF7A, s1;
	s8 =	simm.s32 @!p0 $0x1BF5;
	p2 =	por !p2, p0  }
0x20: {  	[sflag:s8] =	ssyncset.s32 @!p0 $0xFFFFF086;
	s6 =	sadd.s32 @!p0 s3, s7;
	s7 =	simm.s32 @!p0 $0x108  }
0x21: {  	s3 =	sadd.s32 s3, s9;
	s6 =	sadd.s32 @!p0 $0x88, s6;
	s7 =	simm.s32 @p2 $0x1082  }
0x22: {  	[simem:s7], [sflag:s8] =	dma.local @!p0 [hbm:s6], $0xF7A  }
0x23: {  	s9 =	sor.u32 $0xD0000000, s2;
	s6 =	simm.s32 $0x108;
	_ =	swait.ge @!p0 [sflag:s8], $0x0  }
0x24: {  	s3 =	sadd.s32 $0x88, s3;
	s6 =	simm.s32 @!p1 $0x1082;
	[sflag:s4] =	ssyncset.s32 $0xFFFFF086  }
0x25: {  	[simem:s6], [sflag:s4] =	dma.local [hbm:s3], $0xF7A  }
0x26: {  	[smem:$0x3F96] =	sst s1;
	(tag) =	ssettag s2;
	_ =	strace s9  }
0x27: {  	s1 =	sld [smem:$0x3FA6]  }
0x28: {  	s2 =	sld [smem:$0x3FA7]  }
0x29: {  	s4 =	sld [smem:$0x3FA9]  }
0x2a: {  	p0 =	seq.s32 s5, $0x0;
	s5 =	sld [smem:$0x3FAA]  }
0x2b: {  	s6 =	sld [smem:$0x3FAB]  }
0x2c: {  	s7 =	sld [smem:$0x3FAC]  }
0x2d: {  	s3 =	simm.s32 $0x108;
	s8 =	sld [smem:$0x3FAD]  }
0x2e: {  	s3 =	simm.s32 @!p0 $0x1082;
	s9 =	sld [smem:$0x3FAE]  }
0x2f: {  	lr =	sadd.s32 s0, s3;
	s0 =	sld [smem:$0x3FA5]  }
0x30: {  	s3 =	sld [smem:$0x3FA8]  }
0x31: {  	[smem:$0x3FB1] =	sst s10  }
0x32: {  	s10 =	sld [smem:$0x3FAF];
	_ =	sdelay $0x3  }
0x33: {  	p0 =	seq.s32 s10, $0x1;
	s10 =	sld [smem:$0x3FB1];
	_ =	sdelay $0x3  }
0x34: {  	[smem:$0x3FB1] =	sst s10  }
0x35: {  	s10 =	sld [smem:$0x3FB0];
	_ =	sdelay $0x3  }
0x36: {  	p1 =	seq.s32 s10, $0x1;
	s10 =	sld [smem:$0x3FB1];
	_ =	sdelay $0x3  }
0x37: {  	[smem:$0x3FB1] =	sst s10  }
0x38: {  	s10 =	sld [smem:$0x3FB2]  }
0x39: {  	_ = 	snop;
	(pc) =	sbr.ind lr, $3  }
0x3a: {  	_ = 	snop  }
0x3b: {  	_ = 	snop  }
0x3c: {  	p2 =	seq.s32 s10, $0x1;
	s10 =	sld [smem:$0x3FB1]  }
0x3d: {  	_ =	shalt  }
0x3e: {  	_ =	shalt  }
0x3f: {  	_ =	shalt  }
0x40: {  	_ =	shalt  }
0x41: {  	_ =	shalt  }
0x42: {  	_ =	shalt  }
0x43: {  	_ =	shalt  }
0x44: {  	_ =	shalt  }
0x45: {  	_ =	shalt  }
0x46: {  	_ =	shalt  }
0x47: {  	_ =	shalt  }
0x48: {  	_ =	shalt  }
0x49: {  	_ =	shalt  }
0x4a: {  	_ =	shalt  }
0x4b: {  	_ =	shalt  }
0x4c: {  	_ =	shalt  }
0x4d: {  	_ =	shalt  }
0x4e: {  	_ =	shalt  }
0x4f: {  	_ =	shalt  }
0x50: {  	_ =	shalt  }
0x51: {  	_ =	shalt  }
0x52: {  	_ =	shalt  }
0x53: {  	_ =	shalt  }
0x54: {  	_ =	shalt  }
0x55: {  	_ =	shalt  }
0x56: {  	_ =	shalt  }
0x57: {  	_ =	shalt  }
0x58: {  	_ =	shalt  }
0x59: {  	_ =	shalt  }
0x5a: {  	_ =	shalt  }
0x5b: {  	_ =	shalt  }
0x5c: {  	_ =	shalt  }
0x5d: {  	_ =	shalt  }
0x5e: {  	_ =	shalt  }
0x5f: {  	_ =	shalt  }
0x60: {  	_ =	shalt  }
0x61: {  	_ =	shalt  }
0x62: {  	_ =	shalt  }
0x63: {  	_ =	shalt  }
0x64: {  	_ =	shalt  }
0x65: {  	_ =	shalt  }
0x66: {  	_ =	shalt  }
0x67: {  	_ =	shalt  }
0x68: {  	_ =	shalt  }
0x69: {  	_ =	shalt  }
0x6a: {  	_ =	shalt  }
0x6b: {  	_ =	shalt  }
0x6c: {  	_ =	shalt  }
0x6d: {  	_ =	shalt  }
0x6e: {  	_ =	shalt  }
0x6f: {  	_ =	shalt  }
0x70: {  	_ =	shalt  }
0x71: {  	_ =	shalt  }
0x72: {  	_ =	shalt  }
0x73: {  	_ =	shalt  }
0x74: {  	_ =	shalt  }
0x75: {  	_ =	shalt  }
0x76: {  	_ =	shalt  }
0x77: {  	_ =	shalt  }
0x78: {  	_ =	shalt  }
0x79: {  	_ =	shalt  }
0x7a: {  	_ =	shalt  }
0x7b: {  	_ =	shalt  }
0x7c: {  	_ =	shalt  }
0x7d: {  	_ =	shalt  }
0x7e: {  	_ =	shalt  }
0x7f: {  	_ =	shalt  }
0x80: {  	_ =	shalt  }
0x81: {  	_ =	shalt  }
0x82: {  	_ =	shalt  }
0x83: {  	_ =	shalt  }
0x84: {  	_ =	shalt  }
0x85: {  	_ =	shalt  }
0x86: {  	_ =	shalt  }
0x87: {  	_ =	shalt  }
.Lfunc_end0:
.L_simem_size_0:
called_computation_lowered:
.L_overlay_start_0:
0x88: {  	s2 =	sld [smem:$0x3FD9]  }
0x89: {  	s3 =	sld [smem:$0x3FFE];
	_ =	sdelay $0x1  }
0x8a: {  	s1 =	srdreg.scid  }
0x8b: {  	s0 =	sand.u32 $0x1, s1  }
0x8c: {  	s16 =	sshll.u32 s0, $0xA;
	s2 =	sadd.s32 s3, s2  }
0x8d: {  	s2 =	sadd.s32 s2, s16  }
0x8e: {  	[smem:$0x3FBD] =	sst s2  }
0x8f: {  	_ = 	snop  }
0x90: {  	(tm) =	ssettm $0x1  }
0x91: {  	s17 =	sld [smem:$0x3FFB];
	_ =	sdelay $0x3  }
0x92: {  	_ =	strace s17  }
0x93: {  	s2 =	sld [smem:$0x3FFC];
	_ =	sdelay $0x3  }
0x94: {  	_ =	strace s2  }
0x95: {  	s2 =	sld [smem:$0x3FFD];
	_ =	sdelay $0x3  }
0x96: {  	_ =	strace s2  }
0x97: {  	_ =	strace $0x8FFFFFFF  }
0x98: {  	s18 =	sld [smem:$0x3FDB];
	_ =	sdelay $0x1  }
0x99: {  	s19 =	simm.s32 $_scs_section_size  }
0x9a: {  	s4 =	simm.s32 $_size__tile_overlayer_lowered;
	s5 =	simm.s32 $_tile_overlayer_lowered  }
0x9b: {  	s22 =	simm.s32 $0x1BFF;
	s21 =	sshll.u32 s5, $0x1;
	s2 =	sadd.s32 s19, s18  }
0x9c: {  	s6 =	simm.s32 $0x0;
	s20 =	sshll.u32 s4, $0x1;
	s4 =	sadd.s32 s21, s2  }
0x9d: {  	[timem:s6], [sflag:s22] =	dma.local [hbm:s4], s20  }
0x9e: {  	_ =	swait.ge [sflag:s22], s20  }
0x9f: {  	s3 =	ssub.s32 $0x0, s20;
	[sflag:s22] =	ssyncset.done $0x0  }
0xa0: {  	[sflag:s22] =	ssyncadd.s32 s3;
	_ =	sdelay $0x1  }
0xa1: {  	s23 =	simm.s32 $0x1B8B  }
0xa2: {  	_ =	swait.ge [sflag:s23], $0x1  }
0xa3: {  	[sflag:s23] =	ssyncset.done $0x0  }
0xa4: {  	s25 =	simm.s32 $0x1B8E;
	s24 =	sld [smem:$0x3FFE];
	[sflag:s23] =	ssyncadd.s32 $0xFFFFFFFF  }
0xa5: {  	s26 =	simm.s32 $execute0_lowered;
	[smem:$0x3FD2] =	sst s25  }
0xa6: {  	s4 =	sshll.u32 s26, $0x1;
	_ =	strace $0x80000046;
	[dreg:$0x1] =	wrdreg $0xFFFFFFFF  }
0xa7: {  	s28 =	simm.s32 $_size_execute0_lowered;
	s2 =	sadd.s32 s2, s4;
	[dreg:$0x0] =	wrdreg $0x0  }
0xa8: {  	s4 =	sshll.u32 s28, $0x1;
	[dreg:$0x2] =	wrdreg s2  }
0xa9: {  	[dreg:$0x3] =	wrdreg s4  }
0xaa: {  	[dreg:$0x4] =	wrdreg $0xC0  }
0xab: {  	_ =	task [dreg:s6], $0x5FFFF  }
0xac: {  	[dreg:$0x1] =	wrdreg $0xFFFFFFFF  }
0xad: {  	[dreg:$0x0] =	wrdreg $0x60  }
0xae: {  	[dreg:$0x2] =	wrdreg s24  }
0xaf: {  	[dreg:$0x3] =	wrdreg $0x3FC00  }
0xb0: {  	[dreg:$0x4] =	wrdreg $0x9  }
0xb1: {  	_ =	task.clear_ibuf [dreg:s6], $0x5FFFF;
	_ =	strace $0x90000046  }
0xb2: {  	s29 =	simm.s32 $0x9;
	_ =	strace $0x80000048  }
0xb3: {  	_ =	swait.ge [sflag:s29], $0x1  }
0xb4: {  	[sflag:s29] =	ssyncadd.s32 $0xFFFFFFFF  }
0xb5: {  	_ =	strace $0x90000048  }
0xb6: {  	_ =	sfence  }
0xb7: {  	s30 =	sld [smem:$0x0];
	_ =	sdelay $0x2  }
0xb8: {  	s31 =	sshll.u32 s1, $0xD;
	s1 =	sshrl.u32 s1, $0x2  }
0xb9: {  	s3 =	sand.u32 $0x4000, s31;
	s1 =	sadd.s32 s1, s30  }
0xba: {  	s0 =	sor.u32 s3, s0;
	s1 =	sshll.u32 s1, $0x11  }
0xbb: {  	s0 =	sor.u32 s1, s0  }
0xbc: {  	s0 =	sadd.s32 $0x8F2B, s0  }
0xbd: {  	[sflag:s0] =	ssyncadd.remote.s32 $0x1  }
0xbe: {  	_ =	sfence.sel $0xFFFF  }
0xbf: {  	[dreg:$0x0] =	wrdreg $0xFFFFFFFF;
	(pc) =	sbr.abs _section_cstart, $3  }
0xc0: {  	[dreg:$0x1] =	wrdreg $0xFFFFFFFF  }
0xc1: {  	_ =	task.clear_ibuf [dreg:s6], $0x2FFFF;
	_ =	strace $0x9FFFFFFF  }
0xc2: {  	(tm) =	ssettm $0x7FFFFFFF  }
0xc3: {  	_ =	shalt  }
tec
execute0_lowered:
.L_overlay_start_1:
0x0: {  	(tag) =	ssettag $0x1  }
0x1: {  	s0 =	srdreg.scid;
	s5 =	rddreg [dreg:$0x0]  }
0x2: {  	s2 =	rddreg [dreg:$0x1];
	s3 =	simm.s32 $0x0;
	s11 =	simm.s32 $0x2  }
0x3: {  	s12 =	simm.s32 $0x2800;
	s13 =	simm.s32 $0x80;
	s14 =	simm.s32 $0x1  }
0x4: {  	s15 =	simm.s32 $0x0;
	s4 =	sand.u32 $0x1, s0;
	s0 =	stileid.u32  }
0x5: {  	[smem:$0x7FF] =	sst s3;
	s1 =	sshll.u32 s4, $0x4;
	s7 =	smul.u32 $0x13C0, s0  }
0x6: {  	s8 =	smul.u32 $0x13C00, s4;
	s10 =	ssub.s32 $0x2, s4;
	s1 =	sor.u32 s0, s1  }
0x7: {  	s4 =	sadd.s32 $0xFE00, s5;
	s31 =	sshrl.u32 s10, $0x1;
	s6 =	smul.u32 $0x500, s1  }
0x8: {  	s1 =	rddreg [dreg:$0x2];
	_ =	strace $0x80000047;
	s8 =	sadd.s32 s7, s8  }
0x9: {  	s30 =	sshrl.u32 s7, $0x3;
	s10 =	ssub.s32 s10, s31;
	s8 =	sshrl.u32 s8, $0x3  }
0xa: {  	s9 =	sadd.s32 s6, s5;
	s6 =	sadd.s32 s30, s5;
	s8 =	sadd.s32 s8, s5  }
0xb: {  	s5 =	sadd.s32 $0xD600, s6;
	s6 =	sadd.s32 s7, s2;
	s7 =	sadd.s32 $0x3600, s9  }
0xc: {  	s8 =	sadd.s32 $0x10000, s8;
	s9 =	smax.u32 s10, $0x1;
	s10 =	simm.s32 $0x2C00  }
.LBB2_1:
0xd: {  	[tilespmem:s10], [sflag:$0x2] =	stream.linear.gather [hbm4b:s5+s3], $0x13C0, $0x38;
	[tilespmem:$0x5380] =	vst v63  }
0xe: {  	_ =	swait.ge [sflag:s11], $0x13C0  }
0xf: {  	[sflag:s11] =	ssyncset.done $0x0  }
0x10: {  	[sflag:s11] =	ssyncadd.s32 $0xFFFFEC40  }
0x11: {  	[spmem:s6] =	stream.linear.scatter [tilespmem:s10], [sflag:$0x2], $0x13C0, $0x38;
	[tilespmem:$0x5380] =	vst v63  }
0x12: {  	_ =	swait.ge [sflag:s11], $0x13C0  }
0x13: {  	[sflag:s11] =	ssyncset.done $0x0  }
0x14: {  	[sflag:s11] =	ssyncadd.s32 $0xFFFFEC40  }
0x15: {  	[tilespmem:s12], [sflag:$0x2] =	stream.linear.gather [hbm4b:s4+s3], $0x400, $0x38;
	[tilespmem:$0x5380] =	vst v63  }
0x16: {  	_ =	swait.ge [sflag:s11], $0x400  }
0x17: {  	[sflag:s11] =	ssyncset.done $0x0  }
0x18: {  	[sflag:s11] =	ssyncadd.s32 $0xFFFFFC00  }
0x19: {  	[tilespmem:s3], [sflag:$0x2] =	stream.linear.gather [hbm4b:s7+s3], $0x2800, $0x38;
	[tilespmem:$0x5380] =	vst v63  }
0x1a: {  	_ =	swait.ge [sflag:s11], $0x2800  }
0x1b: {  	[sflag:s11] =	ssyncset.done $0x0  }
0x1c: {  	[sflag:s11] =	ssyncadd.s32 $0xFFFFD800  }
0x1d: {  	s16 =	simm.s32 $0x0;
	[bflag:$0x0] =	sbarrier.arrive $0xFFFF  }
.LBB2_2:
0x1e: {  	p0 =	sne.s32 s16, $0x9E00  }
.Ltmp0:
0x1f: {  	_ = 	snop;
	(pc) =	sbr.rel @p0 .LBB2_2-.Ltmp0, $3  }
0x20: {  	_ =	sdelay $0x1  }
0x21: {  	s17 =	sshra.s32 s16, $0x2;
	s16 =	sadd.s32 $0x200, s16  }
0x22: {  	[spmem:s2] =	stream.indirect.scatter.add.f32 [tilespmem:s12], [sflag:$0x1], $0x8, s17, s13, $0xb8;
	[tilespmem:$0x5380] =	vst v63  }
0x23: {  	_ =	swait.ge [sflag:s14], $0x400  }
0x24: {  	s16 =	simm.s32 $0x4F;
	[sflag:s14] =	ssyncset.done $0x0  }
.LBB2_4:
0x25: {  	p0 =	sne.s32 s16, $0x1;
	s16 =	sadd.s32 $0xFFFFFFFF, s16;
	[sflag:s14] =	ssyncadd.s32 $0xFFFFFC00  }
.Ltmp1:
0x26: {  	(pc) =	sbr.rel @p0 .LBB2_4-.Ltmp1, $3  }
0x27: {  	_ =	sdelay $0x1  }
0x28: {  	_ =	swait.ge [sflag:s14], $0x400  }
0x29: {  	[sflag:s14] =	ssyncset.done $0x0  }
0x2a: {  	[sflag:s14] =	ssyncadd.s32 $0xFFFFFC00  }
0x2b: {  	[bflag:$0x0] =	sbarrier.arrive $0xFFFF  }
0x2c: {  	[tilespmem:s10], [sflag:$0x2] =	stream.linear.gather [spmem:s6], $0x13C0, $0x38;
	[tilespmem:$0x5380] =	vst v63  }
0x2d: {  	s15 =	sadd.s32 $0x1, s15;
	_ =	swait.ge [sflag:s11], $0x13C0  }
0x2e: {  	p0 =	sne.s32 s15, s9;
	[sflag:s11] =	ssyncset.done $0x0  }
.Ltmp2:
0x2f: {  	[sflag:s11] =	ssyncadd.s32 $0xFFFFEC40;
	(pc) =	sbr.rel @p0 .LBB2_1-.Ltmp2, $4  }
0x30: {  	[hbm4b:s8+s3] =	stream.linear.scatter [tilespmem:s10], [sflag:$0x2], $0x13C0, $0x38;
	[tilespmem:$0x5380] =	vst v63  }
0x31: {  	_ =	swait.ge [sflag:s11], $0x13C0  }
0x32: {  	[sflag:s11] =	ssyncset.done $0x0  }
0x33: {  	[sflag:s11] =	ssyncadd.s32 $0xFFFFEC40  }
0x34: {  	_ =	sfence.sel $0x180000  }
0x35: {  	[bflag:$0x0] =	sbarrier.arrive $0xFFFF  }
0x36: {  	p0 =	sne.s32 s0, $0x0;
	_ =	strace $0x90000047  }
0x37: {  	s0 =	sadd.s32 @!p0 $0x100000, s1;
	[bflag:$0x2] =	sbarrier.arrive $0xFFFF  }
0x38: {  	[sflag:s0] =	ssyncadd.tile.s32 @!p0 $0x1;
	_ =	shalt  }
.Lfunc_end2:
_tile_overlayer_lowered:
.L_overlay_start_2:
0x39: {  	(tag) =	ssettag $0x2  }
0x3a: {  	s0 =	rddreg [dreg:$0x0];
	s2 =	stileid.u32  }
0x3b: {  	s1 =	rddreg [dreg:$0x1];
	p0 =	sne.s32 s2, $0x0  }
0x3c: {  	s3 =	rddreg [dreg:$0x2];
	[bflag:$0x3] =	sbarrier.arrive $0xFFFF;
	s2 =	simm.s32 @!p0 $0x1C02  }
0x3d: {  	[timem:s3], [sflag:s2] =	dma.local @!p0 [hbm:s0], s1  }
0x3e: {  	s0 =	simm.s32 @!p0 $0x2  }
0x3f: {  	_ =	swait.ge @!p0 [sflag:s0], s1  }
0x40: {  	s1 =	ssub.s32 @!p0 $0x0, s1;
	[sflag:s0] =	ssyncset.done @!p0 $0x0  }
0x41: {  	[sflag:s0] =	ssyncadd.s32 @!p0 s1  }
0x42: {  	[bflag:$0x3] =	sbarrier.arrive $0xFFFF  }
0x43: {  	_ =	shalt  }

// kernel: kernel.14.cloned.1.call-start
scs
__scs_entry_jumppad:
0x0: {  	(pc) =	sbr.rel $0x88, $3  }
0x1: {  	(tag) =	ssettag $0x0;
	lr =	simm.s32 $0x1  }
0x2: {  	[smem:$0x3F96] =	sst lr;
	_ =	strace $0xD0000000  }
0x3: {  	_ = 	snop  }
0x4: {  	_ = 	snop  }
0x5: {  	_ = 	snop  }
0x6: {  	_ = 	snop  }
0x7: {  	_ = 	snop  }
__scs_overlays_trampoline_lowered:
0x8: {  	[smem:$0x3FA5] =	sst s0  }
0x9: {  	[smem:$0x3FA6] =	sst s1  }
0xa: {  	[smem:$0x3FA7] =	sst s2  }
0xb: {  	[smem:$0x3FA8] =	sst s3  }
0xc: {  	[smem:$0x3FA9] =	sst s4  }
0xd: {  	[smem:$0x3FAA] =	sst s5  }
0xe: {  	[smem:$0x3FAB] =	sst s6  }
0xf: {  	[smem:$0x3FAC] =	sst s7  }
0x10: {  	[smem:$0x3FAD] =	sst s8  }
0x11: {  	[smem:$0x3FAE] =	sst s9;
	s0 =	simm.s32 @!p0 $0x0  }
0x12: {  	s1 =	sld [smem:$0x3F94];
	s0 =	simm.s32 @p0 $0x1  }
0x13: {  	[smem:$0x3FAF] =	sst s0;
	s0 =	simm.s32 @!p1 $0x0  }
0x14: {  	s2 =	sld [smem:$0x3F93];
	s0 =	simm.s32 @p1 $0x1  }
0x15: {  	[smem:$0x3FB0] =	sst s0;
	s0 =	simm.s32 @!p2 $0x0  }
0x16: {  	s3 =	sld [smem:$0x3FDB];
	s0 =	simm.s32 @p2 $0x1  }
0x17: {  	s4 =	simm.s32 $0x1BF5;
	[smem:$0x3FB2] =	sst s0  }
0x18: {  	s0 =	sld [smem:$0x3F95];
	_ =	swait.ge [sflag:s4], $0x0  }
0x19: {  	s7 =	sld [smem:$0x3F96]  }
0x1a: {  	s8 =	sadd.s32 $0xFFFFE003, lr  }
0x1b: {  	s9 =	sadd.s32 $0xFFFFFEF7, lr;
	s5 =	simm.s32 $0xFFFFFFFF;
	p2 =	slt.u32 s8, $0xFFFFF086  }
0x1c: {  	p1 =	slt.u32 s9, $0xF7A;
	s5 =	simm.s32 @!p2 $0x0  }
0x1d: {  	s5 =	simm.s32 @p1 $0x1;
	p0 =	seq.s32 s7, s2  }
0x1e: {  	s7 =	smul.u32 @!p0 $0xF7A, s2;
	p2 =	seq.s32 @!p0 s5, $0x0  }
0x1f: {  	s9 =	smul.u32 $0xF7A, s1;
	s8 =	simm.s32 @!p0 $0x1BF5;
	p2 =	por !p2, p0  }
0x20: {  	[sflag:s8] =	ssyncset.s32 @!p0 $0xFFFFF086;
	s6 =	sadd.s32 @!p0 s3, s7;
	s7 =	simm.s32 @!p0 $0x108  }
0x21: {  	s3 =	sadd.s32 s3, s9;
	s6 =	sadd.s32 @!p0 $0x88, s6;
	s7 =	simm.s32 @p2 $0x1082  }
0x22: {  	[simem:s7], [sflag:s8] =	dma.local @!p0 [hbm:s6], $0xF7A  }
0x23: {  	s9 =	sor.u32 $0xD0000000, s2;
	s6 =	simm.s32 $0x108;
	_ =	swait.ge @!p0 [sflag:s8], $0x0  }
0x24: {  	s3 =	sadd.s32 $0x88, s3;
	s6 =	simm.s32 @!p1 $0x1082;
	[sflag:s4] =	ssyncset.s32 $0xFFFFF086  }
0x25: {  	[simem:s6], [sflag:s4] =	dma.local [hbm:s3], $0xF7A  }
0x26: {  	[smem:$0x3F96] =	sst s1;
	(tag) =	ssettag s2;
	_ =	strace s9  }
0x27: {  	s1 =	sld [smem:$0x3FA6]  }
0x28: {  	s2 =	sld [smem:$0x3FA7]  }
0x29: {  	s4 =	sld [smem:$0x3FA9]  }
0x2a: {  	p0 =	seq.s32 s5, $0x0;
	s5 =	sld [smem:$0x3FAA]  }
0x2b: {  	s6 =	sld [smem:$0x3FAB]  }
0x2c: {  	s7 =	sld [smem:$0x3FAC]  }
0x2d: {  	s3 =	simm.s32 $0x108;
	s8 =	sld [smem:$0x3FAD]  }
0x2e: {  	s3 =	simm.s32 @!p0 $0x1082;
	s9 =	sld [smem:$0x3FAE]  }
0x2f: {  	lr =	sadd.s32 s0, s3;
	s0 =	sld [smem:$0x3FA5]  }
0x30: {  	s3 =	sld [smem:$0x3FA8]  }
0x31: {  	[smem:$0x3FB1] =	sst s10  }
0x32: {  	s10 =	sld [smem:$0x3FAF];
	_ =	sdelay $0x3  }
0x33: {  	p0 =	seq.s32 s10, $0x1;
	s10 =	sld [smem:$0x3FB1];
	_ =	sdelay $0x3  }
0x34: {  	[smem:$0x3FB1] =	sst s10  }
0x35: {  	s10 =	sld [smem:$0x3FB0];
	_ =	sdelay $0x3  }
0x36: {  	p1 =	seq.s32 s10, $0x1;
	s10 =	sld [smem:$0x3FB1];
	_ =	sdelay $0x3  }
0x37: {  	[smem:$0x3FB1] =	sst s10  }
0x38: {  	s10 =	sld [smem:$0x3FB2]  }
0x39: {  	_ = 	snop;
	(pc) =	sbr.ind lr, $3  }
0x3a: {  	_ = 	snop  }
0x3b: {  	_ = 	snop  }
0x3c: {  	p2 =	seq.s32 s10, $0x1;
	s10 =	sld [smem:$0x3FB1]  }
0x3d: {  	_ =	shalt  }
0x3e: {  	_ =	shalt  }
0x3f: {  	_ =	shalt  }
0x40: {  	_ =	shalt  }
0x41: {  	_ =	shalt  }
0x42: {  	_ =	shalt  }
0x43: {  	_ =	shalt  }
0x44: {  	_ =	shalt  }
0x45: {  	_ =	shalt  }
0x46: {  	_ =	shalt  }
0x47: {  	_ =	shalt  }
0x48: {  	_ =	shalt  }
0x49: {  	_ =	shalt  }
0x4a: {  	_ =	shalt  }
0x4b: {  	_ =	shalt  }
0x4c: {  	_ =	shalt  }
0x4d: {  	_ =	shalt  }
0x4e: {  	_ =	shalt  }
0x4f: {  	_ =	shalt  }
0x50: {  	_ =	shalt  }
0x51: {  	_ =	shalt  }
0x52: {  	_ =	shalt  }
0x53: {  	_ =	shalt  }
0x54: {  	_ =	shalt  }
0x55: {  	_ =	shalt  }
0x56: {  	_ =	shalt  }
0x57: {  	_ =	shalt  }
0x58: {  	_ =	shalt  }
0x59: {  	_ =	shalt  }
0x5a: {  	_ =	shalt  }
0x5b: {  	_ =	shalt  }
0x5c: {  	_ =	shalt  }
0x5d: {  	_ =	shalt  }
0x5e: {  	_ =	shalt  }
0x5f: {  	_ =	shalt  }
0x60: {  	_ =	shalt  }
0x61: {  	_ =	shalt  }
0x62: {  	_ =	shalt  }
0x63: {  	_ =	shalt  }
0x64: {  	_ =	shalt  }
0x65: {  	_ =	shalt  }
0x66: {  	_ =	shalt  }
0x67: {  	_ =	shalt  }
0x68: {  	_ =	shalt  }
0x69: {  	_ =	shalt  }
0x6a: {  	_ =	shalt  }
0x6b: {  	_ =	shalt  }
0x6c: {  	_ =	shalt  }
0x6d: {  	_ =	shalt  }
0x6e: {  	_ =	shalt  }
0x6f: {  	_ =	shalt  }
0x70: {  	_ =	shalt  }
0x71: {  	_ =	shalt  }
0x72: {  	_ =	shalt  }
0x73: {  	_ =	shalt  }
0x74: {  	_ =	shalt  }
0x75: {  	_ =	shalt  }
0x76: {  	_ =	shalt  }
0x77: {  	_ =	shalt  }
0x78: {  	_ =	shalt  }
0x79: {  	_ =	shalt  }
0x7a: {  	_ =	shalt  }
0x7b: {  	_ =	shalt  }
0x7c: {  	_ =	shalt  }
0x7d: {  	_ =	shalt  }
0x7e: {  	_ =	shalt  }
0x7f: {  	_ =	shalt  }
0x80: {  	_ =	shalt  }
0x81: {  	_ =	shalt  }
0x82: {  	_ =	shalt  }
0x83: {  	_ =	shalt  }
0x84: {  	_ =	shalt  }
0x85: {  	_ =	shalt  }
0x86: {  	_ =	shalt  }
0x87: {  	_ =	shalt  }
.Lfunc_end0:
.L_simem_size_0:
called_computation.1_lowered:
.L_overlay_start_0:
0x88: {  	s2 =	sld [smem:$0x3FD9]  }
0x89: {  	s3 =	sld [smem:$0x3FFE];
	_ =	sdelay $0x1  }
0x8a: {  	s1 =	srdreg.scid  }
0x8b: {  	s0 =	sand.u32 $0x1, s1  }
0x8c: {  	s16 =	sshll.u32 s0, $0xA;
	s2 =	sadd.s32 s3, s2  }
0x8d: {  	s2 =	sadd.s32 s2, s16  }
0x8e: {  	[smem:$0x3FBD] =	sst s2  }
0x8f: {  	_ = 	snop  }
0x90: {  	(tm) =	ssettm $0x1  }
0x91: {  	s17 =	sld [smem:$0x3FFB];
	_ =	sdelay $0x3  }
0x92: {  	_ =	strace s17  }
0x93: {  	s2 =	sld [smem:$0x3FFC];
	_ =	sdelay $0x3  }
0x94: {  	_ =	strace s2  }
0x95: {  	s2 =	sld [smem:$0x3FFD];
	_ =	sdelay $0x3  }
0x96: {  	_ =	strace s2  }
0x97: {  	_ =	strace $0x8FFFFFFF  }
0x98: {  	s18 =	sld [smem:$0x3FDB];
	_ =	sdelay $0x1  }
0x99: {  	s19 =	simm.s32 $_scs_section_size  }
0x9a: {  	s4 =	simm.s32 $_size__tile_overlayer_lowered;
	s5 =	simm.s32 $_tile_overlayer_lowered  }
0x9b: {  	s22 =	simm.s32 $0x1BFF;
	s21 =	sshll.u32 s5, $0x1;
	s2 =	sadd.s32 s19, s18  }
0x9c: {  	s6 =	simm.s32 $0x0;
	s20 =	sshll.u32 s4, $0x1;
	s4 =	sadd.s32 s21, s2  }
0x9d: {  	[timem:s6], [sflag:s22] =	dma.local [hbm:s4], s20  }
0x9e: {  	_ =	swait.ge [sflag:s22], s20  }
0x9f: {  	s3 =	ssub.s32 $0x0, s20;
	[sflag:s22] =	ssyncset.done $0x0  }
0xa0: {  	[sflag:s22] =	ssyncadd.s32 s3;
	_ =	sdelay $0x1  }
0xa1: {  	s23 =	simm.s32 $0x1B8B  }
0xa2: {  	_ =	swait.ge [sflag:s23], $0x1  }
0xa3: {  	[sflag:s23] =	ssyncset.done $0x0  }
0xa4: {  	s25 =	simm.s32 $0x1B8E;
	s24 =	sld [smem:$0x3FFE];
	[sflag:s23] =	ssyncadd.s32 $0xFFFFFFFF  }
0xa5: {  	s26 =	simm.s32 $execute0_lowered;
	[smem:$0x3FD2] =	sst s25  }
0xa6: {  	s4 =	sshll.u32 s26, $0x1;
	_ =	strace $0x80000049;
	[dreg:$0x1] =	wrdreg $0xFFFFFFFF  }
0xa7: {  	s28 =	simm.s32 $_size_execute0_lowered;
	s2 =	sadd.s32 s2, s4;
	[dreg:$0x0] =	wrdreg $0x0  }
0xa8: {  	s4 =	sshll.u32 s28, $0x1;
	[dreg:$0x2] =	wrdreg s2  }
0xa9: {  	[dreg:$0x3] =	wrdreg s4  }
0xaa: {  	[dreg:$0x4] =	wrdreg $0xC0  }
0xab: {  	_ =	task [dreg:s6], $0x5FFFF  }
0xac: {  	[dreg:$0x1] =	wrdreg $0xFFFFFFFF  }
0xad: {  	[dreg:$0x0] =	wrdreg $0x60  }
0xae: {  	[dreg:$0x2] =	wrdreg s24  }
0xaf: {  	[dreg:$0x3] =	wrdreg $0x146000  }
0xb0: {  	[dreg:$0x4] =	wrdreg $0xA8000  }
0xb1: {  	[dreg:$0x5] =	wrdreg $0x9  }
0xb2: {  	_ =	task.clear_ibuf [dreg:s6], $0x6FFFF;
	_ =	strace $0x90000049  }
0xb3: {  	s29 =	simm.s32 $0x9;
	_ =	strace $0x8000004B  }
0xb4: {  	_ =	swait.ge [sflag:s29], $0x1  }
0xb5: {  	[sflag:s29] =	ssyncadd.s32 $0xFFFFFFFF  }
0xb6: {  	_ =	strace $0x9000004B  }
0xb7: {  	_ =	sfence  }
0xb8: {  	s30 =	sld [smem:$0x0];
	_ =	sdelay $0x2  }
0xb9: {  	s31 =	sshll.u32 s1, $0xD;
	s1 =	sshrl.u32 s1, $0x2  }
0xba: {  	s3 =	sand.u32 $0x4000, s31;
	s1 =	sadd.s32 s1, s30  }
0xbb: {  	s0 =	sor.u32 s3, s0;
	s1 =	sshll.u32 s1, $0x11  }
0xbc: {  	s0 =	sor.u32 s1, s0  }
0xbd: {  	s0 =	sadd.s32 $0x8F2B, s0  }
0xbe: {  	[sflag:s0] =	ssyncadd.remote.s32 $0x1  }
0xbf: {  	_ =	sfence.sel $0xFFFF  }
0xc0: {  	[dreg:$0x0] =	wrdreg $0xFFFFFFFF;
	(pc) =	sbr.abs _section_cstart, $3  }
0xc1: {  	[dreg:$0x1] =	wrdreg $0xFFFFFFFF  }
0xc2: {  	_ =	task.clear_ibuf [dreg:s6], $0x2FFFF;
	_ =	strace $0x9FFFFFFF  }
0xc3: {  	(tm) =	ssettm $0x7FFFFFFF  }
tec
execute0_lowered:
.L_overlay_start_1:
0x0: {  	(tag) =	ssettag $0x1  }
0x1: {  	s0 =	rddreg [dreg:$0x0]  }
0x2: {  	s1 =	rddreg [dreg:$0x1]  }
0x3: {  	s2 =	rddreg [dreg:$0x2];
	s3 =	simm.s32 $0x0;
	s4 =	srdreg.scid  }
0x4: {  	s10 =	stileid.u32;
	s28 =	simm.s32 $0x1480;
	s29 =	simm.s32 $0x180  }
0x5: {  	s30 =	simm.s32 $0x8800;
	s31 =	simm.s32 $0x3;
	s14 =	simm.s32 $0x0  }
0x6: {  	[smem:$0x7FF] =	sst s3;
	s5 =	sadd.s32 $0x1F000, s0;
	s4 =	sand.u32 $0x1, s4  }
0x7: {  	s6 =	sadd.s32 $0x15000, s0;
	s8 =	sadd.s32 $0x3600, s0;
	s11 =	smul.u32 $0x9E00, s10  }
0x8: {  	s0 =	sadd.s32 $0x32C00, s0;
	_ =	strace $0x8000004A;
	s7 =	ssub.s32 $0x2, s4  }
0x9: {  	s17 =	sshll.u32 s4, $0x4;
	s4 =	smul.u32 $0x9E000, s4;
	s9 =	sshrl.u32 s7, $0x1  }
0xa: {  	s18 =	sshrl.u32 s11, $0x3;
	s12 =	sadd.s32 $0x5000, s11;
	s20 =	sadd.s32 s11, s1  }
0xb: {  	s7 =	ssub.s32 s7, s9;
	s9 =	sor.u32 s10, s17;
	s10 =	sadd.s32 s5, s18  }
0xc: {  	s19 =	sshrl.u32 s12, $0x3;
	[dreg:$0x5] =	wrdreg s20;
	s21 =	sadd.s32 s12, s1  }
0xd: {  	s18 =	simm.s32 $0x2800;
	s20 =	simm.s32 $0x1400;
	[dreg:$0x4] =	wrdreg s10  }
0xe: {  	s13 =	smul.u32 $0x2800, s9;
	s5 =	sadd.s32 s5, s19;
	[dreg:$0x7] =	wrdreg s21  }
0xf: {  	s9 =	sadd.s32 s11, s2;
	s10 =	sadd.s32 s12, s2;
	s11 =	sadd.s32 s11, s4  }
0x10: {  	s4 =	sadd.s32 s4, s12;
	s26 =	smax.u32 s7, $0x1;
	s19 =	simm.s32 $0x9  }
0x11: {  	s21 =	simm.s32 $0x80;
	s7 =	simm.s32 $0x1580;
	s12 =	simm.s32 $0x7  }
0x12: {  	[dreg:$0x6] =	wrdreg s5;
	s24 =	sshrl.u32 s11, $0x3;
	s4 =	sshrl.u32 s4, $0x3  }
0x13: {  	[dreg:$0xe] =	wrdreg s26;
	s26 =	simm.s32 $0x2;
	s11 =	simm.s32 $0x280  }
0x14: {  	s22 =	sshrl.u32 s13, $0x3;
	s25 =	sadd.s32 s0, s24;
	s0 =	sadd.s32 s0, s4  }
0x15: {  	s4 =	simm.s32 $0x5;
	s13 =	sadd.s32 s6, s22;
	[dreg:$0xc] =	wrdreg s25  }
0x16: {  	s23 =	sadd.s32 s8, s22;
	s5 =	sadd.s32 $0x280, s22;
	[dreg:$0xd] =	wrdreg s0  }
.Ltmp0:
0x17: {  	s22 =	simm.s32 $0x4800;
	[dreg:$0x8] =	wrdreg s13;
	(pc) =	sbr.rel .LBB2_1-.Ltmp0, $4  }
0x18: {  	s25 =	simm.s32 $0x6800;
	s0 =	simm.s32 $0x1500;
	[dreg:$0x9] =	wrdreg s23  }
0x19: {  	s6 =	sadd.s32 s6, s5;
	s5 =	sadd.s32 s8, s5;
	s23 =	simm.s32 $0x1  }
0x1a: {  	s8 =	simm.s32 $0x6;
	s13 =	simm.s32 $0x8;
	[dreg:$0xa] =	wrdreg s6  }
0x1b: {  	v0 =	vimm.f32 $0.0e+00;
	[dreg:$0xb] =	wrdreg s5;
	s5 =	simm.s32 $0x200;
	s6 =	simm.s32 $0x4  }
.LBB2_9:
0x1c: {  	_ =	swait.ge [sflag:s6], $0x2000  }
0x1d: {  	[sflag:s6] =	ssyncset.done $0x0  }
0x1e: {  	[sflag:s6] =	ssyncadd.s32 $0xFFFFE000  }
0x1f: {  	[spmem:s2] =	stream.indirect.scatter.add.f32 [tilespmem:s30], [sflag:$0x8], $0x40, s17, s21, $0xb8;
	[tilespmem:$0x1E400] =	vst v63  }
0x20: {  	_ =	swait.ge [sflag:s8], $0x2000  }
0x21: {  	[sflag:s8] =	ssyncset.done $0x0  }
0x22: {  	[sflag:s8] =	ssyncadd.s32 $0xFFFFE000  }
0x23: {  	_ =	swait.ge [sflag:s12], $0x2000  }
0x24: {  	[sflag:s12] =	ssyncset.done $0x0  }
0x25: {  	[sflag:s12] =	ssyncadd.s32 $0xFFFFE000  }
0x26: {  	_ =	swait.ge [sflag:s13], $0x2000  }
0x27: {  	[sflag:s13] =	ssyncset.done $0x0  }
0x28: {  	[sflag:s13] =	ssyncadd.s32 $0xFFFFE000  }
0x29: {  	[bflag:$0x0] =	sbarrier.arrive $0xFFFF  }
0x2a: {  	[tilespmem:s18], [sflag:$0x9] =	stream.linear.gather [spmem:s9], $0x5000, $0x38;
	[tilespmem:$0x1E400] =	vst v63  }
0x2b: {  	_ =	swait.ge [sflag:s19], $0x5000  }
0x2c: {  	[sflag:s19] =	ssyncset.done $0x0  }
0x2d: {  	s15 =	rddreg [dreg:$0xc];
	[sflag:s19] =	ssyncadd.s32 $0xFFFFB000  }
0x2e: {  	[hbm4b:s15+s3] =	stream.linear.scatter [tilespmem:s18], [sflag:$0x9], $0x5000, $0x38;
	[tilespmem:$0x1E400] =	vst v63  }
0x2f: {  	_ =	swait.ge [sflag:s19], $0x5000  }
0x30: {  	[sflag:s19] =	ssyncset.done $0x0  }
0x31: {  	[sflag:s19] =	ssyncadd.s32 $0xFFFFB000  }
0x32: {  	[tilespmem:s18], [sflag:$0x9] =	stream.linear.gather [spmem:s10], $0x4E00, $0x38;
	[tilespmem:$0x1E400] =	vst v63  }
0x33: {  	_ =	swait.ge [sflag:s19], $0x4E00  }
0x34: {  	[sflag:s19] =	ssyncset.done $0x0  }
0x35: {  	s17 =	rddreg [dreg:$0xd];
	[sflag:s19] =	ssyncadd.s32 $0xFFFFB200  }
0x36: {  	[hbm4b:s17+s3] =	stream.linear.scatter [tilespmem:s18], [sflag:$0x9], $0x4E00, $0x38;
	[tilespmem:$0x1E400] =	vst v63  }
0x37: {  	_ =	swait.ge [sflag:s19], $0x4E00  }
0x38: {  	s14 =	sadd.s32 $0x1, s14;
	s24 =	rddreg [dreg:$0xe]  }
0x39: {  	p0 =	sne.s32 s14, s24  }
.Ltmp1:
0x3a: {  	_ = 	snop;
	(pc) =	sbr.rel @!p0 .LBB2_10-.Ltmp1, $3  }
0x3b: {  	_ =	sdelay $0x1  }
0x3c: {  	[sflag:s19] =	ssyncset.done $0x0  }
0x3d: {  	[sflag:s19] =	ssyncadd.s32 $0xFFFFB200  }
.LBB2_1:
0x3e: {  	s15 =	rddreg [dreg:$0x4]  }
0x3f: {  	[tilespmem:s18], [sflag:$0x9] =	stream.linear.gather [hbm4b:s15+s3], $0x5000, $0x38;
	[tilespmem:$0x1E400] =	vst v63  }
0x40: {  	_ =	swait.ge [sflag:s19], $0x5000  }
0x41: {  	[sflag:s19] =	ssyncset.done $0x0  }
0x42: {  	s16 =	rddreg [dreg:$0x5];
	[sflag:s19] =	ssyncadd.s32 $0xFFFFB000  }
0x43: {  	[spmem:s16] =	stream.linear.scatter [tilespmem:s18], [sflag:$0x9], $0x5000, $0x38;
	[tilespmem:$0x1E400] =	vst v63  }
0x44: {  	_ =	swait.ge [sflag:s19], $0x5000  }
0x45: {  	[sflag:s19] =	ssyncset.done $0x0  }
0x46: {  	s17 =	rddreg [dreg:$0x6];
	[sflag:s19] =	ssyncadd.s32 $0xFFFFB000  }
0x47: {  	[tilespmem:s18], [sflag:$0x9] =	stream.linear.gather [hbm4b:s17+s3], $0x4E00, $0x38;
	[tilespmem:$0x1E400] =	vst v63  }
0x48: {  	_ =	swait.ge [sflag:s19], $0x4E00  }
0x49: {  	[sflag:s19] =	ssyncset.done $0x0  }
0x4a: {  	s24 =	rddreg [dreg:$0x7];
	[sflag:s19] =	ssyncadd.s32 $0xFFFFB200  }
0x4b: {  	[spmem:s24] =	stream.linear.scatter [tilespmem:s18], [sflag:$0x9], $0x4E00, $0x38;
	[tilespmem:$0x1E400] =	vst v63  }
0x4c: {  	_ =	swait.ge [sflag:s19], $0x4E00  }
0x4d: {  	[sflag:s19] =	ssyncset.done $0x0  }
0x4e: {  	s15 =	simm.s32 $0x0;
	s16 =	simm.s32 $0x100;
	[sflag:s19] =	ssyncadd.s32 $0xFFFFB200  }
.LBB2_2:
0x4f: {  	p0 =	sne.s32 s16, $0x13F00;
	[tilespmem:s15+$0x2830] =	vst v0;
	s17 =	smov.u32 s16;
	s16 =	sadd.s32 $0x100, s16  }
.Ltmp2:
0x50: {  	[tilespmem:s15+$0x2820] =	vst v0;
	(pc) =	sbr.rel @p0 .LBB2_2-.Ltmp2, $3  }
0x51: {  	[tilespmem:s15+$0x2800] =	vst v0  }
0x52: {  	[tilespmem:s15+$0x2810] =	vst v0;
	_ =	sdelay $0x1  }
0x53: {  	s15 =	sshra.s32 s17, $0x2  }
0x54: {  	[tilespmem:s15+$0x2830] =	vst v0  }
0x55: {  	[tilespmem:s15+$0x2820] =	vst v0  }
0x56: {  	[tilespmem:s15+$0x2800] =	vst v0  }
0x57: {  	[tilespmem:s15+$0x2810] =	vst v0  }
0x58: {  	[spmem:s9] =	stream.linear.scatter [tilespmem:s18], [sflag:$0x9], $0x5000, $0x38;
	[tilespmem:$0x1E400] =	vst v63  }
0x59: {  	_ =	swait.ge [sflag:s19], $0x5000  }
0x5a: {  	[sflag:s19] =	ssyncset.done $0x0  }
0x5b: {  	[sflag:s19] =	ssyncadd.s32 $0xFFFFB000  }
0x5c: {  	[spmem:s10] =	stream.linear.scatter [tilespmem:s18], [sflag:$0x9], $0x4E00, $0x38;
	[tilespmem:$0x1E400] =	vst v63  }
0x5d: {  	_ =	swait.ge [sflag:s19], $0x4E00  }
0x5e: {  	[sflag:s19] =	ssyncset.done $0x0  }
0x5f: {  	[sflag:s19] =	ssyncadd.s32 $0xFFFFB200  }
0x60: {  	[bflag:$0x0] =	sbarrier.arrive $0xFFFF  }
0x61: {  	s15 =	simm.s32 $0x0;
	s16 =	rddreg [dreg:$0x8]  }
0x62: {  	[tilespmem:s15], [sflag:$0x9] =	stream.linear.gather [hbm4b:s16+s15], $0x1400, $0x38;
	[tilespmem:$0x1E400] =	vst v63  }
0x63: {  	_ =	swait.ge [sflag:s19], $0x1400  }
0x64: {  	[sflag:s19] =	ssyncset.done $0x0  }
0x65: {  	s17 =	rddreg [dreg:$0x9];
	[sflag:s19] =	ssyncadd.s32 $0xFFFFEC00  }
0x66: {  	[tilespmem:s20], [sflag:$0x9] =	stream.linear.gather [hbm4b:s17+s15], $0x1400, $0x38;
	[tilespmem:$0x1E400] =	vst v63  }
0x67: {  	_ =	swait.ge [sflag:s19], $0x1400  }
0x68: {  	[sflag:s19] =	ssyncset.done $0x0  }
0x69: {  	[sflag:s19] =	ssyncadd.s32 $0xFFFFEC00  }
0x6a: {  	[tilespmem:s18], [sflag:$0x1] =	stream.indirect.gather [spmem:s1], $0x40, s15, s21, $0xb8;
	[tilespmem:$0x1E400] =	vst v63  }
0x6b: {  	_ = 	snop  }
0x6c: {  	[tilespmem:s22], [sflag:$0x2] =	stream.indirect.gather [spmem:s1], $0x40, s21, s21, $0xb8;
	[tilespmem:$0x1E400] =	vst v63  }
0x6d: {  	_ =	swait.ge [sflag:s23], $0x2000  }
0x6e: {  	[sflag:s23] =	ssyncset.done $0x0  }
0x6f: {  	[sflag:s23] =	ssyncadd.s32 $0xFFFFE000  }
0x70: {  	[spmem:s2] =	stream.indirect.scatter.add.f32 [tilespmem:s18], [sflag:$0x5], $0x40, s20, s21, $0xb8;
	[tilespmem:$0x1E400] =	vst v63  }
0x71: {  	s24 =	simm.s32 $0x100  }
0x72: {  	[tilespmem:s25], [sflag:$0x3] =	stream.indirect.gather [spmem:s1], $0x40, s24, s21, $0xb8;
	[tilespmem:$0x1E400] =	vst v63  }
0x73: {  	_ =	swait.ge [sflag:s26], $0x2000  }
0x74: {  	[sflag:s26] =	ssyncset.done $0x0  }
0x75: {  	[sflag:s26] =	ssyncadd.s32 $0xFFFFE000  }
0x76: {  	[spmem:s2] =	stream.indirect.scatter.add.f32 [tilespmem:s22], [sflag:$0x6], $0x40, s28, s21, $0xb8;
	[tilespmem:$0x1E400] =	vst v63  }
0x77: {  	_ = 	snop  }
0x78: {  	[tilespmem:s30], [sflag:$0x4] =	stream.indirect.gather [spmem:s1], $0x40, s29, s21, $0xb8;
	[tilespmem:$0x1E400] =	vst v63  }
0x79: {  	_ =	swait.ge [sflag:s31], $0x2000  }
0x7a: {  	[sflag:s31] =	ssyncset.done $0x0  }
0x7b: {  	[sflag:s31] =	ssyncadd.s32 $0xFFFFE000  }
0x7c: {  	[spmem:s2] =	stream.indirect.scatter.add.f32 [tilespmem:s25], [sflag:$0x7], $0x40, s0, s21, $0xb8;
	[tilespmem:$0x1E400] =	vst v63  }
0x7d: {  	_ =	swait.ge [sflag:s4], $0x2000  }
0x7e: {  	[sflag:s4] =	ssyncset.done $0x0  }
0x7f: {  	[sflag:s4] =	ssyncadd.s32 $0xFFFFE000  }
0x80: {  	[tilespmem:s18], [sflag:$0x1] =	stream.indirect.gather [spmem:s1], $0x40, s5, s21, $0xb8;
	[tilespmem:$0x1E400] =	vst v63  }
0x81: {  	_ =	swait.ge [sflag:s6], $0x2000  }
0x82: {  	[sflag:s6] =	ssyncset.done $0x0  }
0x83: {  	[sflag:s6] =	ssyncadd.s32 $0xFFFFE000  }
0x84: {  	[spmem:s2] =	stream.indirect.scatter.add.f32 [tilespmem:s30], [sflag:$0x8], $0x40, s7, s21, $0xb8;
	[tilespmem:$0x1E400] =	vst v63  }
0x85: {  	_ =	swait.ge [sflag:s8], $0x2000  }
0x86: {  	[sflag:s8] =	ssyncset.done $0x0  }
0x87: {  	[sflag:s8] =	ssyncadd.s32 $0xFFFFE000  }
0x88: {  	[tilespmem:s22], [sflag:$0x2] =	stream.indirect.gather [spmem:s1], $0x40, s11, s21, $0xb8;
	[tilespmem:$0x1E400] =	vst v63  }
.LBB2_4:
0x89: {  	_ =	swait.ge [sflag:s23], $0x2000  }
0x8a: {  	s16 =	sshra.s32 s15, $0x2;
	[sflag:s23] =	ssyncset.done $0x0  }
0x8b: {  	s17 =	sadd.s32 $0x1600, s16;
	[sflag:s23] =	ssyncadd.s32 $0xFFFFE000  }
0x8c: {  	[spmem:s2] =	stream.indirect.scatter.add.f32 [tilespmem:s18], [sflag:$0x5], $0x40, s17, s21, $0xb8;
	[tilespmem:$0x1E400] =	vst v63  }
0x8d: {  	_ =	swait.ge [sflag:s12], $0x2000  }
0x8e: {  	[sflag:s12] =	ssyncset.done $0x0  }
0x8f: {  	s24 =	sadd.s32 $0x300, s16;
	[sflag:s12] =	ssyncadd.s32 $0xFFFFE000  }
0x90: {  	[tilespmem:s25], [sflag:$0x3] =	stream.indirect.gather [spmem:s1], $0x40, s24, s21, $0xb8;
	[tilespmem:$0x1E400] =	vst v63  }
0x91: {  	_ =	swait.ge [sflag:s26], $0x2000  }
0x92: {  	[sflag:s26] =	ssyncset.done $0x0  }
0x93: {  	s24 =	sadd.s32 $0x1680, s16;
	[sflag:s26] =	ssyncadd.s32 $0xFFFFE000  }
0x94: {  	[spmem:s2] =	stream.indirect.scatter.add.f32 [tilespmem:s22], [sflag:$0x6], $0x40, s24, s21, $0xb8;
	[tilespmem:$0x1E400] =	vst v63  }
0x95: {  	_ =	swait.ge [sflag:s13], $0x2000  }
0x96: {  	[sflag:s13] =	ssyncset.done $0x0  }
0x97: {  	s24 =	sadd.s32 $0x380, s16;
	[sflag:s13] =	ssyncadd.s32 $0xFFFFE000  }
0x98: {  	[tilespmem:s30], [sflag:$0x4] =	stream.indirect.gather [spmem:s1], $0x40, s24, s21, $0xb8;
	[tilespmem:$0x1E400] =	vst v63  }
0x99: {  	_ =	swait.ge [sflag:s31], $0x2000  }
0x9a: {  	p0 =	seq.s32 s15, $0x4000;
	[sflag:s31] =	ssyncset.done $0x0  }
.Ltmp3:
0x9b: {  	s24 =	sadd.s32 $0x1700, s16;
	[sflag:s31] =	ssyncadd.s32 $0xFFFFE000;
	(pc) =	sbr.rel @p0 .LBB2_6-.Ltmp3, $4  }
0x9c: {  	[spmem:s2] =	stream.indirect.scatter.add.f32 [tilespmem:s25], [sflag:$0x7], $0x40, s24, s21, $0xb8;
	[tilespmem:$0x1E400] =	vst v63  }
0x9d: {  	_ =	swait.ge [sflag:s4], $0x2000  }
0x9e: {  	[sflag:s4] =	ssyncset.done $0x0  }
0x9f: {  	s17 =	sadd.s32 $0x1780, s16;
	[sflag:s4] =	ssyncadd.s32 $0xFFFFE000  }
0xa0: {  	s24 =	sadd.s32 $0x400, s16  }
0xa1: {  	[tilespmem:s18], [sflag:$0x1] =	stream.indirect.gather [spmem:s1], $0x40, s24, s21, $0xb8;
	[tilespmem:$0x1E400] =	vst v63  }
0xa2: {  	_ =	swait.ge [sflag:s6], $0x2000  }
0xa3: {  	[sflag:s6] =	ssyncset.done $0x0  }
0xa4: {  	[sflag:s6] =	ssyncadd.s32 $0xFFFFE000  }
0xa5: {  	[spmem:s2] =	stream.indirect.scatter.add.f32 [tilespmem:s30], [sflag:$0x8], $0x40, s17, s21, $0xb8;
	[tilespmem:$0x1E400] =	vst v63  }
.Ltmp4:
0xa6: {  	_ = 	snop;
	(pc) =	sbr.rel .LBB2_4-.Ltmp4, $4  }
0xa7: {  	_ =	swait.ge [sflag:s8], $0x2000  }
0xa8: {  	[sflag:s8] =	ssyncset.done $0x0  }
0xa9: {  	s15 =	sadd.s32 $0x800, s15;
	s24 =	sadd.s32 $0x480, s16;
	[sflag:s8] =	ssyncadd.s32 $0xFFFFE000  }
0xaa: {  	[tilespmem:s22], [sflag:$0x2] =	stream.indirect.gather [spmem:s1], $0x40, s24, s21, $0xb8;
	[tilespmem:$0x1E400] =	vst v63  }
.LBB2_6:
0xab: {  	_ =	swait.ge [sflag:s6], $0x2000  }
0xac: {  	[sflag:s6] =	ssyncset.done $0x0  }
0xad: {  	[sflag:s6] =	ssyncadd.s32 $0xFFFFE000  }
0xae: {  	[spmem:s2] =	stream.indirect.scatter.add.f32 [tilespmem:s30], [sflag:$0x8], $0x40, s17, s21, $0xb8;
	[tilespmem:$0x1E400] =	vst v63  }
0xaf: {  	_ =	swait.ge [sflag:s8], $0x2000  }
0xb0: {  	[sflag:s8] =	ssyncset.done $0x0  }
0xb1: {  	[sflag:s8] =	ssyncadd.s32 $0xFFFFE000  }
0xb2: {  	_ =	swait.ge [sflag:s12], $0x2000  }
0xb3: {  	[sflag:s12] =	ssyncset.done $0x0  }
0xb4: {  	[sflag:s12] =	ssyncadd.s32 $0xFFFFE000  }
0xb5: {  	_ =	swait.ge [sflag:s13], $0x2000  }
0xb6: {  	[sflag:s13] =	ssyncset.done $0x0  }
0xb7: {  	s15 =	simm.s32 $0x0;
	s16 =	rddreg [dreg:$0xa];
	[sflag:s13] =	ssyncadd.s32 $0xFFFFE000  }
0xb8: {  	[tilespmem:s15], [sflag:$0x9] =	stream.linear.gather [hbm4b:s16+s15], $0x1400, $0x38;
	[tilespmem:$0x1E400] =	vst v63  }
0xb9: {  	_ =	swait.ge [sflag:s19], $0x1400  }
0xba: {  	[sflag:s19] =	ssyncset.done $0x0  }
0xbb: {  	s17 =	rddreg [dreg:$0xb];
	[sflag:s19] =	ssyncadd.s32 $0xFFFFEC00  }
0xbc: {  	[tilespmem:s20], [sflag:$0x9] =	stream.linear.gather [hbm4b:s17+s15], $0x1400, $0x38;
	[tilespmem:$0x1E400] =	vst v63  }
0xbd: {  	_ =	swait.ge [sflag:s19], $0x1400  }
0xbe: {  	[sflag:s19] =	ssyncset.done $0x0  }
0xbf: {  	[sflag:s19] =	ssyncadd.s32 $0xFFFFEC00  }
0xc0: {  	[tilespmem:s18], [sflag:$0x1] =	stream.indirect.gather [spmem:s1], $0x40, s15, s21, $0xb8;
	[tilespmem:$0x1E400] =	vst v63  }
0xc1: {  	_ = 	snop  }
0xc2: {  	[tilespmem:s22], [sflag:$0x2] =	stream.indirect.gather [spmem:s1], $0x40, s21, s21, $0xb8;
	[tilespmem:$0x1E400] =	vst v63  }
0xc3: {  	_ =	swait.ge [sflag:s23], $0x2000  }
0xc4: {  	[sflag:s23] =	ssyncset.done $0x0  }
0xc5: {  	[sflag:s23] =	ssyncadd.s32 $0xFFFFE000  }
0xc6: {  	[spmem:s2] =	stream.indirect.scatter.add.f32 [tilespmem:s18], [sflag:$0x5], $0x40, s20, s21, $0xb8;
	[tilespmem:$0x1E400] =	vst v63  }
0xc7: {  	s24 =	simm.s32 $0x100  }
0xc8: {  	[tilespmem:s25], [sflag:$0x3] =	stream.indirect.gather [spmem:s1], $0x40, s24, s21, $0xb8;
	[tilespmem:$0x1E400] =	vst v63  }
0xc9: {  	_ =	swait.ge [sflag:s26], $0x2000  }
0xca: {  	[sflag:s26] =	ssyncset.done $0x0  }
0xcb: {  	[sflag:s26] =	ssyncadd.s32 $0xFFFFE000  }
0xcc: {  	[spmem:s2] =	stream.indirect.scatter.add.f32 [tilespmem:s22], [sflag:$0x6], $0x40, s28, s21, $0xb8;
	[tilespmem:$0x1E400] =	vst v63  }
0xcd: {  	_ = 	snop  }
0xce: {  	[tilespmem:s30], [sflag:$0x4] =	stream.indirect.gather [spmem:s1], $0x40, s29, s21, $0xb8;
	[tilespmem:$0x1E400] =	vst v63  }
0xcf: {  	_ =	swait.ge [sflag:s31], $0x2000  }
0xd0: {  	[sflag:s31] =	ssyncset.done $0x0  }
0xd1: {  	[sflag:s31] =	ssyncadd.s32 $0xFFFFE000  }
0xd2: {  	[spmem:s2] =	stream.indirect.scatter.add.f32 [tilespmem:s25], [sflag:$0x7], $0x40, s0, s21, $0xb8;
	[tilespmem:$0x1E400] =	vst v63  }
0xd3: {  	_ =	swait.ge [sflag:s4], $0x2000  }
0xd4: {  	[sflag:s4] =	ssyncset.done $0x0  }
0xd5: {  	[sflag:s4] =	ssyncadd.s32 $0xFFFFE000  }
0xd6: {  	[tilespmem:s18], [sflag:$0x1] =	stream.indirect.gather [spmem:s1], $0x40, s5, s21, $0xb8;
	[tilespmem:$0x1E400] =	vst v63  }
0xd7: {  	_ =	swait.ge [sflag:s6], $0x2000  }
0xd8: {  	[sflag:s6] =	ssyncset.done $0x0  }
0xd9: {  	[sflag:s6] =	ssyncadd.s32 $0xFFFFE000  }
0xda: {  	[spmem:s2] =	stream.indirect.scatter.add.f32 [tilespmem:s30], [sflag:$0x8], $0x40, s7, s21, $0xb8;
	[tilespmem:$0x1E400] =	vst v63  }
0xdb: {  	_ =	swait.ge [sflag:s8], $0x2000  }
0xdc: {  	[sflag:s8] =	ssyncset.done $0x0  }
0xdd: {  	[sflag:s8] =	ssyncadd.s32 $0xFFFFE000  }
0xde: {  	[tilespmem:s22], [sflag:$0x2] =	stream.indirect.gather [spmem:s1], $0x40, s11, s21, $0xb8;
	[tilespmem:$0x1E400] =	vst v63  }
.LBB2_7:
0xdf: {  	_ =	swait.ge [sflag:s23], $0x2000  }
0xe0: {  	s16 =	sshra.s32 s15, $0x2;
	[sflag:s23] =	ssyncset.done $0x0  }
0xe1: {  	s17 =	sadd.s32 $0x1600, s16;
	[sflag:s23] =	ssyncadd.s32 $0xFFFFE000  }
0xe2: {  	[spmem:s2] =	stream.indirect.scatter.add.f32 [tilespmem:s18], [sflag:$0x5], $0x40, s17, s21, $0xb8;
	[tilespmem:$0x1E400] =	vst v63  }
0xe3: {  	_ =	swait.ge [sflag:s12], $0x2000  }
0xe4: {  	[sflag:s12] =	ssyncset.done $0x0  }
0xe5: {  	s24 =	sadd.s32 $0x300, s16;
	[sflag:s12] =	ssyncadd.s32 $0xFFFFE000  }
0xe6: {  	[tilespmem:s25], [sflag:$0x3] =	stream.indirect.gather [spmem:s1], $0x40, s24, s21, $0xb8;
	[tilespmem:$0x1E400] =	vst v63  }
0xe7: {  	_ =	swait.ge [sflag:s26], $0x2000  }
0xe8: {  	[sflag:s26] =	ssyncset.done $0x0  }
0xe9: {  	s24 =	sadd.s32 $0x1680, s16;
	[sflag:s26] =	ssyncadd.s32 $0xFFFFE000  }
0xea: {  	[spmem:s2] =	stream.indirect.scatter.add.f32 [tilespmem:s22], [sflag:$0x6], $0x40, s24, s21, $0xb8;
	[tilespmem:$0x1E400] =	vst v63  }
0xeb: {  	_ =	swait.ge [sflag:s13], $0x2000  }
0xec: {  	[sflag:s13] =	ssyncset.done $0x0  }
0xed: {  	s24 =	sadd.s32 $0x380, s16;
	[sflag:s13] =	ssyncadd.s32 $0xFFFFE000  }
0xee: {  	[tilespmem:s30], [sflag:$0x4] =	stream.indirect.gather [spmem:s1], $0x40, s24, s21, $0xb8;
	[tilespmem:$0x1E400] =	vst v63  }
0xef: {  	_ =	swait.ge [sflag:s31], $0x2000  }
0xf0: {  	p0 =	seq.s32 s15, $0x4000;
	[sflag:s31] =	ssyncset.done $0x0  }
.Ltmp5:
0xf1: {  	s24 =	sadd.s32 $0x1700, s16;
	[sflag:s31] =	ssyncadd.s32 $0xFFFFE000;
	(pc) =	sbr.rel @p0 .LBB2_9-.Ltmp5, $4  }
0xf2: {  	[spmem:s2] =	stream.indirect.scatter.add.f32 [tilespmem:s25], [sflag:$0x7], $0x40, s24, s21, $0xb8;
	[tilespmem:$0x1E400] =	vst v63  }
0xf3: {  	_ =	swait.ge [sflag:s4], $0x2000  }
0xf4: {  	[sflag:s4] =	ssyncset.done $0x0  }
0xf5: {  	s17 =	sadd.s32 $0x1780, s16;
	[sflag:s4] =	ssyncadd.s32 $0xFFFFE000  }
0xf6: {  	s24 =	sadd.s32 $0x400, s16  }
0xf7: {  	[tilespmem:s18], [sflag:$0x1] =	stream.indirect.gather [spmem:s1], $0x40, s24, s21, $0xb8;
	[tilespmem:$0x1E400] =	vst v63  }
0xf8: {  	_ =	swait.ge [sflag:s6], $0x2000  }
0xf9: {  	[sflag:s6] =	ssyncset.done $0x0  }
0xfa: {  	[sflag:s6] =	ssyncadd.s32 $0xFFFFE000  }
0xfb: {  	[spmem:s2] =	stream.indirect.scatter.add.f32 [tilespmem:s30], [sflag:$0x8], $0x40, s17, s21, $0xb8;
	[tilespmem:$0x1E400] =	vst v63  }
.Ltmp6:
0xfc: {  	_ = 	snop;
	(pc) =	sbr.rel .LBB2_7-.Ltmp6, $4  }
0xfd: {  	_ =	swait.ge [sflag:s8], $0x2000  }
0xfe: {  	[sflag:s8] =	ssyncset.done $0x0  }
0xff: {  	s15 =	sadd.s32 $0x800, s15;
	s24 =	sadd.s32 $0x480, s16;
	[sflag:s8] =	ssyncadd.s32 $0xFFFFE000  }
0x100: {  	[tilespmem:s22], [sflag:$0x2] =	stream.indirect.gather [spmem:s1], $0x40, s24, s21, $0xb8;
	[tilespmem:$0x1E400] =	vst v63  }
.LBB2_10:
0x101: {  	_ =	sfence.sel $0x180000  }
0x102: {  	[bflag:$0x0] =	sbarrier.arrive $0xFFFF  }
0x103: {  	_ =	strace $0x9000004A  }
0x104: {  	s0 =	stileid.u32;
	[bflag:$0x2] =	sbarrier.arrive $0xFFFF  }
0x105: {  	p0 =	sne.s32 s0, $0x0;
	s0 =	rddreg [dreg:$0x3]  }
0x106: {  	s0 =	sadd.s32 @!p0 $0x100000, s0  }
0x107: {  	[sflag:s0] =	ssyncadd.tile.s32 @!p0 $0x1;
	_ =	shalt  }
.Lfunc_end2:
_tile_overlayer_lowered:
.L_overlay_start_2:
0x108: {  	(tag) =	ssettag $0x2  }
0x109: {  	s0 =	rddreg [dreg:$0x0];
	s2 =	stileid.u32  }
0x10a: {  	s1 =	rddreg [dreg:$0x1];
	p0 =	sne.s32 s2, $0x0  }
0x10b: {  	s3 =	rddreg [dreg:$0x2];
	[bflag:$0x3] =	sbarrier.arrive $0xFFFF;
	s2 =	simm.s32 @!p0 $0x1C09  }
0x10c: {  	[timem:s3], [sflag:s2] =	dma.local @!p0 [hbm:s0], s1  }
0x10d: {  	s0 =	simm.s32 @!p0 $0x9  }
0x10e: {  	_ =	swait.ge @!p0 [sflag:s0], s1  }
0x10f: {  	s1 =	ssub.s32 @!p0 $0x0, s1;
	[sflag:s0] =	ssyncset.done @!p0 $0x0  }
0x110: {  	[sflag:s0] =	ssyncadd.s32 @!p0 s1  }
0x111: {  	[bflag:$0x3] =	sbarrier.arrive $0xFFFF  }
0x112: {  	_ =	shalt  }

// kernel: kernel.17.cloned.1.call-start
scs
__scs_entry_jumppad:
0x0: {  	(pc) =	sbr.rel $0x88, $3  }
0x1: {  	(tag) =	ssettag $0x0;
	lr =	simm.s32 $0x1  }
0x2: {  	[smem:$0x3F96] =	sst lr;
	_ =	strace $0xD0000000  }
0x3: {  	_ = 	snop  }
0x4: {  	_ = 	snop  }
0x5: {  	_ = 	snop  }
0x6: {  	_ = 	snop  }
0x7: {  	_ = 	snop  }
__scs_overlays_trampoline_lowered:
0x8: {  	[smem:$0x3FA5] =	sst s0  }
0x9: {  	[smem:$0x3FA6] =	sst s1  }
0xa: {  	[smem:$0x3FA7] =	sst s2  }
0xb: {  	[smem:$0x3FA8] =	sst s3  }
0xc: {  	[smem:$0x3FA9] =	sst s4  }
0xd: {  	[smem:$0x3FAA] =	sst s5  }
0xe: {  	[smem:$0x3FAB] =	sst s6  }
0xf: {  	[smem:$0x3FAC] =	sst s7  }
0x10: {  	[smem:$0x3FAD] =	sst s8  }
0x11: {  	[smem:$0x3FAE] =	sst s9;
	s0 =	simm.s32 @!p0 $0x0  }
0x12: {  	s1 =	sld [smem:$0x3F94];
	s0 =	simm.s32 @p0 $0x1  }
0x13: {  	[smem:$0x3FAF] =	sst s0;
	s0 =	simm.s32 @!p1 $0x0  }
0x14: {  	s2 =	sld [smem:$0x3F93];
	s0 =	simm.s32 @p1 $0x1  }
0x15: {  	[smem:$0x3FB0] =	sst s0;
	s0 =	simm.s32 @!p2 $0x0  }
0x16: {  	s3 =	sld [smem:$0x3FDB];
	s0 =	simm.s32 @p2 $0x1  }
0x17: {  	s4 =	simm.s32 $0x1BF5;
	[smem:$0x3FB2] =	sst s0  }
0x18: {  	s0 =	sld [smem:$0x3F95];
	_ =	swait.ge [sflag:s4], $0x0  }
0x19: {  	s7 =	sld [smem:$0x3F96]  }
0x1a: {  	s8 =	sadd.s32 $0xFFFFE003, lr  }
0x1b: {  	s9 =	sadd.s32 $0xFFFFFEF7, lr;
	s5 =	simm.s32 $0xFFFFFFFF;
	p2 =	slt.u32 s8, $0xFFFFF086  }
0x1c: {  	p1 =	slt.u32 s9, $0xF7A;
	s5 =	simm.s32 @!p2 $0x0  }
0x1d: {  	s5 =	simm.s32 @p1 $0x1;
	p0 =	seq.s32 s7, s2  }
0x1e: {  	s7 =	smul.u32 @!p0 $0xF7A, s2;
	p2 =	seq.s32 @!p0 s5, $0x0  }
0x1f: {  	s9 =	smul.u32 $0xF7A, s1;
	s8 =	simm.s32 @!p0 $0x1BF5;
	p2 =	por !p2, p0  }
0x20: {  	[sflag:s8] =	ssyncset.s32 @!p0 $0xFFFFF086;
	s6 =	sadd.s32 @!p0 s3, s7;
	s7 =	simm.s32 @!p0 $0x108  }
0x21: {  	s3 =	sadd.s32 s3, s9;
	s6 =	sadd.s32 @!p0 $0x88, s6;
	s7 =	simm.s32 @p2 $0x1082  }
0x22: {  	[simem:s7], [sflag:s8] =	dma.local @!p0 [hbm:s6], $0xF7A  }
0x23: {  	s9 =	sor.u32 $0xD0000000, s2;
	s6 =	simm.s32 $0x108;
	_ =	swait.ge @!p0 [sflag:s8], $0x0  }
0x24: {  	s3 =	sadd.s32 $0x88, s3;
	s6 =	simm.s32 @!p1 $0x1082;
	[sflag:s4] =	ssyncset.s32 $0xFFFFF086  }
0x25: {  	[simem:s6], [sflag:s4] =	dma.local [hbm:s3], $0xF7A  }
0x26: {  	[smem:$0x3F96] =	sst s1;
	(tag) =	ssettag s2;
	_ =	strace s9  }
0x27: {  	s1 =	sld [smem:$0x3FA6]  }
0x28: {  	s2 =	sld [smem:$0x3FA7]  }
0x29: {  	s4 =	sld [smem:$0x3FA9]  }
0x2a: {  	p0 =	seq.s32 s5, $0x0;
	s5 =	sld [smem:$0x3FAA]  }
0x2b: {  	s6 =	sld [smem:$0x3FAB]  }
0x2c: {  	s7 =	sld [smem:$0x3FAC]  }
0x2d: {  	s3 =	simm.s32 $0x108;
	s8 =	sld [smem:$0x3FAD]  }
0x2e: {  	s3 =	simm.s32 @!p0 $0x1082;
	s9 =	sld [smem:$0x3FAE]  }
0x2f: {  	lr =	sadd.s32 s0, s3;
	s0 =	sld [smem:$0x3FA5]  }
0x30: {  	s3 =	sld [smem:$0x3FA8]  }
0x31: {  	[smem:$0x3FB1] =	sst s10  }
0x32: {  	s10 =	sld [smem:$0x3FAF];
	_ =	sdelay $0x3  }
0x33: {  	p0 =	seq.s32 s10, $0x1;
	s10 =	sld [smem:$0x3FB1];
	_ =	sdelay $0x3  }
0x34: {  	[smem:$0x3FB1] =	sst s10  }
0x35: {  	s10 =	sld [smem:$0x3FB0];
	_ =	sdelay $0x3  }
0x36: {  	p1 =	seq.s32 s10, $0x1;
	s10 =	sld [smem:$0x3FB1];
	_ =	sdelay $0x3  }
0x37: {  	[smem:$0x3FB1] =	sst s10  }
0x38: {  	s10 =	sld [smem:$0x3FB2]  }
0x39: {  	_ = 	snop;
	(pc) =	sbr.ind lr, $3  }
0x3a: {  	_ = 	snop  }
0x3b: {  	_ = 	snop  }
0x3c: {  	p2 =	seq.s32 s10, $0x1;
	s10 =	sld [smem:$0x3FB1]  }
0x3d: {  	_ =	shalt  }
0x3e: {  	_ =	shalt  }
0x3f: {  	_ =	shalt  }
0x40: {  	_ =	shalt  }
0x41: {  	_ =	shalt  }
0x42: {  	_ =	shalt  }
0x43: {  	_ =	shalt  }
0x44: {  	_ =	shalt  }
0x45: {  	_ =	shalt  }
0x46: {  	_ =	shalt  }
0x47: {  	_ =	shalt  }
0x48: {  	_ =	shalt  }
0x49: {  	_ =	shalt  }
0x4a: {  	_ =	shalt  }
0x4b: {  	_ =	shalt  }
0x4c: {  	_ =	shalt  }
0x4d: {  	_ =	shalt  }
0x4e: {  	_ =	shalt  }
0x4f: {  	_ =	shalt  }
0x50: {  	_ =	shalt  }
0x51: {  	_ =	shalt  }
0x52: {  	_ =	shalt  }
0x53: {  	_ =	shalt  }
0x54: {  	_ =	shalt  }
0x55: {  	_ =	shalt  }
0x56: {  	_ =	shalt  }
0x57: {  	_ =	shalt  }
0x58: {  	_ =	shalt  }
0x59: {  	_ =	shalt  }
0x5a: {  	_ =	shalt  }
0x5b: {  	_ =	shalt  }
0x5c: {  	_ =	shalt  }
0x5d: {  	_ =	shalt  }
0x5e: {  	_ =	shalt  }
0x5f: {  	_ =	shalt  }
0x60: {  	_ =	shalt  }
0x61: {  	_ =	shalt  }
0x62: {  	_ =	shalt  }
0x63: {  	_ =	shalt  }
0x64: {  	_ =	shalt  }
0x65: {  	_ =	shalt  }
0x66: {  	_ =	shalt  }
0x67: {  	_ =	shalt  }
0x68: {  	_ =	shalt  }
0x69: {  	_ =	shalt  }
0x6a: {  	_ =	shalt  }
0x6b: {  	_ =	shalt  }
0x6c: {  	_ =	shalt  }
0x6d: {  	_ =	shalt  }
0x6e: {  	_ =	shalt  }
0x6f: {  	_ =	shalt  }
0x70: {  	_ =	shalt  }
0x71: {  	_ =	shalt  }
0x72: {  	_ =	shalt  }
0x73: {  	_ =	shalt  }
0x74: {  	_ =	shalt  }
0x75: {  	_ =	shalt  }
0x76: {  	_ =	shalt  }
0x77: {  	_ =	shalt  }
0x78: {  	_ =	shalt  }
0x79: {  	_ =	shalt  }
0x7a: {  	_ =	shalt  }
0x7b: {  	_ =	shalt  }
0x7c: {  	_ =	shalt  }
0x7d: {  	_ =	shalt  }
0x7e: {  	_ =	shalt  }
0x7f: {  	_ =	shalt  }
0x80: {  	_ =	shalt  }
0x81: {  	_ =	shalt  }
0x82: {  	_ =	shalt  }
0x83: {  	_ =	shalt  }
0x84: {  	_ =	shalt  }
0x85: {  	_ =	shalt  }
0x86: {  	_ =	shalt  }
0x87: {  	_ =	shalt  }
.Lfunc_end0:
.L_simem_size_0:
called_computation.2_lowered:
.L_overlay_start_0:
0x88: {  	s2 =	sld [smem:$0x3FD9]  }
0x89: {  	s3 =	sld [smem:$0x3FFE];
	_ =	sdelay $0x1  }
0x8a: {  	s1 =	srdreg.scid  }
0x8b: {  	s0 =	sand.u32 $0x1, s1  }
0x8c: {  	s16 =	sshll.u32 s0, $0xA;
	s2 =	sadd.s32 s3, s2  }
0x8d: {  	s2 =	sadd.s32 s2, s16  }
0x8e: {  	[smem:$0x3FBD] =	sst s2  }
0x8f: {  	_ = 	snop  }
0x90: {  	(tm) =	ssettm $0x1  }
0x91: {  	s17 =	sld [smem:$0x3FFB];
	_ =	sdelay $0x3  }
0x92: {  	_ =	strace s17  }
0x93: {  	s2 =	sld [smem:$0x3FFC];
	_ =	sdelay $0x3  }
0x94: {  	_ =	strace s2  }
0x95: {  	s2 =	sld [smem:$0x3FFD];
	_ =	sdelay $0x3  }
0x96: {  	_ =	strace s2  }
0x97: {  	_ =	strace $0x8FFFFFFF  }
0x98: {  	s18 =	sld [smem:$0x3FDB];
	_ =	sdelay $0x1  }
0x99: {  	s19 =	simm.s32 $_scs_section_size  }
0x9a: {  	s4 =	simm.s32 $_size__tile_overlayer_lowered;
	s5 =	simm.s32 $_tile_overlayer_lowered  }
0x9b: {  	s22 =	simm.s32 $0x1BFF;
	s21 =	sshll.u32 s5, $0x1;
	s2 =	sadd.s32 s19, s18  }
0x9c: {  	s6 =	simm.s32 $0x0;
	s20 =	sshll.u32 s4, $0x1;
	s4 =	sadd.s32 s21, s2  }
0x9d: {  	[timem:s6], [sflag:s22] =	dma.local [hbm:s4], s20  }
0x9e: {  	_ =	swait.ge [sflag:s22], s20  }
0x9f: {  	s3 =	ssub.s32 $0x0, s20;
	[sflag:s22] =	ssyncset.done $0x0  }
0xa0: {  	[sflag:s22] =	ssyncadd.s32 s3;
	_ =	sdelay $0x1  }
0xa1: {  	s23 =	simm.s32 $0x1B8B  }
0xa2: {  	_ =	swait.ge [sflag:s23], $0x1  }
0xa3: {  	[sflag:s23] =	ssyncset.done $0x0  }
0xa4: {  	s25 =	simm.s32 $0x1B8E;
	s24 =	sld [smem:$0x3FFE];
	[sflag:s23] =	ssyncadd.s32 $0xFFFFFFFF  }
0xa5: {  	s26 =	simm.s32 $execute0_lowered;
	[smem:$0x3FD2] =	sst s25  }
0xa6: {  	s4 =	sshll.u32 s26, $0x1;
	_ =	strace $0x8000004C;
	[dreg:$0x1] =	wrdreg $0xFFFFFFFF  }
0xa7: {  	s28 =	simm.s32 $_size_execute0_lowered;
	s2 =	sadd.s32 s2, s4;
	[dreg:$0x0] =	wrdreg $0x0  }
0xa8: {  	s4 =	sshll.u32 s28, $0x1;
	[dreg:$0x2] =	wrdreg s2  }
0xa9: {  	[dreg:$0x3] =	wrdreg s4  }
0xaa: {  	[dreg:$0x4] =	wrdreg $0xC0  }
0xab: {  	_ =	task [dreg:s6], $0x5FFFF  }
0xac: {  	[dreg:$0x1] =	wrdreg $0xFFFFFFFF  }
0xad: {  	[dreg:$0x0] =	wrdreg $0x60  }
0xae: {  	[dreg:$0x2] =	wrdreg s24  }
0xaf: {  	[dreg:$0x3] =	wrdreg $0x146000  }
0xb0: {  	[dreg:$0x4] =	wrdreg $0xA8000  }
0xb1: {  	[dreg:$0x5] =	wrdreg $0x9  }
0xb2: {  	_ =	task.clear_ibuf [dreg:s6], $0x6FFFF;
	_ =	strace $0x9000004C  }
0xb3: {  	s29 =	simm.s32 $0x9;
	_ =	strace $0x8000004E  }
0xb4: {  	_ =	swait.ge [sflag:s29], $0x1  }
0xb5: {  	[sflag:s29] =	ssyncadd.s32 $0xFFFFFFFF  }
0xb6: {  	_ =	strace $0x9000004E  }
0xb7: {  	_ =	sfence  }
0xb8: {  	s30 =	sld [smem:$0x0];
	_ =	sdelay $0x2  }
0xb9: {  	s31 =	sshll.u32 s1, $0xD;
	s1 =	sshrl.u32 s1, $0x2  }
0xba: {  	s3 =	sand.u32 $0x4000, s31;
	s1 =	sadd.s32 s1, s30  }
0xbb: {  	s0 =	sor.u32 s3, s0;
	s1 =	sshll.u32 s1, $0x11  }
0xbc: {  	s0 =	sor.u32 s1, s0  }
0xbd: {  	s0 =	sadd.s32 $0x8F2B, s0  }
0xbe: {  	[sflag:s0] =	ssyncadd.remote.s32 $0x1  }
0xbf: {  	_ =	sfence.sel $0xFFFF  }
0xc0: {  	[dreg:$0x0] =	wrdreg $0xFFFFFFFF;
	(pc) =	sbr.abs _section_cstart, $3  }
0xc1: {  	[dreg:$0x1] =	wrdreg $0xFFFFFFFF  }
0xc2: {  	_ =	task.clear_ibuf [dreg:s6], $0x2FFFF;
	_ =	strace $0x9FFFFFFF  }
0xc3: {  	(tm) =	ssettm $0x7FFFFFFF  }
tec
execute0_lowered:
.L_overlay_start_1:
0x0: {  	(tag) =	ssettag $0x1  }
0x1: {  	s0 =	rddreg [dreg:$0x0]  }
0x2: {  	s1 =	rddreg [dreg:$0x1]  }
0x3: {  	s2 =	rddreg [dreg:$0x2];
	s3 =	simm.s32 $0x0;
	s4 =	srdreg.scid  }
0x4: {  	s10 =	stileid.u32;
	s28 =	simm.s32 $0x1480;
	s29 =	simm.s32 $0x180  }
0x5: {  	s30 =	simm.s32 $0x8800;
	s31 =	simm.s32 $0x3;
	s14 =	simm.s32 $0x0  }
0x6: {  	[smem:$0x7FF] =	sst s3;
	s5 =	sadd.s32 $0x1F000, s0;
	s4 =	sand.u32 $0x1, s4  }
0x7: {  	s6 =	sadd.s32 $0x15000, s0;
	s8 =	sadd.s32 $0x3600, s0;
	s11 =	smul.u32 $0x9E00, s10  }
0x8: {  	s0 =	sadd.s32 $0x32C00, s0;
	_ =	strace $0x8000004D;
	s7 =	ssub.s32 $0x2, s4  }
0x9: {  	s17 =	sshll.u32 s4, $0x4;
	s4 =	smul.u32 $0x9E000, s4;
	s9 =	sshrl.u32 s7, $0x1  }
0xa: {  	s18 =	sshrl.u32 s11, $0x3;
	s12 =	sadd.s32 $0x5000, s11;
	s20 =	sadd.s32 s11, s1  }
0xb: {  	s7 =	ssub.s32 s7, s9;
	s9 =	sor.u32 s10, s17;
	s10 =	sadd.s32 s5, s18  }
0xc: {  	s19 =	sshrl.u32 s12, $0x3;
	[dreg:$0x5] =	wrdreg s20;
	s21 =	sadd.s32 s12, s1  }
0xd: {  	s18 =	simm.s32 $0x2800;
	s20 =	simm.s32 $0x1400;
	[dreg:$0x4] =	wrdreg s10  }
0xe: {  	s13 =	smul.u32 $0x2800, s9;
	s5 =	sadd.s32 s5, s19;
	[dreg:$0x7] =	wrdreg s21  }
0xf: {  	s9 =	sadd.s32 s11, s2;
	s10 =	sadd.s32 s12, s2;
	s11 =	sadd.s32 s11, s4  }
0x10: {  	s4 =	sadd.s32 s4, s12;
	s26 =	smax.u32 s7, $0x1;
	s19 =	simm.s32 $0x9  }
0x11: {  	s21 =	simm.s32 $0x80;
	s7 =	simm.s32 $0x1580;
	s12 =	simm.s32 $0x7  }
0x12: {  	[dreg:$0x6] =	wrdreg s5;
	s24 =	sshrl.u32 s11, $0x3;
	s4 =	sshrl.u32 s4, $0x3  }
0x13: {  	[dreg:$0xe] =	wrdreg s26;
	s26 =	simm.s32 $0x2;
	s11 =	simm.s32 $0x280  }
0x14: {  	s22 =	sshrl.u32 s13, $0x3;
	s25 =	sadd.s32 s0, s24;
	s0 =	sadd.s32 s0, s4  }
0x15: {  	s4 =	simm.s32 $0x5;
	s13 =	sadd.s32 s6, s22;
	[dreg:$0xc] =	wrdreg s25  }
0x16: {  	s23 =	sadd.s32 s8, s22;
	s5 =	sadd.s32 $0x280, s22;
	[dreg:$0xd] =	wrdreg s0  }
.Ltmp0:
0x17: {  	s22 =	simm.s32 $0x4800;
	[dreg:$0x8] =	wrdreg s13;
	(pc) =	sbr.rel .LBB2_1-.Ltmp0, $4  }
0x18: {  	s25 =	simm.s32 $0x6800;
	s0 =	simm.s32 $0x1500;
	[dreg:$0x9] =	wrdreg s23  }
0x19: {  	s6 =	sadd.s32 s6, s5;
	s5 =	sadd.s32 s8, s5;
	s23 =	simm.s32 $0x1  }
0x1a: {  	s8 =	simm.s32 $0x6;
	s13 =	simm.s32 $0x8;
	[dreg:$0xa] =	wrdreg s6  }
0x1b: {  	v0 =	vimm.f32 $0.0e+00;
	[dreg:$0xb] =	wrdreg s5;
	s5 =	simm.s32 $0x200;
	s6 =	simm.s32 $0x4  }
.LBB2_9:
0x1c: {  	_ =	swait.ge [sflag:s6], $0x2000  }
0x1d: {  	[sflag:s6] =	ssyncset.done $0x0  }
0x1e: {  	[sflag:s6] =	ssyncadd.s32 $0xFFFFE000  }
0x1f: {  	[spmem:s2] =	stream.indirect.scatter.add.f32 [tilespmem:s30], [sflag:$0x8], $0x40, s17, s21, $0xb8;
	[tilespmem:$0x1E400] =	vst v63  }
0x20: {  	_ =	swait.ge [sflag:s8], $0x2000  }
0x21: {  	[sflag:s8] =	ssyncset.done $0x0  }
0x22: {  	[sflag:s8] =	ssyncadd.s32 $0xFFFFE000  }
0x23: {  	_ =	swait.ge [sflag:s12], $0x2000  }
0x24: {  	[sflag:s12] =	ssyncset.done $0x0  }
0x25: {  	[sflag:s12] =	ssyncadd.s32 $0xFFFFE000  }
0x26: {  	_ =	swait.ge [sflag:s13], $0x2000  }
0x27: {  	[sflag:s13] =	ssyncset.done $0x0  }
0x28: {  	[sflag:s13] =	ssyncadd.s32 $0xFFFFE000  }
0x29: {  	[bflag:$0x0] =	sbarrier.arrive $0xFFFF  }
0x2a: {  	[tilespmem:s18], [sflag:$0x9] =	stream.linear.gather [spmem:s9], $0x5000, $0x38;
	[tilespmem:$0x1E400] =	vst v63  }
0x2b: {  	_ =	swait.ge [sflag:s19], $0x5000  }
0x2c: {  	[sflag:s19] =	ssyncset.done $0x0  }
0x2d: {  	s15 =	rddreg [dreg:$0xc];
	[sflag:s19] =	ssyncadd.s32 $0xFFFFB000  }
0x2e: {  	[hbm4b:s15+s3] =	stream.linear.scatter [tilespmem:s18], [sflag:$0x9], $0x5000, $0x38;
	[tilespmem:$0x1E400] =	vst v63  }
0x2f: {  	_ =	swait.ge [sflag:s19], $0x5000  }
0x30: {  	[sflag:s19] =	ssyncset.done $0x0  }
0x31: {  	[sflag:s19] =	ssyncadd.s32 $0xFFFFB000  }
0x32: {  	[tilespmem:s18], [sflag:$0x9] =	stream.linear.gather [spmem:s10], $0x4E00, $0x38;
	[tilespmem:$0x1E400] =	vst v63  }
0x33: {  	_ =	swait.ge [sflag:s19], $0x4E00  }
0x34: {  	[sflag:s19] =	ssyncset.done $0x0  }
0x35: {  	s17 =	rddreg [dreg:$0xd];
	[sflag:s19] =	ssyncadd.s32 $0xFFFFB200  }
0x36: {  	[hbm4b:s17+s3] =	stream.linear.scatter [tilespmem:s18], [sflag:$0x9], $0x4E00, $0x38;
	[tilespmem:$0x1E400] =	vst v63  }
0x37: {  	_ =	swait.ge [sflag:s19], $0x4E00  }
0x38: {  	s14 =	sadd.s32 $0x1, s14;
	s24 =	rddreg [dreg:$0xe]  }
0x39: {  	p0 =	sne.s32 s14, s24  }
.Ltmp1:
0x3a: {  	_ = 	snop;
	(pc) =	sbr.rel @!p0 .LBB2_10-.Ltmp1, $3  }
0x3b: {  	_ =	sdelay $0x1  }
0x3c: {  	[sflag:s19] =	ssyncset.done $0x0  }
0x3d: {  	[sflag:s19] =	ssyncadd.s32 $0xFFFFB200  }
.LBB2_1:
0x3e: {  	s15 =	rddreg [dreg:$0x4]  }
0x3f: {  	[tilespmem:s18], [sflag:$0x9] =	stream.linear.gather [hbm4b:s15+s3], $0x5000, $0x38;
	[tilespmem:$0x1E400] =	vst v63  }
0x40: {  	_ =	swait.ge [sflag:s19], $0x5000  }
0x41: {  	[sflag:s19] =	ssyncset.done $0x0  }
0x42: {  	s16 =	rddreg [dreg:$0x5];
	[sflag:s19] =	ssyncadd.s32 $0xFFFFB000  }
0x43: {  	[spmem:s16] =	stream.linear.scatter [tilespmem:s18], [sflag:$0x9], $0x5000, $0x38;
	[tilespmem:$0x1E400] =	vst v63  }
0x44: {  	_ =	swait.ge [sflag:s19], $0x5000  }
0x45: {  	[sflag:s19] =	ssyncset.done $0x0  }
0x46: {  	s17 =	rddreg [dreg:$0x6];
	[sflag:s19] =	ssyncadd.s32 $0xFFFFB000  }
0x47: {  	[tilespmem:s18], [sflag:$0x9] =	stream.linear.gather [hbm4b:s17+s3], $0x4E00, $0x38;
	[tilespmem:$0x1E400] =	vst v63  }
0x48: {  	_ =	swait.ge [sflag:s19], $0x4E00  }
0x49: {  	[sflag:s19] =	ssyncset.done $0x0  }
0x4a: {  	s24 =	rddreg [dreg:$0x7];
	[sflag:s19] =	ssyncadd.s32 $0xFFFFB200  }
0x4b: {  	[spmem:s24] =	stream.linear.scatter [tilespmem:s18], [sflag:$0x9], $0x4E00, $0x38;
	[tilespmem:$0x1E400] =	vst v63  }
0x4c: {  	_ =	swait.ge [sflag:s19], $0x4E00  }
0x4d: {  	[sflag:s19] =	ssyncset.done $0x0  }
0x4e: {  	s15 =	simm.s32 $0x0;
	s16 =	simm.s32 $0x100;
	[sflag:s19] =	ssyncadd.s32 $0xFFFFB200  }
.LBB2_2:
0x4f: {  	p0 =	sne.s32 s16, $0x13F00;
	[tilespmem:s15+$0x2830] =	vst v0;
	s17 =	smov.u32 s16;
	s16 =	sadd.s32 $0x100, s16  }
.Ltmp2:
0x50: {  	[tilespmem:s15+$0x2820] =	vst v0;
	(pc) =	sbr.rel @p0 .LBB2_2-.Ltmp2, $3  }
0x51: {  	[tilespmem:s15+$0x2800] =	vst v0  }
0x52: {  	[tilespmem:s15+$0x2810] =	vst v0;
	_ =	sdelay $0x1  }
0x53: {  	s15 =	sshra.s32 s17, $0x2  }
0x54: {  	[tilespmem:s15+$0x2830] =	vst v0  }
0x55: {  	[tilespmem:s15+$0x2820] =	vst v0  }
0x56: {  	[tilespmem:s15+$0x2800] =	vst v0  }
0x57: {  	[tilespmem:s15+$0x2810] =	vst v0  }
0x58: {  	[spmem:s9] =	stream.linear.scatter [tilespmem:s18], [sflag:$0x9], $0x5000, $0x38;
	[tilespmem:$0x1E400] =	vst v63  }
0x59: {  	_ =	swait.ge [sflag:s19], $0x5000  }
0x5a: {  	[sflag:s19] =	ssyncset.done $0x0  }
0x5b: {  	[sflag:s19] =	ssyncadd.s32 $0xFFFFB000  }
0x5c: {  	[spmem:s10] =	stream.linear.scatter [tilespmem:s18], [sflag:$0x9], $0x4E00, $0x38;
	[tilespmem:$0x1E400] =	vst v63  }
0x5d: {  	_ =	swait.ge [sflag:s19], $0x4E00  }
0x5e: {  	[sflag:s19] =	ssyncset.done $0x0  }
0x5f: {  	[sflag:s19] =	ssyncadd.s32 $0xFFFFB200  }
0x60: {  	[bflag:$0x0] =	sbarrier.arrive $0xFFFF  }
0x61: {  	s15 =	simm.s32 $0x0;
	s16 =	rddreg [dreg:$0x8]  }
0x62: {  	[tilespmem:s15], [sflag:$0x9] =	stream.linear.gather [hbm4b:s16+s15], $0x1400, $0x38;
	[tilespmem:$0x1E400] =	vst v63  }
0x63: {  	_ =	swait.ge [sflag:s19], $0x1400  }
0x64: {  	[sflag:s19] =	ssyncset.done $0x0  }
0x65: {  	s17 =	rddreg [dreg:$0x9];
	[sflag:s19] =	ssyncadd.s32 $0xFFFFEC00  }
0x66: {  	[tilespmem:s20], [sflag:$0x9] =	stream.linear.gather [hbm4b:s17+s15], $0x1400, $0x38;
	[tilespmem:$0x1E400] =	vst v63  }
0x67: {  	_ =	swait.ge [sflag:s19], $0x1400  }
0x68: {  	[sflag:s19] =	ssyncset.done $0x0  }
0x69: {  	[sflag:s19] =	ssyncadd.s32 $0xFFFFEC00  }
0x6a: {  	[tilespmem:s18], [sflag:$0x1] =	stream.indirect.gather [spmem:s1], $0x40, s15, s21, $0xb8;
	[tilespmem:$0x1E400] =	vst v63  }
0x6b: {  	_ = 	snop  }
0x6c: {  	[tilespmem:s22], [sflag:$0x2] =	stream.indirect.gather [spmem:s1], $0x40, s21, s21, $0xb8;
	[tilespmem:$0x1E400] =	vst v63  }
0x6d: {  	_ =	swait.ge [sflag:s23], $0x2000  }
0x6e: {  	[sflag:s23] =	ssyncset.done $0x0  }
0x6f: {  	[sflag:s23] =	ssyncadd.s32 $0xFFFFE000  }
0x70: {  	[spmem:s2] =	stream.indirect.scatter.add.f32 [tilespmem:s18], [sflag:$0x5], $0x40, s20, s21, $0xb8;
	[tilespmem:$0x1E400] =	vst v63  }
0x71: {  	s24 =	simm.s32 $0x100  }
0x72: {  	[tilespmem:s25], [sflag:$0x3] =	stream.indirect.gather [spmem:s1], $0x40, s24, s21, $0xb8;
	[tilespmem:$0x1E400] =	vst v63  }
0x73: {  	_ =	swait.ge [sflag:s26], $0x2000  }
0x74: {  	[sflag:s26] =	ssyncset.done $0x0  }
0x75: {  	[sflag:s26] =	ssyncadd.s32 $0xFFFFE000  }
0x76: {  	[spmem:s2] =	stream.indirect.scatter.add.f32 [tilespmem:s22], [sflag:$0x6], $0x40, s28, s21, $0xb8;
	[tilespmem:$0x1E400] =	vst v63  }
0x77: {  	_ = 	snop  }
0x78: {  	[tilespmem:s30], [sflag:$0x4] =	stream.indirect.gather [spmem:s1], $0x40, s29, s21, $0xb8;
	[tilespmem:$0x1E400] =	vst v63  }
0x79: {  	_ =	swait.ge [sflag:s31], $0x2000  }
0x7a: {  	[sflag:s31] =	ssyncset.done $0x0  }
0x7b: {  	[sflag:s31] =	ssyncadd.s32 $0xFFFFE000  }
0x7c: {  	[spmem:s2] =	stream.indirect.scatter.add.f32 [tilespmem:s25], [sflag:$0x7], $0x40, s0, s21, $0xb8;
	[tilespmem:$0x1E400] =	vst v63  }
0x7d: {  	_ =	swait.ge [sflag:s4], $0x2000  }
0x7e: {  	[sflag:s4] =	ssyncset.done $0x0  }
0x7f: {  	[sflag:s4] =	ssyncadd.s32 $0xFFFFE000  }
0x80: {  	[tilespmem:s18], [sflag:$0x1] =	stream.indirect.gather [spmem:s1], $0x40, s5, s21, $0xb8;
	[tilespmem:$0x1E400] =	vst v63  }
0x81: {  	_ =	swait.ge [sflag:s6], $0x2000  }
0x82: {  	[sflag:s6] =	ssyncset.done $0x0  }
0x83: {  	[sflag:s6] =	ssyncadd.s32 $0xFFFFE000  }
0x84: {  	[spmem:s2] =	stream.indirect.scatter.add.f32 [tilespmem:s30], [sflag:$0x8], $0x40, s7, s21, $0xb8;
	[tilespmem:$0x1E400] =	vst v63  }
0x85: {  	_ =	swait.ge [sflag:s8], $0x2000  }
0x86: {  	[sflag:s8] =	ssyncset.done $0x0  }
0x87: {  	[sflag:s8] =	ssyncadd.s32 $0xFFFFE000  }
0x88: {  	[tilespmem:s22], [sflag:$0x2] =	stream.indirect.gather [spmem:s1], $0x40, s11, s21, $0xb8;
	[tilespmem:$0x1E400] =	vst v63  }
.LBB2_4:
0x89: {  	_ =	swait.ge [sflag:s23], $0x2000  }
0x8a: {  	s16 =	sshra.s32 s15, $0x2;
	[sflag:s23] =	ssyncset.done $0x0  }
0x8b: {  	s17 =	sadd.s32 $0x1600, s16;
	[sflag:s23] =	ssyncadd.s32 $0xFFFFE000  }
0x8c: {  	[spmem:s2] =	stream.indirect.scatter.add.f32 [tilespmem:s18], [sflag:$0x5], $0x40, s17, s21, $0xb8;
	[tilespmem:$0x1E400] =	vst v63  }
0x8d: {  	_ =	swait.ge [sflag:s12], $0x2000  }
0x8e: {  	[sflag:s12] =	ssyncset.done $0x0  }
0x8f: {  	s24 =	sadd.s32 $0x300, s16;
	[sflag:s12] =	ssyncadd.s32 $0xFFFFE000  }
0x90: {  	[tilespmem:s25], [sflag:$0x3] =	stream.indirect.gather [spmem:s1], $0x40, s24, s21, $0xb8;
	[tilespmem:$0x1E400] =	vst v63  }
0x91: {  	_ =	swait.ge [sflag:s26], $0x2000  }
0x92: {  	[sflag:s26] =	ssyncset.done $0x0  }
0x93: {  	s24 =	sadd.s32 $0x1680, s16;
	[sflag:s26] =	ssyncadd.s32 $0xFFFFE000  }
0x94: {  	[spmem:s2] =	stream.indirect.scatter.add.f32 [tilespmem:s22], [sflag:$0x6], $0x40, s24, s21, $0xb8;
	[tilespmem:$0x1E400] =	vst v63  }
0x95: {  	_ =	swait.ge [sflag:s13], $0x2000  }
0x96: {  	[sflag:s13] =	ssyncset.done $0x0  }
0x97: {  	s24 =	sadd.s32 $0x380, s16;
	[sflag:s13] =	ssyncadd.s32 $0xFFFFE000  }
0x98: {  	[tilespmem:s30], [sflag:$0x4] =	stream.indirect.gather [spmem:s1], $0x40, s24, s21, $0xb8;
	[tilespmem:$0x1E400] =	vst v63  }
0x99: {  	_ =	swait.ge [sflag:s31], $0x2000  }
0x9a: {  	p0 =	seq.s32 s15, $0x4000;
	[sflag:s31] =	ssyncset.done $0x0  }
.Ltmp3:
0x9b: {  	s24 =	sadd.s32 $0x1700, s16;
	[sflag:s31] =	ssyncadd.s32 $0xFFFFE000;
	(pc) =	sbr.rel @p0 .LBB2_6-.Ltmp3, $4  }
0x9c: {  	[spmem:s2] =	stream.indirect.scatter.add.f32 [tilespmem:s25], [sflag:$0x7], $0x40, s24, s21, $0xb8;
	[tilespmem:$0x1E400] =	vst v63  }
0x9d: {  	_ =	swait.ge [sflag:s4], $0x2000  }
0x9e: {  	[sflag:s4] =	ssyncset.done $0x0  }
0x9f: {  	s17 =	sadd.s32 $0x1780, s16;
	[sflag:s4] =	ssyncadd.s32 $0xFFFFE000  }
0xa0: {  	s24 =	sadd.s32 $0x400, s16  }
0xa1: {  	[tilespmem:s18], [sflag:$0x1] =	stream.indirect.gather [spmem:s1], $0x40, s24, s21, $0xb8;
	[tilespmem:$0x1E400] =	vst v63  }
0xa2: {  	_ =	swait.ge [sflag:s6], $0x2000  }
0xa3: {  	[sflag:s6] =	ssyncset.done $0x0  }
0xa4: {  	[sflag:s6] =	ssyncadd.s32 $0xFFFFE000  }
0xa5: {  	[spmem:s2] =	stream.indirect.scatter.add.f32 [tilespmem:s30], [sflag:$0x8], $0x40, s17, s21, $0xb8;
	[tilespmem:$0x1E400] =	vst v63  }
.Ltmp4:
0xa6: {  	_ = 	snop;
	(pc) =	sbr.rel .LBB2_4-.Ltmp4, $4  }
0xa7: {  	_ =	swait.ge [sflag:s8], $0x2000  }
0xa8: {  	[sflag:s8] =	ssyncset.done $0x0  }
0xa9: {  	s15 =	sadd.s32 $0x800, s15;
	s24 =	sadd.s32 $0x480, s16;
	[sflag:s8] =	ssyncadd.s32 $0xFFFFE000  }
0xaa: {  	[tilespmem:s22], [sflag:$0x2] =	stream.indirect.gather [spmem:s1], $0x40, s24, s21, $0xb8;
	[tilespmem:$0x1E400] =	vst v63  }
.LBB2_6:
0xab: {  	_ =	swait.ge [sflag:s6], $0x2000  }
0xac: {  	[sflag:s6] =	ssyncset.done $0x0  }
0xad: {  	[sflag:s6] =	ssyncadd.s32 $0xFFFFE000  }
0xae: {  	[spmem:s2] =	stream.indirect.scatter.add.f32 [tilespmem:s30], [sflag:$0x8], $0x40, s17, s21, $0xb8;
	[tilespmem:$0x1E400] =	vst v63  }
0xaf: {  	_ =	swait.ge [sflag:s8], $0x2000  }
0xb0: {  	[sflag:s8] =	ssyncset.done $0x0  }
0xb1: {  	[sflag:s8] =	ssyncadd.s32 $0xFFFFE000  }
0xb2: {  	_ =	swait.ge [sflag:s12], $0x2000  }
0xb3: {  	[sflag:s12] =	ssyncset.done $0x0  }
0xb4: {  	[sflag:s12] =	ssyncadd.s32 $0xFFFFE000  }
0xb5: {  	_ =	swait.ge [sflag:s13], $0x2000  }
0xb6: {  	[sflag:s13] =	ssyncset.done $0x0  }
0xb7: {  	s15 =	simm.s32 $0x0;
	s16 =	rddreg [dreg:$0xa];
	[sflag:s13] =	ssyncadd.s32 $0xFFFFE000  }
0xb8: {  	[tilespmem:s15], [sflag:$0x9] =	stream.linear.gather [hbm4b:s16+s15], $0x1400, $0x38;
	[tilespmem:$0x1E400] =	vst v63  }
0xb9: {  	_ =	swait.ge [sflag:s19], $0x1400  }
0xba: {  	[sflag:s19] =	ssyncset.done $0x0  }
0xbb: {  	s17 =	rddreg [dreg:$0xb];
	[sflag:s19] =	ssyncadd.s32 $0xFFFFEC00  }
0xbc: {  	[tilespmem:s20], [sflag:$0x9] =	stream.linear.gather [hbm4b:s17+s15], $0x1400, $0x38;
	[tilespmem:$0x1E400] =	vst v63  }
0xbd: {  	_ =	swait.ge [sflag:s19], $0x1400  }
0xbe: {  	[sflag:s19] =	ssyncset.done $0x0  }
0xbf: {  	[sflag:s19] =	ssyncadd.s32 $0xFFFFEC00  }
0xc0: {  	[tilespmem:s18], [sflag:$0x1] =	stream.indirect.gather [spmem:s1], $0x40, s15, s21, $0xb8;
	[tilespmem:$0x1E400] =	vst v63  }
0xc1: {  	_ = 	snop  }
0xc2: {  	[tilespmem:s22], [sflag:$0x2] =	stream.indirect.gather [spmem:s1], $0x40, s21, s21, $0xb8;
	[tilespmem:$0x1E400] =	vst v63  }
0xc3: {  	_ =	swait.ge [sflag:s23], $0x2000  }
0xc4: {  	[sflag:s23] =	ssyncset.done $0x0  }
0xc5: {  	[sflag:s23] =	ssyncadd.s32 $0xFFFFE000  }
0xc6: {  	[spmem:s2] =	stream.indirect.scatter.add.f32 [tilespmem:s18], [sflag:$0x5], $0x40, s20, s21, $0xb8;
	[tilespmem:$0x1E400] =	vst v63  }
0xc7: {  	s24 =	simm.s32 $0x100  }
0xc8: {  	[tilespmem:s25], [sflag:$0x3] =	stream.indirect.gather [spmem:s1], $0x40, s24, s21, $0xb8;
	[tilespmem:$0x1E400] =	vst v63  }
0xc9: {  	_ =	swait.ge [sflag:s26], $0x2000  }
0xca: {  	[sflag:s26] =	ssyncset.done $0x0  }
0xcb: {  	[sflag:s26] =	ssyncadd.s32 $0xFFFFE000  }
0xcc: {  	[spmem:s2] =	stream.indirect.scatter.add.f32 [tilespmem:s22], [sflag:$0x6], $0x40, s28, s21, $0xb8;
	[tilespmem:$0x1E400] =	vst v63  }
0xcd: {  	_ = 	snop  }
0xce: {  	[tilespmem:s30], [sflag:$0x4] =	stream.indirect.gather [spmem:s1], $0x40, s29, s21, $0xb8;
	[tilespmem:$0x1E400] =	vst v63  }
0xcf: {  	_ =	swait.ge [sflag:s31], $0x2000  }
0xd0: {  	[sflag:s31] =	ssyncset.done $0x0  }
0xd1: {  	[sflag:s31] =	ssyncadd.s32 $0xFFFFE000  }
0xd2: {  	[spmem:s2] =	stream.indirect.scatter.add.f32 [tilespmem:s25], [sflag:$0x7], $0x40, s0, s21, $0xb8;
	[tilespmem:$0x1E400] =	vst v63  }
0xd3: {  	_ =	swait.ge [sflag:s4], $0x2000  }
0xd4: {  	[sflag:s4] =	ssyncset.done $0x0  }
0xd5: {  	[sflag:s4] =	ssyncadd.s32 $0xFFFFE000  }
0xd6: {  	[tilespmem:s18], [sflag:$0x1] =	stream.indirect.gather [spmem:s1], $0x40, s5, s21, $0xb8;
	[tilespmem:$0x1E400] =	vst v63  }
0xd7: {  	_ =	swait.ge [sflag:s6], $0x2000  }
0xd8: {  	[sflag:s6] =	ssyncset.done $0x0  }
0xd9: {  	[sflag:s6] =	ssyncadd.s32 $0xFFFFE000  }
0xda: {  	[spmem:s2] =	stream.indirect.scatter.add.f32 [tilespmem:s30], [sflag:$0x8], $0x40, s7, s21, $0xb8;
	[tilespmem:$0x1E400] =	vst v63  }
0xdb: {  	_ =	swait.ge [sflag:s8], $0x2000  }
0xdc: {  	[sflag:s8] =	ssyncset.done $0x0  }
0xdd: {  	[sflag:s8] =	ssyncadd.s32 $0xFFFFE000  }
0xde: {  	[tilespmem:s22], [sflag:$0x2] =	stream.indirect.gather [spmem:s1], $0x40, s11, s21, $0xb8;
	[tilespmem:$0x1E400] =	vst v63  }
.LBB2_7:
0xdf: {  	_ =	swait.ge [sflag:s23], $0x2000  }
0xe0: {  	s16 =	sshra.s32 s15, $0x2;
	[sflag:s23] =	ssyncset.done $0x0  }
0xe1: {  	s17 =	sadd.s32 $0x1600, s16;
	[sflag:s23] =	ssyncadd.s32 $0xFFFFE000  }
0xe2: {  	[spmem:s2] =	stream.indirect.scatter.add.f32 [tilespmem:s18], [sflag:$0x5], $0x40, s17, s21, $0xb8;
	[tilespmem:$0x1E400] =	vst v63  }
0xe3: {  	_ =	swait.ge [sflag:s12], $0x2000  }
0xe4: {  	[sflag:s12] =	ssyncset.done $0x0  }
0xe5: {  	s24 =	sadd.s32 $0x300, s16;
	[sflag:s12] =	ssyncadd.s32 $0xFFFFE000  }
0xe6: {  	[tilespmem:s25], [sflag:$0x3] =	stream.indirect.gather [spmem:s1], $0x40, s24, s21, $0xb8;
	[tilespmem:$0x1E400] =	vst v63  }
0xe7: {  	_ =	swait.ge [sflag:s26], $0x2000  }
0xe8: {  	[sflag:s26] =	ssyncset.done $0x0  }
0xe9: {  	s24 =	sadd.s32 $0x1680, s16;
	[sflag:s26] =	ssyncadd.s32 $0xFFFFE000  }
0xea: {  	[spmem:s2] =	stream.indirect.scatter.add.f32 [tilespmem:s22], [sflag:$0x6], $0x40, s24, s21, $0xb8;
	[tilespmem:$0x1E400] =	vst v63  }
0xeb: {  	_ =	swait.ge [sflag:s13], $0x2000  }
0xec: {  	[sflag:s13] =	ssyncset.done $0x0  }
0xed: {  	s24 =	sadd.s32 $0x380, s16;
	[sflag:s13] =	ssyncadd.s32 $0xFFFFE000  }
0xee: {  	[tilespmem:s30], [sflag:$0x4] =	stream.indirect.gather [spmem:s1], $0x40, s24, s21, $0xb8;
	[tilespmem:$0x1E400] =	vst v63  }
0xef: {  	_ =	swait.ge [sflag:s31], $0x2000  }
0xf0: {  	p0 =	seq.s32 s15, $0x4000;
	[sflag:s31] =	ssyncset.done $0x0  }
.Ltmp5:
0xf1: {  	s24 =	sadd.s32 $0x1700, s16;
	[sflag:s31] =	ssyncadd.s32 $0xFFFFE000;
	(pc) =	sbr.rel @p0 .LBB2_9-.Ltmp5, $4  }
0xf2: {  	[spmem:s2] =	stream.indirect.scatter.add.f32 [tilespmem:s25], [sflag:$0x7], $0x40, s24, s21, $0xb8;
	[tilespmem:$0x1E400] =	vst v63  }
0xf3: {  	_ =	swait.ge [sflag:s4], $0x2000  }
0xf4: {  	[sflag:s4] =	ssyncset.done $0x0  }
0xf5: {  	s17 =	sadd.s32 $0x1780, s16;
	[sflag:s4] =	ssyncadd.s32 $0xFFFFE000  }
0xf6: {  	s24 =	sadd.s32 $0x400, s16  }
0xf7: {  	[tilespmem:s18], [sflag:$0x1] =	stream.indirect.gather [spmem:s1], $0x40, s24, s21, $0xb8;
	[tilespmem:$0x1E400] =	vst v63  }
0xf8: {  	_ =	swait.ge [sflag:s6], $0x2000  }
0xf9: {  	[sflag:s6] =	ssyncset.done $0x0  }
0xfa: {  	[sflag:s6] =	ssyncadd.s32 $0xFFFFE000  }
0xfb: {  	[spmem:s2] =	stream.indirect.scatter.add.f32 [tilespmem:s30], [sflag:$0x8], $0x40, s17, s21, $0xb8;
	[tilespmem:$0x1E400] =	vst v63  }
.Ltmp6:
0xfc: {  	_ = 	snop;
	(pc) =	sbr.rel .LBB2_7-.Ltmp6, $4  }
0xfd: {  	_ =	swait.ge [sflag:s8], $0x2000  }
0xfe: {  	[sflag:s8] =	ssyncset.done $0x0  }
0xff: {  	s15 =	sadd.s32 $0x800, s15;
	s24 =	sadd.s32 $0x480, s16;
	[sflag:s8] =	ssyncadd.s32 $0xFFFFE000  }
0x100: {  	[tilespmem:s22], [sflag:$0x2] =	stream.indirect.gather [spmem:s1], $0x40, s24, s21, $0xb8;
	[tilespmem:$0x1E400] =	vst v63  }
.LBB2_10:
0x101: {  	_ =	sfence.sel $0x180000  }
0x102: {  	[bflag:$0x0] =	sbarrier.arrive $0xFFFF  }
0x103: {  	_ =	strace $0x9000004D  }
0x104: {  	s0 =	stileid.u32;
	[bflag:$0x2] =	sbarrier.arrive $0xFFFF  }
0x105: {  	p0 =	sne.s32 s0, $0x0;
	s0 =	rddreg [dreg:$0x3]  }
0x106: {  	s0 =	sadd.s32 @!p0 $0x100000, s0  }
0x107: {  	[sflag:s0] =	ssyncadd.tile.s32 @!p0 $0x1;
	_ =	shalt  }
.Lfunc_end2:
_tile_overlayer_lowered:
.L_overlay_start_2:
0x108: {  	(tag) =	ssettag $0x2  }
0x109: {  	s0 =	rddreg [dreg:$0x0];
	s2 =	stileid.u32  }
0x10a: {  	s1 =	rddreg [dreg:$0x1];
	p0 =	sne.s32 s2, $0x0  }
0x10b: {  	s3 =	rddreg [dreg:$0x2];
	[bflag:$0x3] =	sbarrier.arrive $0xFFFF;
	s2 =	simm.s32 @!p0 $0x1C09  }
0x10c: {  	[timem:s3], [sflag:s2] =	dma.local @!p0 [hbm:s0], s1  }
0x10d: {  	s0 =	simm.s32 @!p0 $0x9  }
0x10e: {  	_ =	swait.ge @!p0 [sflag:s0], s1  }
0x10f: {  	s1 =	ssub.s32 @!p0 $0x0, s1;
	[sflag:s0] =	ssyncset.done @!p0 $0x0  }
0x110: {  	[sflag:s0] =	ssyncadd.s32 @!p0 s1  }
0x111: {  	[bflag:$0x3] =	sbarrier.arrive $0xFFFF  }
0x112: {  	_ =	shalt  }

// kernel: kernel.20.cloned.1.call-start
scs
__scs_entry_jumppad:
0x0: {  	(pc) =	sbr.rel $0x88, $3  }
0x1: {  	(tag) =	ssettag $0x0;
	lr =	simm.s32 $0x1  }
0x2: {  	[smem:$0x3F96] =	sst lr;
	_ =	strace $0xD0000000  }
0x3: {  	_ = 	snop  }
0x4: {  	_ = 	snop  }
0x5: {  	_ = 	snop  }
0x6: {  	_ = 	snop  }
0x7: {  	_ = 	snop  }
__scs_overlays_trampoline_lowered:
0x8: {  	[smem:$0x3FA5] =	sst s0  }
0x9: {  	[smem:$0x3FA6] =	sst s1  }
0xa: {  	[smem:$0x3FA7] =	sst s2  }
0xb: {  	[smem:$0x3FA8] =	sst s3  }
0xc: {  	[smem:$0x3FA9] =	sst s4  }
0xd: {  	[smem:$0x3FAA] =	sst s5  }
0xe: {  	[smem:$0x3FAB] =	sst s6  }
0xf: {  	[smem:$0x3FAC] =	sst s7  }
0x10: {  	[smem:$0x3FAD] =	sst s8  }
0x11: {  	[smem:$0x3FAE] =	sst s9;
	s0 =	simm.s32 @!p0 $0x0  }
0x12: {  	s1 =	sld [smem:$0x3F94];
	s0 =	simm.s32 @p0 $0x1  }
0x13: {  	[smem:$0x3FAF] =	sst s0;
	s0 =	simm.s32 @!p1 $0x0  }
0x14: {  	s2 =	sld [smem:$0x3F93];
	s0 =	simm.s32 @p1 $0x1  }
0x15: {  	[smem:$0x3FB0] =	sst s0;
	s0 =	simm.s32 @!p2 $0x0  }
0x16: {  	s3 =	sld [smem:$0x3FDB];
	s0 =	simm.s32 @p2 $0x1  }
0x17: {  	s4 =	simm.s32 $0x1BF5;
	[smem:$0x3FB2] =	sst s0  }
0x18: {  	s0 =	sld [smem:$0x3F95];
	_ =	swait.ge [sflag:s4], $0x0  }
0x19: {  	s7 =	sld [smem:$0x3F96]  }
0x1a: {  	s8 =	sadd.s32 $0xFFFFE003, lr  }
0x1b: {  	s9 =	sadd.s32 $0xFFFFFEF7, lr;
	s5 =	simm.s32 $0xFFFFFFFF;
	p2 =	slt.u32 s8, $0xFFFFF086  }
0x1c: {  	p1 =	slt.u32 s9, $0xF7A;
	s5 =	simm.s32 @!p2 $0x0  }
0x1d: {  	s5 =	simm.s32 @p1 $0x1;
	p0 =	seq.s32 s7, s2  }
0x1e: {  	s7 =	smul.u32 @!p0 $0xF7A, s2;
	p2 =	seq.s32 @!p0 s5, $0x0  }
0x1f: {  	s9 =	smul.u32 $0xF7A, s1;
	s8 =	simm.s32 @!p0 $0x1BF5;
	p2 =	por !p2, p0  }
0x20: {  	[sflag:s8] =	ssyncset.s32 @!p0 $0xFFFFF086;
	s6 =	sadd.s32 @!p0 s3, s7;
	s7 =	simm.s32 @!p0 $0x108  }
0x21: {  	s3 =	sadd.s32 s3, s9;
	s6 =	sadd.s32 @!p0 $0x88, s6;
	s7 =	simm.s32 @p2 $0x1082  }
0x22: {  	[simem:s7], [sflag:s8] =	dma.local @!p0 [hbm:s6], $0xF7A  }
0x23: {  	s9 =	sor.u32 $0xD0000000, s2;
	s6 =	simm.s32 $0x108;
	_ =	swait.ge @!p0 [sflag:s8], $0x0  }
0x24: {  	s3 =	sadd.s32 $0x88, s3;
	s6 =	simm.s32 @!p1 $0x1082;
	[sflag:s4] =	ssyncset.s32 $0xFFFFF086  }
0x25: {  	[simem:s6], [sflag:s4] =	dma.local [hbm:s3], $0xF7A  }
0x26: {  	[smem:$0x3F96] =	sst s1;
	(tag) =	ssettag s2;
	_ =	strace s9  }
0x27: {  	s1 =	sld [smem:$0x3FA6]  }
0x28: {  	s2 =	sld [smem:$0x3FA7]  }
0x29: {  	s4 =	sld [smem:$0x3FA9]  }
0x2a: {  	p0 =	seq.s32 s5, $0x0;
	s5 =	sld [smem:$0x3FAA]  }
0x2b: {  	s6 =	sld [smem:$0x3FAB]  }
0x2c: {  	s7 =	sld [smem:$0x3FAC]  }
0x2d: {  	s3 =	simm.s32 $0x108;
	s8 =	sld [smem:$0x3FAD]  }
0x2e: {  	s3 =	simm.s32 @!p0 $0x1082;
	s9 =	sld [smem:$0x3FAE]  }
0x2f: {  	lr =	sadd.s32 s0, s3;
	s0 =	sld [smem:$0x3FA5]  }
0x30: {  	s3 =	sld [smem:$0x3FA8]  }
0x31: {  	[smem:$0x3FB1] =	sst s10  }
0x32: {  	s10 =	sld [smem:$0x3FAF];
	_ =	sdelay $0x3  }
0x33: {  	p0 =	seq.s32 s10, $0x1;
	s10 =	sld [smem:$0x3FB1];
	_ =	sdelay $0x3  }
0x34: {  	[smem:$0x3FB1] =	sst s10  }
0x35: {  	s10 =	sld [smem:$0x3FB0];
	_ =	sdelay $0x3  }
0x36: {  	p1 =	seq.s32 s10, $0x1;
	s10 =	sld [smem:$0x3FB1];
	_ =	sdelay $0x3  }
0x37: {  	[smem:$0x3FB1] =	sst s10  }
0x38: {  	s10 =	sld [smem:$0x3FB2]  }
0x39: {  	_ = 	snop;
	(pc) =	sbr.ind lr, $3  }
0x3a: {  	_ = 	snop  }
0x3b: {  	_ = 	snop  }
0x3c: {  	p2 =	seq.s32 s10, $0x1;
	s10 =	sld [smem:$0x3FB1]  }
0x3d: {  	_ =	shalt  }
0x3e: {  	_ =	shalt  }
0x3f: {  	_ =	shalt  }
0x40: {  	_ =	shalt  }
0x41: {  	_ =	shalt  }
0x42: {  	_ =	shalt  }
0x43: {  	_ =	shalt  }
0x44: {  	_ =	shalt  }
0x45: {  	_ =	shalt  }
0x46: {  	_ =	shalt  }
0x47: {  	_ =	shalt  }
0x48: {  	_ =	shalt  }
0x49: {  	_ =	shalt  }
0x4a: {  	_ =	shalt  }
0x4b: {  	_ =	shalt  }
0x4c: {  	_ =	shalt  }
0x4d: {  	_ =	shalt  }
0x4e: {  	_ =	shalt  }
0x4f: {  	_ =	shalt  }
0x50: {  	_ =	shalt  }
0x51: {  	_ =	shalt  }
0x52: {  	_ =	shalt  }
0x53: {  	_ =	shalt  }
0x54: {  	_ =	shalt  }
0x55: {  	_ =	shalt  }
0x56: {  	_ =	shalt  }
0x57: {  	_ =	shalt  }
0x58: {  	_ =	shalt  }
0x59: {  	_ =	shalt  }
0x5a: {  	_ =	shalt  }
0x5b: {  	_ =	shalt  }
0x5c: {  	_ =	shalt  }
0x5d: {  	_ =	shalt  }
0x5e: {  	_ =	shalt  }
0x5f: {  	_ =	shalt  }
0x60: {  	_ =	shalt  }
0x61: {  	_ =	shalt  }
0x62: {  	_ =	shalt  }
0x63: {  	_ =	shalt  }
0x64: {  	_ =	shalt  }
0x65: {  	_ =	shalt  }
0x66: {  	_ =	shalt  }
0x67: {  	_ =	shalt  }
0x68: {  	_ =	shalt  }
0x69: {  	_ =	shalt  }
0x6a: {  	_ =	shalt  }
0x6b: {  	_ =	shalt  }
0x6c: {  	_ =	shalt  }
0x6d: {  	_ =	shalt  }
0x6e: {  	_ =	shalt  }
0x6f: {  	_ =	shalt  }
0x70: {  	_ =	shalt  }
0x71: {  	_ =	shalt  }
0x72: {  	_ =	shalt  }
0x73: {  	_ =	shalt  }
0x74: {  	_ =	shalt  }
0x75: {  	_ =	shalt  }
0x76: {  	_ =	shalt  }
0x77: {  	_ =	shalt  }
0x78: {  	_ =	shalt  }
0x79: {  	_ =	shalt  }
0x7a: {  	_ =	shalt  }
0x7b: {  	_ =	shalt  }
0x7c: {  	_ =	shalt  }
0x7d: {  	_ =	shalt  }
0x7e: {  	_ =	shalt  }
0x7f: {  	_ =	shalt  }
0x80: {  	_ =	shalt  }
0x81: {  	_ =	shalt  }
0x82: {  	_ =	shalt  }
0x83: {  	_ =	shalt  }
0x84: {  	_ =	shalt  }
0x85: {  	_ =	shalt  }
0x86: {  	_ =	shalt  }
0x87: {  	_ =	shalt  }
.Lfunc_end0:
.L_simem_size_0:
called_computation.3_lowered:
.L_overlay_start_0:
0x88: {  	s2 =	sld [smem:$0x3FD9]  }
0x89: {  	s3 =	sld [smem:$0x3FFE];
	_ =	sdelay $0x1  }
0x8a: {  	s1 =	srdreg.scid  }
0x8b: {  	s0 =	sand.u32 $0x1, s1  }
0x8c: {  	s16 =	sshll.u32 s0, $0xA;
	s2 =	sadd.s32 s3, s2  }
0x8d: {  	s2 =	sadd.s32 s2, s16  }
0x8e: {  	[smem:$0x3FBD] =	sst s2  }
0x8f: {  	_ = 	snop  }
0x90: {  	(tm) =	ssettm $0x1  }
0x91: {  	s17 =	sld [smem:$0x3FFB];
	_ =	sdelay $0x3  }
0x92: {  	_ =	strace s17  }
0x93: {  	s2 =	sld [smem:$0x3FFC];
	_ =	sdelay $0x3  }
0x94: {  	_ =	strace s2  }
0x95: {  	s2 =	sld [smem:$0x3FFD];
	_ =	sdelay $0x3  }
0x96: {  	_ =	strace s2  }
0x97: {  	_ =	strace $0x8FFFFFFF  }
0x98: {  	s18 =	sld [smem:$0x3FDB];
	_ =	sdelay $0x1  }
0x99: {  	s19 =	simm.s32 $_scs_section_size  }
0x9a: {  	s4 =	simm.s32 $_size__tile_overlayer_lowered;
	s5 =	simm.s32 $_tile_overlayer_lowered  }
0x9b: {  	s22 =	simm.s32 $0x1BFF;
	s21 =	sshll.u32 s5, $0x1;
	s2 =	sadd.s32 s19, s18  }
0x9c: {  	s6 =	simm.s32 $0x0;
	s20 =	sshll.u32 s4, $0x1;
	s4 =	sadd.s32 s21, s2  }
0x9d: {  	[timem:s6], [sflag:s22] =	dma.local [hbm:s4], s20  }
0x9e: {  	_ =	swait.ge [sflag:s22], s20  }
0x9f: {  	s3 =	ssub.s32 $0x0, s20;
	[sflag:s22] =	ssyncset.done $0x0  }
0xa0: {  	[sflag:s22] =	ssyncadd.s32 s3;
	_ =	sdelay $0x1  }
0xa1: {  	s23 =	simm.s32 $0x1B8B  }
0xa2: {  	_ =	swait.ge [sflag:s23], $0x1  }
0xa3: {  	[sflag:s23] =	ssyncset.done $0x0  }
0xa4: {  	s25 =	simm.s32 $0x1B8E;
	s24 =	sld [smem:$0x3FFE];
	[sflag:s23] =	ssyncadd.s32 $0xFFFFFFFF  }
0xa5: {  	s26 =	simm.s32 $execute0_lowered;
	[smem:$0x3FD2] =	sst s25  }
0xa6: {  	s4 =	sshll.u32 s26, $0x1;
	_ =	strace $0x8000004F;
	[dreg:$0x1] =	wrdreg $0xFFFFFFFF  }
0xa7: {  	s28 =	simm.s32 $_size_execute0_lowered;
	s2 =	sadd.s32 s2, s4;
	[dreg:$0x0] =	wrdreg $0x0  }
0xa8: {  	s4 =	sshll.u32 s28, $0x1;
	[dreg:$0x2] =	wrdreg s2  }
0xa9: {  	[dreg:$0x3] =	wrdreg s4  }
0xaa: {  	[dreg:$0x4] =	wrdreg $0xC0  }
0xab: {  	_ =	task [dreg:s6], $0x5FFFF  }
0xac: {  	[dreg:$0x1] =	wrdreg $0xFFFFFFFF  }
0xad: {  	[dreg:$0x0] =	wrdreg $0x60  }
0xae: {  	[dreg:$0x2] =	wrdreg s24  }
0xaf: {  	[dreg:$0x3] =	wrdreg $0x146000  }
0xb0: {  	[dreg:$0x4] =	wrdreg $0xA8000  }
0xb1: {  	[dreg:$0x5] =	wrdreg $0x9  }
0xb2: {  	_ =	task.clear_ibuf [dreg:s6], $0x6FFFF;
	_ =	strace $0x9000004F  }
0xb3: {  	s29 =	simm.s32 $0x9;
	_ =	strace $0x80000051  }
0xb4: {  	_ =	swait.ge [sflag:s29], $0x1  }
0xb5: {  	[sflag:s29] =	ssyncadd.s32 $0xFFFFFFFF  }
0xb6: {  	_ =	strace $0x90000051  }
0xb7: {  	_ =	sfence  }
0xb8: {  	s30 =	sld [smem:$0x0];
	_ =	sdelay $0x2  }
0xb9: {  	s31 =	sshll.u32 s1, $0xD;
	s1 =	sshrl.u32 s1, $0x2  }
0xba: {  	s3 =	sand.u32 $0x4000, s31;
	s1 =	sadd.s32 s1, s30  }
0xbb: {  	s0 =	sor.u32 s3, s0;
	s1 =	sshll.u32 s1, $0x11  }
0xbc: {  	s0 =	sor.u32 s1, s0  }
0xbd: {  	s0 =	sadd.s32 $0x8F2B, s0  }
0xbe: {  	[sflag:s0] =	ssyncadd.remote.s32 $0x1  }
0xbf: {  	_ =	sfence.sel $0xFFFF  }
0xc0: {  	[dreg:$0x0] =	wrdreg $0xFFFFFFFF;
	(pc) =	sbr.abs _section_cstart, $3  }
0xc1: {  	[dreg:$0x1] =	wrdreg $0xFFFFFFFF  }
0xc2: {  	_ =	task.clear_ibuf [dreg:s6], $0x2FFFF;
	_ =	strace $0x9FFFFFFF  }
0xc3: {  	(tm) =	ssettm $0x7FFFFFFF  }
tec
execute0_lowered:
.L_overlay_start_1:
0x0: {  	(tag) =	ssettag $0x1  }
0x1: {  	s0 =	rddreg [dreg:$0x0]  }
0x2: {  	s1 =	rddreg [dreg:$0x1]  }
0x3: {  	s2 =	rddreg [dreg:$0x2];
	s3 =	simm.s32 $0x0;
	s4 =	srdreg.scid  }
0x4: {  	s10 =	stileid.u32;
	s28 =	simm.s32 $0x1480;
	s29 =	simm.s32 $0x180  }
0x5: {  	s30 =	simm.s32 $0x8800;
	s31 =	simm.s32 $0x3;
	s14 =	simm.s32 $0x0  }
0x6: {  	[smem:$0x7FF] =	sst s3;
	s5 =	sadd.s32 $0x1F000, s0;
	s4 =	sand.u32 $0x1, s4  }
0x7: {  	s6 =	sadd.s32 $0x15000, s0;
	s8 =	sadd.s32 $0x3600, s0;
	s11 =	smul.u32 $0x9E00, s10  }
0x8: {  	s0 =	sadd.s32 $0x32C00, s0;
	_ =	strace $0x80000050;
	s7 =	ssub.s32 $0x2, s4  }
0x9: {  	s17 =	sshll.u32 s4, $0x4;
	s4 =	smul.u32 $0x9E000, s4;
	s9 =	sshrl.u32 s7, $0x1  }
0xa: {  	s18 =	sshrl.u32 s11, $0x3;
	s12 =	sadd.s32 $0x5000, s11;
	s20 =	sadd.s32 s11, s1  }
0xb: {  	s7 =	ssub.s32 s7, s9;
	s9 =	sor.u32 s10, s17;
	s10 =	sadd.s32 s5, s18  }
0xc: {  	s19 =	sshrl.u32 s12, $0x3;
	[dreg:$0x5] =	wrdreg s20;
	s21 =	sadd.s32 s12, s1  }
0xd: {  	s18 =	simm.s32 $0x2800;
	s20 =	simm.s32 $0x1400;
	[dreg:$0x4] =	wrdreg s10  }
0xe: {  	s13 =	smul.u32 $0x2800, s9;
	s5 =	sadd.s32 s5, s19;
	[dreg:$0x7] =	wrdreg s21  }
0xf: {  	s9 =	sadd.s32 s11, s2;
	s10 =	sadd.s32 s12, s2;
	s11 =	sadd.s32 s11, s4  }
0x10: {  	s4 =	sadd.s32 s4, s12;
	s26 =	smax.u32 s7, $0x1;
	s19 =	simm.s32 $0x9  }
0x11: {  	s21 =	simm.s32 $0x80;
	s7 =	simm.s32 $0x1580;
	s12 =	simm.s32 $0x7  }
0x12: {  	[dreg:$0x6] =	wrdreg s5;
	s24 =	sshrl.u32 s11, $0x3;
	s4 =	sshrl.u32 s4, $0x3  }
0x13: {  	[dreg:$0xe] =	wrdreg s26;
	s26 =	simm.s32 $0x2;
	s11 =	simm.s32 $0x280  }
0x14: {  	s22 =	sshrl.u32 s13, $0x3;
	s25 =	sadd.s32 s0, s24;
	s0 =	sadd.s32 s0, s4  }
0x15: {  	s4 =	simm.s32 $0x5;
	s13 =	sadd.s32 s6, s22;
	[dreg:$0xc] =	wrdreg s25  }
0x16: {  	s23 =	sadd.s32 s8, s22;
	s5 =	sadd.s32 $0x280, s22;
	[dreg:$0xd] =	wrdreg s0  }
.Ltmp0:
0x17: {  	s22 =	simm.s32 $0x4800;
	[dreg:$0x8] =	wrdreg s13;
	(pc) =	sbr.rel .LBB2_1-.Ltmp0, $4  }
0x18: {  	s25 =	simm.s32 $0x6800;
	s0 =	simm.s32 $0x1500;
	[dreg:$0x9] =	wrdreg s23  }
0x19: {  	s6 =	sadd.s32 s6, s5;
	s5 =	sadd.s32 s8, s5;
	s23 =	simm.s32 $0x1  }
0x1a: {  	s8 =	simm.s32 $0x6;
	s13 =	simm.s32 $0x8;
	[dreg:$0xa] =	wrdreg s6  }
0x1b: {  	v0 =	vimm.f32 $0.0e+00;
	[dreg:$0xb] =	wrdreg s5;
	s5 =	simm.s32 $0x200;
	s6 =	simm.s32 $0x4  }
.LBB2_9:
0x1c: {  	_ =	swait.ge [sflag:s6], $0x2000  }
0x1d: {  	[sflag:s6] =	ssyncset.done $0x0  }
0x1e: {  	[sflag:s6] =	ssyncadd.s32 $0xFFFFE000  }
0x1f: {  	[spmem:s2] =	stream.indirect.scatter.add.f32 [tilespmem:s30], [sflag:$0x8], $0x40, s17, s21, $0xb8;
	[tilespmem:$0x1E400] =	vst v63  }
0x20: {  	_ =	swait.ge [sflag:s8], $0x2000  }
0x21: {  	[sflag:s8] =	ssyncset.done $0x0  }
0x22: {  	[sflag:s8] =	ssyncadd.s32 $0xFFFFE000  }
0x23: {  	_ =	swait.ge [sflag:s12], $0x2000  }
0x24: {  	[sflag:s12] =	ssyncset.done $0x0  }
0x25: {  	[sflag:s12] =	ssyncadd.s32 $0xFFFFE000  }
0x26: {  	_ =	swait.ge [sflag:s13], $0x2000  }
0x27: {  	[sflag:s13] =	ssyncset.done $0x0  }
0x28: {  	[sflag:s13] =	ssyncadd.s32 $0xFFFFE000  }
0x29: {  	[bflag:$0x0] =	sbarrier.arrive $0xFFFF  }
0x2a: {  	[tilespmem:s18], [sflag:$0x9] =	stream.linear.gather [spmem:s9], $0x5000, $0x38;
	[tilespmem:$0x1E400] =	vst v63  }
0x2b: {  	_ =	swait.ge [sflag:s19], $0x5000  }
0x2c: {  	[sflag:s19] =	ssyncset.done $0x0  }
0x2d: {  	s15 =	rddreg [dreg:$0xc];
	[sflag:s19] =	ssyncadd.s32 $0xFFFFB000  }
0x2e: {  	[hbm4b:s15+s3] =	stream.linear.scatter [tilespmem:s18], [sflag:$0x9], $0x5000, $0x38;
	[tilespmem:$0x1E400] =	vst v63  }
0x2f: {  	_ =	swait.ge [sflag:s19], $0x5000  }
0x30: {  	[sflag:s19] =	ssyncset.done $0x0  }
0x31: {  	[sflag:s19] =	ssyncadd.s32 $0xFFFFB000  }
0x32: {  	[tilespmem:s18], [sflag:$0x9] =	stream.linear.gather [spmem:s10], $0x4E00, $0x38;
	[tilespmem:$0x1E400] =	vst v63  }
0x33: {  	_ =	swait.ge [sflag:s19], $0x4E00  }
0x34: {  	[sflag:s19] =	ssyncset.done $0x0  }
0x35: {  	s17 =	rddreg [dreg:$0xd];
	[sflag:s19] =	ssyncadd.s32 $0xFFFFB200  }
0x36: {  	[hbm4b:s17+s3] =	stream.linear.scatter [tilespmem:s18], [sflag:$0x9], $0x4E00, $0x38;
	[tilespmem:$0x1E400] =	vst v63  }
0x37: {  	_ =	swait.ge [sflag:s19], $0x4E00  }
0x38: {  	s14 =	sadd.s32 $0x1, s14;
	s24 =	rddreg [dreg:$0xe]  }
0x39: {  	p0 =	sne.s32 s14, s24  }
.Ltmp1:
0x3a: {  	_ = 	snop;
	(pc) =	sbr.rel @!p0 .LBB2_10-.Ltmp1, $3  }
0x3b: {  	_ =	sdelay $0x1  }
0x3c: {  	[sflag:s19] =	ssyncset.done $0x0  }
0x3d: {  	[sflag:s19] =	ssyncadd.s32 $0xFFFFB200  }
.LBB2_1:
0x3e: {  	s15 =	rddreg [dreg:$0x4]  }
0x3f: {  	[tilespmem:s18], [sflag:$0x9] =	stream.linear.gather [hbm4b:s15+s3], $0x5000, $0x38;
	[tilespmem:$0x1E400] =	vst v63  }
0x40: {  	_ =	swait.ge [sflag:s19], $0x5000  }
0x41: {  	[sflag:s19] =	ssyncset.done $0x0  }
0x42: {  	s16 =	rddreg [dreg:$0x5];
	[sflag:s19] =	ssyncadd.s32 $0xFFFFB000  }
0x43: {  	[spmem:s16] =	stream.linear.scatter [tilespmem:s18], [sflag:$0x9], $0x5000, $0x38;
	[tilespmem:$0x1E400] =	vst v63  }
0x44: {  	_ =	swait.ge [sflag:s19], $0x5000  }
0x45: {  	[sflag:s19] =	ssyncset.done $0x0  }
0x46: {  	s17 =	rddreg [dreg:$0x6];
	[sflag:s19] =	ssyncadd.s32 $0xFFFFB000  }
0x47: {  	[tilespmem:s18], [sflag:$0x9] =	stream.linear.gather [hbm4b:s17+s3], $0x4E00, $0x38;
	[tilespmem:$0x1E400] =	vst v63  }
0x48: {  	_ =	swait.ge [sflag:s19], $0x4E00  }
0x49: {  	[sflag:s19] =	ssyncset.done $0x0  }
0x4a: {  	s24 =	rddreg [dreg:$0x7];
	[sflag:s19] =	ssyncadd.s32 $0xFFFFB200  }
0x4b: {  	[spmem:s24] =	stream.linear.scatter [tilespmem:s18], [sflag:$0x9], $0x4E00, $0x38;
	[tilespmem:$0x1E400] =	vst v63  }
0x4c: {  	_ =	swait.ge [sflag:s19], $0x4E00  }
0x4d: {  	[sflag:s19] =	ssyncset.done $0x0  }
0x4e: {  	s15 =	simm.s32 $0x0;
	s16 =	simm.s32 $0x100;
	[sflag:s19] =	ssyncadd.s32 $0xFFFFB200  }
.LBB2_2:
0x4f: {  	p0 =	sne.s32 s16, $0x13F00;
	[tilespmem:s15+$0x2830] =	vst v0;
	s17 =	smov.u32 s16;
	s16 =	sadd.s32 $0x100, s16  }
.Ltmp2:
0x50: {  	[tilespmem:s15+$0x2820] =	vst v0;
	(pc) =	sbr.rel @p0 .LBB2_2-.Ltmp2, $3  }
0x51: {  	[tilespmem:s15+$0x2800] =	vst v0  }
0x52: {  	[tilespmem:s15+$0x2810] =	vst v0;
	_ =	sdelay $0x1  }
0x53: {  	s15 =	sshra.s32 s17, $0x2  }
0x54: {  	[tilespmem:s15+$0x2830] =	vst v0  }
0x55: {  	[tilespmem:s15+$0x2820] =	vst v0  }
0x56: {  	[tilespmem:s15+$0x2800] =	vst v0  }
0x57: {  	[tilespmem:s15+$0x2810] =	vst v0  }
0x58: {  	[spmem:s9] =	stream.linear.scatter [tilespmem:s18], [sflag:$0x9], $0x5000, $0x38;
	[tilespmem:$0x1E400] =	vst v63  }
0x59: {  	_ =	swait.ge [sflag:s19], $0x5000  }
0x5a: {  	[sflag:s19] =	ssyncset.done $0x0  }
0x5b: {  	[sflag:s19] =	ssyncadd.s32 $0xFFFFB000  }
0x5c: {  	[spmem:s10] =	stream.linear.scatter [tilespmem:s18], [sflag:$0x9], $0x4E00, $0x38;
	[tilespmem:$0x1E400] =	vst v63  }
0x5d: {  	_ =	swait.ge [sflag:s19], $0x4E00  }
0x5e: {  	[sflag:s19] =	ssyncset.done $0x0  }
0x5f: {  	[sflag:s19] =	ssyncadd.s32 $0xFFFFB200  }
0x60: {  	[bflag:$0x0] =	sbarrier.arrive $0xFFFF  }
0x61: {  	s15 =	simm.s32 $0x0;
	s16 =	rddreg [dreg:$0x8]  }
0x62: {  	[tilespmem:s15], [sflag:$0x9] =	stream.linear.gather [hbm4b:s16+s15], $0x1400, $0x38;
	[tilespmem:$0x1E400] =	vst v63  }
0x63: {  	_ =	swait.ge [sflag:s19], $0x1400  }
0x64: {  	[sflag:s19] =	ssyncset.done $0x0  }
0x65: {  	s17 =	rddreg [dreg:$0x9];
	[sflag:s19] =	ssyncadd.s32 $0xFFFFEC00  }
0x66: {  	[tilespmem:s20], [sflag:$0x9] =	stream.linear.gather [hbm4b:s17+s15], $0x1400, $0x38;
	[tilespmem:$0x1E400] =	vst v63  }
0x67: {  	_ =	swait.ge [sflag:s19], $0x1400  }
0x68: {  	[sflag:s19] =	ssyncset.done $0x0  }
0x69: {  	[sflag:s19] =	ssyncadd.s32 $0xFFFFEC00  }
0x6a: {  	[tilespmem:s18], [sflag:$0x1] =	stream.indirect.gather [spmem:s1], $0x40, s15, s21, $0xb8;
	[tilespmem:$0x1E400] =	vst v63  }
0x6b: {  	_ = 	snop  }
0x6c: {  	[tilespmem:s22], [sflag:$0x2] =	stream.indirect.gather [spmem:s1], $0x40, s21, s21, $0xb8;
	[tilespmem:$0x1E400] =	vst v63  }
0x6d: {  	_ =	swait.ge [sflag:s23], $0x2000  }
0x6e: {  	[sflag:s23] =	ssyncset.done $0x0  }
0x6f: {  	[sflag:s23] =	ssyncadd.s32 $0xFFFFE000  }
0x70: {  	[spmem:s2] =	stream.indirect.scatter.add.f32 [tilespmem:s18], [sflag:$0x5], $0x40, s20, s21, $0xb8;
	[tilespmem:$0x1E400] =	vst v63  }
0x71: {  	s24 =	simm.s32 $0x100  }
0x72: {  	[tilespmem:s25], [sflag:$0x3] =	stream.indirect.gather [spmem:s1], $0x40, s24, s21, $0xb8;
	[tilespmem:$0x1E400] =	vst v63  }
0x73: {  	_ =	swait.ge [sflag:s26], $0x2000  }
0x74: {  	[sflag:s26] =	ssyncset.done $0x0  }
0x75: {  	[sflag:s26] =	ssyncadd.s32 $0xFFFFE000  }
0x76: {  	[spmem:s2] =	stream.indirect.scatter.add.f32 [tilespmem:s22], [sflag:$0x6], $0x40, s28, s21, $0xb8;
	[tilespmem:$0x1E400] =	vst v63  }
0x77: {  	_ = 	snop  }
0x78: {  	[tilespmem:s30], [sflag:$0x4] =	stream.indirect.gather [spmem:s1], $0x40, s29, s21, $0xb8;
	[tilespmem:$0x1E400] =	vst v63  }
0x79: {  	_ =	swait.ge [sflag:s31], $0x2000  }
0x7a: {  	[sflag:s31] =	ssyncset.done $0x0  }
0x7b: {  	[sflag:s31] =	ssyncadd.s32 $0xFFFFE000  }
0x7c: {  	[spmem:s2] =	stream.indirect.scatter.add.f32 [tilespmem:s25], [sflag:$0x7], $0x40, s0, s21, $0xb8;
	[tilespmem:$0x1E400] =	vst v63  }
0x7d: {  	_ =	swait.ge [sflag:s4], $0x2000  }
0x7e: {  	[sflag:s4] =	ssyncset.done $0x0  }
0x7f: {  	[sflag:s4] =	ssyncadd.s32 $0xFFFFE000  }
0x80: {  	[tilespmem:s18], [sflag:$0x1] =	stream.indirect.gather [spmem:s1], $0x40, s5, s21, $0xb8;
	[tilespmem:$0x1E400] =	vst v63  }
0x81: {  	_ =	swait.ge [sflag:s6], $0x2000  }
0x82: {  	[sflag:s6] =	ssyncset.done $0x0  }
0x83: {  	[sflag:s6] =	ssyncadd.s32 $0xFFFFE000  }
0x84: {  	[spmem:s2] =	stream.indirect.scatter.add.f32 [tilespmem:s30], [sflag:$0x8], $0x40, s7, s21, $0xb8;
	[tilespmem:$0x1E400] =	vst v63  }
0x85: {  	_ =	swait.ge [sflag:s8], $0x2000  }
0x86: {  	[sflag:s8] =	ssyncset.done $0x0  }
0x87: {  	[sflag:s8] =	ssyncadd.s32 $0xFFFFE000  }
0x88: {  	[tilespmem:s22], [sflag:$0x2] =	stream.indirect.gather [spmem:s1], $0x40, s11, s21, $0xb8;
	[tilespmem:$0x1E400] =	vst v63  }
.LBB2_4:
0x89: {  	_ =	swait.ge [sflag:s23], $0x2000  }
0x8a: {  	s16 =	sshra.s32 s15, $0x2;
	[sflag:s23] =	ssyncset.done $0x0  }
0x8b: {  	s17 =	sadd.s32 $0x1600, s16;
	[sflag:s23] =	ssyncadd.s32 $0xFFFFE000  }
0x8c: {  	[spmem:s2] =	stream.indirect.scatter.add.f32 [tilespmem:s18], [sflag:$0x5], $0x40, s17, s21, $0xb8;
	[tilespmem:$0x1E400] =	vst v63  }
0x8d: {  	_ =	swait.ge [sflag:s12], $0x2000  }
0x8e: {  	[sflag:s12] =	ssyncset.done $0x0  }
0x8f: {  	s24 =	sadd.s32 $0x300, s16;
	[sflag:s12] =	ssyncadd.s32 $0xFFFFE000  }
0x90: {  	[tilespmem:s25], [sflag:$0x3] =	stream.indirect.gather [spmem:s1], $0x40, s24, s21, $0xb8;
	[tilespmem:$0x1E400] =	vst v63  }
0x91: {  	_ =	swait.ge [sflag:s26], $0x2000  }
0x92: {  	[sflag:s26] =	ssyncset.done $0x0  }
0x93: {  	s24 =	sadd.s32 $0x1680, s16;
	[sflag:s26] =	ssyncadd.s32 $0xFFFFE000  }
0x94: {  	[spmem:s2] =	stream.indirect.scatter.add.f32 [tilespmem:s22], [sflag:$0x6], $0x40, s24, s21, $0xb8;
	[tilespmem:$0x1E400] =	vst v63  }
0x95: {  	_ =	swait.ge [sflag:s13], $0x2000  }
0x96: {  	[sflag:s13] =	ssyncset.done $0x0  }
0x97: {  	s24 =	sadd.s32 $0x380, s16;
	[sflag:s13] =	ssyncadd.s32 $0xFFFFE000  }
0x98: {  	[tilespmem:s30], [sflag:$0x4] =	stream.indirect.gather [spmem:s1], $0x40, s24, s21, $0xb8;
	[tilespmem:$0x1E400] =	vst v63  }
0x99: {  	_ =	swait.ge [sflag:s31], $0x2000  }
0x9a: {  	p0 =	seq.s32 s15, $0x4000;
	[sflag:s31] =	ssyncset.done $0x0  }
.Ltmp3:
0x9b: {  	s24 =	sadd.s32 $0x1700, s16;
	[sflag:s31] =	ssyncadd.s32 $0xFFFFE000;
	(pc) =	sbr.rel @p0 .LBB2_6-.Ltmp3, $4  }
0x9c: {  	[spmem:s2] =	stream.indirect.scatter.add.f32 [tilespmem:s25], [sflag:$0x7], $0x40, s24, s21, $0xb8;
	[tilespmem:$0x1E400] =	vst v63  }
0x9d: {  	_ =	swait.ge [sflag:s4], $0x2000  }
0x9e: {  	[sflag:s4] =	ssyncset.done $0x0  }
0x9f: {  	s17 =	sadd.s32 $0x1780, s16;
	[sflag:s4] =	ssyncadd.s32 $0xFFFFE000  }
0xa0: {  	s24 =	sadd.s32 $0x400, s16  }
0xa1: {  	[tilespmem:s18], [sflag:$0x1] =	stream.indirect.gather [spmem:s1], $0x40, s24, s21, $0xb8;
	[tilespmem:$0x1E400] =	vst v63  }
0xa2: {  	_ =	swait.ge [sflag:s6], $0x2000  }
0xa3: {  	[sflag:s6] =	ssyncset.done $0x0  }
0xa4: {  	[sflag:s6] =	ssyncadd.s32 $0xFFFFE000  }
0xa5: {  	[spmem:s2] =	stream.indirect.scatter.add.f32 [tilespmem:s30], [sflag:$0x8], $0x40, s17, s21, $0xb8;
	[tilespmem:$0x1E400] =	vst v63  }
.Ltmp4:
0xa6: {  	_ = 	snop;
	(pc) =	sbr.rel .LBB2_4-.Ltmp4, $4  }
0xa7: {  	_ =	swait.ge [sflag:s8], $0x2000  }
0xa8: {  	[sflag:s8] =	ssyncset.done $0x0  }
0xa9: {  	s15 =	sadd.s32 $0x800, s15;
	s24 =	sadd.s32 $0x480, s16;
	[sflag:s8] =	ssyncadd.s32 $0xFFFFE000  }
0xaa: {  	[tilespmem:s22], [sflag:$0x2] =	stream.indirect.gather [spmem:s1], $0x40, s24, s21, $0xb8;
	[tilespmem:$0x1E400] =	vst v63  }
.LBB2_6:
0xab: {  	_ =	swait.ge [sflag:s6], $0x2000  }
0xac: {  	[sflag:s6] =	ssyncset.done $0x0  }
0xad: {  	[sflag:s6] =	ssyncadd.s32 $0xFFFFE000  }
0xae: {  	[spmem:s2] =	stream.indirect.scatter.add.f32 [tilespmem:s30], [sflag:$0x8], $0x40, s17, s21, $0xb8;
	[tilespmem:$0x1E400] =	vst v63  }
0xaf: {  	_ =	swait.ge [sflag:s8], $0x2000  }
0xb0: {  	[sflag:s8] =	ssyncset.done $0x0  }
0xb1: {  	[sflag:s8] =	ssyncadd.s32 $0xFFFFE000  }
0xb2: {  	_ =	swait.ge [sflag:s12], $0x2000  }
0xb3: {  	[sflag:s12] =	ssyncset.done $0x0  }
0xb4: {  	[sflag:s12] =	ssyncadd.s32 $0xFFFFE000  }
0xb5: {  	_ =	swait.ge [sflag:s13], $0x2000  }
0xb6: {  	[sflag:s13] =	ssyncset.done $0x0  }
0xb7: {  	s15 =	simm.s32 $0x0;
	s16 =	rddreg [dreg:$0xa];
	[sflag:s13] =	ssyncadd.s32 $0xFFFFE000  }
0xb8: {  	[tilespmem:s15], [sflag:$0x9] =	stream.linear.gather [hbm4b:s16+s15], $0x1400, $0x38;
	[tilespmem:$0x1E400] =	vst v63  }
0xb9: {  	_ =	swait.ge [sflag:s19], $0x1400  }
0xba: {  	[sflag:s19] =	ssyncset.done $0x0  }
0xbb: {  	s17 =	rddreg [dreg:$0xb];
	[sflag:s19] =	ssyncadd.s32 $0xFFFFEC00  }
0xbc: {  	[tilespmem:s20], [sflag:$0x9] =	stream.linear.gather [hbm4b:s17+s15], $0x1400, $0x38;
	[tilespmem:$0x1E400] =	vst v63  }
0xbd: {  	_ =	swait.ge [sflag:s19], $0x1400  }
0xbe: {  	[sflag:s19] =	ssyncset.done $0x0  }
0xbf: {  	[sflag:s19] =	ssyncadd.s32 $0xFFFFEC00  }
0xc0: {  	[tilespmem:s18], [sflag:$0x1] =	stream.indirect.gather [spmem:s1], $0x40, s15, s21, $0xb8;
	[tilespmem:$0x1E400] =	vst v63  }
0xc1: {  	_ = 	snop  }
0xc2: {  	[tilespmem:s22], [sflag:$0x2] =	stream.indirect.gather [spmem:s1], $0x40, s21, s21, $0xb8;
	[tilespmem:$0x1E400] =	vst v63  }
0xc3: {  	_ =	swait.ge [sflag:s23], $0x2000  }
0xc4: {  	[sflag:s23] =	ssyncset.done $0x0  }
0xc5: {  	[sflag:s23] =	ssyncadd.s32 $0xFFFFE000  }
0xc6: {  	[spmem:s2] =	stream.indirect.scatter.add.f32 [tilespmem:s18], [sflag:$0x5], $0x40, s20, s21, $0xb8;
	[tilespmem:$0x1E400] =	vst v63  }
0xc7: {  	s24 =	simm.s32 $0x100  }
0xc8: {  	[tilespmem:s25], [sflag:$0x3] =	stream.indirect.gather [spmem:s1], $0x40, s24, s21, $0xb8;
	[tilespmem:$0x1E400] =	vst v63  }
0xc9: {  	_ =	swait.ge [sflag:s26], $0x2000  }
0xca: {  	[sflag:s26] =	ssyncset.done $0x0  }
0xcb: {  	[sflag:s26] =	ssyncadd.s32 $0xFFFFE000  }
0xcc: {  	[spmem:s2] =	stream.indirect.scatter.add.f32 [tilespmem:s22], [sflag:$0x6], $0x40, s28, s21, $0xb8;
	[tilespmem:$0x1E400] =	vst v63  }
0xcd: {  	_ = 	snop  }
0xce: {  	[tilespmem:s30], [sflag:$0x4] =	stream.indirect.gather [spmem:s1], $0x40, s29, s21, $0xb8;
	[tilespmem:$0x1E400] =	vst v63  }
0xcf: {  	_ =	swait.ge [sflag:s31], $0x2000  }
0xd0: {  	[sflag:s31] =	ssyncset.done $0x0  }
0xd1: {  	[sflag:s31] =	ssyncadd.s32 $0xFFFFE000  }
0xd2: {  	[spmem:s2] =	stream.indirect.scatter.add.f32 [tilespmem:s25], [sflag:$0x7], $0x40, s0, s21, $0xb8;
	[tilespmem:$0x1E400] =	vst v63  }
0xd3: {  	_ =	swait.ge [sflag:s4], $0x2000  }
0xd4: {  	[sflag:s4] =	ssyncset.done $0x0  }
0xd5: {  	[sflag:s4] =	ssyncadd.s32 $0xFFFFE000  }
0xd6: {  	[tilespmem:s18], [sflag:$0x1] =	stream.indirect.gather [spmem:s1], $0x40, s5, s21, $0xb8;
	[tilespmem:$0x1E400] =	vst v63  }
0xd7: {  	_ =	swait.ge [sflag:s6], $0x2000  }
0xd8: {  	[sflag:s6] =	ssyncset.done $0x0  }
0xd9: {  	[sflag:s6] =	ssyncadd.s32 $0xFFFFE000  }
0xda: {  	[spmem:s2] =	stream.indirect.scatter.add.f32 [tilespmem:s30], [sflag:$0x8], $0x40, s7, s21, $0xb8;
	[tilespmem:$0x1E400] =	vst v63  }
0xdb: {  	_ =	swait.ge [sflag:s8], $0x2000  }
0xdc: {  	[sflag:s8] =	ssyncset.done $0x0  }
0xdd: {  	[sflag:s8] =	ssyncadd.s32 $0xFFFFE000  }
0xde: {  	[tilespmem:s22], [sflag:$0x2] =	stream.indirect.gather [spmem:s1], $0x40, s11, s21, $0xb8;
	[tilespmem:$0x1E400] =	vst v63  }
.LBB2_7:
0xdf: {  	_ =	swait.ge [sflag:s23], $0x2000  }
0xe0: {  	s16 =	sshra.s32 s15, $0x2;
	[sflag:s23] =	ssyncset.done $0x0  }
0xe1: {  	s17 =	sadd.s32 $0x1600, s16;
	[sflag:s23] =	ssyncadd.s32 $0xFFFFE000  }
0xe2: {  	[spmem:s2] =	stream.indirect.scatter.add.f32 [tilespmem:s18], [sflag:$0x5], $0x40, s17, s21, $0xb8;
	[tilespmem:$0x1E400] =	vst v63  }
0xe3: {  	_ =	swait.ge [sflag:s12], $0x2000  }
0xe4: {  	[sflag:s12] =	ssyncset.done $0x0  }
0xe5: {  	s24 =	sadd.s32 $0x300, s16;
	[sflag:s12] =	ssyncadd.s32 $0xFFFFE000  }
0xe6: {  	[tilespmem:s25], [sflag:$0x3] =	stream.indirect.gather [spmem:s1], $0x40, s24, s21, $0xb8;
	[tilespmem:$0x1E400] =	vst v63  }
0xe7: {  	_ =	swait.ge [sflag:s26], $0x2000  }
0xe8: {  	[sflag:s26] =	ssyncset.done $0x0  }
0xe9: {  	s24 =	sadd.s32 $0x1680, s16;
	[sflag:s26] =	ssyncadd.s32 $0xFFFFE000  }
0xea: {  	[spmem:s2] =	stream.indirect.scatter.add.f32 [tilespmem:s22], [sflag:$0x6], $0x40, s24, s21, $0xb8;
	[tilespmem:$0x1E400] =	vst v63  }
0xeb: {  	_ =	swait.ge [sflag:s13], $0x2000  }
0xec: {  	[sflag:s13] =	ssyncset.done $0x0  }
0xed: {  	s24 =	sadd.s32 $0x380, s16;
	[sflag:s13] =	ssyncadd.s32 $0xFFFFE000  }
0xee: {  	[tilespmem:s30], [sflag:$0x4] =	stream.indirect.gather [spmem:s1], $0x40, s24, s21, $0xb8;
	[tilespmem:$0x1E400] =	vst v63  }
0xef: {  	_ =	swait.ge [sflag:s31], $0x2000  }
0xf0: {  	p0 =	seq.s32 s15, $0x4000;
	[sflag:s31] =	ssyncset.done $0x0  }
.Ltmp5:
0xf1: {  	s24 =	sadd.s32 $0x1700, s16;
	[sflag:s31] =	ssyncadd.s32 $0xFFFFE000;
	(pc) =	sbr.rel @p0 .LBB2_9-.Ltmp5, $4  }
0xf2: {  	[spmem:s2] =	stream.indirect.scatter.add.f32 [tilespmem:s25], [sflag:$0x7], $0x40, s24, s21, $0xb8;
	[tilespmem:$0x1E400] =	vst v63  }
0xf3: {  	_ =	swait.ge [sflag:s4], $0x2000  }
0xf4: {  	[sflag:s4] =	ssyncset.done $0x0  }
0xf5: {  	s17 =	sadd.s32 $0x1780, s16;
	[sflag:s4] =	ssyncadd.s32 $0xFFFFE000  }
0xf6: {  	s24 =	sadd.s32 $0x400, s16  }
0xf7: {  	[tilespmem:s18], [sflag:$0x1] =	stream.indirect.gather [spmem:s1], $0x40, s24, s21, $0xb8;
	[tilespmem:$0x1E400] =	vst v63  }
0xf8: {  	_ =	swait.ge [sflag:s6], $0x2000  }
0xf9: {  	[sflag:s6] =	ssyncset.done $0x0  }
0xfa: {  	[sflag:s6] =	ssyncadd.s32 $0xFFFFE000  }
0xfb: {  	[spmem:s2] =	stream.indirect.scatter.add.f32 [tilespmem:s30], [sflag:$0x8], $0x40, s17, s21, $0xb8;
	[tilespmem:$0x1E400] =	vst v63  }
.Ltmp6:
0xfc: {  	_ = 	snop;
	(pc) =	sbr.rel .LBB2_7-.Ltmp6, $4  }
0xfd: {  	_ =	swait.ge [sflag:s8], $0x2000  }
0xfe: {  	[sflag:s8] =	ssyncset.done $0x0  }
0xff: {  	s15 =	sadd.s32 $0x800, s15;
	s24 =	sadd.s32 $0x480, s16;
	[sflag:s8] =	ssyncadd.s32 $0xFFFFE000  }
0x100: {  	[tilespmem:s22], [sflag:$0x2] =	stream.indirect.gather [spmem:s1], $0x40, s24, s21, $0xb8;
	[tilespmem:$0x1E400] =	vst v63  }
.LBB2_10:
0x101: {  	_ =	sfence.sel $0x180000  }
0x102: {  	[bflag:$0x0] =	sbarrier.arrive $0xFFFF  }
0x103: {  	_ =	strace $0x90000050  }
0x104: {  	s0 =	stileid.u32;
	[bflag:$0x2] =	sbarrier.arrive $0xFFFF  }
0x105: {  	p0 =	sne.s32 s0, $0x0;
	s0 =	rddreg [dreg:$0x3]  }
0x106: {  	s0 =	sadd.s32 @!p0 $0x100000, s0  }
0x107: {  	[sflag:s0] =	ssyncadd.tile.s32 @!p0 $0x1;
	_ =	shalt  }
.Lfunc_end2:
_tile_overlayer_lowered:
.L_overlay_start_2:
0x108: {  	(tag) =	ssettag $0x2  }
0x109: {  	s0 =	rddreg [dreg:$0x0];
	s2 =	stileid.u32  }
0x10a: {  	s1 =	rddreg [dreg:$0x1];
	p0 =	sne.s32 s2, $0x0  }
0x10b: {  	s3 =	rddreg [dreg:$0x2];
	[bflag:$0x3] =	sbarrier.arrive $0xFFFF;
	s2 =	simm.s32 @!p0 $0x1C09  }
0x10c: {  	[timem:s3], [sflag:s2] =	dma.local @!p0 [hbm:s0], s1  }
0x10d: {  	s0 =	simm.s32 @!p0 $0x9  }
0x10e: {  	_ =	swait.ge @!p0 [sflag:s0], s1  }
0x10f: {  	s1 =	ssub.s32 @!p0 $0x0, s1;
	[sflag:s0] =	ssyncset.done @!p0 $0x0  }
0x110: {  	[sflag:s0] =	ssyncadd.s32 @!p0 s1  }
0x111: {  	[bflag:$0x3] =	sbarrier.arrive $0xFFFF  }
0x112: {  	_ =	shalt  }

</sc_bundles>
